<compile_context>
chip_gen: v7x
topology: tpu7x:2x2x1
jax: 0.10.2.dev20260603
libtpu: 0.0.44.dev20260713+nightly
codegen_flags: <defaults>
</compile_context>

<pallas_src>
import functools

import jax
import jax.numpy as jnp
from jax import lax
from jax.experimental import pallas as pl
from jax.experimental.pallas import tpu as pltpu
from jax.experimental.pallas import tpu_sc as plsc

N_FACTORS = 32
N_ROWS = 1000000
BATCH = 16384
NUM_CORES = 2
NUM_SUBCORES = 16
NUM_WORKERS = NUM_CORES * NUM_SUBCORES
LANES = 16
B_PER_W = BATCH // NUM_WORKERS
IDX_ROWS = 4
IDX_COLS = B_PER_W // IDX_ROWS
GROUPS = B_PER_W // LANES
SUB = 4

_mesh = plsc.VectorSubcoreMesh(core_axis_name="c", subcore_axis_name="s")


@functools.partial(
    pl.kernel,
    mesh=_mesh,
    out_type=jax.ShapeDtypeStruct((BATCH,), jnp.float32),
    compiler_params=pltpu.CompilerParams(needs_layout_passes=False),
    scratch_types=[
        pltpu.VMEM((IDX_ROWS, IDX_COLS), jnp.int32),
        pltpu.VMEM((IDX_ROWS, IDX_COLS), jnp.int32),
        pltpu.VMEM((2 * 2 * SUB, N_FACTORS, 128), jnp.float32),
        pltpu.VMEM((B_PER_W,), jnp.float32),
        pltpu.SemaphoreType.DMA,
        pltpu.SemaphoreType.DMA,
    ],
)
def _mf_sc(user_hbm, item_hbm, uft_hbm, vft_hbm, out_hbm,
           uidx, iidx, blk, outv, sem0, sem1):
    wid = lax.axis_index("s") * NUM_CORES + lax.axis_index("c")

    pltpu.sync_copy(user_hbm.at[pl.ds(wid * IDX_ROWS, IDX_ROWS)], uidx)
    pltpu.sync_copy(item_hbm.at[pl.ds(wid * IDX_ROWS, IDX_ROWS)], iidx)

    lanes = lax.iota(jnp.int32, LANES)
    sems = (sem0, sem1)

    def fire(uvec, vvec, j, st):
        for t in range(SUB):
            k = SUB * j + t
            ub = pl.multiple_of(jnp.bitwise_and(uvec[k], -128), 128)
            vb = pl.multiple_of(jnp.bitwise_and(vvec[k], -128), 128)
            for q in range(4):
                pltpu.async_copy(
                    uft_hbm.at[pl.ds(8 * q, 8), pl.ds(ub, 128)],
                    blk.at[st * 2 * SUB + t].at[pl.ds(8 * q, 8)], sems[st])
                pltpu.async_copy(
                    vft_hbm.at[pl.ds(8 * q, 8), pl.ds(vb, 128)],
                    blk.at[st * 2 * SUB + SUB + t].at[pl.ds(8 * q, 8)],
                    sems[st])

    def drain(st):
        for t in range(2 * SUB):
            pltpu.make_async_copy(uft_hbm.at[:, pl.ds(0, 128)],
                                  blk.at[st * 2 * SUB + t], sems[st]).wait()

    def comp(uvec, vvec, j, st, acc):
        for t in range(SUB):
            k = SUB * j + t
            ucol = jnp.broadcast_to(jnp.bitwise_and(uvec[k], 127), (LANES,))
            vcol = jnp.broadcast_to(jnp.bitwise_and(vvec[k], 127), (LANES,))
            ubr = blk.at[st * 2 * SUB + t]
            vbr = blk.at[st * 2 * SUB + SUB + t]
            u0 = plsc.load_gather(ubr, [lanes, ucol])
            u1 = plsc.load_gather(ubr, [lanes + LANES, ucol])
            v0 = plsc.load_gather(vbr, [lanes, vcol])
            v1 = plsc.load_gather(vbr, [lanes + LANES, vcol])
            p = u0 * v0 + u1 * v1
            s = jnp.sum(p)
            acc = jnp.where(lanes == k, s, acc)
        return acc

    def body(g, carry):
        r = jnp.right_shift(g, 3)
        c = pl.multiple_of(jnp.bitwise_and(g, 7) * LANES, LANES)
        uvec = uidx[r, pl.ds(c, LANES)]
        vvec = iidx[r, pl.ds(c, LANES)]

        acc = jnp.zeros((LANES,), jnp.float32)
        fire(uvec, vvec, 0, 0)
        fire(uvec, vvec, 1, 1)
        drain(0)
        acc = comp(uvec, vvec, 0, 0, acc)
        fire(uvec, vvec, 2, 0)
        drain(1)
        acc = comp(uvec, vvec, 1, 1, acc)
        fire(uvec, vvec, 3, 1)
        drain(0)
        acc = comp(uvec, vvec, 2, 0, acc)
        drain(1)
        acc = comp(uvec, vvec, 3, 1, acc)

        base = pl.multiple_of(g * LANES, LANES)
        outv[pl.ds(base, LANES)] = acc
        return carry

    lax.fori_loop(0, GROUPS, body, 0)

    pltpu.sync_copy(outv, out_hbm.at[pl.ds(wid * B_PER_W, B_PER_W)])


def kernel(user, item, user_factors, item_factors):
    u2 = user.reshape(NUM_WORKERS * IDX_ROWS, IDX_COLS)
    i2 = item.reshape(NUM_WORKERS * IDX_ROWS, IDX_COLS)
    return _mf_sc(u2, i2, user_factors.T, item_factors.T)

# --- scband reference (transcript-rebuilt; emitter-appended) ---
"""Pipeline reference for scband-matrix-factorization-90615220011697 (READ-ONLY COPY).

The authoritative reference and input builder live on the scoring server;
editing this copy changes nothing except your own understanding.
"""

import jax, jax.numpy as jnp
import numpy as np

N_USERS = 1000000
N_ITEMS = 1000000
N_FACTORS = 32
BATCH = 16384

def setup_inputs(seed: int = 0) -> dict:
    key = jax.random.key(seed)
    k1, k2, k3, k4 = jax.random.split(key, 4)
    user = jax.random.randint(k1, (BATCH,), 0, N_USERS, dtype=jnp.int64 if jax.config.jax_enable_x64 else jnp.int32).astype(jnp.int32)
    item = jax.random.randint(k2, (BATCH,), 0, N_ITEMS, dtype=jnp.int32)
    user_factors = jax.random.normal(k3, (N_USERS, N_FACTORS), dtype=jnp.float32)
    item_factors = jax.random.normal(k4, (N_ITEMS, N_FACTORS), dtype=jnp.float32)
    return {"user": user, "item": item, "user_factors": user_factors, "item_factors": item_factors}

def reference(user, item, user_factors, item_factors):
    # Embedding lookups (gather)
    u = jnp.take(user_factors, user, axis=0)  # [B, F]
    v = jnp.take(item_factors, item, axis=0)  # [B, F]
    # Elementwise product and sum over factor dim -> per-example dot product
    return (u * v).sum(axis=1)  # [B]

if __name__ == "__main__":
    import jax
    _d = setup_inputs()
    print(jax.jit(kernel)(*tuple(_d.values())))

</pallas_src>

<mosaic_0001>
#map = affine_map<(d0, d1) -> (0, 0)>
#map1 = affine_map<(d0, d1) -> (0)>
module attributes {stable_mosaic.version = 14 : i64} {
  func.func @_mf_sc(%arg0: i32, %arg1: i32, %arg2: memref<128x128xi32, #tpu.memory_space<hbm>>, %arg3: memref<128x128xi32, #tpu.memory_space<hbm>>, %arg4: memref<32x1000000xf32, #tpu.memory_space<hbm>>, %arg5: memref<32x1000000xf32, #tpu.memory_space<hbm>>, %arg6: memref<16384xf32, #tpu.memory_space<hbm>>, %arg7: memref<4x128xi32, #tpu.memory_space<vmem>>, %arg8: memref<4x128xi32, #tpu.memory_space<vmem>>, %arg9: memref<16x32x128xf32, #tpu.memory_space<vmem>>, %arg10: memref<512xf32, #tpu.memory_space<vmem>>, %arg11: memref<!tpu.dma_semaphore, #tpu.memory_space<semaphore_mem>>, %arg12: memref<!tpu.dma_semaphore, #tpu.memory_space<semaphore_mem>>) attributes {dimension_semantics = [#tpu.dimension_semantics<core_parallel>, #tpu.dimension_semantics<subcore_parallel>], iteration_bounds = array<i64: 2, 16>, scalar_prefetch = 0 : i64, scratch_operands = 6 : i64, tpu.core_type = #tpu.core_type<sc_vector_subcore>, window_params = [{transform_indices = #map}, {transform_indices = #map}, {transform_indices = #map}, {transform_indices = #map}, {transform_indices = #map1}]} {
    %mul3A = arith.constant 2 : i32
    %mul3A_0 = arith.muli %arg1, %mul3A : i32
    %add3A = arith.addi %mul3A_0, %arg0 : i32
    %mul3A_1 = arith.constant 4 : i32
    %mul3A_2 = arith.muli %add3A, %mul3A_1 : i32
    "tpu.region"() ({
      %run_scoped3A = tpu.sem_alloc : memref<!tpu.dma_semaphore, #tpu.memory_space<semaphore_mem>>
      %dma_start3A = arith.constant 0 : i32
      %dma_start3A_12 = tpu.memref_slice %arg2[%mul3A_2, %dma_start3A] : memref<128x128xi32, #tpu.memory_space<hbm>> -> memref<4x128xi32, #tpu.memory_space<hbm>>
      %dma_start3A_13 = arith.constant 0 : i32
      %dma_start3A_14 = tpu.memref_slice %arg2[%mul3A_2, %dma_start3A_13] : memref<128x128xi32, #tpu.memory_space<hbm>> -> memref<4x128xi32, #tpu.memory_space<hbm>>
      tpu.enqueue_dma source(%dma_start3A_14 : memref<4x128xi32, #tpu.memory_space<hbm>>) target(%arg7 : memref<4x128xi32, #tpu.memory_space<vmem>>) target_semaphore(%run_scoped3A : memref<!tpu.dma_semaphore, #tpu.memory_space<semaphore_mem>>)
      %dma_wait3A = arith.constant 0 : i32
      %dma_wait3A_15 = tpu.memref_slice %arg2[%mul3A_2, %dma_wait3A] : memref<128x128xi32, #tpu.memory_space<hbm>> -> memref<4x128xi32, #tpu.memory_space<hbm>>
      %dma_wait3A_16 = arith.constant 0 : i32
      %dma_wait3A_17 = tpu.memref_slice %arg2[%mul3A_2, %dma_wait3A_16] : memref<128x128xi32, #tpu.memory_space<hbm>> -> memref<4x128xi32, #tpu.memory_space<hbm>>
      tpu.wait_dma2 semaphore(%run_scoped3A : memref<!tpu.dma_semaphore, #tpu.memory_space<semaphore_mem>>) src(%dma_wait3A_17 : memref<4x128xi32, #tpu.memory_space<hbm>>) dst(%arg7 : memref<4x128xi32, #tpu.memory_space<vmem>>)
      tpu.yield
    }) : () -> ()
    %mul3A_3 = arith.constant 4 : i32
    %mul3A_4 = arith.muli %add3A, %mul3A_3 : i32
    "tpu.region"() ({
      %run_scoped3A = tpu.sem_alloc : memref<!tpu.dma_semaphore, #tpu.memory_space<semaphore_mem>>
      %dma_start3A = arith.constant 0 : i32
      %dma_start3A_12 = tpu.memref_slice %arg3[%mul3A_4, %dma_start3A] : memref<128x128xi32, #tpu.memory_space<hbm>> -> memref<4x128xi32, #tpu.memory_space<hbm>>
      %dma_start3A_13 = arith.constant 0 : i32
      %dma_start3A_14 = tpu.memref_slice %arg3[%mul3A_4, %dma_start3A_13] : memref<128x128xi32, #tpu.memory_space<hbm>> -> memref<4x128xi32, #tpu.memory_space<hbm>>
      tpu.enqueue_dma source(%dma_start3A_14 : memref<4x128xi32, #tpu.memory_space<hbm>>) target(%arg8 : memref<4x128xi32, #tpu.memory_space<vmem>>) target_semaphore(%run_scoped3A : memref<!tpu.dma_semaphore, #tpu.memory_space<semaphore_mem>>)
      %dma_wait3A = arith.constant 0 : i32
      %dma_wait3A_15 = tpu.memref_slice %arg3[%mul3A_4, %dma_wait3A] : memref<128x128xi32, #tpu.memory_space<hbm>> -> memref<4x128xi32, #tpu.memory_space<hbm>>
      %dma_wait3A_16 = arith.constant 0 : i32
      %dma_wait3A_17 = tpu.memref_slice %arg3[%mul3A_4, %dma_wait3A_16] : memref<128x128xi32, #tpu.memory_space<hbm>> -> memref<4x128xi32, #tpu.memory_space<hbm>>
      tpu.wait_dma2 semaphore(%run_scoped3A : memref<!tpu.dma_semaphore, #tpu.memory_space<semaphore_mem>>) src(%dma_wait3A_17 : memref<4x128xi32, #tpu.memory_space<hbm>>) dst(%arg8 : memref<4x128xi32, #tpu.memory_space<vmem>>)
      tpu.yield
    }) : () -> ()
    %iota3A = tpu.iota {dimensions = array<i32: 0>} : vector<16xi32>
    %scan3A = arith.constant 0 : i32
    %scan3A_5 = arith.constant 0 : i32
    %scan3A_6 = arith.constant 32 : i32
    %scan3A_7 = arith.addi %scan3A_5, %scan3A_6 : i32
    %scan3A_8 = arith.constant 1 : i32
    scf.for %scan3A_12 = %scan3A_5 to %scan3A_7 step %scan3A_8  : i32 {
      %shift_right_arithmetic3A = arith.constant 3 : i32
      %shift_right_arithmetic3A_13 = arith.shrsi %scan3A_12, %shift_right_arithmetic3A : i32
      %and3A = arith.constant 7 : i32
      %and3A_14 = arith.andi %scan3A_12, %and3A : i32
      %mul3A_15 = arith.constant 16 : i32
      %mul3A_16 = arith.muli %and3A_14, %mul3A_15 : i32
      %multiple_of3A = tpu.assume_multiple %mul3A_16, 16 : i32
      %get3A = arith.index_cast %shift_right_arithmetic3A_13 : i32 to index
      %get3A_17 = arith.index_cast %multiple_of3A : i32 to index
      %get3A_18 = tpu.vector_load %arg7[%get3A, %get3A_17] {strides = array<i32>} : memref<4x128xi32, #tpu.memory_space<vmem>>, vector<16xi32>,
      %get3A_19 = arith.index_cast %shift_right_arithmetic3A_13 : i32 to index
      %get3A_20 = arith.index_cast %multiple_of3A : i32 to index
      %get3A_21 = tpu.vector_load %arg8[%get3A_19, %get3A_20] {strides = array<i32>} : memref<4x128xi32, #tpu.memory_space<vmem>>, vector<16xi32>,
      %broadcast_in_dim3A = arith.constant 0.000000e+00 : f32
      %broadcast_in_dim3A_22 = vector.broadcast %broadcast_in_dim3A : f32 to vector<16xf32>
      %slice3A = vector.extract_strided_slice %get3A_18 {offsets = [0], sizes = [1], strides = [1]} : vector<16xi32> to vector<1xi32>
      %squeeze3A = vector.extract %slice3A[0] : i32 from vector<1xi32>
      %and3A_23 = arith.constant -128 : i32
      %and3A_24 = arith.andi %squeeze3A, %and3A_23 : i32
      %multiple_of3A_25 = tpu.assume_multiple %and3A_24, 128 : i32
      %slice3A_26 = vector.extract_strided_slice %get3A_21 {offsets = [0], sizes = [1], strides = [1]} : vector<16xi32> to vector<1xi32>
      %squeeze3A_27 = vector.extract %slice3A_26[0] : i32 from vector<1xi32>
      %and3A_28 = arith.constant -128 : i32
      %and3A_29 = arith.andi %squeeze3A_27, %and3A_28 : i32
      %multiple_of3A_30 = tpu.assume_multiple %and3A_29, 128 : i32
      %dma_start3A = arith.constant 0 : i32
      %dma_start3A_31 = arith.constant 0 : i32
      %dma_start3A_32 = arith.constant 0 : i32
      %dma_start3A_33 = tpu.memref_slice %arg9[%dma_start3A, %dma_start3A_31, %dma_start3A_32] : memref<16x32x128xf32, #tpu.memory_space<vmem>> -> memref<1x32x128xf32, #tpu.memory_space<vmem>>
      %dma_start3A_34 = tpu.memref_squeeze %dma_start3A_33 : memref<1x32x128xf32, #tpu.memory_space<vmem>> -> memref<32x128xf32, #tpu.memory_space<vmem>>
      %dma_start3A_35 = arith.constant 0 : i32
      %dma_start3A_36 = arith.constant 0 : i32
      %dma_start3A_37 = tpu.memref_slice %dma_start3A_34[%dma_start3A_35, %dma_start3A_36] : memref<32x128xf32, #tpu.memory_space<vmem>> -> memref<8x128xf32, #tpu.memory_space<vmem>>
      %dma_start3A_38 = arith.constant 0 : i32
      %dma_start3A_39 = tpu.memref_slice %arg4[%dma_start3A_38, %multiple_of3A_25] : memref<32x1000000xf32, #tpu.memory_space<hbm>> -> memref<8x128xf32, #tpu.memory_space<hbm>>
      %dma_start3A_40 = arith.constant 0 : i32
      %dma_start3A_41 = arith.constant 0 : i32
      %dma_start3A_42 = tpu.memref_slice %arg9[%dma_start3A, %dma_start3A_40, %dma_start3A_41] : memref<16x32x128xf32, #tpu.memory_space<vmem>> -> memref<1x32x128xf32, #tpu.memory_space<vmem>>
      %dma_start3A_43 = tpu.memref_squeeze %dma_start3A_42 : memref<1x32x128xf32, #tpu.memory_space<vmem>> -> memref<32x128xf32, #tpu.memory_space<vmem>>
      %dma_start3A_44 = arith.constant 0 : i32
      %dma_start3A_45 = arith.constant 0 : i32
      %dma_start3A_46 = tpu.memref_slice %dma_start3A_43[%dma_start3A_44, %dma_start3A_45] : memref<32x128xf32, #tpu.memory_space<vmem>> -> memref<8x128xf32, #tpu.memory_space<vmem>>
      %dma_start3A_47 = arith.constant 0 : i32
      %dma_start3A_48 = tpu.memref_slice %arg4[%dma_start3A_47, %multiple_of3A_25] : memref<32x1000000xf32, #tpu.memory_space<hbm>> -> memref<8x128xf32, #tpu.memory_space<hbm>>
      tpu.enqueue_dma source(%dma_start3A_48 : memref<8x128xf32, #tpu.memory_space<hbm>>) target(%dma_start3A_46 : memref<8x128xf32, #tpu.memory_space<vmem>>) target_semaphore(%arg11 : memref<!tpu.dma_semaphore, #tpu.memory_space<semaphore_mem>>)
      %dma_start3A_49 = arith.constant 4 : i32
      %dma_start3A_50 = arith.constant 0 : i32
      %dma_start3A_51 = arith.constant 0 : i32
      %dma_start3A_52 = tpu.memref_slice %arg9[%dma_start3A_49, %dma_start3A_50, %dma_start3A_51] : memref<16x32x128xf32, #tpu.memory_space<vmem>> -> memref<1x32x128xf32, #tpu.memory_space<vmem>>
      %dma_start3A_53 = tpu.memref_squeeze %dma_start3A_52 : memref<1x32x128xf32, #tpu.memory_space<vmem>> -> memref<32x128xf32, #tpu.memory_space<vmem>>
      %dma_start3A_54 = arith.constant 0 : i32
      %dma_start3A_55 = arith.constant 0 : i32
      %dma_start3A_56 = tpu.memref_slice %dma_start3A_53[%dma_start3A_54, %dma_start3A_55] : memref<32x128xf32, #tpu.memory_space<vmem>> -> memref<8x128xf32, #tpu.memory_space<vmem>>
      %dma_start3A_57 = arith.constant 0 : i32
      %dma_start3A_58 = tpu.memref_slice %arg5[%dma_start3A_57, %multiple_of3A_30] : memref<32x1000000xf32, #tpu.memory_space<hbm>> -> memref<8x128xf32, #tpu.memory_space<hbm>>
      %dma_start3A_59 = arith.constant 0 : i32
      %dma_start3A_60 = arith.constant 0 : i32
      %dma_start3A_61 = tpu.memref_slice %arg9[%dma_start3A_49, %dma_start3A_59, %dma_start3A_60] : memref<16x32x128xf32, #tpu.memory_space<vmem>> -> memref<1x32x128xf32, #tpu.memory_space<vmem>>
      %dma_start3A_62 = tpu.memref_squeeze %dma_start3A_61 : memref<1x32x128xf32, #tpu.memory_space<vmem>> -> memref<32x128xf32, #tpu.memory_space<vmem>>
      %dma_start3A_63 = arith.constant 0 : i32
      %dma_start3A_64 = arith.constant 0 : i32
      %dma_start3A_65 = tpu.memref_slice %dma_start3A_62[%dma_start3A_63, %dma_start3A_64] : memref<32x128xf32, #tpu.memory_space<vmem>> -> memref<8x128xf32, #tpu.memory_space<vmem>>
      %dma_start3A_66 = arith.constant 0 : i32
      %dma_start3A_67 = tpu.memref_slice %arg5[%dma_start3A_66, %multiple_of3A_30] : memref<32x1000000xf32, #tpu.memory_space<hbm>> -> memref<8x128xf32, #tpu.memory_space<hbm>>
      tpu.enqueue_dma source(%dma_start3A_67 : memref<8x128xf32, #tpu.memory_space<hbm>>) target(%dma_start3A_65 : memref<8x128xf32, #tpu.memory_space<vmem>>) target_semaphore(%arg11 : memref<!tpu.dma_semaphore, #tpu.memory_space<semaphore_mem>>)
      %dma_start3A_68 = arith.constant 0 : i32
      %dma_start3A_69 = arith.constant 0 : i32
      %dma_start3A_70 = arith.constant 0 : i32
      %dma_start3A_71 = tpu.memref_slice %arg9[%dma_start3A_68, %dma_start3A_69, %dma_start3A_70] : memref<16x32x128xf32, #tpu.memory_space<vmem>> -> memref<1x32x128xf32, #tpu.memory_space<vmem>>
      %dma_start3A_72 = tpu.memref_squeeze %dma_start3A_71 : memref<1x32x128xf32, #tpu.memory_space<vmem>> -> memref<32x128xf32, #tpu.memory_space<vmem>>
      %dma_start3A_73 = arith.constant 8 : i32
      %dma_start3A_74 = arith.constant 0 : i32
      %dma_start3A_75 = tpu.memref_slice %dma_start3A_72[%dma_start3A_73, %dma_start3A_74] : memref<32x128xf32, #tpu.memory_space<vmem>> -> memref<8x128xf32, #tpu.memory_space<vmem>>
      %dma_start3A_76 = arith.constant 8 : i32
      %dma_start3A_77 = tpu.memref_slice %arg4[%dma_start3A_76, %multiple_of3A_25] : memref<32x1000000xf32, #tpu.memory_space<hbm>> -> memref<8x128xf32, #tpu.memory_space<hbm>>
      %dma_start3A_78 = arith.constant 0 : i32
      %dma_start3A_79 = arith.constant 0 : i32
      %dma_start3A_80 = tpu.memref_slice %arg9[%dma_start3A_68, %dma_start3A_78, %dma_start3A_79] : memref<16x32x128xf32, #tpu.memory_space<vmem>> -> memref<1x32x128xf32, #tpu.memory_space<vmem>>
      %dma_start3A_81 = tpu.memref_squeeze %dma_start3A_80 : memref<1x32x128xf32, #tpu.memory_space<vmem>> -> memref<32x128xf32, #tpu.memory_space<vmem>>
      %dma_start3A_82 = arith.constant 8 : i32
      %dma_start3A_83 = arith.constant 0 : i32
      %dma_start3A_84 = tpu.memref_slice %dma_start3A_81[%dma_start3A_82, %dma_start3A_83] : memref<32x128xf32, #tpu.memory_space<vmem>> -> memref<8x128xf32, #tpu.memory_space<vmem>>
      %dma_start3A_85 = arith.constant 8 : i32
      %dma_start3A_86 = tpu.memref_slice %arg4[%dma_start3A_85, %multiple_of3A_25] : memref<32x1000000xf32, #tpu.memory_space<hbm>> -> memref<8x128xf32, #tpu.memory_space<hbm>>
      tpu.enqueue_dma source(%dma_start3A_86 : memref<8x128xf32, #tpu.memory_space<hbm>>) target(%dma_start3A_84 : memref<8x128xf32, #tpu.memory_space<vmem>>) target_semaphore(%arg11 : memref<!tpu.dma_semaphore, #tpu.memory_space<semaphore_mem>>)
      %dma_start3A_87 = arith.constant 4 : i32
      %dma_start3A_88 = arith.constant 0 : i32
      %dma_start3A_89 = arith.constant 0 : i32
      %dma_start3A_90 = tpu.memref_slice %arg9[%dma_start3A_87, %dma_start3A_88, %dma_start3A_89] : memref<16x32x128xf32, #tpu.memory_space<vmem>> -> memref<1x32x128xf32, #tpu.memory_space<vmem>>
      %dma_start3A_91 = tpu.memref_squeeze %dma_start3A_90 : memref<1x32x128xf32, #tpu.memory_space<vmem>> -> memref<32x128xf32, #tpu.memory_space<vmem>>
      %dma_start3A_92 = arith.constant 8 : i32
      %dma_start3A_93 = arith.constant 0 : i32
      %dma_start3A_94 = tpu.memref_slice %dma_start3A_91[%dma_start3A_92, %dma_start3A_93] : memref<32x128xf32, #tpu.memory_space<vmem>> -> memref<8x128xf32, #tpu.memory_space<vmem>>
      %dma_start3A_95 = arith.constant 8 : i32
      %dma_start3A_96 = tpu.memref_slice %arg5[%dma_start3A_95, %multiple_of3A_30] : memref<32x1000000xf32, #tpu.memory_space<hbm>> -> memref<8x128xf32, #tpu.memory_space<hbm>>
      %dma_start3A_97 = arith.constant 0 : i32
      %dma_start3A_98 = arith.constant 0 : i32
      %dma_start3A_99 = tpu.memref_slice %arg9[%dma_start3A_87, %dma_start3A_97, %dma_start3A_98] : memref<16x32x128xf32, #tpu.memory_space<vmem>> -> memref<1x32x128xf32, #tpu.memory_space<vmem>>
      %dma_start3A_100 = tpu.memref_squeeze %dma_start3A_99 : memref<1x32x128xf32, #tpu.memory_space<vmem>> -> memref<32x128xf32, #tpu.memory_space<vmem>>
      %dma_start3A_101 = arith.constant 8 : i32
      %dma_start3A_102 = arith.constant 0 : i32
      %dma_start3A_103 = tpu.memref_slice %dma_start3A_100[%dma_start3A_101, %dma_start3A_102] : memref<32x128xf32, #tpu.memory_space<vmem>> -> memref<8x128xf32, #tpu.memory_space<vmem>>
      %dma_start3A_104 = arith.constant 8 : i32
      %dma_start3A_105 = tpu.memref_slice %arg5[%dma_start3A_104, %multiple_of3A_30] : memref<32x1000000xf32, #tpu.memory_space<hbm>> -> memref<8x128xf32, #tpu.memory_space<hbm>>
      tpu.enqueue_dma source(%dma_start3A_105 : memref<8x128xf32, #tpu.memory_space<hbm>>) target(%dma_start3A_103 : memref<8x128xf32, #tpu.memory_space<vmem>>) target_semaphore(%arg11 : memref<!tpu.dma_semaphore, #tpu.memory_space<semaphore_mem>>)
      %dma_start3A_106 = arith.constant 0 : i32
      %dma_start3A_107 = arith.constant 0 : i32
      %dma_start3A_108 = arith.constant 0 : i32
      %dma_start3A_109 = tpu.memref_slice %arg9[%dma_start3A_106, %dma_start3A_107, %dma_start3A_108] : memref<16x32x128xf32, #tpu.memory_space<vmem>> -> memref<1x32x128xf32, #tpu.memory_space<vmem>>
      %dma_start3A_110 = tpu.memref_squeeze %dma_start3A_109 : memref<1x32x128xf32, #tpu.memory_space<vmem>> -> memref<32x128xf32, #tpu.memory_space<vmem>>
      %dma_start3A_111 = arith.constant 16 : i32
      %dma_start3A_112 = arith.constant 0 : i32
      %dma_start3A_113 = tpu.memref_slice %dma_start3A_110[%dma_start3A_111, %dma_start3A_112] : memref<32x128xf32, #tpu.memory_space<vmem>> -> memref<8x128xf32, #tpu.memory_space<vmem>>
      %dma_start3A_114 = arith.constant 16 : i32
      %dma_start3A_115 = tpu.memref_slice %arg4[%dma_start3A_114, %multiple_of3A_25] : memref<32x1000000xf32, #tpu.memory_space<hbm>> -> memref<8x128xf32, #tpu.memory_space<hbm>>
      %dma_start3A_116 = arith.constant 0 : i32
      %dma_start3A_117 = arith.constant 0 : i32
      %dma_start3A_118 = tpu.memref_slice %arg9[%dma_start3A_106, %dma_start3A_116, %dma_start3A_117] : memref<16x32x128xf32, #tpu.memory_space<vmem>> -> memref<1x32x128xf32, #tpu.memory_space<vmem>>
      %dma_start3A_119 = tpu.memref_squeeze %dma_start3A_118 : memref<1x32x128xf32, #tpu.memory_space<vmem>> -> memref<32x128xf32, #tpu.memory_space<vmem>>
      %dma_start3A_120 = arith.constant 16 : i32
      %dma_start3A_121 = arith.constant 0 : i32
      %dma_start3A_122 = tpu.memref_slice %dma_start3A_119[%dma_start3A_120, %dma_start3A_121] : memref<32x128xf32, #tpu.memory_space<vmem>> -> memref<8x128xf32, #tpu.memory_space<vmem>>
      %dma_start3A_123 = arith.constant 16 : i32
      %dma_start3A_124 = tpu.memref_slice %arg4[%dma_start3A_123, %multiple_of3A_25] : memref<32x1000000xf32, #tpu.memory_space<hbm>> -> memref<8x128xf32, #tpu.memory_space<hbm>>
      tpu.enqueue_dma source(%dma_start3A_124 : memref<8x128xf32, #tpu.memory_space<hbm>>) target(%dma_start3A_122 : memref<8x128xf32, #tpu.memory_space<vmem>>) target_semaphore(%arg11 : memref<!tpu.dma_semaphore, #tpu.memory_space<semaphore_mem>>)
      %dma_start3A_125 = arith.constant 4 : i32
      %dma_start3A_126 = arith.constant 0 : i32
      %dma_start3A_127 = arith.constant 0 : i32
      %dma_start3A_128 = tpu.memref_slice %arg9[%dma_start3A_125, %dma_start3A_126, %dma_start3A_127] : memref<16x32x128xf32, #tpu.memory_space<vmem>> -> memref<1x32x128xf32, #tpu.memory_space<vmem>>
      %dma_start3A_129 = tpu.memref_squeeze %dma_start3A_128 : memref<1x32x128xf32, #tpu.memory_space<vmem>> -> memref<32x128xf32, #tpu.memory_space<vmem>>
      %dma_start3A_130 = arith.constant 16 : i32
      %dma_start3A_131 = arith.constant 0 : i32
      %dma_start3A_132 = tpu.memref_slice %dma_start3A_129[%dma_start3A_130, %dma_start3A_131] : memref<32x128xf32, #tpu.memory_space<vmem>> -> memref<8x128xf32, #tpu.memory_space<vmem>>
      %dma_start3A_133 = arith.constant 16 : i32
      %dma_start3A_134 = tpu.memref_slice %arg5[%dma_start3A_133, %multiple_of3A_30] : memref<32x1000000xf32, #tpu.memory_space<hbm>> -> memref<8x128xf32, #tpu.memory_space<hbm>>
      %dma_start3A_135 = arith.constant 0 : i32
      %dma_start3A_136 = arith.constant 0 : i32
      %dma_start3A_137 = tpu.memref_slice %arg9[%dma_start3A_125, %dma_start3A_135, %dma_start3A_136] : memref<16x32x128xf32, #tpu.memory_space<vmem>> -> memref<1x32x128xf32, #tpu.memory_space<vmem>>
      %dma_start3A_138 = tpu.memref_squeeze %dma_start3A_137 : memref<1x32x128xf32, #tpu.memory_space<vmem>> -> memref<32x128xf32, #tpu.memory_space<vmem>>
      %dma_start3A_139 = arith.constant 16 : i32
      %dma_start3A_140 = arith.constant 0 : i32
      %dma_start3A_141 = tpu.memref_slice %dma_start3A_138[%dma_start3A_139, %dma_start3A_140] : memref<32x128xf32, #tpu.memory_space<vmem>> -> memref<8x128xf32, #tpu.memory_space<vmem>>
      %dma_start3A_142 = arith.constant 16 : i32
      %dma_start3A_143 = tpu.memref_slice %arg5[%dma_start3A_142, %multiple_of3A_30] : memref<32x1000000xf32, #tpu.memory_space<hbm>> -> memref<8x128xf32, #tpu.memory_space<hbm>>
      tpu.enqueue_dma source(%dma_start3A_143 : memref<8x128xf32, #tpu.memory_space<hbm>>) target(%dma_start3A_141 : memref<8x128xf32, #tpu.memory_space<vmem>>) target_semaphore(%arg11 : memref<!tpu.dma_semaphore, #tpu.memory_space<semaphore_mem>>)
      %dma_start3A_144 = arith.constant 0 : i32
      %dma_start3A_145 = arith.constant 0 : i32
      %dma_start3A_146 = arith.constant 0 : i32
      %dma_start3A_147 = tpu.memref_slice %arg9[%dma_start3A_144, %dma_start3A_145, %dma_start3A_146] : memref<16x32x128xf32, #tpu.memory_space<vmem>> -> memref<1x32x128xf32, #tpu.memory_space<vmem>>
      %dma_start3A_148 = tpu.memref_squeeze %dma_start3A_147 : memref<1x32x128xf32, #tpu.memory_space<vmem>> -> memref<32x128xf32, #tpu.memory_space<vmem>>
      %dma_start3A_149 = arith.constant 24 : i32
      %dma_start3A_150 = arith.constant 0 : i32
      %dma_start3A_151 = tpu.memref_slice %dma_start3A_148[%dma_start3A_149, %dma_start3A_150] : memref<32x128xf32, #tpu.memory_space<vmem>> -> memref<8x128xf32, #tpu.memory_space<vmem>>
      %dma_start3A_152 = arith.constant 24 : i32
      %dma_start3A_153 = tpu.memref_slice %arg4[%dma_start3A_152, %multiple_of3A_25] : memref<32x1000000xf32, #tpu.memory_space<hbm>> -> memref<8x128xf32, #tpu.memory_space<hbm>>
      %dma_start3A_154 = arith.constant 0 : i32
      %dma_start3A_155 = arith.constant 0 : i32
      %dma_start3A_156 = tpu.memref_slice %arg9[%dma_start3A_144, %dma_start3A_154, %dma_start3A_155] : memref<16x32x128xf32, #tpu.memory_space<vmem>> -> memref<1x32x128xf32, #tpu.memory_space<vmem>>
      %dma_start3A_157 = tpu.memref_squeeze %dma_start3A_156 : memref<1x32x128xf32, #tpu.memory_space<vmem>> -> memref<32x128xf32, #tpu.memory_space<vmem>>
      %dma_start3A_158 = arith.constant 24 : i32
      %dma_start3A_159 = arith.constant 0 : i32
      %dma_start3A_160 = tpu.memref_slice %dma_start3A_157[%dma_start3A_158, %dma_start3A_159] : memref<32x128xf32, #tpu.memory_space<vmem>> -> memref<8x128xf32, #tpu.memory_space<vmem>>
      %dma_start3A_161 = arith.constant 24 : i32
      %dma_start3A_162 = tpu.memref_slice %arg4[%dma_start3A_161, %multiple_of3A_25] : memref<32x1000000xf32, #tpu.memory_space<hbm>> -> memref<8x128xf32, #tpu.memory_space<hbm>>
      tpu.enqueue_dma source(%dma_start3A_162 : memref<8x128xf32, #tpu.memory_space<hbm>>) target(%dma_start3A_160 : memref<8x128xf32, #tpu.memory_space<vmem>>) target_semaphore(%arg11 : memref<!tpu.dma_semaphore, #tpu.memory_space<semaphore_mem>>)
      %dma_start3A_163 = arith.constant 4 : i32
      %dma_start3A_164 = arith.constant 0 : i32
      %dma_start3A_165 = arith.constant 0 : i32
      %dma_start3A_166 = tpu.memref_slice %arg9[%dma_start3A_163, %dma_start3A_164, %dma_start3A_165] : memref<16x32x128xf32, #tpu.memory_space<vmem>> -> memref<1x32x128xf32, #tpu.memory_space<vmem>>
      %dma_start3A_167 = tpu.memref_squeeze %dma_start3A_166 : memref<1x32x128xf32, #tpu.memory_space<vmem>> -> memref<32x128xf32, #tpu.memory_space<vmem>>
      %dma_start3A_168 = arith.constant 24 : i32
      %dma_start3A_169 = arith.constant 0 : i32
      %dma_start3A_170 = tpu.memref_slice %dma_start3A_167[%dma_start3A_168, %dma_start3A_169] : memref<32x128xf32, #tpu.memory_space<vmem>> -> memref<8x128xf32, #tpu.memory_space<vmem>>
      %dma_start3A_171 = arith.constant 24 : i32
      %dma_start3A_172 = tpu.memref_slice %arg5[%dma_start3A_171, %multiple_of3A_30] : memref<32x1000000xf32, #tpu.memory_space<hbm>> -> memref<8x128xf32, #tpu.memory_space<hbm>>
      %dma_start3A_173 = arith.constant 0 : i32
      %dma_start3A_174 = arith.constant 0 : i32
      %dma_start3A_175 = tpu.memref_slice %arg9[%dma_start3A_163, %dma_start3A_173, %dma_start3A_174] : memref<16x32x128xf32, #tpu.memory_space<vmem>> -> memref<1x32x128xf32, #tpu.memory_space<vmem>>
      %dma_start3A_176 = tpu.memref_squeeze %dma_start3A_175 : memref<1x32x128xf32, #tpu.memory_space<vmem>> -> memref<32x128xf32, #tpu.memory_space<vmem>>
      %dma_start3A_177 = arith.constant 24 : i32
      %dma_start3A_178 = arith.constant 0 : i32
      %dma_start3A_179 = tpu.memref_slice %dma_start3A_176[%dma_start3A_177, %dma_start3A_178] : memref<32x128xf32, #tpu.memory_space<vmem>> -> memref<8x128xf32, #tpu.memory_space<vmem>>
      %dma_start3A_180 = arith.constant 24 : i32
      %dma_start3A_181 = tpu.memref_slice %arg5[%dma_start3A_180, %multiple_of3A_30] : memref<32x1000000xf32, #tpu.memory_space<hbm>> -> memref<8x128xf32, #tpu.memory_space<hbm>>
      tpu.enqueue_dma source(%dma_start3A_181 : memref<8x128xf32, #tpu.memory_space<hbm>>) target(%dma_start3A_179 : memref<8x128xf32, #tpu.memory_space<vmem>>) target_semaphore(%arg11 : memref<!tpu.dma_semaphore, #tpu.memory_space<semaphore_mem>>)
      %slice3A_182 = vector.extract_strided_slice %get3A_18 {offsets = [1], sizes = [1], strides = [1]} : vector<16xi32> to vector<1xi32>
      %squeeze3A_183 = vector.extract %slice3A_182[0] : i32 from vector<1xi32>
      %and3A_184 = arith.constant -128 : i32
      %and3A_185 = arith.andi %squeeze3A_183, %and3A_184 : i32
      %multiple_of3A_186 = tpu.assume_multiple %and3A_185, 128 : i32
      %slice3A_187 = vector.extract_strided_slice %get3A_21 {offsets = [1], sizes = [1], strides = [1]} : vector<16xi32> to vector<1xi32>
      %squeeze3A_188 = vector.extract %slice3A_187[0] : i32 from vector<1xi32>
      %and3A_189 = arith.constant -128 : i32
      %and3A_190 = arith.andi %squeeze3A_188, %and3A_189 : i32
      %multiple_of3A_191 = tpu.assume_multiple %and3A_190, 128 : i32
      %dma_start3A_192 = arith.constant 1 : i32
      %dma_start3A_193 = arith.constant 0 : i32
      %dma_start3A_194 = arith.constant 0 : i32
      %dma_start3A_195 = tpu.memref_slice %arg9[%dma_start3A_192, %dma_start3A_193, %dma_start3A_194] : memref<16x32x128xf32, #tpu.memory_space<vmem>> -> memref<1x32x128xf32, #tpu.memory_space<vmem>>
      %dma_start3A_196 = tpu.memref_squeeze %dma_start3A_195 : memref<1x32x128xf32, #tpu.memory_space<vmem>> -> memref<32x128xf32, #tpu.memory_space<vmem>>
      %dma_start3A_197 = arith.constant 0 : i32
      %dma_start3A_198 = arith.constant 0 : i32
      %dma_start3A_199 = tpu.memref_slice %dma_start3A_196[%dma_start3A_197, %dma_start3A_198] : memref<32x128xf32, #tpu.memory_space<vmem>> -> memref<8x128xf32, #tpu.memory_space<vmem>>
      %dma_start3A_200 = arith.constant 0 : i32
      %dma_start3A_201 = tpu.memref_slice %arg4[%dma_start3A_200, %multiple_of3A_186] : memref<32x1000000xf32, #tpu.memory_space<hbm>> -> memref<8x128xf32, #tpu.memory_space<hbm>>
      %dma_start3A_202 = arith.constant 0 : i32
      %dma_start3A_203 = arith.constant 0 : i32
      %dma_start3A_204 = tpu.memref_slice %arg9[%dma_start3A_192, %dma_start3A_202, %dma_start3A_203] : memref<16x32x128xf32, #tpu.memory_space<vmem>> -> memref<1x32x128xf32, #tpu.memory_space<vmem>>
      %dma_start3A_205 = tpu.memref_squeeze %dma_start3A_204 : memref<1x32x128xf32, #tpu.memory_space<vmem>> -> memref<32x128xf32, #tpu.memory_space<vmem>>
      %dma_start3A_206 = arith.constant 0 : i32
      %dma_start3A_207 = arith.constant 0 : i32
      %dma_start3A_208 = tpu.memref_slice %dma_start3A_205[%dma_start3A_206, %dma_start3A_207] : memref<32x128xf32, #tpu.memory_space<vmem>> -> memref<8x128xf32, #tpu.memory_space<vmem>>
      %dma_start3A_209 = arith.constant 0 : i32
      %dma_start3A_210 = tpu.memref_slice %arg4[%dma_start3A_209, %multiple_of3A_186] : memref<32x1000000xf32, #tpu.memory_space<hbm>> -> memref<8x128xf32, #tpu.memory_space<hbm>>
      tpu.enqueue_dma source(%dma_start3A_210 : memref<8x128xf32, #tpu.memory_space<hbm>>) target(%dma_start3A_208 : memref<8x128xf32, #tpu.memory_space<vmem>>) target_semaphore(%arg11 : memref<!tpu.dma_semaphore, #tpu.memory_space<semaphore_mem>>)
      %dma_start3A_211 = arith.constant 5 : i32
      %dma_start3A_212 = arith.constant 0 : i32
      %dma_start3A_213 = arith.constant 0 : i32
      %dma_start3A_214 = tpu.memref_slice %arg9[%dma_start3A_211, %dma_start3A_212, %dma_start3A_213] : memref<16x32x128xf32, #tpu.memory_space<vmem>> -> memref<1x32x128xf32, #tpu.memory_space<vmem>>
      %dma_start3A_215 = tpu.memref_squeeze %dma_start3A_214 : memref<1x32x128xf32, #tpu.memory_space<vmem>> -> memref<32x128xf32, #tpu.memory_space<vmem>>
      %dma_start3A_216 = arith.constant 0 : i32
      %dma_start3A_217 = arith.constant 0 : i32
      %dma_start3A_218 = tpu.memref_slice %dma_start3A_215[%dma_start3A_216, %dma_start3A_217] : memref<32x128xf32, #tpu.memory_space<vmem>> -> memref<8x128xf32, #tpu.memory_space<vmem>>
      %dma_start3A_219 = arith.constant 0 : i32
      %dma_start3A_220 = tpu.memref_slice %arg5[%dma_start3A_219, %multiple_of3A_191] : memref<32x1000000xf32, #tpu.memory_space<hbm>> -> memref<8x128xf32, #tpu.memory_space<hbm>>
      %dma_start3A_221 = arith.constant 0 : i32
      %dma_start3A_222 = arith.constant 0 : i32
      %dma_start3A_223 = tpu.memref_slice %arg9[%dma_start3A_211, %dma_start3A_221, %dma_start3A_222] : memref<16x32x128xf32, #tpu.memory_space<vmem>> -> memref<1x32x128xf32, #tpu.memory_space<vmem>>
      %dma_start3A_224 = tpu.memref_squeeze %dma_start3A_223 : memref<1x32x128xf32, #tpu.memory_space<vmem>> -> memref<32x128xf32, #tpu.memory_space<vmem>>
      %dma_start3A_225 = arith.constant 0 : i32
      %dma_start3A_226 = arith.constant 0 : i32
      %dma_start3A_227 = tpu.memref_slice %dma_start3A_224[%dma_start3A_225, %dma_start3A_226] : memref<32x128xf32, #tpu.memory_space<vmem>> -> memref<8x128xf32, #tpu.memory_space<vmem>>
      %dma_start3A_228 = arith.constant 0 : i32
      %dma_start3A_229 = tpu.memref_slice %arg5[%dma_start3A_228, %multiple_of3A_191] : memref<32x1000000xf32, #tpu.memory_space<hbm>> -> memref<8x128xf32, #tpu.memory_space<hbm>>
      tpu.enqueue_dma source(%dma_start3A_229 : memref<8x128xf32, #tpu.memory_space<hbm>>) target(%dma_start3A_227 : memref<8x128xf32, #tpu.memory_space<vmem>>) target_semaphore(%arg11 : memref<!tpu.dma_semaphore, #tpu.memory_space<semaphore_mem>>)
      %dma_start3A_230 = arith.constant 1 : i32
      %dma_start3A_231 = arith.constant 0 : i32
      %dma_start3A_232 = arith.constant 0 : i32
      %dma_start3A_233 = tpu.memref_slice %arg9[%dma_start3A_230, %dma_start3A_231, %dma_start3A_232] : memref<16x32x128xf32, #tpu.memory_space<vmem>> -> memref<1x32x128xf32, #tpu.memory_space<vmem>>
      %dma_start3A_234 = tpu.memref_squeeze %dma_start3A_233 : memref<1x32x128xf32, #tpu.memory_space<vmem>> -> memref<32x128xf32, #tpu.memory_space<vmem>>
      %dma_start3A_235 = arith.constant 8 : i32
      %dma_start3A_236 = arith.constant 0 : i32
      %dma_start3A_237 = tpu.memref_slice %dma_start3A_234[%dma_start3A_235, %dma_start3A_236] : memref<32x128xf32, #tpu.memory_space<vmem>> -> memref<8x128xf32, #tpu.memory_space<vmem>>
      %dma_start3A_238 = arith.constant 8 : i32
      %dma_start3A_239 = tpu.memref_slice %arg4[%dma_start3A_238, %multiple_of3A_186] : memref<32x1000000xf32, #tpu.memory_space<hbm>> -> memref<8x128xf32, #tpu.memory_space<hbm>>
      %dma_start3A_240 = arith.constant 0 : i32
      %dma_start3A_241 = arith.constant 0 : i32
      %dma_start3A_242 = tpu.memref_slice %arg9[%dma_start3A_230, %dma_start3A_240, %dma_start3A_241] : memref<16x32x128xf32, #tpu.memory_space<vmem>> -> memref<1x32x128xf32, #tpu.memory_space<vmem>>
      %dma_start3A_243 = tpu.memref_squeeze %dma_start3A_242 : memref<1x32x128xf32, #tpu.memory_space<vmem>> -> memref<32x128xf32, #tpu.memory_space<vmem>>
      %dma_start3A_244 = arith.constant 8 : i32
      %dma_start3A_245 = arith.constant 0 : i32
      %dma_start3A_246 = tpu.memref_slice %dma_start3A_243[%dma_start3A_244, %dma_start3A_245] : memref<32x128xf32, #tpu.memory_space<vmem>> -> memref<8x128xf32, #tpu.memory_space<vmem>>
      %dma_start3A_247 = arith.constant 8 : i32
      %dma_start3A_248 = tpu.memref_slice %arg4[%dma_start3A_247, %multiple_of3A_186] : memref<32x1000000xf32, #tpu.memory_space<hbm>> -> memref<8x128xf32, #tpu.memory_space<hbm>>
      tpu.enqueue_dma source(%dma_start3A_248 : memref<8x128xf32, #tpu.memory_space<hbm>>) target(%dma_start3A_246 : memref<8x128xf32, #tpu.memory_space<vmem>>) target_semaphore(%arg11 : memref<!tpu.dma_semaphore, #tpu.memory_space<semaphore_mem>>)
      %dma_start3A_249 = arith.constant 5 : i32
      %dma_start3A_250 = arith.constant 0 : i32
      %dma_start3A_251 = arith.constant 0 : i32
      %dma_start3A_252 = tpu.memref_slice %arg9[%dma_start3A_249, %dma_start3A_250, %dma_start3A_251] : memref<16x32x128xf32, #tpu.memory_space<vmem>> -> memref<1x32x128xf32, #tpu.memory_space<vmem>>
      %dma_start3A_253 = tpu.memref_squeeze %dma_start3A_252 : memref<1x32x128xf32, #tpu.memory_space<vmem>> -> memref<32x128xf32, #tpu.memory_space<vmem>>
      %dma_start3A_254 = arith.constant 8 : i32
      %dma_start3A_255 = arith.constant 0 : i32
      %dma_start3A_256 = tpu.memref_slice %dma_start3A_253[%dma_start3A_254, %dma_start3A_255] : memref<32x128xf32, #tpu.memory_space<vmem>> -> memref<8x128xf32, #tpu.memory_space<vmem>>
      %dma_start3A_257 = arith.constant 8 : i32
      %dma_start3A_258 = tpu.memref_slice %arg5[%dma_start3A_257, %multiple_of3A_191] : memref<32x1000000xf32, #tpu.memory_space<hbm>> -> memref<8x128xf32, #tpu.memory_space<hbm>>
      %dma_start3A_259 = arith.constant 0 : i32
      %dma_start3A_260 = arith.constant 0 : i32
      %dma_start3A_261 = tpu.memref_slice %arg9[%dma_start3A_249, %dma_start3A_259, %dma_start3A_260] : memref<16x32x128xf32, #tpu.memory_space<vmem>> -> memref<1x32x128xf32, #tpu.memory_space<vmem>>
      %dma_start3A_262 = tpu.memref_squeeze %dma_start3A_261 : memref<1x32x128xf32, #tpu.memory_space<vmem>> -> memref<32x128xf32, #tpu.memory_space<vmem>>
      %dma_start3A_263 = arith.constant 8 : i32
      %dma_start3A_264 = arith.constant 0 : i32
      %dma_start3A_265 = tpu.memref_slice %dma_start3A_262[%dma_start3A_263, %dma_start3A_264] : memref<32x128xf32, #tpu.memory_space<vmem>> -> memref<8x128xf32, #tpu.memory_space<vmem>>
      %dma_start3A_266 = arith.constant 8 : i32
      %dma_start3A_267 = tpu.memref_slice %arg5[%dma_start3A_266, %multiple_of3A_191] : memref<32x1000000xf32, #tpu.memory_space<hbm>> -> memref<8x128xf32, #tpu.memory_space<hbm>>
      tpu.enqueue_dma source(%dma_start3A_267 : memref<8x128xf32, #tpu.memory_space<hbm>>) target(%dma_start3A_265 : memref<8x128xf32, #tpu.memory_space<vmem>>) target_semaphore(%arg11 : memref<!tpu.dma_semaphore, #tpu.memory_space<semaphore_mem>>)
      %dma_start3A_268 = arith.constant 1 : i32
      %dma_start3A_269 = arith.constant 0 : i32
      %dma_start3A_270 = arith.constant 0 : i32
      %dma_start3A_271 = tpu.memref_slice %arg9[%dma_start3A_268, %dma_start3A_269, %dma_start3A_270] : memref<16x32x128xf32, #tpu.memory_space<vmem>> -> memref<1x32x128xf32, #tpu.memory_space<vmem>>
      %dma_start3A_272 = tpu.memref_squeeze %dma_start3A_271 : memref<1x32x128xf32, #tpu.memory_space<vmem>> -> memref<32x128xf32, #tpu.memory_space<vmem>>
      %dma_start3A_273 = arith.constant 16 : i32
      %dma_start3A_274 = arith.constant 0 : i32
      %dma_start3A_275 = tpu.memref_slice %dma_start3A_272[%dma_start3A_273, %dma_start3A_274] : memref<32x128xf32, #tpu.memory_space<vmem>> -> memref<8x128xf32, #tpu.memory_space<vmem>>
      %dma_start3A_276 = arith.constant 16 : i32
      %dma_start3A_277 = tpu.memref_slice %arg4[%dma_start3A_276, %multiple_of3A_186] : memref<32x1000000xf32, #tpu.memory_space<hbm>> -> memref<8x128xf32, #tpu.memory_space<hbm>>
      %dma_start3A_278 = arith.constant 0 : i32
      %dma_start3A_279 = arith.constant 0 : i32
      %dma_start3A_280 = tpu.memref_slice %arg9[%dma_start3A_268, %dma_start3A_278, %dma_start3A_279] : memref<16x32x128xf32, #tpu.memory_space<vmem>> -> memref<1x32x128xf32, #tpu.memory_space<vmem>>
      %dma_start3A_281 = tpu.memref_squeeze %dma_start3A_280 : memref<1x32x128xf32, #tpu.memory_space<vmem>> -> memref<32x128xf32, #tpu.memory_space<vmem>>
      %dma_start3A_282 = arith.constant 16 : i32
      %dma_start3A_283 = arith.constant 0 : i32
      %dma_start3A_284 = tpu.memref_slice %dma_start3A_281[%dma_start3A_282, %dma_start3A_283] : memref<32x128xf32, #tpu.memory_space<vmem>> -> memref<8x128xf32, #tpu.memory_space<vmem>>
      %dma_start3A_285 = arith.constant 16 : i32
      %dma_start3A_286 = tpu.memref_slice %arg4[%dma_start3A_285, %multiple_of3A_186] : memref<32x1000000xf32, #tpu.memory_space<hbm>> -> memref<8x128xf32, #tpu.memory_space<hbm>>
      tpu.enqueue_dma source(%dma_start3A_286 : memref<8x128xf32, #tpu.memory_space<hbm>>) target(%dma_start3A_284 : memref<8x128xf32, #tpu.memory_space<vmem>>) target_semaphore(%arg11 : memref<!tpu.dma_semaphore, #tpu.memory_space<semaphore_mem>>)
      %dma_start3A_287 = arith.constant 5 : i32
      %dma_start3A_288 = arith.constant 0 : i32
      %dma_start3A_289 = arith.constant 0 : i32
      %dma_start3A_290 = tpu.memref_slice %arg9[%dma_start3A_287, %dma_start3A_288, %dma_start3A_289] : memref<16x32x128xf32, #tpu.memory_space<vmem>> -> memref<1x32x128xf32, #tpu.memory_space<vmem>>
      %dma_start3A_291 = tpu.memref_squeeze %dma_start3A_290 : memref<1x32x128xf32, #tpu.memory_space<vmem>> -> memref<32x128xf32, #tpu.memory_space<vmem>>
      %dma_start3A_292 = arith.constant 16 : i32
      %dma_start3A_293 = arith.constant 0 : i32
      %dma_start3A_294 = tpu.memref_slice %dma_start3A_291[%dma_start3A_292, %dma_start3A_293] : memref<32x128xf32, #tpu.memory_space<vmem>> -> memref<8x128xf32, #tpu.memory_space<vmem>>
      %dma_start3A_295 = arith.constant 16 : i32
      %dma_start3A_296 = tpu.memref_slice %arg5[%dma_start3A_295, %multiple_of3A_191] : memref<32x1000000xf32, #tpu.memory_space<hbm>> -> memref<8x128xf32, #tpu.memory_space<hbm>>
      %dma_start3A_297 = arith.constant 0 : i32
      %dma_start3A_298 = arith.constant 0 : i32
      %dma_start3A_299 = tpu.memref_slice %arg9[%dma_start3A_287, %dma_start3A_297, %dma_start3A_298] : memref<16x32x128xf32, #tpu.memory_space<vmem>> -> memref<1x32x128xf32, #tpu.memory_space<vmem>>
      %dma_start3A_300 = tpu.memref_squeeze %dma_start3A_299 : memref<1x32x128xf32, #tpu.memory_space<vmem>> -> memref<32x128xf32, #tpu.memory_space<vmem>>
      %dma_start3A_301 = arith.constant 16 : i32
      %dma_start3A_302 = arith.constant 0 : i32
      %dma_start3A_303 = tpu.memref_slice %dma_start3A_300[%dma_start3A_301, %dma_start3A_302] : memref<32x128xf32, #tpu.memory_space<vmem>> -> memref<8x128xf32, #tpu.memory_space<vmem>>
      %dma_start3A_304 = arith.constant 16 : i32
      %dma_start3A_305 = tpu.memref_slice %arg5[%dma_start3A_304, %multiple_of3A_191] : memref<32x1000000xf32, #tpu.memory_space<hbm>> -> memref<8x128xf32, #tpu.memory_space<hbm>>
      tpu.enqueue_dma source(%dma_start3A_305 : memref<8x128xf32, #tpu.memory_space<hbm>>) target(%dma_start3A_303 : memref<8x128xf32, #tpu.memory_space<vmem>>) target_semaphore(%arg11 : memref<!tpu.dma_semaphore, #tpu.memory_space<semaphore_mem>>)
      %dma_start3A_306 = arith.constant 1 : i32
      %dma_start3A_307 = arith.constant 0 : i32
      %dma_start3A_308 = arith.constant 0 : i32
      %dma_start3A_309 = tpu.memref_slice %arg9[%dma_start3A_306, %dma_start3A_307, %dma_start3A_308] : memref<16x32x128xf32, #tpu.memory_space<vmem>> -> memref<1x32x128xf32, #tpu.memory_space<vmem>>
      %dma_start3A_310 = tpu.memref_squeeze %dma_start3A_309 : memref<1x32x128xf32, #tpu.memory_space<vmem>> -> memref<32x128xf32, #tpu.memory_space<vmem>>
      %dma_start3A_311 = arith.constant 24 : i32
      %dma_start3A_312 = arith.constant 0 : i32
      %dma_start3A_313 = tpu.memref_slice %dma_start3A_310[%dma_start3A_311, %dma_start3A_312] : memref<32x128xf32, #tpu.memory_space<vmem>> -> memref<8x128xf32, #tpu.memory_space<vmem>>
      %dma_start3A_314 = arith.constant 24 : i32
      %dma_start3A_315 = tpu.memref_slice %arg4[%dma_start3A_314, %multiple_of3A_186] : memref<32x1000000xf32, #tpu.memory_space<hbm>> -> memref<8x128xf32, #tpu.memory_space<hbm>>
      %dma_start3A_316 = arith.constant 0 : i32
      %dma_start3A_317 = arith.constant 0 : i32
      %dma_start3A_318 = tpu.memref_slice %arg9[%dma_start3A_306, %dma_start3A_316, %dma_start3A_317] : memref<16x32x128xf32, #tpu.memory_space<vmem>> -> memref<1x32x128xf32, #tpu.memory_space<vmem>>
      %dma_start3A_319 = tpu.memref_squeeze %dma_start3A_318 : memref<1x32x128xf32, #tpu.memory_space<vmem>> -> memref<32x128xf32, #tpu.memory_space<vmem>>
      %dma_start3A_320 = arith.constant 24 : i32
      %dma_start3A_321 = arith.constant 0 : i32
      %dma_start3A_322 = tpu.memref_slice %dma_start3A_319[%dma_start3A_320, %dma_start3A_321] : memref<32x128xf32, #tpu.memory_space<vmem>> -> memref<8x128xf32, #tpu.memory_space<vmem>>
      %dma_start3A_323 = arith.constant 24 : i32
      %dma_start3A_324 = tpu.memref_slice %arg4[%dma_start3A_323, %multiple_of3A_186] : memref<32x1000000xf32, #tpu.memory_space<hbm>> -> memref<8x128xf32, #tpu.memory_space<hbm>>
      tpu.enqueue_dma source(%dma_start3A_324 : memref<8x128xf32, #tpu.memory_space<hbm>>) target(%dma_start3A_322 : memref<8x128xf32, #tpu.memory_space<vmem>>) target_semaphore(%arg11 : memref<!tpu.dma_semaphore, #tpu.memory_space<semaphore_mem>>)
      %dma_start3A_325 = arith.constant 5 : i32
      %dma_start3A_326 = arith.constant 0 : i32
      %dma_start3A_327 = arith.constant 0 : i32
      %dma_start3A_328 = tpu.memref_slice %arg9[%dma_start3A_325, %dma_start3A_326, %dma_start3A_327] : memref<16x32x128xf32, #tpu.memory_space<vmem>> -> memref<1x32x128xf32, #tpu.memory_space<vmem>>
      %dma_start3A_329 = tpu.memref_squeeze %dma_start3A_328 : memref<1x32x128xf32, #tpu.memory_space<vmem>> -> memref<32x128xf32, #tpu.memory_space<vmem>>
      %dma_start3A_330 = arith.constant 24 : i32
      %dma_start3A_331 = arith.constant 0 : i32
      %dma_start3A_332 = tpu.memref_slice %dma_start3A_329[%dma_start3A_330, %dma_start3A_331] : memref<32x128xf32, #tpu.memory_space<vmem>> -> memref<8x128xf32, #tpu.memory_space<vmem>>
      %dma_start3A_333 = arith.constant 24 : i32
      %dma_start3A_334 = tpu.memref_slice %arg5[%dma_start3A_333, %multiple_of3A_191] : memref<32x1000000xf32, #tpu.memory_space<hbm>> -> memref<8x128xf32, #tpu.memory_space<hbm>>
      %dma_start3A_335 = arith.constant 0 : i32
      %dma_start3A_336 = arith.constant 0 : i32
      %dma_start3A_337 = tpu.memref_slice %arg9[%dma_start3A_325, %dma_start3A_335, %dma_start3A_336] : memref<16x32x128xf32, #tpu.memory_space<vmem>> -> memref<1x32x128xf32, #tpu.memory_space<vmem>>
      %dma_start3A_338 = tpu.memref_squeeze %dma_start3A_337 : memref<1x32x128xf32, #tpu.memory_space<vmem>> -> memref<32x128xf32, #tpu.memory_space<vmem>>
      %dma_start3A_339 = arith.constant 24 : i32
      %dma_start3A_340 = arith.constant 0 : i32
      %dma_start3A_341 = tpu.memref_slice %dma_start3A_338[%dma_start3A_339, %dma_start3A_340] : memref<32x128xf32, #tpu.memory_space<vmem>> -> memref<8x128xf32, #tpu.memory_space<vmem>>
      %dma_start3A_342 = arith.constant 24 : i32
      %dma_start3A_343 = tpu.memref_slice %arg5[%dma_start3A_342, %multiple_of3A_191] : memref<32x1000000xf32, #tpu.memory_space<hbm>> -> memref<8x128xf32, #tpu.memory_space<hbm>>
      tpu.enqueue_dma source(%dma_start3A_343 : memref<8x128xf32, #tpu.memory_space<hbm>>) target(%dma_start3A_341 : memref<8x128xf32, #tpu.memory_space<vmem>>) target_semaphore(%arg11 : memref<!tpu.dma_semaphore, #tpu.memory_space<semaphore_mem>>)
      %slice3A_344 = vector.extract_strided_slice %get3A_18 {offsets = [2], sizes = [1], strides = [1]} : vector<16xi32> to vector<1xi32>
      %squeeze3A_345 = vector.extract %slice3A_344[0] : i32 from vector<1xi32>
      %and3A_346 = arith.constant -128 : i32
      %and3A_347 = arith.andi %squeeze3A_345, %and3A_346 : i32
      %multiple_of3A_348 = tpu.assume_multiple %and3A_347, 128 : i32
      %slice3A_349 = vector.extract_strided_slice %get3A_21 {offsets = [2], sizes = [1], strides = [1]} : vector<16xi32> to vector<1xi32>
      %squeeze3A_350 = vector.extract %slice3A_349[0] : i32 from vector<1xi32>
      %and3A_351 = arith.constant -128 : i32
      %and3A_352 = arith.andi %squeeze3A_350, %and3A_351 : i32
      %multiple_of3A_353 = tpu.assume_multiple %and3A_352, 128 : i32
      %dma_start3A_354 = arith.constant 2 : i32
      %dma_start3A_355 = arith.constant 0 : i32
      %dma_start3A_356 = arith.constant 0 : i32
      %dma_start3A_357 = tpu.memref_slice %arg9[%dma_start3A_354, %dma_start3A_355, %dma_start3A_356] : memref<16x32x128xf32, #tpu.memory_space<vmem>> -> memref<1x32x128xf32, #tpu.memory_space<vmem>>
      %dma_start3A_358 = tpu.memref_squeeze %dma_start3A_357 : memref<1x32x128xf32, #tpu.memory_space<vmem>> -> memref<32x128xf32, #tpu.memory_space<vmem>>
      %dma_start3A_359 = arith.constant 0 : i32
      %dma_start3A_360 = arith.constant 0 : i32
      %dma_start3A_361 = tpu.memref_slice %dma_start3A_358[%dma_start3A_359, %dma_start3A_360] : memref<32x128xf32, #tpu.memory_space<vmem>> -> memref<8x128xf32, #tpu.memory_space<vmem>>
      %dma_start3A_362 = arith.constant 0 : i32
      %dma_start3A_363 = tpu.memref_slice %arg4[%dma_start3A_362, %multiple_of3A_348] : memref<32x1000000xf32, #tpu.memory_space<hbm>> -> memref<8x128xf32, #tpu.memory_space<hbm>>
      %dma_start3A_364 = arith.constant 0 : i32
      %dma_start3A_365 = arith.constant 0 : i32
      %dma_start3A_366 = tpu.memref_slice %arg9[%dma_start3A_354, %dma_start3A_364, %dma_start3A_365] : memref<16x32x128xf32, #tpu.memory_space<vmem>> -> memref<1x32x128xf32, #tpu.memory_space<vmem>>
      %dma_start3A_367 = tpu.memref_squeeze %dma_start3A_366 : memref<1x32x128xf32, #tpu.memory_space<vmem>> -> memref<32x128xf32, #tpu.memory_space<vmem>>
      %dma_start3A_368 = arith.constant 0 : i32
      %dma_start3A_369 = arith.constant 0 : i32
      %dma_start3A_370 = tpu.memref_slice %dma_start3A_367[%dma_start3A_368, %dma_start3A_369] : memref<32x128xf32, #tpu.memory_space<vmem>> -> memref<8x128xf32, #tpu.memory_space<vmem>>
      %dma_start3A_371 = arith.constant 0 : i32
      %dma_start3A_372 = tpu.memref_slice %arg4[%dma_start3A_371, %multiple_of3A_348] : memref<32x1000000xf32, #tpu.memory_space<hbm>> -> memref<8x128xf32, #tpu.memory_space<hbm>>
      tpu.enqueue_dma source(%dma_start3A_372 : memref<8x128xf32, #tpu.memory_space<hbm>>) target(%dma_start3A_370 : memref<8x128xf32, #tpu.memory_space<vmem>>) target_semaphore(%arg11 : memref<!tpu.dma_semaphore, #tpu.memory_space<semaphore_mem>>)
      %dma_start3A_373 = arith.constant 6 : i32
      %dma_start3A_374 = arith.constant 0 : i32
      %dma_start3A_375 = arith.constant 0 : i32
      %dma_start3A_376 = tpu.memref_slice %arg9[%dma_start3A_373, %dma_start3A_374, %dma_start3A_375] : memref<16x32x128xf32, #tpu.memory_space<vmem>> -> memref<1x32x128xf32, #tpu.memory_space<vmem>>
      %dma_start3A_377 = tpu.memref_squeeze %dma_start3A_376 : memref<1x32x128xf32, #tpu.memory_space<vmem>> -> memref<32x128xf32, #tpu.memory_space<vmem>>
      %dma_start3A_378 = arith.constant 0 : i32
      %dma_start3A_379 = arith.constant 0 : i32
      %dma_start3A_380 = tpu.memref_slice %dma_start3A_377[%dma_start3A_378, %dma_start3A_379] : memref<32x128xf32, #tpu.memory_space<vmem>> -> memref<8x128xf32, #tpu.memory_space<vmem>>
      %dma_start3A_381 = arith.constant 0 : i32
      %dma_start3A_382 = tpu.memref_slice %arg5[%dma_start3A_381, %multiple_of3A_353] : memref<32x1000000xf32, #tpu.memory_space<hbm>> -> memref<8x128xf32, #tpu.memory_space<hbm>>
      %dma_start3A_383 = arith.constant 0 : i32
      %dma_start3A_384 = arith.constant 0 : i32
      %dma_start3A_385 = tpu.memref_slice %arg9[%dma_start3A_373, %dma_start3A_383, %dma_start3A_384] : memref<16x32x128xf32, #tpu.memory_space<vmem>> -> memref<1x32x128xf32, #tpu.memory_space<vmem>>
      %dma_start3A_386 = tpu.memref_squeeze %dma_start3A_385 : memref<1x32x128xf32, #tpu.memory_space<vmem>> -> memref<32x128xf32, #tpu.memory_space<vmem>>
      %dma_start3A_387 = arith.constant 0 : i32
      %dma_start3A_388 = arith.constant 0 : i32
      %dma_start3A_389 = tpu.memref_slice %dma_start3A_386[%dma_start3A_387, %dma_start3A_388] : memref<32x128xf32, #tpu.memory_space<vmem>> -> memref<8x128xf32, #tpu.memory_space<vmem>>
      %dma_start3A_390 = arith.constant 0 : i32
      %dma_start3A_391 = tpu.memref_slice %arg5[%dma_start3A_390, %multiple_of3A_353] : memref<32x1000000xf32, #tpu.memory_space<hbm>> -> memref<8x128xf32, #tpu.memory_space<hbm>>
      tpu.enqueue_dma source(%dma_start3A_391 : memref<8x128xf32, #tpu.memory_space<hbm>>) target(%dma_start3A_389 : memref<8x128xf32, #tpu.memory_space<vmem>>) target_semaphore(%arg11 : memref<!tpu.dma_semaphore, #tpu.memory_space<semaphore_mem>>)
      %dma_start3A_392 = arith.constant 2 : i32
      %dma_start3A_393 = arith.constant 0 : i32
      %dma_start3A_394 = arith.constant 0 : i32
      %dma_start3A_395 = tpu.memref_slice %arg9[%dma_start3A_392, %dma_start3A_393, %dma_start3A_394] : memref<16x32x128xf32, #tpu.memory_space<vmem>> -> memref<1x32x128xf32, #tpu.memory_space<vmem>>
      %dma_start3A_396 = tpu.memref_squeeze %dma_start3A_395 : memref<1x32x128xf32, #tpu.memory_space<vmem>> -> memref<32x128xf32, #tpu.memory_space<vmem>>
      %dma_start3A_397 = arith.constant 8 : i32
      %dma_start3A_398 = arith.constant 0 : i32
      %dma_start3A_399 = tpu.memref_slice %dma_start3A_396[%dma_start3A_397, %dma_start3A_398] : memref<32x128xf32, #tpu.memory_space<vmem>> -> memref<8x128xf32, #tpu.memory_space<vmem>>
      %dma_start3A_400 = arith.constant 8 : i32
      %dma_start3A_401 = tpu.memref_slice %arg4[%dma_start3A_400, %multiple_of3A_348] : memref<32x1000000xf32, #tpu.memory_space<hbm>> -> memref<8x128xf32, #tpu.memory_space<hbm>>
      %dma_start3A_402 = arith.constant 0 : i32
      %dma_start3A_403 = arith.constant 0 : i32
      %dma_start3A_404 = tpu.memref_slice %arg9[%dma_start3A_392, %dma_start3A_402, %dma_start3A_403] : memref<16x32x128xf32, #tpu.memory_space<vmem>> -> memref<1x32x128xf32, #tpu.memory_space<vmem>>
      %dma_start3A_405 = tpu.memref_squeeze %dma_start3A_404 : memref<1x32x128xf32, #tpu.memory_space<vmem>> -> memref<32x128xf32, #tpu.memory_space<vmem>>
      %dma_start3A_406 = arith.constant 8 : i32
      %dma_start3A_407 = arith.constant 0 : i32
      %dma_start3A_408 = tpu.memref_slice %dma_start3A_405[%dma_start3A_406, %dma_start3A_407] : memref<32x128xf32, #tpu.memory_space<vmem>> -> memref<8x128xf32, #tpu.memory_space<vmem>>
      %dma_start3A_409 = arith.constant 8 : i32
      %dma_start3A_410 = tpu.memref_slice %arg4[%dma_start3A_409, %multiple_of3A_348] : memref<32x1000000xf32, #tpu.memory_space<hbm>> -> memref<8x128xf32, #tpu.memory_space<hbm>>
      tpu.enqueue_dma source(%dma_start3A_410 : memref<8x128xf32, #tpu.memory_space<hbm>>) target(%dma_start3A_408 : memref<8x128xf32, #tpu.memory_space<vmem>>) target_semaphore(%arg11 : memref<!tpu.dma_semaphore, #tpu.memory_space<semaphore_mem>>)
      %dma_start3A_411 = arith.constant 6 : i32
      %dma_start3A_412 = arith.constant 0 : i32
      %dma_start3A_413 = arith.constant 0 : i32
      %dma_start3A_414 = tpu.memref_slice %arg9[%dma_start3A_411, %dma_start3A_412, %dma_start3A_413] : memref<16x32x128xf32, #tpu.memory_space<vmem>> -> memref<1x32x128xf32, #tpu.memory_space<vmem>>
      %dma_start3A_415 = tpu.memref_squeeze %dma_start3A_414 : memref<1x32x128xf32, #tpu.memory_space<vmem>> -> memref<32x128xf32, #tpu.memory_space<vmem>>
      %dma_start3A_416 = arith.constant 8 : i32
      %dma_start3A_417 = arith.constant 0 : i32
      %dma_start3A_418 = tpu.memref_slice %dma_start3A_415[%dma_start3A_416, %dma_start3A_417] : memref<32x128xf32, #tpu.memory_space<vmem>> -> memref<8x128xf32, #tpu.memory_space<vmem>>
      %dma_start3A_419 = arith.constant 8 : i32
      %dma_start3A_420 = tpu.memref_slice %arg5[%dma_start3A_419, %multiple_of3A_353] : memref<32x1000000xf32, #tpu.memory_space<hbm>> -> memref<8x128xf32, #tpu.memory_space<hbm>>
      %dma_start3A_421 = arith.constant 0 : i32
      %dma_start3A_422 = arith.constant 0 : i32
      %dma_start3A_423 = tpu.memref_slice %arg9[%dma_start3A_411, %dma_start3A_421, %dma_start3A_422] : memref<16x32x128xf32, #tpu.memory_space<vmem>> -> memref<1x32x128xf32, #tpu.memory_space<vmem>>
      %dma_start3A_424 = tpu.memref_squeeze %dma_start3A_423 : memref<1x32x128xf32, #tpu.memory_space<vmem>> -> memref<32x128xf32, #tpu.memory_space<vmem>>
      %dma_start3A_425 = arith.constant 8 : i32
      %dma_start3A_426 = arith.constant 0 : i32
      %dma_start3A_427 = tpu.memref_slice %dma_start3A_424[%dma_start3A_425, %dma_start3A_426] : memref<32x128xf32, #tpu.memory_space<vmem>> -> memref<8x128xf32, #tpu.memory_space<vmem>>
      %dma_start3A_428 = arith.constant 8 : i32
      %dma_start3A_429 = tpu.memref_slice %arg5[%dma_start3A_428, %multiple_of3A_353] : memref<32x1000000xf32, #tpu.memory_space<hbm>> -> memref<8x128xf32, #tpu.memory_space<hbm>>
      tpu.enqueue_dma source(%dma_start3A_429 : memref<8x128xf32, #tpu.memory_space<hbm>>) target(%dma_start3A_427 : memref<8x128xf32, #tpu.memory_space<vmem>>) target_semaphore(%arg11 : memref<!tpu.dma_semaphore, #tpu.memory_space<semaphore_mem>>)
      %dma_start3A_430 = arith.constant 2 : i32
      %dma_start3A_431 = arith.constant 0 : i32
      %dma_start3A_432 = arith.constant 0 : i32
      %dma_start3A_433 = tpu.memref_slice %arg9[%dma_start3A_430, %dma_start3A_431, %dma_start3A_432] : memref<16x32x128xf32, #tpu.memory_space<vmem>> -> memref<1x32x128xf32, #tpu.memory_space<vmem>>
      %dma_start3A_434 = tpu.memref_squeeze %dma_start3A_433 : memref<1x32x128xf32, #tpu.memory_space<vmem>> -> memref<32x128xf32, #tpu.memory_space<vmem>>
      %dma_start3A_435 = arith.constant 16 : i32
      %dma_start3A_436 = arith.constant 0 : i32
      %dma_start3A_437 = tpu.memref_slice %dma_start3A_434[%dma_start3A_435, %dma_start3A_436] : memref<32x128xf32, #tpu.memory_space<vmem>> -> memref<8x128xf32, #tpu.memory_space<vmem>>
      %dma_start3A_438 = arith.constant 16 : i32
      %dma_start3A_439 = tpu.memref_slice %arg4[%dma_start3A_438, %multiple_of3A_348] : memref<32x1000000xf32, #tpu.memory_space<hbm>> -> memref<8x128xf32, #tpu.memory_space<hbm>>
      %dma_start3A_440 = arith.constant 0 : i32
      %dma_start3A_441 = arith.constant 0 : i32
      %dma_start3A_442 = tpu.memref_slice %arg9[%dma_start3A_430, %dma_start3A_440, %dma_start3A_441] : memref<16x32x128xf32, #tpu.memory_space<vmem>> -> memref<1x32x128xf32, #tpu.memory_space<vmem>>
      %dma_start3A_443 = tpu.memref_squeeze %dma_start3A_442 : memref<1x32x128xf32, #tpu.memory_space<vmem>> -> memref<32x128xf32, #tpu.memory_space<vmem>>
      %dma_start3A_444 = arith.constant 16 : i32
      %dma_start3A_445 = arith.constant 0 : i32
      %dma_start3A_446 = tpu.memref_slice %dma_start3A_443[%dma_start3A_444, %dma_start3A_445] : memref<32x128xf32, #tpu.memory_space<vmem>> -> memref<8x128xf32, #tpu.memory_space<vmem>>
      %dma_start3A_447 = arith.constant 16 : i32
      %dma_start3A_448 = tpu.memref_slice %arg4[%dma_start3A_447, %multiple_of3A_348] : memref<32x1000000xf32, #tpu.memory_space<hbm>> -> memref<8x128xf32, #tpu.memory_space<hbm>>
      tpu.enqueue_dma source(%dma_start3A_448 : memref<8x128xf32, #tpu.memory_space<hbm>>) target(%dma_start3A_446 : memref<8x128xf32, #tpu.memory_space<vmem>>) target_semaphore(%arg11 : memref<!tpu.dma_semaphore, #tpu.memory_space<semaphore_mem>>)
      %dma_start3A_449 = arith.constant 6 : i32
      %dma_start3A_450 = arith.constant 0 : i32
      %dma_start3A_451 = arith.constant 0 : i32
      %dma_start3A_452 = tpu.memref_slice %arg9[%dma_start3A_449, %dma_start3A_450, %dma_start3A_451] : memref<16x32x128xf32, #tpu.memory_space<vmem>> -> memref<1x32x128xf32, #tpu.memory_space<vmem>>
      %dma_start3A_453 = tpu.memref_squeeze %dma_start3A_452 : memref<1x32x128xf32, #tpu.memory_space<vmem>> -> memref<32x128xf32, #tpu.memory_space<vmem>>
      %dma_start3A_454 = arith.constant 16 : i32
      %dma_start3A_455 = arith.constant 0 : i32
      %dma_start3A_456 = tpu.memref_slice %dma_start3A_453[%dma_start3A_454, %dma_start3A_455] : memref<32x128xf32, #tpu.memory_space<vmem>> -> memref<8x128xf32, #tpu.memory_space<vmem>>
      %dma_start3A_457 = arith.constant 16 : i32
      %dma_start3A_458 = tpu.memref_slice %arg5[%dma_start3A_457, %multiple_of3A_353] : memref<32x1000000xf32, #tpu.memory_space<hbm>> -> memref<8x128xf32, #tpu.memory_space<hbm>>
      %dma_start3A_459 = arith.constant 0 : i32
      %dma_start3A_460 = arith.constant 0 : i32
      %dma_start3A_461 = tpu.memref_slice %arg9[%dma_start3A_449, %dma_start3A_459, %dma_start3A_460] : memref<16x32x128xf32, #tpu.memory_space<vmem>> -> memref<1x32x128xf32, #tpu.memory_space<vmem>>
      %dma_start3A_462 = tpu.memref_squeeze %dma_start3A_461 : memref<1x32x128xf32, #tpu.memory_space<vmem>> -> memref<32x128xf32, #tpu.memory_space<vmem>>
      %dma_start3A_463 = arith.constant 16 : i32
      %dma_start3A_464 = arith.constant 0 : i32
      %dma_start3A_465 = tpu.memref_slice %dma_start3A_462[%dma_start3A_463, %dma_start3A_464] : memref<32x128xf32, #tpu.memory_space<vmem>> -> memref<8x128xf32, #tpu.memory_space<vmem>>
      %dma_start3A_466 = arith.constant 16 : i32
      %dma_start3A_467 = tpu.memref_slice %arg5[%dma_start3A_466, %multiple_of3A_353] : memref<32x1000000xf32, #tpu.memory_space<hbm>> -> memref<8x128xf32, #tpu.memory_space<hbm>>
      tpu.enqueue_dma source(%dma_start3A_467 : memref<8x128xf32, #tpu.memory_space<hbm>>) target(%dma_start3A_465 : memref<8x128xf32, #tpu.memory_space<vmem>>) target_semaphore(%arg11 : memref<!tpu.dma_semaphore, #tpu.memory_space<semaphore_mem>>)
      %dma_start3A_468 = arith.constant 2 : i32
      %dma_start3A_469 = arith.constant 0 : i32
      %dma_start3A_470 = arith.constant 0 : i32
      %dma_start3A_471 = tpu.memref_slice %arg9[%dma_start3A_468, %dma_start3A_469, %dma_start3A_470] : memref<16x32x128xf32, #tpu.memory_space<vmem>> -> memref<1x32x128xf32, #tpu.memory_space<vmem>>
      %dma_start3A_472 = tpu.memref_squeeze %dma_start3A_471 : memref<1x32x128xf32, #tpu.memory_space<vmem>> -> memref<32x128xf32, #tpu.memory_space<vmem>>
      %dma_start3A_473 = arith.constant 24 : i32
      %dma_start3A_474 = arith.constant 0 : i32
      %dma_start3A_475 = tpu.memref_slice %dma_start3A_472[%dma_start3A_473, %dma_start3A_474] : memref<32x128xf32, #tpu.memory_space<vmem>> -> memref<8x128xf32, #tpu.memory_space<vmem>>
      %dma_start3A_476 = arith.constant 24 : i32
      %dma_start3A_477 = tpu.memref_slice %arg4[%dma_start3A_476, %multiple_of3A_348] : memref<32x1000000xf32, #tpu.memory_space<hbm>> -> memref<8x128xf32, #tpu.memory_space<hbm>>
      %dma_start3A_478 = arith.constant 0 : i32
      %dma_start3A_479 = arith.constant 0 : i32
      %dma_start3A_480 = tpu.memref_slice %arg9[%dma_start3A_468, %dma_start3A_478, %dma_start3A_479] : memref<16x32x128xf32, #tpu.memory_space<vmem>> -> memref<1x32x128xf32, #tpu.memory_space<vmem>>
      %dma_start3A_481 = tpu.memref_squeeze %dma_start3A_480 : memref<1x32x128xf32, #tpu.memory_space<vmem>> -> memref<32x128xf32, #tpu.memory_space<vmem>>
      %dma_start3A_482 = arith.constant 24 : i32
      %dma_start3A_483 = arith.constant 0 : i32
      %dma_start3A_484 = tpu.memref_slice %dma_start3A_481[%dma_start3A_482, %dma_start3A_483] : memref<32x128xf32, #tpu.memory_space<vmem>> -> memref<8x128xf32, #tpu.memory_space<vmem>>
      %dma_start3A_485 = arith.constant 24 : i32
      %dma_start3A_486 = tpu.memref_slice %arg4[%dma_start3A_485, %multiple_of3A_348] : memref<32x1000000xf32, #tpu.memory_space<hbm>> -> memref<8x128xf32, #tpu.memory_space<hbm>>
      tpu.enqueue_dma source(%dma_start3A_486 : memref<8x128xf32, #tpu.memory_space<hbm>>) target(%dma_start3A_484 : memref<8x128xf32, #tpu.memory_space<vmem>>) target_semaphore(%arg11 : memref<!tpu.dma_semaphore, #tpu.memory_space<semaphore_mem>>)
      %dma_start3A_487 = arith.constant 6 : i32
      %dma_start3A_488 = arith.constant 0 : i32
      %dma_start3A_489 = arith.constant 0 : i32
      %dma_start3A_490 = tpu.memref_slice %arg9[%dma_start3A_487, %dma_start3A_488, %dma_start3A_489] : memref<16x32x128xf32, #tpu.memory_space<vmem>> -> memref<1x32x128xf32, #tpu.memory_space<vmem>>
      %dma_start3A_491 = tpu.memref_squeeze %dma_start3A_490 : memref<1x32x128xf32, #tpu.memory_space<vmem>> -> memref<32x128xf32, #tpu.memory_space<vmem>>
      %dma_start3A_492 = arith.constant 24 : i32
      %dma_start3A_493 = arith.constant 0 : i32
      %dma_start3A_494 = tpu.memref_slice %dma_start3A_491[%dma_start3A_492, %dma_start3A_493] : memref<32x128xf32, #tpu.memory_space<vmem>> -> memref<8x128xf32, #tpu.memory_space<vmem>>
      %dma_start3A_495 = arith.constant 24 : i32
      %dma_start3A_496 = tpu.memref_slice %arg5[%dma_start3A_495, %multiple_of3A_353] : memref<32x1000000xf32, #tpu.memory_space<hbm>> -> memref<8x128xf32, #tpu.memory_space<hbm>>
      %dma_start3A_497 = arith.constant 0 : i32
      %dma_start3A_498 = arith.constant 0 : i32
      %dma_start3A_499 = tpu.memref_slice %arg9[%dma_start3A_487, %dma_start3A_497, %dma_start3A_498] : memref<16x32x128xf32, #tpu.memory_space<vmem>> -> memref<1x32x128xf32, #tpu.memory_space<vmem>>
      %dma_start3A_500 = tpu.memref_squeeze %dma_start3A_499 : memref<1x32x128xf32, #tpu.memory_space<vmem>> -> memref<32x128xf32, #tpu.memory_space<vmem>>
      %dma_start3A_501 = arith.constant 24 : i32
      %dma_start3A_502 = arith.constant 0 : i32
      %dma_start3A_503 = tpu.memref_slice %dma_start3A_500[%dma_start3A_501, %dma_start3A_502] : memref<32x128xf32, #tpu.memory_space<vmem>> -> memref<8x128xf32, #tpu.memory_space<vmem>>
      %dma_start3A_504 = arith.constant 24 : i32
      %dma_start3A_505 = tpu.memref_slice %arg5[%dma_start3A_504, %multiple_of3A_353] : memref<32x1000000xf32, #tpu.memory_space<hbm>> -> memref<8x128xf32, #tpu.memory_space<hbm>>
      tpu.enqueue_dma source(%dma_start3A_505 : memref<8x128xf32, #tpu.memory_space<hbm>>) target(%dma_start3A_503 : memref<8x128xf32, #tpu.memory_space<vmem>>) target_semaphore(%arg11 : memref<!tpu.dma_semaphore, #tpu.memory_space<semaphore_mem>>)
      %slice3A_506 = vector.extract_strided_slice %get3A_18 {offsets = [3], sizes = [1], strides = [1]} : vector<16xi32> to vector<1xi32>
      %squeeze3A_507 = vector.extract %slice3A_506[0] : i32 from vector<1xi32>
      %and3A_508 = arith.constant -128 : i32
      %and3A_509 = arith.andi %squeeze3A_507, %and3A_508 : i32
      %multiple_of3A_510 = tpu.assume_multiple %and3A_509, 128 : i32
      %slice3A_511 = vector.extract_strided_slice %get3A_21 {offsets = [3], sizes = [1], strides = [1]} : vector<16xi32> to vector<1xi32>
      %squeeze3A_512 = vector.extract %slice3A_511[0] : i32 from vector<1xi32>
      %and3A_513 = arith.constant -128 : i32
      %and3A_514 = arith.andi %squeeze3A_512, %and3A_513 : i32
      %multiple_of3A_515 = tpu.assume_multiple %and3A_514, 128 : i32
      %dma_start3A_516 = arith.constant 3 : i32
      %dma_start3A_517 = arith.constant 0 : i32
      %dma_start3A_518 = arith.constant 0 : i32
      %dma_start3A_519 = tpu.memref_slice %arg9[%dma_start3A_516, %dma_start3A_517, %dma_start3A_518] : memref<16x32x128xf32, #tpu.memory_space<vmem>> -> memref<1x32x128xf32, #tpu.memory_space<vmem>>
      %dma_start3A_520 = tpu.memref_squeeze %dma_start3A_519 : memref<1x32x128xf32, #tpu.memory_space<vmem>> -> memref<32x128xf32, #tpu.memory_space<vmem>>
      %dma_start3A_521 = arith.constant 0 : i32
      %dma_start3A_522 = arith.constant 0 : i32
      %dma_start3A_523 = tpu.memref_slice %dma_start3A_520[%dma_start3A_521, %dma_start3A_522] : memref<32x128xf32, #tpu.memory_space<vmem>> -> memref<8x128xf32, #tpu.memory_space<vmem>>
      %dma_start3A_524 = arith.constant 0 : i32
      %dma_start3A_525 = tpu.memref_slice %arg4[%dma_start3A_524, %multiple_of3A_510] : memref<32x1000000xf32, #tpu.memory_space<hbm>> -> memref<8x128xf32, #tpu.memory_space<hbm>>
      %dma_start3A_526 = arith.constant 0 : i32
      %dma_start3A_527 = arith.constant 0 : i32
      %dma_start3A_528 = tpu.memref_slice %arg9[%dma_start3A_516, %dma_start3A_526, %dma_start3A_527] : memref<16x32x128xf32, #tpu.memory_space<vmem>> -> memref<1x32x128xf32, #tpu.memory_space<vmem>>
      %dma_start3A_529 = tpu.memref_squeeze %dma_start3A_528 : memref<1x32x128xf32, #tpu.memory_space<vmem>> -> memref<32x128xf32, #tpu.memory_space<vmem>>
      %dma_start3A_530 = arith.constant 0 : i32
      %dma_start3A_531 = arith.constant 0 : i32
      %dma_start3A_532 = tpu.memref_slice %dma_start3A_529[%dma_start3A_530, %dma_start3A_531] : memref<32x128xf32, #tpu.memory_space<vmem>> -> memref<8x128xf32, #tpu.memory_space<vmem>>
      %dma_start3A_533 = arith.constant 0 : i32
      %dma_start3A_534 = tpu.memref_slice %arg4[%dma_start3A_533, %multiple_of3A_510] : memref<32x1000000xf32, #tpu.memory_space<hbm>> -> memref<8x128xf32, #tpu.memory_space<hbm>>
      tpu.enqueue_dma source(%dma_start3A_534 : memref<8x128xf32, #tpu.memory_space<hbm>>) target(%dma_start3A_532 : memref<8x128xf32, #tpu.memory_space<vmem>>) target_semaphore(%arg11 : memref<!tpu.dma_semaphore, #tpu.memory_space<semaphore_mem>>)
      %dma_start3A_535 = arith.constant 7 : i32
      %dma_start3A_536 = arith.constant 0 : i32
      %dma_start3A_537 = arith.constant 0 : i32
      %dma_start3A_538 = tpu.memref_slice %arg9[%dma_start3A_535, %dma_start3A_536, %dma_start3A_537] : memref<16x32x128xf32, #tpu.memory_space<vmem>> -> memref<1x32x128xf32, #tpu.memory_space<vmem>>
      %dma_start3A_539 = tpu.memref_squeeze %dma_start3A_538 : memref<1x32x128xf32, #tpu.memory_space<vmem>> -> memref<32x128xf32, #tpu.memory_space<vmem>>
      %dma_start3A_540 = arith.constant 0 : i32
      %dma_start3A_541 = arith.constant 0 : i32
      %dma_start3A_542 = tpu.memref_slice %dma_start3A_539[%dma_start3A_540, %dma_start3A_541] : memref<32x128xf32, #tpu.memory_space<vmem>> -> memref<8x128xf32, #tpu.memory_space<vmem>>
      %dma_start3A_543 = arith.constant 0 : i32
      %dma_start3A_544 = tpu.memref_slice %arg5[%dma_start3A_543, %multiple_of3A_515] : memref<32x1000000xf32, #tpu.memory_space<hbm>> -> memref<8x128xf32, #tpu.memory_space<hbm>>
      %dma_start3A_545 = arith.constant 0 : i32
      %dma_start3A_546 = arith.constant 0 : i32
      %dma_start3A_547 = tpu.memref_slice %arg9[%dma_start3A_535, %dma_start3A_545, %dma_start3A_546] : memref<16x32x128xf32, #tpu.memory_space<vmem>> -> memref<1x32x128xf32, #tpu.memory_space<vmem>>
      %dma_start3A_548 = tpu.memref_squeeze %dma_start3A_547 : memref<1x32x128xf32, #tpu.memory_space<vmem>> -> memref<32x128xf32, #tpu.memory_space<vmem>>
      %dma_start3A_549 = arith.constant 0 : i32
      %dma_start3A_550 = arith.constant 0 : i32
      %dma_start3A_551 = tpu.memref_slice %dma_start3A_548[%dma_start3A_549, %dma_start3A_550] : memref<32x128xf32, #tpu.memory_space<vmem>> -> memref<8x128xf32, #tpu.memory_space<vmem>>
      %dma_start3A_552 = arith.constant 0 : i32
      %dma_start3A_553 = tpu.memref_slice %arg5[%dma_start3A_552, %multiple_of3A_515] : memref<32x1000000xf32, #tpu.memory_space<hbm>> -> memref<8x128xf32, #tpu.memory_space<hbm>>
      tpu.enqueue_dma source(%dma_start3A_553 : memref<8x128xf32, #tpu.memory_space<hbm>>) target(%dma_start3A_551 : memref<8x128xf32, #tpu.memory_space<vmem>>) target_semaphore(%arg11 : memref<!tpu.dma_semaphore, #tpu.memory_space<semaphore_mem>>)
      %dma_start3A_554 = arith.constant 3 : i32
      %dma_start3A_555 = arith.constant 0 : i32
      %dma_start3A_556 = arith.constant 0 : i32
      %dma_start3A_557 = tpu.memref_slice %arg9[%dma_start3A_554, %dma_start3A_555, %dma_start3A_556] : memref<16x32x128xf32, #tpu.memory_space<vmem>> -> memref<1x32x128xf32, #tpu.memory_space<vmem>>
      %dma_start3A_558 = tpu.memref_squeeze %dma_start3A_557 : memref<1x32x128xf32, #tpu.memory_space<vmem>> -> memref<32x128xf32, #tpu.memory_space<vmem>>
      %dma_start3A_559 = arith.constant 8 : i32
      %dma_start3A_560 = arith.constant 0 : i32
      %dma_start3A_561 = tpu.memref_slice %dma_start3A_558[%dma_start3A_559, %dma_start3A_560] : memref<32x128xf32, #tpu.memory_space<vmem>> -> memref<8x128xf32, #tpu.memory_space<vmem>>
      %dma_start3A_562 = arith.constant 8 : i32
      %dma_start3A_563 = tpu.memref_slice %arg4[%dma_start3A_562, %multiple_of3A_510] : memref<32x1000000xf32, #tpu.memory_space<hbm>> -> memref<8x128xf32, #tpu.memory_space<hbm>>
      %dma_start3A_564 = arith.constant 0 : i32
      %dma_start3A_565 = arith.constant 0 : i32
      %dma_start3A_566 = tpu.memref_slice %arg9[%dma_start3A_554, %dma_start3A_564, %dma_start3A_565] : memref<16x32x128xf32, #tpu.memory_space<vmem>> -> memref<1x32x128xf32, #tpu.memory_space<vmem>>
      %dma_start3A_567 = tpu.memref_squeeze %dma_start3A_566 : memref<1x32x128xf32, #tpu.memory_space<vmem>> -> memref<32x128xf32, #tpu.memory_space<vmem>>
      %dma_start3A_568 = arith.constant 8 : i32
      %dma_start3A_569 = arith.constant 0 : i32
      %dma_start3A_570 = tpu.memref_slice %dma_start3A_567[%dma_start3A_568, %dma_start3A_569] : memref<32x128xf32, #tpu.memory_space<vmem>> -> memref<8x128xf32, #tpu.memory_space<vmem>>
      %dma_start3A_571 = arith.constant 8 : i32
      %dma_start3A_572 = tpu.memref_slice %arg4[%dma_start3A_571, %multiple_of3A_510] : memref<32x1000000xf32, #tpu.memory_space<hbm>> -> memref<8x128xf32, #tpu.memory_space<hbm>>
      tpu.enqueue_dma source(%dma_start3A_572 : memref<8x128xf32, #tpu.memory_space<hbm>>) target(%dma_start3A_570 : memref<8x128xf32, #tpu.memory_space<vmem>>) target_semaphore(%arg11 : memref<!tpu.dma_semaphore, #tpu.memory_space<semaphore_mem>>)
      %dma_start3A_573 = arith.constant 7 : i32
      %dma_start3A_574 = arith.constant 0 : i32
      %dma_start3A_575 = arith.constant 0 : i32
      %dma_start3A_576 = tpu.memref_slice %arg9[%dma_start3A_573, %dma_start3A_574, %dma_start3A_575] : memref<16x32x128xf32, #tpu.memory_space<vmem>> -> memref<1x32x128xf32, #tpu.memory_space<vmem>>
      %dma_start3A_577 = tpu.memref_squeeze %dma_start3A_576 : memref<1x32x128xf32, #tpu.memory_space<vmem>> -> memref<32x128xf32, #tpu.memory_space<vmem>>
      %dma_start3A_578 = arith.constant 8 : i32
      %dma_start3A_579 = arith.constant 0 : i32
      %dma_start3A_580 = tpu.memref_slice %dma_start3A_577[%dma_start3A_578, %dma_start3A_579] : memref<32x128xf32, #tpu.memory_space<vmem>> -> memref<8x128xf32, #tpu.memory_space<vmem>>
      %dma_start3A_581 = arith.constant 8 : i32
      %dma_start3A_582 = tpu.memref_slice %arg5[%dma_start3A_581, %multiple_of3A_515] : memref<32x1000000xf32, #tpu.memory_space<hbm>> -> memref<8x128xf32, #tpu.memory_space<hbm>>
      %dma_start3A_583 = arith.constant 0 : i32
      %dma_start3A_584 = arith.constant 0 : i32
      %dma_start3A_585 = tpu.memref_slice %arg9[%dma_start3A_573, %dma_start3A_583, %dma_start3A_584] : memref<16x32x128xf32, #tpu.memory_space<vmem>> -> memref<1x32x128xf32, #tpu.memory_space<vmem>>
      %dma_start3A_586 = tpu.memref_squeeze %dma_start3A_585 : memref<1x32x128xf32, #tpu.memory_space<vmem>> -> memref<32x128xf32, #tpu.memory_space<vmem>>
      %dma_start3A_587 = arith.constant 8 : i32
      %dma_start3A_588 = arith.constant 0 : i32
      %dma_start3A_589 = tpu.memref_slice %dma_start3A_586[%dma_start3A_587, %dma_start3A_588] : memref<32x128xf32, #tpu.memory_space<vmem>> -> memref<8x128xf32, #tpu.memory_space<vmem>>
      %dma_start3A_590 = arith.constant 8 : i32
      %dma_start3A_591 = tpu.memref_slice %arg5[%dma_start3A_590, %multiple_of3A_515] : memref<32x1000000xf32, #tpu.memory_space<hbm>> -> memref<8x128xf32, #tpu.memory_space<hbm>>
      tpu.enqueue_dma source(%dma_start3A_591 : memref<8x128xf32, #tpu.memory_space<hbm>>) target(%dma_start3A_589 : memref<8x128xf32, #tpu.memory_space<vmem>>) target_semaphore(%arg11 : memref<!tpu.dma_semaphore, #tpu.memory_space<semaphore_mem>>)
      %dma_start3A_592 = arith.constant 3 : i32
      %dma_start3A_593 = arith.constant 0 : i32
      %dma_start3A_594 = arith.constant 0 : i32
      %dma_start3A_595 = tpu.memref_slice %arg9[%dma_start3A_592, %dma_start3A_593, %dma_start3A_594] : memref<16x32x128xf32, #tpu.memory_space<vmem>> -> memref<1x32x128xf32, #tpu.memory_space<vmem>>
      %dma_start3A_596 = tpu.memref_squeeze %dma_start3A_595 : memref<1x32x128xf32, #tpu.memory_space<vmem>> -> memref<32x128xf32, #tpu.memory_space<vmem>>
      %dma_start3A_597 = arith.constant 16 : i32
      %dma_start3A_598 = arith.constant 0 : i32
      %dma_start3A_599 = tpu.memref_slice %dma_start3A_596[%dma_start3A_597, %dma_start3A_598] : memref<32x128xf32, #tpu.memory_space<vmem>> -> memref<8x128xf32, #tpu.memory_space<vmem>>
      %dma_start3A_600 = arith.constant 16 : i32
      %dma_start3A_601 = tpu.memref_slice %arg4[%dma_start3A_600, %multiple_of3A_510] : memref<32x1000000xf32, #tpu.memory_space<hbm>> -> memref<8x128xf32, #tpu.memory_space<hbm>>
      %dma_start3A_602 = arith.constant 0 : i32
      %dma_start3A_603 = arith.constant 0 : i32
      %dma_start3A_604 = tpu.memref_slice %arg9[%dma_start3A_592, %dma_start3A_602, %dma_start3A_603] : memref<16x32x128xf32, #tpu.memory_space<vmem>> -> memref<1x32x128xf32, #tpu.memory_space<vmem>>
      %dma_start3A_605 = tpu.memref_squeeze %dma_start3A_604 : memref<1x32x128xf32, #tpu.memory_space<vmem>> -> memref<32x128xf32, #tpu.memory_space<vmem>>
      %dma_start3A_606 = arith.constant 16 : i32
      %dma_start3A_607 = arith.constant 0 : i32
      %dma_start3A_608 = tpu.memref_slice %dma_start3A_605[%dma_start3A_606, %dma_start3A_607] : memref<32x128xf32, #tpu.memory_space<vmem>> -> memref<8x128xf32, #tpu.memory_space<vmem>>
      %dma_start3A_609 = arith.constant 16 : i32
      %dma_start3A_610 = tpu.memref_slice %arg4[%dma_start3A_609, %multiple_of3A_510] : memref<32x1000000xf32, #tpu.memory_space<hbm>> -> memref<8x128xf32, #tpu.memory_space<hbm>>
      tpu.enqueue_dma source(%dma_start3A_610 : memref<8x128xf32, #tpu.memory_space<hbm>>) target(%dma_start3A_608 : memref<8x128xf32, #tpu.memory_space<vmem>>) target_semaphore(%arg11 : memref<!tpu.dma_semaphore, #tpu.memory_space<semaphore_mem>>)
      %dma_start3A_611 = arith.constant 7 : i32
      %dma_start3A_612 = arith.constant 0 : i32
      %dma_start3A_613 = arith.constant 0 : i32
      %dma_start3A_614 = tpu.memref_slice %arg9[%dma_start3A_611, %dma_start3A_612, %dma_start3A_613] : memref<16x32x128xf32, #tpu.memory_space<vmem>> -> memref<1x32x128xf32, #tpu.memory_space<vmem>>
      %dma_start3A_615 = tpu.memref_squeeze %dma_start3A_614 : memref<1x32x128xf32, #tpu.memory_space<vmem>> -> memref<32x128xf32, #tpu.memory_space<vmem>>
      %dma_start3A_616 = arith.constant 16 : i32
      %dma_start3A_617 = arith.constant 0 : i32
      %dma_start3A_618 = tpu.memref_slice %dma_start3A_615[%dma_start3A_616, %dma_start3A_617] : memref<32x128xf32, #tpu.memory_space<vmem>> -> memref<8x128xf32, #tpu.memory_space<vmem>>
      %dma_start3A_619 = arith.constant 16 : i32
      %dma_start3A_620 = tpu.memref_slice %arg5[%dma_start3A_619, %multiple_of3A_515] : memref<32x1000000xf32, #tpu.memory_space<hbm>> -> memref<8x128xf32, #tpu.memory_space<hbm>>
      %dma_start3A_621 = arith.constant 0 : i32
      %dma_start3A_622 = arith.constant 0 : i32
      %dma_start3A_623 = tpu.memref_slice %arg9[%dma_start3A_611, %dma_start3A_621, %dma_start3A_622] : memref<16x32x128xf32, #tpu.memory_space<vmem>> -> memref<1x32x128xf32, #tpu.memory_space<vmem>>
      %dma_start3A_624 = tpu.memref_squeeze %dma_start3A_623 : memref<1x32x128xf32, #tpu.memory_space<vmem>> -> memref<32x128xf32, #tpu.memory_space<vmem>>
      %dma_start3A_625 = arith.constant 16 : i32
      %dma_start3A_626 = arith.constant 0 : i32
      %dma_start3A_627 = tpu.memref_slice %dma_start3A_624[%dma_start3A_625, %dma_start3A_626] : memref<32x128xf32, #tpu.memory_space<vmem>> -> memref<8x128xf32, #tpu.memory_space<vmem>>
      %dma_start3A_628 = arith.constant 16 : i32
      %dma_start3A_629 = tpu.memref_slice %arg5[%dma_start3A_628, %multiple_of3A_515] : memref<32x1000000xf32, #tpu.memory_space<hbm>> -> memref<8x128xf32, #tpu.memory_space<hbm>>
      tpu.enqueue_dma source(%dma_start3A_629 : memref<8x128xf32, #tpu.memory_space<hbm>>) target(%dma_start3A_627 : memref<8x128xf32, #tpu.memory_space<vmem>>) target_semaphore(%arg11 : memref<!tpu.dma_semaphore, #tpu.memory_space<semaphore_mem>>)
      %dma_start3A_630 = arith.constant 3 : i32
      %dma_start3A_631 = arith.constant 0 : i32
      %dma_start3A_632 = arith.constant 0 : i32
      %dma_start3A_633 = tpu.memref_slice %arg9[%dma_start3A_630, %dma_start3A_631, %dma_start3A_632] : memref<16x32x128xf32, #tpu.memory_space<vmem>> -> memref<1x32x128xf32, #tpu.memory_space<vmem>>
      %dma_start3A_634 = tpu.memref_squeeze %dma_start3A_633 : memref<1x32x128xf32, #tpu.memory_space<vmem>> -> memref<32x128xf32, #tpu.memory_space<vmem>>
      %dma_start3A_635 = arith.constant 24 : i32
      %dma_start3A_636 = arith.constant 0 : i32
      %dma_start3A_637 = tpu.memref_slice %dma_start3A_634[%dma_start3A_635, %dma_start3A_636] : memref<32x128xf32, #tpu.memory_space<vmem>> -> memref<8x128xf32, #tpu.memory_space<vmem>>
      %dma_start3A_638 = arith.constant 24 : i32
      %dma_start3A_639 = tpu.memref_slice %arg4[%dma_start3A_638, %multiple_of3A_510] : memref<32x1000000xf32, #tpu.memory_space<hbm>> -> memref<8x128xf32, #tpu.memory_space<hbm>>
      %dma_start3A_640 = arith.constant 0 : i32
      %dma_start3A_641 = arith.constant 0 : i32
      %dma_start3A_642 = tpu.memref_slice %arg9[%dma_start3A_630, %dma_start3A_640, %dma_start3A_641] : memref<16x32x128xf32, #tpu.memory_space<vmem>> -> memref<1x32x128xf32, #tpu.memory_space<vmem>>
      %dma_start3A_643 = tpu.memref_squeeze %dma_start3A_642 : memref<1x32x128xf32, #tpu.memory_space<vmem>> -> memref<32x128xf32, #tpu.memory_space<vmem>>
      %dma_start3A_644 = arith.constant 24 : i32
      %dma_start3A_645 = arith.constant 0 : i32
      %dma_start3A_646 = tpu.memref_slice %dma_start3A_643[%dma_start3A_644, %dma_start3A_645] : memref<32x128xf32, #tpu.memory_space<vmem>> -> memref<8x128xf32, #tpu.memory_space<vmem>>
      %dma_start3A_647 = arith.constant 24 : i32
      %dma_start3A_648 = tpu.memref_slice %arg4[%dma_start3A_647, %multiple_of3A_510] : memref<32x1000000xf32, #tpu.memory_space<hbm>> -> memref<8x128xf32, #tpu.memory_space<hbm>>
      tpu.enqueue_dma source(%dma_start3A_648 : memref<8x128xf32, #tpu.memory_space<hbm>>) target(%dma_start3A_646 : memref<8x128xf32, #tpu.memory_space<vmem>>) target_semaphore(%arg11 : memref<!tpu.dma_semaphore, #tpu.memory_space<semaphore_mem>>)
      %dma_start3A_649 = arith.constant 7 : i32
      %dma_start3A_650 = arith.constant 0 : i32
      %dma_start3A_651 = arith.constant 0 : i32
      %dma_start3A_652 = tpu.memref_slice %arg9[%dma_start3A_649, %dma_start3A_650, %dma_start3A_651] : memref<16x32x128xf32, #tpu.memory_space<vmem>> -> memref<1x32x128xf32, #tpu.memory_space<vmem>>
      %dma_start3A_653 = tpu.memref_squeeze %dma_start3A_652 : memref<1x32x128xf32, #tpu.memory_space<vmem>> -> memref<32x128xf32, #tpu.memory_space<vmem>>
      %dma_start3A_654 = arith.constant 24 : i32
      %dma_start3A_655 = arith.constant 0 : i32
      %dma_start3A_656 = tpu.memref_slice %dma_start3A_653[%dma_start3A_654, %dma_start3A_655] : memref<32x128xf32, #tpu.memory_space<vmem>> -> memref<8x128xf32, #tpu.memory_space<vmem>>
      %dma_start3A_657 = arith.constant 24 : i32
      %dma_start3A_658 = tpu.memref_slice %arg5[%dma_start3A_657, %multiple_of3A_515] : memref<32x1000000xf32, #tpu.memory_space<hbm>> -> memref<8x128xf32, #tpu.memory_space<hbm>>
      %dma_start3A_659 = arith.constant 0 : i32
      %dma_start3A_660 = arith.constant 0 : i32
      %dma_start3A_661 = tpu.memref_slice %arg9[%dma_start3A_649, %dma_start3A_659, %dma_start3A_660] : memref<16x32x128xf32, #tpu.memory_space<vmem>> -> memref<1x32x128xf32, #tpu.memory_space<vmem>>
      %dma_start3A_662 = tpu.memref_squeeze %dma_start3A_661 : memref<1x32x128xf32, #tpu.memory_space<vmem>> -> memref<32x128xf32, #tpu.memory_space<vmem>>
      %dma_start3A_663 = arith.constant 24 : i32
      %dma_start3A_664 = arith.constant 0 : i32
      %dma_start3A_665 = tpu.memref_slice %dma_start3A_662[%dma_start3A_663, %dma_start3A_664] : memref<32x128xf32, #tpu.memory_space<vmem>> -> memref<8x128xf32, #tpu.memory_space<vmem>>
      %dma_start3A_666 = arith.constant 24 : i32
      %dma_start3A_667 = tpu.memref_slice %arg5[%dma_start3A_666, %multiple_of3A_515] : memref<32x1000000xf32, #tpu.memory_space<hbm>> -> memref<8x128xf32, #tpu.memory_space<hbm>>
      tpu.enqueue_dma source(%dma_start3A_667 : memref<8x128xf32, #tpu.memory_space<hbm>>) target(%dma_start3A_665 : memref<8x128xf32, #tpu.memory_space<vmem>>) target_semaphore(%arg11 : memref<!tpu.dma_semaphore, #tpu.memory_space<semaphore_mem>>)
      %slice3A_668 = vector.extract_strided_slice %get3A_18 {offsets = [4], sizes = [1], strides = [1]} : vector<16xi32> to vector<1xi32>
      %squeeze3A_669 = vector.extract %slice3A_668[0] : i32 from vector<1xi32>
      %and3A_670 = arith.constant -128 : i32
      %and3A_671 = arith.andi %squeeze3A_669, %and3A_670 : i32
      %multiple_of3A_672 = tpu.assume_multiple %and3A_671, 128 : i32
      %slice3A_673 = vector.extract_strided_slice %get3A_21 {offsets = [4], sizes = [1], strides = [1]} : vector<16xi32> to vector<1xi32>
      %squeeze3A_674 = vector.extract %slice3A_673[0] : i32 from vector<1xi32>
      %and3A_675 = arith.constant -128 : i32
      %and3A_676 = arith.andi %squeeze3A_674, %and3A_675 : i32
      %multiple_of3A_677 = tpu.assume_multiple %and3A_676, 128 : i32
      %dma_start3A_678 = arith.constant 8 : i32
      %dma_start3A_679 = arith.constant 0 : i32
      %dma_start3A_680 = arith.constant 0 : i32
      %dma_start3A_681 = tpu.memref_slice %arg9[%dma_start3A_678, %dma_start3A_679, %dma_start3A_680] : memref<16x32x128xf32, #tpu.memory_space<vmem>> -> memref<1x32x128xf32, #tpu.memory_space<vmem>>
      %dma_start3A_682 = tpu.memref_squeeze %dma_start3A_681 : memref<1x32x128xf32, #tpu.memory_space<vmem>> -> memref<32x128xf32, #tpu.memory_space<vmem>>
      %dma_start3A_683 = arith.constant 0 : i32
      %dma_start3A_684 = arith.constant 0 : i32
      %dma_start3A_685 = tpu.memref_slice %dma_start3A_682[%dma_start3A_683, %dma_start3A_684] : memref<32x128xf32, #tpu.memory_space<vmem>> -> memref<8x128xf32, #tpu.memory_space<vmem>>
      %dma_start3A_686 = arith.constant 0 : i32
      %dma_start3A_687 = tpu.memref_slice %arg4[%dma_start3A_686, %multiple_of3A_672] : memref<32x1000000xf32, #tpu.memory_space<hbm>> -> memref<8x128xf32, #tpu.memory_space<hbm>>
      %dma_start3A_688 = arith.constant 0 : i32
      %dma_start3A_689 = arith.constant 0 : i32
      %dma_start3A_690 = tpu.memref_slice %arg9[%dma_start3A_678, %dma_start3A_688, %dma_start3A_689] : memref<16x32x128xf32, #tpu.memory_space<vmem>> -> memref<1x32x128xf32, #tpu.memory_space<vmem>>
      %dma_start3A_691 = tpu.memref_squeeze %dma_start3A_690 : memref<1x32x128xf32, #tpu.memory_space<vmem>> -> memref<32x128xf32, #tpu.memory_space<vmem>>
      %dma_start3A_692 = arith.constant 0 : i32
      %dma_start3A_693 = arith.constant 0 : i32
      %dma_start3A_694 = tpu.memref_slice %dma_start3A_691[%dma_start3A_692, %dma_start3A_693] : memref<32x128xf32, #tpu.memory_space<vmem>> -> memref<8x128xf32, #tpu.memory_space<vmem>>
      %dma_start3A_695 = arith.constant 0 : i32
      %dma_start3A_696 = tpu.memref_slice %arg4[%dma_start3A_695, %multiple_of3A_672] : memref<32x1000000xf32, #tpu.memory_space<hbm>> -> memref<8x128xf32, #tpu.memory_space<hbm>>
      tpu.enqueue_dma source(%dma_start3A_696 : memref<8x128xf32, #tpu.memory_space<hbm>>) target(%dma_start3A_694 : memref<8x128xf32, #tpu.memory_space<vmem>>) target_semaphore(%arg12 : memref<!tpu.dma_semaphore, #tpu.memory_space<semaphore_mem>>)
      %dma_start3A_697 = arith.constant 12 : i32
      %dma_start3A_698 = arith.constant 0 : i32
      %dma_start3A_699 = arith.constant 0 : i32
      %dma_start3A_700 = tpu.memref_slice %arg9[%dma_start3A_697, %dma_start3A_698, %dma_start3A_699] : memref<16x32x128xf32, #tpu.memory_space<vmem>> -> memref<1x32x128xf32, #tpu.memory_space<vmem>>
      %dma_start3A_701 = tpu.memref_squeeze %dma_start3A_700 : memref<1x32x128xf32, #tpu.memory_space<vmem>> -> memref<32x128xf32, #tpu.memory_space<vmem>>
      %dma_start3A_702 = arith.constant 0 : i32
      %dma_start3A_703 = arith.constant 0 : i32
      %dma_start3A_704 = tpu.memref_slice %dma_start3A_701[%dma_start3A_702, %dma_start3A_703] : memref<32x128xf32, #tpu.memory_space<vmem>> -> memref<8x128xf32, #tpu.memory_space<vmem>>
      %dma_start3A_705 = arith.constant 0 : i32
      %dma_start3A_706 = tpu.memref_slice %arg5[%dma_start3A_705, %multiple_of3A_677] : memref<32x1000000xf32, #tpu.memory_space<hbm>> -> memref<8x128xf32, #tpu.memory_space<hbm>>
      %dma_start3A_707 = arith.constant 0 : i32
      %dma_start3A_708 = arith.constant 0 : i32
      %dma_start3A_709 = tpu.memref_slice %arg9[%dma_start3A_697, %dma_start3A_707, %dma_start3A_708] : memref<16x32x128xf32, #tpu.memory_space<vmem>> -> memref<1x32x128xf32, #tpu.memory_space<vmem>>
      %dma_start3A_710 = tpu.memref_squeeze %dma_start3A_709 : memref<1x32x128xf32, #tpu.memory_space<vmem>> -> memref<32x128xf32, #tpu.memory_space<vmem>>
      %dma_start3A_711 = arith.constant 0 : i32
      %dma_start3A_712 = arith.constant 0 : i32
      %dma_start3A_713 = tpu.memref_slice %dma_start3A_710[%dma_start3A_711, %dma_start3A_712] : memref<32x128xf32, #tpu.memory_space<vmem>> -> memref<8x128xf32, #tpu.memory_space<vmem>>
      %dma_start3A_714 = arith.constant 0 : i32
      %dma_start3A_715 = tpu.memref_slice %arg5[%dma_start3A_714, %multiple_of3A_677] : memref<32x1000000xf32, #tpu.memory_space<hbm>> -> memref<8x128xf32, #tpu.memory_space<hbm>>
      tpu.enqueue_dma source(%dma_start3A_715 : memref<8x128xf32, #tpu.memory_space<hbm>>) target(%dma_start3A_713 : memref<8x128xf32, #tpu.memory_space<vmem>>) target_semaphore(%arg12 : memref<!tpu.dma_semaphore, #tpu.memory_space<semaphore_mem>>)
      %dma_start3A_716 = arith.constant 8 : i32
      %dma_start3A_717 = arith.constant 0 : i32
      %dma_start3A_718 = arith.constant 0 : i32
      %dma_start3A_719 = tpu.memref_slice %arg9[%dma_start3A_716, %dma_start3A_717, %dma_start3A_718] : memref<16x32x128xf32, #tpu.memory_space<vmem>> -> memref<1x32x128xf32, #tpu.memory_space<vmem>>
      %dma_start3A_720 = tpu.memref_squeeze %dma_start3A_719 : memref<1x32x128xf32, #tpu.memory_space<vmem>> -> memref<32x128xf32, #tpu.memory_space<vmem>>
      %dma_start3A_721 = arith.constant 8 : i32
      %dma_start3A_722 = arith.constant 0 : i32
      %dma_start3A_723 = tpu.memref_slice %dma_start3A_720[%dma_start3A_721, %dma_start3A_722] : memref<32x128xf32, #tpu.memory_space<vmem>> -> memref<8x128xf32, #tpu.memory_space<vmem>>
      %dma_start3A_724 = arith.constant 8 : i32
      %dma_start3A_725 = tpu.memref_slice %arg4[%dma_start3A_724, %multiple_of3A_672] : memref<32x1000000xf32, #tpu.memory_space<hbm>> -> memref<8x128xf32, #tpu.memory_space<hbm>>
      %dma_start3A_726 = arith.constant 0 : i32
      %dma_start3A_727 = arith.constant 0 : i32
      %dma_start3A_728 = tpu.memref_slice %arg9[%dma_start3A_716, %dma_start3A_726, %dma_start3A_727] : memref<16x32x128xf32, #tpu.memory_space<vmem>> -> memref<1x32x128xf32, #tpu.memory_space<vmem>>
      %dma_start3A_729 = tpu.memref_squeeze %dma_start3A_728 : memref<1x32x128xf32, #tpu.memory_space<vmem>> -> memref<32x128xf32, #tpu.memory_space<vmem>>
      %dma_start3A_730 = arith.constant 8 : i32
      %dma_start3A_731 = arith.constant 0 : i32
      %dma_start3A_732 = tpu.memref_slice %dma_start3A_729[%dma_start3A_730, %dma_start3A_731] : memref<32x128xf32, #tpu.memory_space<vmem>> -> memref<8x128xf32, #tpu.memory_space<vmem>>
      %dma_start3A_733 = arith.constant 8 : i32
      %dma_start3A_734 = tpu.memref_slice %arg4[%dma_start3A_733, %multiple_of3A_672] : memref<32x1000000xf32, #tpu.memory_space<hbm>> -> memref<8x128xf32, #tpu.memory_space<hbm>>
      tpu.enqueue_dma source(%dma_start3A_734 : memref<8x128xf32, #tpu.memory_space<hbm>>) target(%dma_start3A_732 : memref<8x128xf32, #tpu.memory_space<vmem>>) target_semaphore(%arg12 : memref<!tpu.dma_semaphore, #tpu.memory_space<semaphore_mem>>)
      %dma_start3A_735 = arith.constant 12 : i32
      %dma_start3A_736 = arith.constant 0 : i32
      %dma_start3A_737 = arith.constant 0 : i32
      %dma_start3A_738 = tpu.memref_slice %arg9[%dma_start3A_735, %dma_start3A_736, %dma_start3A_737] : memref<16x32x128xf32, #tpu.memory_space<vmem>> -> memref<1x32x128xf32, #tpu.memory_space<vmem>>
      %dma_start3A_739 = tpu.memref_squeeze %dma_start3A_738 : memref<1x32x128xf32, #tpu.memory_space<vmem>> -> memref<32x128xf32, #tpu.memory_space<vmem>>
      %dma_start3A_740 = arith.constant 8 : i32
      %dma_start3A_741 = arith.constant 0 : i32
      %dma_start3A_742 = tpu.memref_slice %dma_start3A_739[%dma_start3A_740, %dma_start3A_741] : memref<32x128xf32, #tpu.memory_space<vmem>> -> memref<8x128xf32, #tpu.memory_space<vmem>>
      %dma_start3A_743 = arith.constant 8 : i32
      %dma_start3A_744 = tpu.memref_slice %arg5[%dma_start3A_743, %multiple_of3A_677] : memref<32x1000000xf32, #tpu.memory_space<hbm>> -> memref<8x128xf32, #tpu.memory_space<hbm>>
      %dma_start3A_745 = arith.constant 0 : i32
      %dma_start3A_746 = arith.constant 0 : i32
      %dma_start3A_747 = tpu.memref_slice %arg9[%dma_start3A_735, %dma_start3A_745, %dma_start3A_746] : memref<16x32x128xf32, #tpu.memory_space<vmem>> -> memref<1x32x128xf32, #tpu.memory_space<vmem>>
      %dma_start3A_748 = tpu.memref_squeeze %dma_start3A_747 : memref<1x32x128xf32, #tpu.memory_space<vmem>> -> memref<32x128xf32, #tpu.memory_space<vmem>>
      %dma_start3A_749 = arith.constant 8 : i32
      %dma_start3A_750 = arith.constant 0 : i32
      %dma_start3A_751 = tpu.memref_slice %dma_start3A_748[%dma_start3A_749, %dma_start3A_750] : memref<32x128xf32, #tpu.memory_space<vmem>> -> memref<8x128xf32, #tpu.memory_space<vmem>>
      %dma_start3A_752 = arith.constant 8 : i32
      %dma_start3A_753 = tpu.memref_slice %arg5[%dma_start3A_752, %multiple_of3A_677] : memref<32x1000000xf32, #tpu.memory_space<hbm>> -> memref<8x128xf32, #tpu.memory_space<hbm>>
      tpu.enqueue_dma source(%dma_start3A_753 : memref<8x128xf32, #tpu.memory_space<hbm>>) target(%dma_start3A_751 : memref<8x128xf32, #tpu.memory_space<vmem>>) target_semaphore(%arg12 : memref<!tpu.dma_semaphore, #tpu.memory_space<semaphore_mem>>)
      %dma_start3A_754 = arith.constant 8 : i32
      %dma_start3A_755 = arith.constant 0 : i32
      %dma_start3A_756 = arith.constant 0 : i32
      %dma_start3A_757 = tpu.memref_slice %arg9[%dma_start3A_754, %dma_start3A_755, %dma_start3A_756] : memref<16x32x128xf32, #tpu.memory_space<vmem>> -> memref<1x32x128xf32, #tpu.memory_space<vmem>>
      %dma_start3A_758 = tpu.memref_squeeze %dma_start3A_757 : memref<1x32x128xf32, #tpu.memory_space<vmem>> -> memref<32x128xf32, #tpu.memory_space<vmem>>
      %dma_start3A_759 = arith.constant 16 : i32
      %dma_start3A_760 = arith.constant 0 : i32
      %dma_start3A_761 = tpu.memref_slice %dma_start3A_758[%dma_start3A_759, %dma_start3A_760] : memref<32x128xf32, #tpu.memory_space<vmem>> -> memref<8x128xf32, #tpu.memory_space<vmem>>
      %dma_start3A_762 = arith.constant 16 : i32
      %dma_start3A_763 = tpu.memref_slice %arg4[%dma_start3A_762, %multiple_of3A_672] : memref<32x1000000xf32, #tpu.memory_space<hbm>> -> memref<8x128xf32, #tpu.memory_space<hbm>>
      %dma_start3A_764 = arith.constant 0 : i32
      %dma_start3A_765 = arith.constant 0 : i32
      %dma_start3A_766 = tpu.memref_slice %arg9[%dma_start3A_754, %dma_start3A_764, %dma_start3A_765] : memref<16x32x128xf32, #tpu.memory_space<vmem>> -> memref<1x32x128xf32, #tpu.memory_space<vmem>>
      %dma_start3A_767 = tpu.memref_squeeze %dma_start3A_766 : memref<1x32x128xf32, #tpu.memory_space<vmem>> -> memref<32x128xf32, #tpu.memory_space<vmem>>
      %dma_start3A_768 = arith.constant 16 : i32
      %dma_start3A_769 = arith.constant 0 : i32
      %dma_start3A_770 = tpu.memref_slice %dma_start3A_767[%dma_start3A_768, %dma_start3A_769] : memref<32x128xf32, #tpu.memory_space<vmem>> -> memref<8x128xf32, #tpu.memory_space<vmem>>
      %dma_start3A_771 = arith.constant 16 : i32
      %dma_start3A_772 = tpu.memref_slice %arg4[%dma_start3A_771, %multiple_of3A_672] : memref<32x1000000xf32, #tpu.memory_space<hbm>> -> memref<8x128xf32, #tpu.memory_space<hbm>>
      tpu.enqueue_dma source(%dma_start3A_772 : memref<8x128xf32, #tpu.memory_space<hbm>>) target(%dma_start3A_770 : memref<8x128xf32, #tpu.memory_space<vmem>>) target_semaphore(%arg12 : memref<!tpu.dma_semaphore, #tpu.memory_space<semaphore_mem>>)
      %dma_start3A_773 = arith.constant 12 : i32
      %dma_start3A_774 = arith.constant 0 : i32
      %dma_start3A_775 = arith.constant 0 : i32
      %dma_start3A_776 = tpu.memref_slice %arg9[%dma_start3A_773, %dma_start3A_774, %dma_start3A_775] : memref<16x32x128xf32, #tpu.memory_space<vmem>> -> memref<1x32x128xf32, #tpu.memory_space<vmem>>
      %dma_start3A_777 = tpu.memref_squeeze %dma_start3A_776 : memref<1x32x128xf32, #tpu.memory_space<vmem>> -> memref<32x128xf32, #tpu.memory_space<vmem>>
      %dma_start3A_778 = arith.constant 16 : i32
      %dma_start3A_779 = arith.constant 0 : i32
      %dma_start3A_780 = tpu.memref_slice %dma_start3A_777[%dma_start3A_778, %dma_start3A_779] : memref<32x128xf32, #tpu.memory_space<vmem>> -> memref<8x128xf32, #tpu.memory_space<vmem>>
      %dma_start3A_781 = arith.constant 16 : i32
      %dma_start3A_782 = tpu.memref_slice %arg5[%dma_start3A_781, %multiple_of3A_677] : memref<32x1000000xf32, #tpu.memory_space<hbm>> -> memref<8x128xf32, #tpu.memory_space<hbm>>
      %dma_start3A_783 = arith.constant 0 : i32
      %dma_start3A_784 = arith.constant 0 : i32
      %dma_start3A_785 = tpu.memref_slice %arg9[%dma_start3A_773, %dma_start3A_783, %dma_start3A_784] : memref<16x32x128xf32, #tpu.memory_space<vmem>> -> memref<1x32x128xf32, #tpu.memory_space<vmem>>
      %dma_start3A_786 = tpu.memref_squeeze %dma_start3A_785 : memref<1x32x128xf32, #tpu.memory_space<vmem>> -> memref<32x128xf32, #tpu.memory_space<vmem>>
      %dma_start3A_787 = arith.constant 16 : i32
      %dma_start3A_788 = arith.constant 0 : i32
      %dma_start3A_789 = tpu.memref_slice %dma_start3A_786[%dma_start3A_787, %dma_start3A_788] : memref<32x128xf32, #tpu.memory_space<vmem>> -> memref<8x128xf32, #tpu.memory_space<vmem>>
      %dma_start3A_790 = arith.constant 16 : i32
      %dma_start3A_791 = tpu.memref_slice %arg5[%dma_start3A_790, %multiple_of3A_677] : memref<32x1000000xf32, #tpu.memory_space<hbm>> -> memref<8x128xf32, #tpu.memory_space<hbm>>
      tpu.enqueue_dma source(%dma_start3A_791 : memref<8x128xf32, #tpu.memory_space<hbm>>) target(%dma_start3A_789 : memref<8x128xf32, #tpu.memory_space<vmem>>) target_semaphore(%arg12 : memref<!tpu.dma_semaphore, #tpu.memory_space<semaphore_mem>>)
      %dma_start3A_792 = arith.constant 8 : i32
      %dma_start3A_793 = arith.constant 0 : i32
      %dma_start3A_794 = arith.constant 0 : i32
      %dma_start3A_795 = tpu.memref_slice %arg9[%dma_start3A_792, %dma_start3A_793, %dma_start3A_794] : memref<16x32x128xf32, #tpu.memory_space<vmem>> -> memref<1x32x128xf32, #tpu.memory_space<vmem>>
      %dma_start3A_796 = tpu.memref_squeeze %dma_start3A_795 : memref<1x32x128xf32, #tpu.memory_space<vmem>> -> memref<32x128xf32, #tpu.memory_space<vmem>>
      %dma_start3A_797 = arith.constant 24 : i32
      %dma_start3A_798 = arith.constant 0 : i32
      %dma_start3A_799 = tpu.memref_slice %dma_start3A_796[%dma_start3A_797, %dma_start3A_798] : memref<32x128xf32, #tpu.memory_space<vmem>> -> memref<8x128xf32, #tpu.memory_space<vmem>>
      %dma_start3A_800 = arith.constant 24 : i32
      %dma_start3A_801 = tpu.memref_slice %arg4[%dma_start3A_800, %multiple_of3A_672] : memref<32x1000000xf32, #tpu.memory_space<hbm>> -> memref<8x128xf32, #tpu.memory_space<hbm>>
      %dma_start3A_802 = arith.constant 0 : i32
      %dma_start3A_803 = arith.constant 0 : i32
      %dma_start3A_804 = tpu.memref_slice %arg9[%dma_start3A_792, %dma_start3A_802, %dma_start3A_803] : memref<16x32x128xf32, #tpu.memory_space<vmem>> -> memref<1x32x128xf32, #tpu.memory_space<vmem>>
      %dma_start3A_805 = tpu.memref_squeeze %dma_start3A_804 : memref<1x32x128xf32, #tpu.memory_space<vmem>> -> memref<32x128xf32, #tpu.memory_space<vmem>>
      %dma_start3A_806 = arith.constant 24 : i32
      %dma_start3A_807 = arith.constant 0 : i32
      %dma_start3A_808 = tpu.memref_slice %dma_start3A_805[%dma_start3A_806, %dma_start3A_807] : memref<32x128xf32, #tpu.memory_space<vmem>> -> memref<8x128xf32, #tpu.memory_space<vmem>>
      %dma_start3A_809 = arith.constant 24 : i32
      %dma_start3A_810 = tpu.memref_slice %arg4[%dma_start3A_809, %multiple_of3A_672] : memref<32x1000000xf32, #tpu.memory_space<hbm>> -> memref<8x128xf32, #tpu.memory_space<hbm>>
      tpu.enqueue_dma source(%dma_start3A_810 : memref<8x128xf32, #tpu.memory_space<hbm>>) target(%dma_start3A_808 : memref<8x128xf32, #tpu.memory_space<vmem>>) target_semaphore(%arg12 : memref<!tpu.dma_semaphore, #tpu.memory_space<semaphore_mem>>)
      %dma_start3A_811 = arith.constant 12 : i32
      %dma_start3A_812 = arith.constant 0 : i32
      %dma_start3A_813 = arith.constant 0 : i32
      %dma_start3A_814 = tpu.memref_slice %arg9[%dma_start3A_811, %dma_start3A_812, %dma_start3A_813] : memref<16x32x128xf32, #tpu.memory_space<vmem>> -> memref<1x32x128xf32, #tpu.memory_space<vmem>>
      %dma_start3A_815 = tpu.memref_squeeze %dma_start3A_814 : memref<1x32x128xf32, #tpu.memory_space<vmem>> -> memref<32x128xf32, #tpu.memory_space<vmem>>
      %dma_start3A_816 = arith.constant 24 : i32
      %dma_start3A_817 = arith.constant 0 : i32
      %dma_start3A_818 = tpu.memref_slice %dma_start3A_815[%dma_start3A_816, %dma_start3A_817] : memref<32x128xf32, #tpu.memory_space<vmem>> -> memref<8x128xf32, #tpu.memory_space<vmem>>
      %dma_start3A_819 = arith.constant 24 : i32
      %dma_start3A_820 = tpu.memref_slice %arg5[%dma_start3A_819, %multiple_of3A_677] : memref<32x1000000xf32, #tpu.memory_space<hbm>> -> memref<8x128xf32, #tpu.memory_space<hbm>>
      %dma_start3A_821 = arith.constant 0 : i32
      %dma_start3A_822 = arith.constant 0 : i32
      %dma_start3A_823 = tpu.memref_slice %arg9[%dma_start3A_811, %dma_start3A_821, %dma_start3A_822] : memref<16x32x128xf32, #tpu.memory_space<vmem>> -> memref<1x32x128xf32, #tpu.memory_space<vmem>>
      %dma_start3A_824 = tpu.memref_squeeze %dma_start3A_823 : memref<1x32x128xf32, #tpu.memory_space<vmem>> -> memref<32x128xf32, #tpu.memory_space<vmem>>
      %dma_start3A_825 = arith.constant 24 : i32
      %dma_start3A_826 = arith.constant 0 : i32
      %dma_start3A_827 = tpu.memref_slice %dma_start3A_824[%dma_start3A_825, %dma_start3A_826] : memref<32x128xf32, #tpu.memory_space<vmem>> -> memref<8x128xf32, #tpu.memory_space<vmem>>
      %dma_start3A_828 = arith.constant 24 : i32
      %dma_start3A_829 = tpu.memref_slice %arg5[%dma_start3A_828, %multiple_of3A_677] : memref<32x1000000xf32, #tpu.memory_space<hbm>> -> memref<8x128xf32, #tpu.memory_space<hbm>>
      tpu.enqueue_dma source(%dma_start3A_829 : memref<8x128xf32, #tpu.memory_space<hbm>>) target(%dma_start3A_827 : memref<8x128xf32, #tpu.memory_space<vmem>>) target_semaphore(%arg12 : memref<!tpu.dma_semaphore, #tpu.memory_space<semaphore_mem>>)
      %slice3A_830 = vector.extract_strided_slice %get3A_18 {offsets = [5], sizes = [1], strides = [1]} : vector<16xi32> to vector<1xi32>
      %squeeze3A_831 = vector.extract %slice3A_830[0] : i32 from vector<1xi32>
      %and3A_832 = arith.constant -128 : i32
      %and3A_833 = arith.andi %squeeze3A_831, %and3A_832 : i32
      %multiple_of3A_834 = tpu.assume_multiple %and3A_833, 128 : i32
      %slice3A_835 = vector.extract_strided_slice %get3A_21 {offsets = [5], sizes = [1], strides = [1]} : vector<16xi32> to vector<1xi32>
      %squeeze3A_836 = vector.extract %slice3A_835[0] : i32 from vector<1xi32>
      %and3A_837 = arith.constant -128 : i32
      %and3A_838 = arith.andi %squeeze3A_836, %and3A_837 : i32
      %multiple_of3A_839 = tpu.assume_multiple %and3A_838, 128 : i32
      %dma_start3A_840 = arith.constant 9 : i32
      %dma_start3A_841 = arith.constant 0 : i32
      %dma_start3A_842 = arith.constant 0 : i32
      %dma_start3A_843 = tpu.memref_slice %arg9[%dma_start3A_840, %dma_start3A_841, %dma_start3A_842] : memref<16x32x128xf32, #tpu.memory_space<vmem>> -> memref<1x32x128xf32, #tpu.memory_space<vmem>>
      %dma_start3A_844 = tpu.memref_squeeze %dma_start3A_843 : memref<1x32x128xf32, #tpu.memory_space<vmem>> -> memref<32x128xf32, #tpu.memory_space<vmem>>
      %dma_start3A_845 = arith.constant 0 : i32
      %dma_start3A_846 = arith.constant 0 : i32
      %dma_start3A_847 = tpu.memref_slice %dma_start3A_844[%dma_start3A_845, %dma_start3A_846] : memref<32x128xf32, #tpu.memory_space<vmem>> -> memref<8x128xf32, #tpu.memory_space<vmem>>
      %dma_start3A_848 = arith.constant 0 : i32
      %dma_start3A_849 = tpu.memref_slice %arg4[%dma_start3A_848, %multiple_of3A_834] : memref<32x1000000xf32, #tpu.memory_space<hbm>> -> memref<8x128xf32, #tpu.memory_space<hbm>>
      %dma_start3A_850 = arith.constant 0 : i32
      %dma_start3A_851 = arith.constant 0 : i32
      %dma_start3A_852 = tpu.memref_slice %arg9[%dma_start3A_840, %dma_start3A_850, %dma_start3A_851] : memref<16x32x128xf32, #tpu.memory_space<vmem>> -> memref<1x32x128xf32, #tpu.memory_space<vmem>>
      %dma_start3A_853 = tpu.memref_squeeze %dma_start3A_852 : memref<1x32x128xf32, #tpu.memory_space<vmem>> -> memref<32x128xf32, #tpu.memory_space<vmem>>
      %dma_start3A_854 = arith.constant 0 : i32
      %dma_start3A_855 = arith.constant 0 : i32
      %dma_start3A_856 = tpu.memref_slice %dma_start3A_853[%dma_start3A_854, %dma_start3A_855] : memref<32x128xf32, #tpu.memory_space<vmem>> -> memref<8x128xf32, #tpu.memory_space<vmem>>
      %dma_start3A_857 = arith.constant 0 : i32
      %dma_start3A_858 = tpu.memref_slice %arg4[%dma_start3A_857, %multiple_of3A_834] : memref<32x1000000xf32, #tpu.memory_space<hbm>> -> memref<8x128xf32, #tpu.memory_space<hbm>>
      tpu.enqueue_dma source(%dma_start3A_858 : memref<8x128xf32, #tpu.memory_space<hbm>>) target(%dma_start3A_856 : memref<8x128xf32, #tpu.memory_space<vmem>>) target_semaphore(%arg12 : memref<!tpu.dma_semaphore, #tpu.memory_space<semaphore_mem>>)
      %dma_start3A_859 = arith.constant 13 : i32
      %dma_start3A_860 = arith.constant 0 : i32
      %dma_start3A_861 = arith.constant 0 : i32
      %dma_start3A_862 = tpu.memref_slice %arg9[%dma_start3A_859, %dma_start3A_860, %dma_start3A_861] : memref<16x32x128xf32, #tpu.memory_space<vmem>> -> memref<1x32x128xf32, #tpu.memory_space<vmem>>
      %dma_start3A_863 = tpu.memref_squeeze %dma_start3A_862 : memref<1x32x128xf32, #tpu.memory_space<vmem>> -> memref<32x128xf32, #tpu.memory_space<vmem>>
      %dma_start3A_864 = arith.constant 0 : i32
      %dma_start3A_865 = arith.constant 0 : i32
      %dma_start3A_866 = tpu.memref_slice %dma_start3A_863[%dma_start3A_864, %dma_start3A_865] : memref<32x128xf32, #tpu.memory_space<vmem>> -> memref<8x128xf32, #tpu.memory_space<vmem>>
      %dma_start3A_867 = arith.constant 0 : i32
      %dma_start3A_868 = tpu.memref_slice %arg5[%dma_start3A_867, %multiple_of3A_839] : memref<32x1000000xf32, #tpu.memory_space<hbm>> -> memref<8x128xf32, #tpu.memory_space<hbm>>
      %dma_start3A_869 = arith.constant 0 : i32
      %dma_start3A_870 = arith.constant 0 : i32
      %dma_start3A_871 = tpu.memref_slice %arg9[%dma_start3A_859, %dma_start3A_869, %dma_start3A_870] : memref<16x32x128xf32, #tpu.memory_space<vmem>> -> memref<1x32x128xf32, #tpu.memory_space<vmem>>
      %dma_start3A_872 = tpu.memref_squeeze %dma_start3A_871 : memref<1x32x128xf32, #tpu.memory_space<vmem>> -> memref<32x128xf32, #tpu.memory_space<vmem>>
      %dma_start3A_873 = arith.constant 0 : i32
      %dma_start3A_874 = arith.constant 0 : i32
      %dma_start3A_875 = tpu.memref_slice %dma_start3A_872[%dma_start3A_873, %dma_start3A_874] : memref<32x128xf32, #tpu.memory_space<vmem>> -> memref<8x128xf32, #tpu.memory_space<vmem>>
      %dma_start3A_876 = arith.constant 0 : i32
      %dma_start3A_877 = tpu.memref_slice %arg5[%dma_start3A_876, %multiple_of3A_839] : memref<32x1000000xf32, #tpu.memory_space<hbm>> -> memref<8x128xf32, #tpu.memory_space<hbm>>
      tpu.enqueue_dma source(%dma_start3A_877 : memref<8x128xf32, #tpu.memory_space<hbm>>) target(%dma_start3A_875 : memref<8x128xf32, #tpu.memory_space<vmem>>) target_semaphore(%arg12 : memref<!tpu.dma_semaphore, #tpu.memory_space<semaphore_mem>>)
      %dma_start3A_878 = arith.constant 9 : i32
      %dma_start3A_879 = arith.constant 0 : i32
      %dma_start3A_880 = arith.constant 0 : i32
      %dma_start3A_881 = tpu.memref_slice %arg9[%dma_start3A_878, %dma_start3A_879, %dma_start3A_880] : memref<16x32x128xf32, #tpu.memory_space<vmem>> -> memref<1x32x128xf32, #tpu.memory_space<vmem>>
      %dma_start3A_882 = tpu.memref_squeeze %dma_start3A_881 : memref<1x32x128xf32, #tpu.memory_space<vmem>> -> memref<32x128xf32, #tpu.memory_space<vmem>>
      %dma_start3A_883 = arith.constant 8 : i32
      %dma_start3A_884 = arith.constant 0 : i32
      %dma_start3A_885 = tpu.memref_slice %dma_start3A_882[%dma_start3A_883, %dma_start3A_884] : memref<32x128xf32, #tpu.memory_space<vmem>> -> memref<8x128xf32, #tpu.memory_space<vmem>>
      %dma_start3A_886 = arith.constant 8 : i32
      %dma_start3A_887 = tpu.memref_slice %arg4[%dma_start3A_886, %multiple_of3A_834] : memref<32x1000000xf32, #tpu.memory_space<hbm>> -> memref<8x128xf32, #tpu.memory_space<hbm>>
      %dma_start3A_888 = arith.constant 0 : i32
      %dma_start3A_889 = arith.constant 0 : i32
      %dma_start3A_890 = tpu.memref_slice %arg9[%dma_start3A_878, %dma_start3A_888, %dma_start3A_889] : memref<16x32x128xf32, #tpu.memory_space<vmem>> -> memref<1x32x128xf32, #tpu.memory_space<vmem>>
      %dma_start3A_891 = tpu.memref_squeeze %dma_start3A_890 : memref<1x32x128xf32, #tpu.memory_space<vmem>> -> memref<32x128xf32, #tpu.memory_space<vmem>>
      %dma_start3A_892 = arith.constant 8 : i32
      %dma_start3A_893 = arith.constant 0 : i32
      %dma_start3A_894 = tpu.memref_slice %dma_start3A_891[%dma_start3A_892, %dma_start3A_893] : memref<32x128xf32, #tpu.memory_space<vmem>> -> memref<8x128xf32, #tpu.memory_space<vmem>>
      %dma_start3A_895 = arith.constant 8 : i32
      %dma_start3A_896 = tpu.memref_slice %arg4[%dma_start3A_895, %multiple_of3A_834] : memref<32x1000000xf32, #tpu.memory_space<hbm>> -> memref<8x128xf32, #tpu.memory_space<hbm>>
      tpu.enqueue_dma source(%dma_start3A_896 : memref<8x128xf32, #tpu.memory_space<hbm>>) target(%dma_start3A_894 : memref<8x128xf32, #tpu.memory_space<vmem>>) target_semaphore(%arg12 : memref<!tpu.dma_semaphore, #tpu.memory_space<semaphore_mem>>)
      %dma_start3A_897 = arith.constant 13 : i32
      %dma_start3A_898 = arith.constant 0 : i32
      %dma_start3A_899 = arith.constant 0 : i32
      %dma_start3A_900 = tpu.memref_slice %arg9[%dma_start3A_897, %dma_start3A_898, %dma_start3A_899] : memref<16x32x128xf32, #tpu.memory_space<vmem>> -> memref<1x32x128xf32, #tpu.memory_space<vmem>>
      %dma_start3A_901 = tpu.memref_squeeze %dma_start3A_900 : memref<1x32x128xf32, #tpu.memory_space<vmem>> -> memref<32x128xf32, #tpu.memory_space<vmem>>
      %dma_start3A_902 = arith.constant 8 : i32
      %dma_start3A_903 = arith.constant 0 : i32
      %dma_start3A_904 = tpu.memref_slice %dma_start3A_901[%dma_start3A_902, %dma_start3A_903] : memref<32x128xf32, #tpu.memory_space<vmem>> -> memref<8x128xf32, #tpu.memory_space<vmem>>
      %dma_start3A_905 = arith.constant 8 : i32
      %dma_start3A_906 = tpu.memref_slice %arg5[%dma_start3A_905, %multiple_of3A_839] : memref<32x1000000xf32, #tpu.memory_space<hbm>> -> memref<8x128xf32, #tpu.memory_space<hbm>>
      %dma_start3A_907 = arith.constant 0 : i32
      %dma_start3A_908 = arith.constant 0 : i32
      %dma_start3A_909 = tpu.memref_slice %arg9[%dma_start3A_897, %dma_start3A_907, %dma_start3A_908] : memref<16x32x128xf32, #tpu.memory_space<vmem>> -> memref<1x32x128xf32, #tpu.memory_space<vmem>>
      %dma_start3A_910 = tpu.memref_squeeze %dma_start3A_909 : memref<1x32x128xf32, #tpu.memory_space<vmem>> -> memref<32x128xf32, #tpu.memory_space<vmem>>
      %dma_start3A_911 = arith.constant 8 : i32
      %dma_start3A_912 = arith.constant 0 : i32
      %dma_start3A_913 = tpu.memref_slice %dma_start3A_910[%dma_start3A_911, %dma_start3A_912] : memref<32x128xf32, #tpu.memory_space<vmem>> -> memref<8x128xf32, #tpu.memory_space<vmem>>
      %dma_start3A_914 = arith.constant 8 : i32
      %dma_start3A_915 = tpu.memref_slice %arg5[%dma_start3A_914, %multiple_of3A_839] : memref<32x1000000xf32, #tpu.memory_space<hbm>> -> memref<8x128xf32, #tpu.memory_space<hbm>>
      tpu.enqueue_dma source(%dma_start3A_915 : memref<8x128xf32, #tpu.memory_space<hbm>>) target(%dma_start3A_913 : memref<8x128xf32, #tpu.memory_space<vmem>>) target_semaphore(%arg12 : memref<!tpu.dma_semaphore, #tpu.memory_space<semaphore_mem>>)
      %dma_start3A_916 = arith.constant 9 : i32
      %dma_start3A_917 = arith.constant 0 : i32
      %dma_start3A_918 = arith.constant 0 : i32
      %dma_start3A_919 = tpu.memref_slice %arg9[%dma_start3A_916, %dma_start3A_917, %dma_start3A_918] : memref<16x32x128xf32, #tpu.memory_space<vmem>> -> memref<1x32x128xf32, #tpu.memory_space<vmem>>
      %dma_start3A_920 = tpu.memref_squeeze %dma_start3A_919 : memref<1x32x128xf32, #tpu.memory_space<vmem>> -> memref<32x128xf32, #tpu.memory_space<vmem>>
      %dma_start3A_921 = arith.constant 16 : i32
      %dma_start3A_922 = arith.constant 0 : i32
      %dma_start3A_923 = tpu.memref_slice %dma_start3A_920[%dma_start3A_921, %dma_start3A_922] : memref<32x128xf32, #tpu.memory_space<vmem>> -> memref<8x128xf32, #tpu.memory_space<vmem>>
      %dma_start3A_924 = arith.constant 16 : i32
      %dma_start3A_925 = tpu.memref_slice %arg4[%dma_start3A_924, %multiple_of3A_834] : memref<32x1000000xf32, #tpu.memory_space<hbm>> -> memref<8x128xf32, #tpu.memory_space<hbm>>
      %dma_start3A_926 = arith.constant 0 : i32
      %dma_start3A_927 = arith.constant 0 : i32
      %dma_start3A_928 = tpu.memref_slice %arg9[%dma_start3A_916, %dma_start3A_926, %dma_start3A_927] : memref<16x32x128xf32, #tpu.memory_space<vmem>> -> memref<1x32x128xf32, #tpu.memory_space<vmem>>
      %dma_start3A_929 = tpu.memref_squeeze %dma_start3A_928 : memref<1x32x128xf32, #tpu.memory_space<vmem>> -> memref<32x128xf32, #tpu.memory_space<vmem>>
      %dma_start3A_930 = arith.constant 16 : i32
      %dma_start3A_931 = arith.constant 0 : i32
      %dma_start3A_932 = tpu.memref_slice %dma_start3A_929[%dma_start3A_930, %dma_start3A_931] : memref<32x128xf32, #tpu.memory_space<vmem>> -> memref<8x128xf32, #tpu.memory_space<vmem>>
      %dma_start3A_933 = arith.constant 16 : i32
      %dma_start3A_934 = tpu.memref_slice %arg4[%dma_start3A_933, %multiple_of3A_834] : memref<32x1000000xf32, #tpu.memory_space<hbm>> -> memref<8x128xf32, #tpu.memory_space<hbm>>
      tpu.enqueue_dma source(%dma_start3A_934 : memref<8x128xf32, #tpu.memory_space<hbm>>) target(%dma_start3A_932 : memref<8x128xf32, #tpu.memory_space<vmem>>) target_semaphore(%arg12 : memref<!tpu.dma_semaphore, #tpu.memory_space<semaphore_mem>>)
      %dma_start3A_935 = arith.constant 13 : i32
      %dma_start3A_936 = arith.constant 0 : i32
      %dma_start3A_937 = arith.constant 0 : i32
      %dma_start3A_938 = tpu.memref_slice %arg9[%dma_start3A_935, %dma_start3A_936, %dma_start3A_937] : memref<16x32x128xf32, #tpu.memory_space<vmem>> -> memref<1x32x128xf32, #tpu.memory_space<vmem>>
      %dma_start3A_939 = tpu.memref_squeeze %dma_start3A_938 : memref<1x32x128xf32, #tpu.memory_space<vmem>> -> memref<32x128xf32, #tpu.memory_space<vmem>>
      %dma_start3A_940 = arith.constant 16 : i32
      %dma_start3A_941 = arith.constant 0 : i32
      %dma_start3A_942 = tpu.memref_slice %dma_start3A_939[%dma_start3A_940, %dma_start3A_941] : memref<32x128xf32, #tpu.memory_space<vmem>> -> memref<8x128xf32, #tpu.memory_space<vmem>>
      %dma_start3A_943 = arith.constant 16 : i32
      %dma_start3A_944 = tpu.memref_slice %arg5[%dma_start3A_943, %multiple_of3A_839] : memref<32x1000000xf32, #tpu.memory_space<hbm>> -> memref<8x128xf32, #tpu.memory_space<hbm>>
      %dma_start3A_945 = arith.constant 0 : i32
      %dma_start3A_946 = arith.constant 0 : i32
      %dma_start3A_947 = tpu.memref_slice %arg9[%dma_start3A_935, %dma_start3A_945, %dma_start3A_946] : memref<16x32x128xf32, #tpu.memory_space<vmem>> -> memref<1x32x128xf32, #tpu.memory_space<vmem>>
      %dma_start3A_948 = tpu.memref_squeeze %dma_start3A_947 : memref<1x32x128xf32, #tpu.memory_space<vmem>> -> memref<32x128xf32, #tpu.memory_space<vmem>>
      %dma_start3A_949 = arith.constant 16 : i32
      %dma_start3A_950 = arith.constant 0 : i32
      %dma_start3A_951 = tpu.memref_slice %dma_start3A_948[%dma_start3A_949, %dma_start3A_950] : memref<32x128xf32, #tpu.memory_space<vmem>> -> memref<8x128xf32, #tpu.memory_space<vmem>>
      %dma_start3A_952 = arith.constant 16 : i32
      %dma_start3A_953 = tpu.memref_slice %arg5[%dma_start3A_952, %multiple_of3A_839] : memref<32x1000000xf32, #tpu.memory_space<hbm>> -> memref<8x128xf32, #tpu.memory_space<hbm>>
      tpu.enqueue_dma source(%dma_start3A_953 : memref<8x128xf32, #tpu.memory_space<hbm>>) target(%dma_start3A_951 : memref<8x128xf32, #tpu.memory_space<vmem>>) target_semaphore(%arg12 : memref<!tpu.dma_semaphore, #tpu.memory_space<semaphore_mem>>)
      %dma_start3A_954 = arith.constant 9 : i32
      %dma_start3A_955 = arith.constant 0 : i32
      %dma_start3A_956 = arith.constant 0 : i32
      %dma_start3A_957 = tpu.memref_slice %arg9[%dma_start3A_954, %dma_start3A_955, %dma_start3A_956] : memref<16x32x128xf32, #tpu.memory_space<vmem>> -> memref<1x32x128xf32, #tpu.memory_space<vmem>>
      %dma_start3A_958 = tpu.memref_squeeze %dma_start3A_957 : memref<1x32x128xf32, #tpu.memory_space<vmem>> -> memref<32x128xf32, #tpu.memory_space<vmem>>
      %dma_start3A_959 = arith.constant 24 : i32
      %dma_start3A_960 = arith.constant 0 : i32
      %dma_start3A_961 = tpu.memref_slice %dma_start3A_958[%dma_start3A_959, %dma_start3A_960] : memref<32x128xf32, #tpu.memory_space<vmem>> -> memref<8x128xf32, #tpu.memory_space<vmem>>
      %dma_start3A_962 = arith.constant 24 : i32
      %dma_start3A_963 = tpu.memref_slice %arg4[%dma_start3A_962, %multiple_of3A_834] : memref<32x1000000xf32, #tpu.memory_space<hbm>> -> memref<8x128xf32, #tpu.memory_space<hbm>>
      %dma_start3A_964 = arith.constant 0 : i32
      %dma_start3A_965 = arith.constant 0 : i32
      %dma_start3A_966 = tpu.memref_slice %arg9[%dma_start3A_954, %dma_start3A_964, %dma_start3A_965] : memref<16x32x128xf32, #tpu.memory_space<vmem>> -> memref<1x32x128xf32, #tpu.memory_space<vmem>>
      %dma_start3A_967 = tpu.memref_squeeze %dma_start3A_966 : memref<1x32x128xf32, #tpu.memory_space<vmem>> -> memref<32x128xf32, #tpu.memory_space<vmem>>
      %dma_start3A_968 = arith.constant 24 : i32
      %dma_start3A_969 = arith.constant 0 : i32
      %dma_start3A_970 = tpu.memref_slice %dma_start3A_967[%dma_start3A_968, %dma_start3A_969] : memref<32x128xf32, #tpu.memory_space<vmem>> -> memref<8x128xf32, #tpu.memory_space<vmem>>
      %dma_start3A_971 = arith.constant 24 : i32
      %dma_start3A_972 = tpu.memref_slice %arg4[%dma_start3A_971, %multiple_of3A_834] : memref<32x1000000xf32, #tpu.memory_space<hbm>> -> memref<8x128xf32, #tpu.memory_space<hbm>>
      tpu.enqueue_dma source(%dma_start3A_972 : memref<8x128xf32, #tpu.memory_space<hbm>>) target(%dma_start3A_970 : memref<8x128xf32, #tpu.memory_space<vmem>>) target_semaphore(%arg12 : memref<!tpu.dma_semaphore, #tpu.memory_space<semaphore_mem>>)
      %dma_start3A_973 = arith.constant 13 : i32
      %dma_start3A_974 = arith.constant 0 : i32
      %dma_start3A_975 = arith.constant 0 : i32
      %dma_start3A_976 = tpu.memref_slice %arg9[%dma_start3A_973, %dma_start3A_974, %dma_start3A_975] : memref<16x32x128xf32, #tpu.memory_space<vmem>> -> memref<1x32x128xf32, #tpu.memory_space<vmem>>
      %dma_start3A_977 = tpu.memref_squeeze %dma_start3A_976 : memref<1x32x128xf32, #tpu.memory_space<vmem>> -> memref<32x128xf32, #tpu.memory_space<vmem>>
      %dma_start3A_978 = arith.constant 24 : i32
      %dma_start3A_979 = arith.constant 0 : i32
      %dma_start3A_980 = tpu.memref_slice %dma_start3A_977[%dma_start3A_978, %dma_start3A_979] : memref<32x128xf32, #tpu.memory_space<vmem>> -> memref<8x128xf32, #tpu.memory_space<vmem>>
      %dma_start3A_981 = arith.constant 24 : i32
      %dma_start3A_982 = tpu.memref_slice %arg5[%dma_start3A_981, %multiple_of3A_839] : memref<32x1000000xf32, #tpu.memory_space<hbm>> -> memref<8x128xf32, #tpu.memory_space<hbm>>
      %dma_start3A_983 = arith.constant 0 : i32
      %dma_start3A_984 = arith.constant 0 : i32
      %dma_start3A_985 = tpu.memref_slice %arg9[%dma_start3A_973, %dma_start3A_983, %dma_start3A_984] : memref<16x32x128xf32, #tpu.memory_space<vmem>> -> memref<1x32x128xf32, #tpu.memory_space<vmem>>
      %dma_start3A_986 = tpu.memref_squeeze %dma_start3A_985 : memref<1x32x128xf32, #tpu.memory_space<vmem>> -> memref<32x128xf32, #tpu.memory_space<vmem>>
      %dma_start3A_987 = arith.constant 24 : i32
      %dma_start3A_988 = arith.constant 0 : i32
      %dma_start3A_989 = tpu.memref_slice %dma_start3A_986[%dma_start3A_987, %dma_start3A_988] : memref<32x128xf32, #tpu.memory_space<vmem>> -> memref<8x128xf32, #tpu.memory_space<vmem>>
      %dma_start3A_990 = arith.constant 24 : i32
      %dma_start3A_991 = tpu.memref_slice %arg5[%dma_start3A_990, %multiple_of3A_839] : memref<32x1000000xf32, #tpu.memory_space<hbm>> -> memref<8x128xf32, #tpu.memory_space<hbm>>
      tpu.enqueue_dma source(%dma_start3A_991 : memref<8x128xf32, #tpu.memory_space<hbm>>) target(%dma_start3A_989 : memref<8x128xf32, #tpu.memory_space<vmem>>) target_semaphore(%arg12 : memref<!tpu.dma_semaphore, #tpu.memory_space<semaphore_mem>>)
      %slice3A_992 = vector.extract_strided_slice %get3A_18 {offsets = [6], sizes = [1], strides = [1]} : vector<16xi32> to vector<1xi32>
      %squeeze3A_993 = vector.extract %slice3A_992[0] : i32 from vector<1xi32>
      %and3A_994 = arith.constant -128 : i32
      %and3A_995 = arith.andi %squeeze3A_993, %and3A_994 : i32
      %multiple_of3A_996 = tpu.assume_multiple %and3A_995, 128 : i32
      %slice3A_997 = vector.extract_strided_slice %get3A_21 {offsets = [6], sizes = [1], strides = [1]} : vector<16xi32> to vector<1xi32>
      %squeeze3A_998 = vector.extract %slice3A_997[0] : i32 from vector<1xi32>
      %and3A_999 = arith.constant -128 : i32
      %and3A_1000 = arith.andi %squeeze3A_998, %and3A_999 : i32
      %multiple_of3A_1001 = tpu.assume_multiple %and3A_1000, 128 : i32
      %dma_start3A_1002 = arith.constant 10 : i32
      %dma_start3A_1003 = arith.constant 0 : i32
      %dma_start3A_1004 = arith.constant 0 : i32
      %dma_start3A_1005 = tpu.memref_slice %arg9[%dma_start3A_1002, %dma_start3A_1003, %dma_start3A_1004] : memref<16x32x128xf32, #tpu.memory_space<vmem>> -> memref<1x32x128xf32, #tpu.memory_space<vmem>>
      %dma_start3A_1006 = tpu.memref_squeeze %dma_start3A_1005 : memref<1x32x128xf32, #tpu.memory_space<vmem>> -> memref<32x128xf32, #tpu.memory_space<vmem>>
      %dma_start3A_1007 = arith.constant 0 : i32
      %dma_start3A_1008 = arith.constant 0 : i32
      %dma_start3A_1009 = tpu.memref_slice %dma_start3A_1006[%dma_start3A_1007, %dma_start3A_1008] : memref<32x128xf32, #tpu.memory_space<vmem>> -> memref<8x128xf32, #tpu.memory_space<vmem>>
      %dma_start3A_1010 = arith.constant 0 : i32
      %dma_start3A_1011 = tpu.memref_slice %arg4[%dma_start3A_1010, %multiple_of3A_996] : memref<32x1000000xf32, #tpu.memory_space<hbm>> -> memref<8x128xf32, #tpu.memory_space<hbm>>
      %dma_start3A_1012 = arith.constant 0 : i32
      %dma_start3A_1013 = arith.constant 0 : i32
      %dma_start3A_1014 = tpu.memref_slice %arg9[%dma_start3A_1002, %dma_start3A_1012, %dma_start3A_1013] : memref<16x32x128xf32, #tpu.memory_space<vmem>> -> memref<1x32x128xf32, #tpu.memory_space<vmem>>
      %dma_start3A_1015 = tpu.memref_squeeze %dma_start3A_1014 : memref<1x32x128xf32, #tpu.memory_space<vmem>> -> memref<32x128xf32, #tpu.memory_space<vmem>>
      %dma_start3A_1016 = arith.constant 0 : i32
      %dma_start3A_1017 = arith.constant 0 : i32
      %dma_start3A_1018 = tpu.memref_slice %dma_start3A_1015[%dma_start3A_1016, %dma_start3A_1017] : memref<32x128xf32, #tpu.memory_space<vmem>> -> memref<8x128xf32, #tpu.memory_space<vmem>>
      %dma_start3A_1019 = arith.constant 0 : i32
      %dma_start3A_1020 = tpu.memref_slice %arg4[%dma_start3A_1019, %multiple_of3A_996] : memref<32x1000000xf32, #tpu.memory_space<hbm>> -> memref<8x128xf32, #tpu.memory_space<hbm>>
      tpu.enqueue_dma source(%dma_start3A_1020 : memref<8x128xf32, #tpu.memory_space<hbm>>) target(%dma_start3A_1018 : memref<8x128xf32, #tpu.memory_space<vmem>>) target_semaphore(%arg12 : memref<!tpu.dma_semaphore, #tpu.memory_space<semaphore_mem>>)
      %dma_start3A_1021 = arith.constant 14 : i32
      %dma_start3A_1022 = arith.constant 0 : i32
      %dma_start3A_1023 = arith.constant 0 : i32
      %dma_start3A_1024 = tpu.memref_slice %arg9[%dma_start3A_1021, %dma_start3A_1022, %dma_start3A_1023] : memref<16x32x128xf32, #tpu.memory_space<vmem>> -> memref<1x32x128xf32, #tpu.memory_space<vmem>>
      %dma_start3A_1025 = tpu.memref_squeeze %dma_start3A_1024 : memref<1x32x128xf32, #tpu.memory_space<vmem>> -> memref<32x128xf32, #tpu.memory_space<vmem>>
      %dma_start3A_1026 = arith.constant 0 : i32
      %dma_start3A_1027 = arith.constant 0 : i32
      %dma_start3A_1028 = tpu.memref_slice %dma_start3A_1025[%dma_start3A_1026, %dma_start3A_1027] : memref<32x128xf32, #tpu.memory_space<vmem>> -> memref<8x128xf32, #tpu.memory_space<vmem>>
      %dma_start3A_1029 = arith.constant 0 : i32
      %dma_start3A_1030 = tpu.memref_slice %arg5[%dma_start3A_1029, %multiple_of3A_1001] : memref<32x1000000xf32, #tpu.memory_space<hbm>> -> memref<8x128xf32, #tpu.memory_space<hbm>>
      %dma_start3A_1031 = arith.constant 0 : i32
      %dma_start3A_1032 = arith.constant 0 : i32
      %dma_start3A_1033 = tpu.memref_slice %arg9[%dma_start3A_1021, %dma_start3A_1031, %dma_start3A_1032] : memref<16x32x128xf32, #tpu.memory_space<vmem>> -> memref<1x32x128xf32, #tpu.memory_space<vmem>>
      %dma_start3A_1034 = tpu.memref_squeeze %dma_start3A_1033 : memref<1x32x128xf32, #tpu.memory_space<vmem>> -> memref<32x128xf32, #tpu.memory_space<vmem>>
      %dma_start3A_1035 = arith.constant 0 : i32
      %dma_start3A_1036 = arith.constant 0 : i32
      %dma_start3A_1037 = tpu.memref_slice %dma_start3A_1034[%dma_start3A_1035, %dma_start3A_1036] : memref<32x128xf32, #tpu.memory_space<vmem>> -> memref<8x128xf32, #tpu.memory_space<vmem>>
      %dma_start3A_1038 = arith.constant 0 : i32
      %dma_start3A_1039 = tpu.memref_slice %arg5[%dma_start3A_1038, %multiple_of3A_1001] : memref<32x1000000xf32, #tpu.memory_space<hbm>> -> memref<8x128xf32, #tpu.memory_space<hbm>>
      tpu.enqueue_dma source(%dma_start3A_1039 : memref<8x128xf32, #tpu.memory_space<hbm>>) target(%dma_start3A_1037 : memref<8x128xf32, #tpu.memory_space<vmem>>) target_semaphore(%arg12 : memref<!tpu.dma_semaphore, #tpu.memory_space<semaphore_mem>>)
      %dma_start3A_1040 = arith.constant 10 : i32
      %dma_start3A_1041 = arith.constant 0 : i32
      %dma_start3A_1042 = arith.constant 0 : i32
      %dma_start3A_1043 = tpu.memref_slice %arg9[%dma_start3A_1040, %dma_start3A_1041, %dma_start3A_1042] : memref<16x32x128xf32, #tpu.memory_space<vmem>> -> memref<1x32x128xf32, #tpu.memory_space<vmem>>
      %dma_start3A_1044 = tpu.memref_squeeze %dma_start3A_1043 : memref<1x32x128xf32, #tpu.memory_space<vmem>> -> memref<32x128xf32, #tpu.memory_space<vmem>>
      %dma_start3A_1045 = arith.constant 8 : i32
      %dma_start3A_1046 = arith.constant 0 : i32
      %dma_start3A_1047 = tpu.memref_slice %dma_start3A_1044[%dma_start3A_1045, %dma_start3A_1046] : memref<32x128xf32, #tpu.memory_space<vmem>> -> memref<8x128xf32, #tpu.memory_space<vmem>>
      %dma_start3A_1048 = arith.constant 8 : i32
      %dma_start3A_1049 = tpu.memref_slice %arg4[%dma_start3A_1048, %multiple_of3A_996] : memref<32x1000000xf32, #tpu.memory_space<hbm>> -> memref<8x128xf32, #tpu.memory_space<hbm>>
      %dma_start3A_1050 = arith.constant 0 : i32
      %dma_start3A_1051 = arith.constant 0 : i32
      %dma_start3A_1052 = tpu.memref_slice %arg9[%dma_start3A_1040, %dma_start3A_1050, %dma_start3A_1051] : memref<16x32x128xf32, #tpu.memory_space<vmem>> -> memref<1x32x128xf32, #tpu.memory_space<vmem>>
      %dma_start3A_1053 = tpu.memref_squeeze %dma_start3A_1052 : memref<1x32x128xf32, #tpu.memory_space<vmem>> -> memref<32x128xf32, #tpu.memory_space<vmem>>
      %dma_start3A_1054 = arith.constant 8 : i32
      %dma_start3A_1055 = arith.constant 0 : i32
      %dma_start3A_1056 = tpu.memref_slice %dma_start3A_1053[%dma_start3A_1054, %dma_start3A_1055] : memref<32x128xf32, #tpu.memory_space<vmem>> -> memref<8x128xf32, #tpu.memory_space<vmem>>
      %dma_start3A_1057 = arith.constant 8 : i32
      %dma_start3A_1058 = tpu.memref_slice %arg4[%dma_start3A_1057, %multiple_of3A_996] : memref<32x1000000xf32, #tpu.memory_space<hbm>> -> memref<8x128xf32, #tpu.memory_space<hbm>>
      tpu.enqueue_dma source(%dma_start3A_1058 : memref<8x128xf32, #tpu.memory_space<hbm>>) target(%dma_start3A_1056 : memref<8x128xf32, #tpu.memory_space<vmem>>) target_semaphore(%arg12 : memref<!tpu.dma_semaphore, #tpu.memory_space<semaphore_mem>>)
      %dma_start3A_1059 = arith.constant 14 : i32
      %dma_start3A_1060 = arith.constant 0 : i32
      %dma_start3A_1061 = arith.constant 0 : i32
      %dma_start3A_1062 = tpu.memref_slice %arg9[%dma_start3A_1059, %dma_start3A_1060, %dma_start3A_1061] : memref<16x32x128xf32, #tpu.memory_space<vmem>> -> memref<1x32x128xf32, #tpu.memory_space<vmem>>
      %dma_start3A_1063 = tpu.memref_squeeze %dma_start3A_1062 : memref<1x32x128xf32, #tpu.memory_space<vmem>> -> memref<32x128xf32, #tpu.memory_space<vmem>>
      %dma_start3A_1064 = arith.constant 8 : i32
      %dma_start3A_1065 = arith.constant 0 : i32
      %dma_start3A_1066 = tpu.memref_slice %dma_start3A_1063[%dma_start3A_1064, %dma_start3A_1065] : memref<32x128xf32, #tpu.memory_space<vmem>> -> memref<8x128xf32, #tpu.memory_space<vmem>>
      %dma_start3A_1067 = arith.constant 8 : i32
      %dma_start3A_1068 = tpu.memref_slice %arg5[%dma_start3A_1067, %multiple_of3A_1001] : memref<32x1000000xf32, #tpu.memory_space<hbm>> -> memref<8x128xf32, #tpu.memory_space<hbm>>
      %dma_start3A_1069 = arith.constant 0 : i32
      %dma_start3A_1070 = arith.constant 0 : i32
      %dma_start3A_1071 = tpu.memref_slice %arg9[%dma_start3A_1059, %dma_start3A_1069, %dma_start3A_1070] : memref<16x32x128xf32, #tpu.memory_space<vmem>> -> memref<1x32x128xf32, #tpu.memory_space<vmem>>
      %dma_start3A_1072 = tpu.memref_squeeze %dma_start3A_1071 : memref<1x32x128xf32, #tpu.memory_space<vmem>> -> memref<32x128xf32, #tpu.memory_space<vmem>>
      %dma_start3A_1073 = arith.constant 8 : i32
      %dma_start3A_1074 = arith.constant 0 : i32
      %dma_start3A_1075 = tpu.memref_slice %dma_start3A_1072[%dma_start3A_1073, %dma_start3A_1074] : memref<32x128xf32, #tpu.memory_space<vmem>> -> memref<8x128xf32, #tpu.memory_space<vmem>>
      %dma_start3A_1076 = arith.constant 8 : i32
      %dma_start3A_1077 = tpu.memref_slice %arg5[%dma_start3A_1076, %multiple_of3A_1001] : memref<32x1000000xf32, #tpu.memory_space<hbm>> -> memref<8x128xf32, #tpu.memory_space<hbm>>
      tpu.enqueue_dma source(%dma_start3A_1077 : memref<8x128xf32, #tpu.memory_space<hbm>>) target(%dma_start3A_1075 : memref<8x128xf32, #tpu.memory_space<vmem>>) target_semaphore(%arg12 : memref<!tpu.dma_semaphore, #tpu.memory_space<semaphore_mem>>)
      %dma_start3A_1078 = arith.constant 10 : i32
      %dma_start3A_1079 = arith.constant 0 : i32
      %dma_start3A_1080 = arith.constant 0 : i32
      %dma_start3A_1081 = tpu.memref_slice %arg9[%dma_start3A_1078, %dma_start3A_1079, %dma_start3A_1080] : memref<16x32x128xf32, #tpu.memory_space<vmem>> -> memref<1x32x128xf32, #tpu.memory_space<vmem>>
      %dma_start3A_1082 = tpu.memref_squeeze %dma_start3A_1081 : memref<1x32x128xf32, #tpu.memory_space<vmem>> -> memref<32x128xf32, #tpu.memory_space<vmem>>
      %dma_start3A_1083 = arith.constant 16 : i32
      %dma_start3A_1084 = arith.constant 0 : i32
      %dma_start3A_1085 = tpu.memref_slice %dma_start3A_1082[%dma_start3A_1083, %dma_start3A_1084] : memref<32x128xf32, #tpu.memory_space<vmem>> -> memref<8x128xf32, #tpu.memory_space<vmem>>
      %dma_start3A_1086 = arith.constant 16 : i32
      %dma_start3A_1087 = tpu.memref_slice %arg4[%dma_start3A_1086, %multiple_of3A_996] : memref<32x1000000xf32, #tpu.memory_space<hbm>> -> memref<8x128xf32, #tpu.memory_space<hbm>>
      %dma_start3A_1088 = arith.constant 0 : i32
      %dma_start3A_1089 = arith.constant 0 : i32
      %dma_start3A_1090 = tpu.memref_slice %arg9[%dma_start3A_1078, %dma_start3A_1088, %dma_start3A_1089] : memref<16x32x128xf32, #tpu.memory_space<vmem>> -> memref<1x32x128xf32, #tpu.memory_space<vmem>>
      %dma_start3A_1091 = tpu.memref_squeeze %dma_start3A_1090 : memref<1x32x128xf32, #tpu.memory_space<vmem>> -> memref<32x128xf32, #tpu.memory_space<vmem>>
      %dma_start3A_1092 = arith.constant 16 : i32
      %dma_start3A_1093 = arith.constant 0 : i32
      %dma_start3A_1094 = tpu.memref_slice %dma_start3A_1091[%dma_start3A_1092, %dma_start3A_1093] : memref<32x128xf32, #tpu.memory_space<vmem>> -> memref<8x128xf32, #tpu.memory_space<vmem>>
      %dma_start3A_1095 = arith.constant 16 : i32
      %dma_start3A_1096 = tpu.memref_slice %arg4[%dma_start3A_1095, %multiple_of3A_996] : memref<32x1000000xf32, #tpu.memory_space<hbm>> -> memref<8x128xf32, #tpu.memory_space<hbm>>
      tpu.enqueue_dma source(%dma_start3A_1096 : memref<8x128xf32, #tpu.memory_space<hbm>>) target(%dma_start3A_1094 : memref<8x128xf32, #tpu.memory_space<vmem>>) target_semaphore(%arg12 : memref<!tpu.dma_semaphore, #tpu.memory_space<semaphore_mem>>)
      %dma_start3A_1097 = arith.constant 14 : i32
      %dma_start3A_1098 = arith.constant 0 : i32
      %dma_start3A_1099 = arith.constant 0 : i32
      %dma_start3A_1100 = tpu.memref_slice %arg9[%dma_start3A_1097, %dma_start3A_1098, %dma_start3A_1099] : memref<16x32x128xf32, #tpu.memory_space<vmem>> -> memref<1x32x128xf32, #tpu.memory_space<vmem>>
      %dma_start3A_1101 = tpu.memref_squeeze %dma_start3A_1100 : memref<1x32x128xf32, #tpu.memory_space<vmem>> -> memref<32x128xf32, #tpu.memory_space<vmem>>
      %dma_start3A_1102 = arith.constant 16 : i32
      %dma_start3A_1103 = arith.constant 0 : i32
      %dma_start3A_1104 = tpu.memref_slice %dma_start3A_1101[%dma_start3A_1102, %dma_start3A_1103] : memref<32x128xf32, #tpu.memory_space<vmem>> -> memref<8x128xf32, #tpu.memory_space<vmem>>
      %dma_start3A_1105 = arith.constant 16 : i32
      %dma_start3A_1106 = tpu.memref_slice %arg5[%dma_start3A_1105, %multiple_of3A_1001] : memref<32x1000000xf32, #tpu.memory_space<hbm>> -> memref<8x128xf32, #tpu.memory_space<hbm>>
      %dma_start3A_1107 = arith.constant 0 : i32
      %dma_start3A_1108 = arith.constant 0 : i32
      %dma_start3A_1109 = tpu.memref_slice %arg9[%dma_start3A_1097, %dma_start3A_1107, %dma_start3A_1108] : memref<16x32x128xf32, #tpu.memory_space<vmem>> -> memref<1x32x128xf32, #tpu.memory_space<vmem>>
      %dma_start3A_1110 = tpu.memref_squeeze %dma_start3A_1109 : memref<1x32x128xf32, #tpu.memory_space<vmem>> -> memref<32x128xf32, #tpu.memory_space<vmem>>
      %dma_start3A_1111 = arith.constant 16 : i32
      %dma_start3A_1112 = arith.constant 0 : i32
      %dma_start3A_1113 = tpu.memref_slice %dma_start3A_1110[%dma_start3A_1111, %dma_start3A_1112] : memref<32x128xf32, #tpu.memory_space<vmem>> -> memref<8x128xf32, #tpu.memory_space<vmem>>
      %dma_start3A_1114 = arith.constant 16 : i32
      %dma_start3A_1115 = tpu.memref_slice %arg5[%dma_start3A_1114, %multiple_of3A_1001] : memref<32x1000000xf32, #tpu.memory_space<hbm>> -> memref<8x128xf32, #tpu.memory_space<hbm>>
      tpu.enqueue_dma source(%dma_start3A_1115 : memref<8x128xf32, #tpu.memory_space<hbm>>) target(%dma_start3A_1113 : memref<8x128xf32, #tpu.memory_space<vmem>>) target_semaphore(%arg12 : memref<!tpu.dma_semaphore, #tpu.memory_space<semaphore_mem>>)
      %dma_start3A_1116 = arith.constant 10 : i32
      %dma_start3A_1117 = arith.constant 0 : i32
      %dma_start3A_1118 = arith.constant 0 : i32
      %dma_start3A_1119 = tpu.memref_slice %arg9[%dma_start3A_1116, %dma_start3A_1117, %dma_start3A_1118] : memref<16x32x128xf32, #tpu.memory_space<vmem>> -> memref<1x32x128xf32, #tpu.memory_space<vmem>>
      %dma_start3A_1120 = tpu.memref_squeeze %dma_start3A_1119 : memref<1x32x128xf32, #tpu.memory_space<vmem>> -> memref<32x128xf32, #tpu.memory_space<vmem>>
      %dma_start3A_1121 = arith.constant 24 : i32
      %dma_start3A_1122 = arith.constant 0 : i32
      %dma_start3A_1123 = tpu.memref_slice %dma_start3A_1120[%dma_start3A_1121, %dma_start3A_1122] : memref<32x128xf32, #tpu.memory_space<vmem>> -> memref<8x128xf32, #tpu.memory_space<vmem>>
      %dma_start3A_1124 = arith.constant 24 : i32
      %dma_start3A_1125 = tpu.memref_slice %arg4[%dma_start3A_1124, %multiple_of3A_996] : memref<32x1000000xf32, #tpu.memory_space<hbm>> -> memref<8x128xf32, #tpu.memory_space<hbm>>
      %dma_start3A_1126 = arith.constant 0 : i32
      %dma_start3A_1127 = arith.constant 0 : i32
      %dma_start3A_1128 = tpu.memref_slice %arg9[%dma_start3A_1116, %dma_start3A_1126, %dma_start3A_1127] : memref<16x32x128xf32, #tpu.memory_space<vmem>> -> memref<1x32x128xf32, #tpu.memory_space<vmem>>
      %dma_start3A_1129 = tpu.memref_squeeze %dma_start3A_1128 : memref<1x32x128xf32, #tpu.memory_space<vmem>> -> memref<32x128xf32, #tpu.memory_space<vmem>>
      %dma_start3A_1130 = arith.constant 24 : i32
      %dma_start3A_1131 = arith.constant 0 : i32
      %dma_start3A_1132 = tpu.memref_slice %dma_start3A_1129[%dma_start3A_1130, %dma_start3A_1131] : memref<32x128xf32, #tpu.memory_space<vmem>> -> memref<8x128xf32, #tpu.memory_space<vmem>>
      %dma_start3A_1133 = arith.constant 24 : i32
      %dma_start3A_1134 = tpu.memref_slice %arg4[%dma_start3A_1133, %multiple_of3A_996] : memref<32x1000000xf32, #tpu.memory_space<hbm>> -> memref<8x128xf32, #tpu.memory_space<hbm>>
      tpu.enqueue_dma source(%dma_start3A_1134 : memref<8x128xf32, #tpu.memory_space<hbm>>) target(%dma_start3A_1132 : memref<8x128xf32, #tpu.memory_space<vmem>>) target_semaphore(%arg12 : memref<!tpu.dma_semaphore, #tpu.memory_space<semaphore_mem>>)
      %dma_start3A_1135 = arith.constant 14 : i32
      %dma_start3A_1136 = arith.constant 0 : i32
      %dma_start3A_1137 = arith.constant 0 : i32
      %dma_start3A_1138 = tpu.memref_slice %arg9[%dma_start3A_1135, %dma_start3A_1136, %dma_start3A_1137] : memref<16x32x128xf32, #tpu.memory_space<vmem>> -> memref<1x32x128xf32, #tpu.memory_space<vmem>>
      %dma_start3A_1139 = tpu.memref_squeeze %dma_start3A_1138 : memref<1x32x128xf32, #tpu.memory_space<vmem>> -> memref<32x128xf32, #tpu.memory_space<vmem>>
      %dma_start3A_1140 = arith.constant 24 : i32
      %dma_start3A_1141 = arith.constant 0 : i32
      %dma_start3A_1142 = tpu.memref_slice %dma_start3A_1139[%dma_start3A_1140, %dma_start3A_1141] : memref<32x128xf32, #tpu.memory_space<vmem>> -> memref<8x128xf32, #tpu.memory_space<vmem>>
      %dma_start3A_1143 = arith.constant 24 : i32
      %dma_start3A_1144 = tpu.memref_slice %arg5[%dma_start3A_1143, %multiple_of3A_1001] : memref<32x1000000xf32, #tpu.memory_space<hbm>> -> memref<8x128xf32, #tpu.memory_space<hbm>>
      %dma_start3A_1145 = arith.constant 0 : i32
      %dma_start3A_1146 = arith.constant 0 : i32
      %dma_start3A_1147 = tpu.memref_slice %arg9[%dma_start3A_1135, %dma_start3A_1145, %dma_start3A_1146] : memref<16x32x128xf32, #tpu.memory_space<vmem>> -> memref<1x32x128xf32, #tpu.memory_space<vmem>>
      %dma_start3A_1148 = tpu.memref_squeeze %dma_start3A_1147 : memref<1x32x128xf32, #tpu.memory_space<vmem>> -> memref<32x128xf32, #tpu.memory_space<vmem>>
      %dma_start3A_1149 = arith.constant 24 : i32
      %dma_start3A_1150 = arith.constant 0 : i32
      %dma_start3A_1151 = tpu.memref_slice %dma_start3A_1148[%dma_start3A_1149, %dma_start3A_1150] : memref<32x128xf32, #tpu.memory_space<vmem>> -> memref<8x128xf32, #tpu.memory_space<vmem>>
      %dma_start3A_1152 = arith.constant 24 : i32
      %dma_start3A_1153 = tpu.memref_slice %arg5[%dma_start3A_1152, %multiple_of3A_1001] : memref<32x1000000xf32, #tpu.memory_space<hbm>> -> memref<8x128xf32, #tpu.memory_space<hbm>>
      tpu.enqueue_dma source(%dma_start3A_1153 : memref<8x128xf32, #tpu.memory_space<hbm>>) target(%dma_start3A_1151 : memref<8x128xf32, #tpu.memory_space<vmem>>) target_semaphore(%arg12 : memref<!tpu.dma_semaphore, #tpu.memory_space<semaphore_mem>>)
      %slice3A_1154 = vector.extract_strided_slice %get3A_18 {offsets = [7], sizes = [1], strides = [1]} : vector<16xi32> to vector<1xi32>
      %squeeze3A_1155 = vector.extract %slice3A_1154[0] : i32 from vector<1xi32>
      %and3A_1156 = arith.constant -128 : i32
      %and3A_1157 = arith.andi %squeeze3A_1155, %and3A_1156 : i32
      %multiple_of3A_1158 = tpu.assume_multiple %and3A_1157, 128 : i32
      %slice3A_1159 = vector.extract_strided_slice %get3A_21 {offsets = [7], sizes = [1], strides = [1]} : vector<16xi32> to vector<1xi32>
      %squeeze3A_1160 = vector.extract %slice3A_1159[0] : i32 from vector<1xi32>
      %and3A_1161 = arith.constant -128 : i32
      %and3A_1162 = arith.andi %squeeze3A_1160, %and3A_1161 : i32
      %multiple_of3A_1163 = tpu.assume_multiple %and3A_1162, 128 : i32
      %dma_start3A_1164 = arith.constant 11 : i32
      %dma_start3A_1165 = arith.constant 0 : i32
      %dma_start3A_1166 = arith.constant 0 : i32
      %dma_start3A_1167 = tpu.memref_slice %arg9[%dma_start3A_1164, %dma_start3A_1165, %dma_start3A_1166] : memref<16x32x128xf32, #tpu.memory_space<vmem>> -> memref<1x32x128xf32, #tpu.memory_space<vmem>>
      %dma_start3A_1168 = tpu.memref_squeeze %dma_start3A_1167 : memref<1x32x128xf32, #tpu.memory_space<vmem>> -> memref<32x128xf32, #tpu.memory_space<vmem>>
      %dma_start3A_1169 = arith.constant 0 : i32
      %dma_start3A_1170 = arith.constant 0 : i32
      %dma_start3A_1171 = tpu.memref_slice %dma_start3A_1168[%dma_start3A_1169, %dma_start3A_1170] : memref<32x128xf32, #tpu.memory_space<vmem>> -> memref<8x128xf32, #tpu.memory_space<vmem>>
      %dma_start3A_1172 = arith.constant 0 : i32
      %dma_start3A_1173 = tpu.memref_slice %arg4[%dma_start3A_1172, %multiple_of3A_1158] : memref<32x1000000xf32, #tpu.memory_space<hbm>> -> memref<8x128xf32, #tpu.memory_space<hbm>>
      %dma_start3A_1174 = arith.constant 0 : i32
      %dma_start3A_1175 = arith.constant 0 : i32
      %dma_start3A_1176 = tpu.memref_slice %arg9[%dma_start3A_1164, %dma_start3A_1174, %dma_start3A_1175] : memref<16x32x128xf32, #tpu.memory_space<vmem>> -> memref<1x32x128xf32, #tpu.memory_space<vmem>>
      %dma_start3A_1177 = tpu.memref_squeeze %dma_start3A_1176 : memref<1x32x128xf32, #tpu.memory_space<vmem>> -> memref<32x128xf32, #tpu.memory_space<vmem>>
      %dma_start3A_1178 = arith.constant 0 : i32
      %dma_start3A_1179 = arith.constant 0 : i32
      %dma_start3A_1180 = tpu.memref_slice %dma_start3A_1177[%dma_start3A_1178, %dma_start3A_1179] : memref<32x128xf32, #tpu.memory_space<vmem>> -> memref<8x128xf32, #tpu.memory_space<vmem>>
      %dma_start3A_1181 = arith.constant 0 : i32
      %dma_start3A_1182 = tpu.memref_slice %arg4[%dma_start3A_1181, %multiple_of3A_1158] : memref<32x1000000xf32, #tpu.memory_space<hbm>> -> memref<8x128xf32, #tpu.memory_space<hbm>>
      tpu.enqueue_dma source(%dma_start3A_1182 : memref<8x128xf32, #tpu.memory_space<hbm>>) target(%dma_start3A_1180 : memref<8x128xf32, #tpu.memory_space<vmem>>) target_semaphore(%arg12 : memref<!tpu.dma_semaphore, #tpu.memory_space<semaphore_mem>>)
      %dma_start3A_1183 = arith.constant 15 : i32
      %dma_start3A_1184 = arith.constant 0 : i32
      %dma_start3A_1185 = arith.constant 0 : i32
      %dma_start3A_1186 = tpu.memref_slice %arg9[%dma_start3A_1183, %dma_start3A_1184, %dma_start3A_1185] : memref<16x32x128xf32, #tpu.memory_space<vmem>> -> memref<1x32x128xf32, #tpu.memory_space<vmem>>
      %dma_start3A_1187 = tpu.memref_squeeze %dma_start3A_1186 : memref<1x32x128xf32, #tpu.memory_space<vmem>> -> memref<32x128xf32, #tpu.memory_space<vmem>>
      %dma_start3A_1188 = arith.constant 0 : i32
      %dma_start3A_1189 = arith.constant 0 : i32
      %dma_start3A_1190 = tpu.memref_slice %dma_start3A_1187[%dma_start3A_1188, %dma_start3A_1189] : memref<32x128xf32, #tpu.memory_space<vmem>> -> memref<8x128xf32, #tpu.memory_space<vmem>>
      %dma_start3A_1191 = arith.constant 0 : i32
      %dma_start3A_1192 = tpu.memref_slice %arg5[%dma_start3A_1191, %multiple_of3A_1163] : memref<32x1000000xf32, #tpu.memory_space<hbm>> -> memref<8x128xf32, #tpu.memory_space<hbm>>
      %dma_start3A_1193 = arith.constant 0 : i32
      %dma_start3A_1194 = arith.constant 0 : i32
      %dma_start3A_1195 = tpu.memref_slice %arg9[%dma_start3A_1183, %dma_start3A_1193, %dma_start3A_1194] : memref<16x32x128xf32, #tpu.memory_space<vmem>> -> memref<1x32x128xf32, #tpu.memory_space<vmem>>
      %dma_start3A_1196 = tpu.memref_squeeze %dma_start3A_1195 : memref<1x32x128xf32, #tpu.memory_space<vmem>> -> memref<32x128xf32, #tpu.memory_space<vmem>>
      %dma_start3A_1197 = arith.constant 0 : i32
      %dma_start3A_1198 = arith.constant 0 : i32
      %dma_start3A_1199 = tpu.memref_slice %dma_start3A_1196[%dma_start3A_1197, %dma_start3A_1198] : memref<32x128xf32, #tpu.memory_space<vmem>> -> memref<8x128xf32, #tpu.memory_space<vmem>>
      %dma_start3A_1200 = arith.constant 0 : i32
      %dma_start3A_1201 = tpu.memref_slice %arg5[%dma_start3A_1200, %multiple_of3A_1163] : memref<32x1000000xf32, #tpu.memory_space<hbm>> -> memref<8x128xf32, #tpu.memory_space<hbm>>
      tpu.enqueue_dma source(%dma_start3A_1201 : memref<8x128xf32, #tpu.memory_space<hbm>>) target(%dma_start3A_1199 : memref<8x128xf32, #tpu.memory_space<vmem>>) target_semaphore(%arg12 : memref<!tpu.dma_semaphore, #tpu.memory_space<semaphore_mem>>)
      %dma_start3A_1202 = arith.constant 11 : i32
      %dma_start3A_1203 = arith.constant 0 : i32
      %dma_start3A_1204 = arith.constant 0 : i32
      %dma_start3A_1205 = tpu.memref_slice %arg9[%dma_start3A_1202, %dma_start3A_1203, %dma_start3A_1204] : memref<16x32x128xf32, #tpu.memory_space<vmem>> -> memref<1x32x128xf32, #tpu.memory_space<vmem>>
      %dma_start3A_1206 = tpu.memref_squeeze %dma_start3A_1205 : memref<1x32x128xf32, #tpu.memory_space<vmem>> -> memref<32x128xf32, #tpu.memory_space<vmem>>
      %dma_start3A_1207 = arith.constant 8 : i32
      %dma_start3A_1208 = arith.constant 0 : i32
      %dma_start3A_1209 = tpu.memref_slice %dma_start3A_1206[%dma_start3A_1207, %dma_start3A_1208] : memref<32x128xf32, #tpu.memory_space<vmem>> -> memref<8x128xf32, #tpu.memory_space<vmem>>
      %dma_start3A_1210 = arith.constant 8 : i32
      %dma_start3A_1211 = tpu.memref_slice %arg4[%dma_start3A_1210, %multiple_of3A_1158] : memref<32x1000000xf32, #tpu.memory_space<hbm>> -> memref<8x128xf32, #tpu.memory_space<hbm>>
      %dma_start3A_1212 = arith.constant 0 : i32
      %dma_start3A_1213 = arith.constant 0 : i32
      %dma_start3A_1214 = tpu.memref_slice %arg9[%dma_start3A_1202, %dma_start3A_1212, %dma_start3A_1213] : memref<16x32x128xf32, #tpu.memory_space<vmem>> -> memref<1x32x128xf32, #tpu.memory_space<vmem>>
      %dma_start3A_1215 = tpu.memref_squeeze %dma_start3A_1214 : memref<1x32x128xf32, #tpu.memory_space<vmem>> -> memref<32x128xf32, #tpu.memory_space<vmem>>
      %dma_start3A_1216 = arith.constant 8 : i32
      %dma_start3A_1217 = arith.constant 0 : i32
      %dma_start3A_1218 = tpu.memref_slice %dma_start3A_1215[%dma_start3A_1216, %dma_start3A_1217] : memref<32x128xf32, #tpu.memory_space<vmem>> -> memref<8x128xf32, #tpu.memory_space<vmem>>
      %dma_start3A_1219 = arith.constant 8 : i32
      %dma_start3A_1220 = tpu.memref_slice %arg4[%dma_start3A_1219, %multiple_of3A_1158] : memref<32x1000000xf32, #tpu.memory_space<hbm>> -> memref<8x128xf32, #tpu.memory_space<hbm>>
      tpu.enqueue_dma source(%dma_start3A_1220 : memref<8x128xf32, #tpu.memory_space<hbm>>) target(%dma_start3A_1218 : memref<8x128xf32, #tpu.memory_space<vmem>>) target_semaphore(%arg12 : memref<!tpu.dma_semaphore, #tpu.memory_space<semaphore_mem>>)
      %dma_start3A_1221 = arith.constant 15 : i32
      %dma_start3A_1222 = arith.constant 0 : i32
      %dma_start3A_1223 = arith.constant 0 : i32
      %dma_start3A_1224 = tpu.memref_slice %arg9[%dma_start3A_1221, %dma_start3A_1222, %dma_start3A_1223] : memref<16x32x128xf32, #tpu.memory_space<vmem>> -> memref<1x32x128xf32, #tpu.memory_space<vmem>>
      %dma_start3A_1225 = tpu.memref_squeeze %dma_start3A_1224 : memref<1x32x128xf32, #tpu.memory_space<vmem>> -> memref<32x128xf32, #tpu.memory_space<vmem>>
      %dma_start3A_1226 = arith.constant 8 : i32
      %dma_start3A_1227 = arith.constant 0 : i32
      %dma_start3A_1228 = tpu.memref_slice %dma_start3A_1225[%dma_start3A_1226, %dma_start3A_1227] : memref<32x128xf32, #tpu.memory_space<vmem>> -> memref<8x128xf32, #tpu.memory_space<vmem>>
      %dma_start3A_1229 = arith.constant 8 : i32
      %dma_start3A_1230 = tpu.memref_slice %arg5[%dma_start3A_1229, %multiple_of3A_1163] : memref<32x1000000xf32, #tpu.memory_space<hbm>> -> memref<8x128xf32, #tpu.memory_space<hbm>>
      %dma_start3A_1231 = arith.constant 0 : i32
      %dma_start3A_1232 = arith.constant 0 : i32
      %dma_start3A_1233 = tpu.memref_slice %arg9[%dma_start3A_1221, %dma_start3A_1231, %dma_start3A_1232] : memref<16x32x128xf32, #tpu.memory_space<vmem>> -> memref<1x32x128xf32, #tpu.memory_space<vmem>>
      %dma_start3A_1234 = tpu.memref_squeeze %dma_start3A_1233 : memref<1x32x128xf32, #tpu.memory_space<vmem>> -> memref<32x128xf32, #tpu.memory_space<vmem>>
      %dma_start3A_1235 = arith.constant 8 : i32
      %dma_start3A_1236 = arith.constant 0 : i32
      %dma_start3A_1237 = tpu.memref_slice %dma_start3A_1234[%dma_start3A_1235, %dma_start3A_1236] : memref<32x128xf32, #tpu.memory_space<vmem>> -> memref<8x128xf32, #tpu.memory_space<vmem>>
      %dma_start3A_1238 = arith.constant 8 : i32
      %dma_start3A_1239 = tpu.memref_slice %arg5[%dma_start3A_1238, %multiple_of3A_1163] : memref<32x1000000xf32, #tpu.memory_space<hbm>> -> memref<8x128xf32, #tpu.memory_space<hbm>>
      tpu.enqueue_dma source(%dma_start3A_1239 : memref<8x128xf32, #tpu.memory_space<hbm>>) target(%dma_start3A_1237 : memref<8x128xf32, #tpu.memory_space<vmem>>) target_semaphore(%arg12 : memref<!tpu.dma_semaphore, #tpu.memory_space<semaphore_mem>>)
      %dma_start3A_1240 = arith.constant 11 : i32
      %dma_start3A_1241 = arith.constant 0 : i32
      %dma_start3A_1242 = arith.constant 0 : i32
      %dma_start3A_1243 = tpu.memref_slice %arg9[%dma_start3A_1240, %dma_start3A_1241, %dma_start3A_1242] : memref<16x32x128xf32, #tpu.memory_space<vmem>> -> memref<1x32x128xf32, #tpu.memory_space<vmem>>
      %dma_start3A_1244 = tpu.memref_squeeze %dma_start3A_1243 : memref<1x32x128xf32, #tpu.memory_space<vmem>> -> memref<32x128xf32, #tpu.memory_space<vmem>>
      %dma_start3A_1245 = arith.constant 16 : i32
      %dma_start3A_1246 = arith.constant 0 : i32
      %dma_start3A_1247 = tpu.memref_slice %dma_start3A_1244[%dma_start3A_1245, %dma_start3A_1246] : memref<32x128xf32, #tpu.memory_space<vmem>> -> memref<8x128xf32, #tpu.memory_space<vmem>>
      %dma_start3A_1248 = arith.constant 16 : i32
      %dma_start3A_1249 = tpu.memref_slice %arg4[%dma_start3A_1248, %multiple_of3A_1158] : memref<32x1000000xf32, #tpu.memory_space<hbm>> -> memref<8x128xf32, #tpu.memory_space<hbm>>
      %dma_start3A_1250 = arith.constant 0 : i32
      %dma_start3A_1251 = arith.constant 0 : i32
      %dma_start3A_1252 = tpu.memref_slice %arg9[%dma_start3A_1240, %dma_start3A_1250, %dma_start3A_1251] : memref<16x32x128xf32, #tpu.memory_space<vmem>> -> memref<1x32x128xf32, #tpu.memory_space<vmem>>
      %dma_start3A_1253 = tpu.memref_squeeze %dma_start3A_1252 : memref<1x32x128xf32, #tpu.memory_space<vmem>> -> memref<32x128xf32, #tpu.memory_space<vmem>>
      %dma_start3A_1254 = arith.constant 16 : i32
      %dma_start3A_1255 = arith.constant 0 : i32
      %dma_start3A_1256 = tpu.memref_slice %dma_start3A_1253[%dma_start3A_1254, %dma_start3A_1255] : memref<32x128xf32, #tpu.memory_space<vmem>> -> memref<8x128xf32, #tpu.memory_space<vmem>>
      %dma_start3A_1257 = arith.constant 16 : i32
      %dma_start3A_1258 = tpu.memref_slice %arg4[%dma_start3A_1257, %multiple_of3A_1158] : memref<32x1000000xf32, #tpu.memory_space<hbm>> -> memref<8x128xf32, #tpu.memory_space<hbm>>
      tpu.enqueue_dma source(%dma_start3A_1258 : memref<8x128xf32, #tpu.memory_space<hbm>>) target(%dma_start3A_1256 : memref<8x128xf32, #tpu.memory_space<vmem>>) target_semaphore(%arg12 : memref<!tpu.dma_semaphore, #tpu.memory_space<semaphore_mem>>)
      %dma_start3A_1259 = arith.constant 15 : i32
      %dma_start3A_1260 = arith.constant 0 : i32
      %dma_start3A_1261 = arith.constant 0 : i32
      %dma_start3A_1262 = tpu.memref_slice %arg9[%dma_start3A_1259, %dma_start3A_1260, %dma_start3A_1261] : memref<16x32x128xf32, #tpu.memory_space<vmem>> -> memref<1x32x128xf32, #tpu.memory_space<vmem>>
      %dma_start3A_1263 = tpu.memref_squeeze %dma_start3A_1262 : memref<1x32x128xf32, #tpu.memory_space<vmem>> -> memref<32x128xf32, #tpu.memory_space<vmem>>
      %dma_start3A_1264 = arith.constant 16 : i32
      %dma_start3A_1265 = arith.constant 0 : i32
      %dma_start3A_1266 = tpu.memref_slice %dma_start3A_1263[%dma_start3A_1264, %dma_start3A_1265] : memref<32x128xf32, #tpu.memory_space<vmem>> -> memref<8x128xf32, #tpu.memory_space<vmem>>
      %dma_start3A_1267 = arith.constant 16 : i32
      %dma_start3A_1268 = tpu.memref_slice %arg5[%dma_start3A_1267, %multiple_of3A_1163] : memref<32x1000000xf32, #tpu.memory_space<hbm>> -> memref<8x128xf32, #tpu.memory_space<hbm>>
      %dma_start3A_1269 = arith.constant 0 : i32
      %dma_start3A_1270 = arith.constant 0 : i32
      %dma_start3A_1271 = tpu.memref_slice %arg9[%dma_start3A_1259, %dma_start3A_1269, %dma_start3A_1270] : memref<16x32x128xf32, #tpu.memory_space<vmem>> -> memref<1x32x128xf32, #tpu.memory_space<vmem>>
      %dma_start3A_1272 = tpu.memref_squeeze %dma_start3A_1271 : memref<1x32x128xf32, #tpu.memory_space<vmem>> -> memref<32x128xf32, #tpu.memory_space<vmem>>
      %dma_start3A_1273 = arith.constant 16 : i32
      %dma_start3A_1274 = arith.constant 0 : i32
      %dma_start3A_1275 = tpu.memref_slice %dma_start3A_1272[%dma_start3A_1273, %dma_start3A_1274] : memref<32x128xf32, #tpu.memory_space<vmem>> -> memref<8x128xf32, #tpu.memory_space<vmem>>
      %dma_start3A_1276 = arith.constant 16 : i32
      %dma_start3A_1277 = tpu.memref_slice %arg5[%dma_start3A_1276, %multiple_of3A_1163] : memref<32x1000000xf32, #tpu.memory_space<hbm>> -> memref<8x128xf32, #tpu.memory_space<hbm>>
      tpu.enqueue_dma source(%dma_start3A_1277 : memref<8x128xf32, #tpu.memory_space<hbm>>) target(%dma_start3A_1275 : memref<8x128xf32, #tpu.memory_space<vmem>>) target_semaphore(%arg12 : memref<!tpu.dma_semaphore, #tpu.memory_space<semaphore_mem>>)
      %dma_start3A_1278 = arith.constant 11 : i32
      %dma_start3A_1279 = arith.constant 0 : i32
      %dma_start3A_1280 = arith.constant 0 : i32
      %dma_start3A_1281 = tpu.memref_slice %arg9[%dma_start3A_1278, %dma_start3A_1279, %dma_start3A_1280] : memref<16x32x128xf32, #tpu.memory_space<vmem>> -> memref<1x32x128xf32, #tpu.memory_space<vmem>>
      %dma_start3A_1282 = tpu.memref_squeeze %dma_start3A_1281 : memref<1x32x128xf32, #tpu.memory_space<vmem>> -> memref<32x128xf32, #tpu.memory_space<vmem>>
      %dma_start3A_1283 = arith.constant 24 : i32
      %dma_start3A_1284 = arith.constant 0 : i32
      %dma_start3A_1285 = tpu.memref_slice %dma_start3A_1282[%dma_start3A_1283, %dma_start3A_1284] : memref<32x128xf32, #tpu.memory_space<vmem>> -> memref<8x128xf32, #tpu.memory_space<vmem>>
      %dma_start3A_1286 = arith.constant 24 : i32
      %dma_start3A_1287 = tpu.memref_slice %arg4[%dma_start3A_1286, %multiple_of3A_1158] : memref<32x1000000xf32, #tpu.memory_space<hbm>> -> memref<8x128xf32, #tpu.memory_space<hbm>>
      %dma_start3A_1288 = arith.constant 0 : i32
      %dma_start3A_1289 = arith.constant 0 : i32
      %dma_start3A_1290 = tpu.memref_slice %arg9[%dma_start3A_1278, %dma_start3A_1288, %dma_start3A_1289] : memref<16x32x128xf32, #tpu.memory_space<vmem>> -> memref<1x32x128xf32, #tpu.memory_space<vmem>>
      %dma_start3A_1291 = tpu.memref_squeeze %dma_start3A_1290 : memref<1x32x128xf32, #tpu.memory_space<vmem>> -> memref<32x128xf32, #tpu.memory_space<vmem>>
      %dma_start3A_1292 = arith.constant 24 : i32
      %dma_start3A_1293 = arith.constant 0 : i32
      %dma_start3A_1294 = tpu.memref_slice %dma_start3A_1291[%dma_start3A_1292, %dma_start3A_1293] : memref<32x128xf32, #tpu.memory_space<vmem>> -> memref<8x128xf32, #tpu.memory_space<vmem>>
      %dma_start3A_1295 = arith.constant 24 : i32
      %dma_start3A_1296 = tpu.memref_slice %arg4[%dma_start3A_1295, %multiple_of3A_1158] : memref<32x1000000xf32, #tpu.memory_space<hbm>> -> memref<8x128xf32, #tpu.memory_space<hbm>>
      tpu.enqueue_dma source(%dma_start3A_1296 : memref<8x128xf32, #tpu.memory_space<hbm>>) target(%dma_start3A_1294 : memref<8x128xf32, #tpu.memory_space<vmem>>) target_semaphore(%arg12 : memref<!tpu.dma_semaphore, #tpu.memory_space<semaphore_mem>>)
      %dma_start3A_1297 = arith.constant 15 : i32
      %dma_start3A_1298 = arith.constant 0 : i32
      %dma_start3A_1299 = arith.constant 0 : i32
      %dma_start3A_1300 = tpu.memref_slice %arg9[%dma_start3A_1297, %dma_start3A_1298, %dma_start3A_1299] : memref<16x32x128xf32, #tpu.memory_space<vmem>> -> memref<1x32x128xf32, #tpu.memory_space<vmem>>
      %dma_start3A_1301 = tpu.memref_squeeze %dma_start3A_1300 : memref<1x32x128xf32, #tpu.memory_space<vmem>> -> memref<32x128xf32, #tpu.memory_space<vmem>>
      %dma_start3A_1302 = arith.constant 24 : i32
      %dma_start3A_1303 = arith.constant 0 : i32
      %dma_start3A_1304 = tpu.memref_slice %dma_start3A_1301[%dma_start3A_1302, %dma_start3A_1303] : memref<32x128xf32, #tpu.memory_space<vmem>> -> memref<8x128xf32, #tpu.memory_space<vmem>>
      %dma_start3A_1305 = arith.constant 24 : i32
      %dma_start3A_1306 = tpu.memref_slice %arg5[%dma_start3A_1305, %multiple_of3A_1163] : memref<32x1000000xf32, #tpu.memory_space<hbm>> -> memref<8x128xf32, #tpu.memory_space<hbm>>
      %dma_start3A_1307 = arith.constant 0 : i32
      %dma_start3A_1308 = arith.constant 0 : i32
      %dma_start3A_1309 = tpu.memref_slice %arg9[%dma_start3A_1297, %dma_start3A_1307, %dma_start3A_1308] : memref<16x32x128xf32, #tpu.memory_space<vmem>> -> memref<1x32x128xf32, #tpu.memory_space<vmem>>
      %dma_start3A_1310 = tpu.memref_squeeze %dma_start3A_1309 : memref<1x32x128xf32, #tpu.memory_space<vmem>> -> memref<32x128xf32, #tpu.memory_space<vmem>>
      %dma_start3A_1311 = arith.constant 24 : i32
      %dma_start3A_1312 = arith.constant 0 : i32
      %dma_start3A_1313 = tpu.memref_slice %dma_start3A_1310[%dma_start3A_1311, %dma_start3A_1312] : memref<32x128xf32, #tpu.memory_space<vmem>> -> memref<8x128xf32, #tpu.memory_space<vmem>>
      %dma_start3A_1314 = arith.constant 24 : i32
      %dma_start3A_1315 = tpu.memref_slice %arg5[%dma_start3A_1314, %multiple_of3A_1163] : memref<32x1000000xf32, #tpu.memory_space<hbm>> -> memref<8x128xf32, #tpu.memory_space<hbm>>
      tpu.enqueue_dma source(%dma_start3A_1315 : memref<8x128xf32, #tpu.memory_space<hbm>>) target(%dma_start3A_1313 : memref<8x128xf32, #tpu.memory_space<vmem>>) target_semaphore(%arg12 : memref<!tpu.dma_semaphore, #tpu.memory_space<semaphore_mem>>)
      %dma_wait3A = arith.constant 0 : i32
      %dma_wait3A_1316 = arith.constant 0 : i32
      %dma_wait3A_1317 = arith.constant 0 : i32
      %dma_wait3A_1318 = tpu.memref_slice %arg9[%dma_wait3A, %dma_wait3A_1316, %dma_wait3A_1317] : memref<16x32x128xf32, #tpu.memory_space<vmem>> -> memref<1x32x128xf32, #tpu.memory_space<vmem>>
      %dma_wait3A_1319 = tpu.memref_squeeze %dma_wait3A_1318 : memref<1x32x128xf32, #tpu.memory_space<vmem>> -> memref<32x128xf32, #tpu.memory_space<vmem>>
      %dma_wait3A_1320 = arith.constant 0 : i32
      %dma_wait3A_1321 = arith.constant 0 : i32
      %dma_wait3A_1322 = tpu.memref_slice %arg4[%dma_wait3A_1320, %dma_wait3A_1321] : memref<32x1000000xf32, #tpu.memory_space<hbm>> -> memref<32x128xf32, #tpu.memory_space<hbm>>
      %dma_wait3A_1323 = arith.constant 0 : i32
      %dma_wait3A_1324 = arith.constant 0 : i32
      %dma_wait3A_1325 = tpu.memref_slice %arg9[%dma_wait3A, %dma_wait3A_1323, %dma_wait3A_1324] : memref<16x32x128xf32, #tpu.memory_space<vmem>> -> memref<1x32x128xf32, #tpu.memory_space<vmem>>
      %dma_wait3A_1326 = tpu.memref_squeeze %dma_wait3A_1325 : memref<1x32x128xf32, #tpu.memory_space<vmem>> -> memref<32x128xf32, #tpu.memory_space<vmem>>
      %dma_wait3A_1327 = arith.constant 0 : i32
      %dma_wait3A_1328 = arith.constant 0 : i32
      %dma_wait3A_1329 = tpu.memref_slice %arg4[%dma_wait3A_1327, %dma_wait3A_1328] : memref<32x1000000xf32, #tpu.memory_space<hbm>> -> memref<32x128xf32, #tpu.memory_space<hbm>>
      tpu.wait_dma2 semaphore(%arg11 : memref<!tpu.dma_semaphore, #tpu.memory_space<semaphore_mem>>) src(%dma_wait3A_1329 : memref<32x128xf32, #tpu.memory_space<hbm>>) dst(%dma_wait3A_1326 : memref<32x128xf32, #tpu.memory_space<vmem>>)
      %dma_wait3A_1330 = arith.constant 1 : i32
      %dma_wait3A_1331 = arith.constant 0 : i32
      %dma_wait3A_1332 = arith.constant 0 : i32
      %dma_wait3A_1333 = tpu.memref_slice %arg9[%dma_wait3A_1330, %dma_wait3A_1331, %dma_wait3A_1332] : memref<16x32x128xf32, #tpu.memory_space<vmem>> -> memref<1x32x128xf32, #tpu.memory_space<vmem>>
      %dma_wait3A_1334 = tpu.memref_squeeze %dma_wait3A_1333 : memref<1x32x128xf32, #tpu.memory_space<vmem>> -> memref<32x128xf32, #tpu.memory_space<vmem>>
      %dma_wait3A_1335 = arith.constant 0 : i32
      %dma_wait3A_1336 = arith.constant 0 : i32
      %dma_wait3A_1337 = tpu.memref_slice %arg4[%dma_wait3A_1335, %dma_wait3A_1336] : memref<32x1000000xf32, #tpu.memory_space<hbm>> -> memref<32x128xf32, #tpu.memory_space<hbm>>
      %dma_wait3A_1338 = arith.constant 0 : i32
      %dma_wait3A_1339 = arith.constant 0 : i32
      %dma_wait3A_1340 = tpu.memref_slice %arg9[%dma_wait3A_1330, %dma_wait3A_1338, %dma_wait3A_1339] : memref<16x32x128xf32, #tpu.memory_space<vmem>> -> memref<1x32x128xf32, #tpu.memory_space<vmem>>
      %dma_wait3A_1341 = tpu.memref_squeeze %dma_wait3A_1340 : memref<1x32x128xf32, #tpu.memory_space<vmem>> -> memref<32x128xf32, #tpu.memory_space<vmem>>
      %dma_wait3A_1342 = arith.constant 0 : i32
      %dma_wait3A_1343 = arith.constant 0 : i32
      %dma_wait3A_1344 = tpu.memref_slice %arg4[%dma_wait3A_1342, %dma_wait3A_1343] : memref<32x1000000xf32, #tpu.memory_space<hbm>> -> memref<32x128xf32, #tpu.memory_space<hbm>>
      tpu.wait_dma2 semaphore(%arg11 : memref<!tpu.dma_semaphore, #tpu.memory_space<semaphore_mem>>) src(%dma_wait3A_1344 : memref<32x128xf32, #tpu.memory_space<hbm>>) dst(%dma_wait3A_1341 : memref<32x128xf32, #tpu.memory_space<vmem>>)
      %dma_wait3A_1345 = arith.constant 2 : i32
      %dma_wait3A_1346 = arith.constant 0 : i32
      %dma_wait3A_1347 = arith.constant 0 : i32
      %dma_wait3A_1348 = tpu.memref_slice %arg9[%dma_wait3A_1345, %dma_wait3A_1346, %dma_wait3A_1347] : memref<16x32x128xf32, #tpu.memory_space<vmem>> -> memref<1x32x128xf32, #tpu.memory_space<vmem>>
      %dma_wait3A_1349 = tpu.memref_squeeze %dma_wait3A_1348 : memref<1x32x128xf32, #tpu.memory_space<vmem>> -> memref<32x128xf32, #tpu.memory_space<vmem>>
      %dma_wait3A_1350 = arith.constant 0 : i32
      %dma_wait3A_1351 = arith.constant 0 : i32
      %dma_wait3A_1352 = tpu.memref_slice %arg4[%dma_wait3A_1350, %dma_wait3A_1351] : memref<32x1000000xf32, #tpu.memory_space<hbm>> -> memref<32x128xf32, #tpu.memory_space<hbm>>
      %dma_wait3A_1353 = arith.constant 0 : i32
      %dma_wait3A_1354 = arith.constant 0 : i32
      %dma_wait3A_1355 = tpu.memref_slice %arg9[%dma_wait3A_1345, %dma_wait3A_1353, %dma_wait3A_1354] : memref<16x32x128xf32, #tpu.memory_space<vmem>> -> memref<1x32x128xf32, #tpu.memory_space<vmem>>
      %dma_wait3A_1356 = tpu.memref_squeeze %dma_wait3A_1355 : memref<1x32x128xf32, #tpu.memory_space<vmem>> -> memref<32x128xf32, #tpu.memory_space<vmem>>
      %dma_wait3A_1357 = arith.constant 0 : i32
      %dma_wait3A_1358 = arith.constant 0 : i32
      %dma_wait3A_1359 = tpu.memref_slice %arg4[%dma_wait3A_1357, %dma_wait3A_1358] : memref<32x1000000xf32, #tpu.memory_space<hbm>> -> memref<32x128xf32, #tpu.memory_space<hbm>>
      tpu.wait_dma2 semaphore(%arg11 : memref<!tpu.dma_semaphore, #tpu.memory_space<semaphore_mem>>) src(%dma_wait3A_1359 : memref<32x128xf32, #tpu.memory_space<hbm>>) dst(%dma_wait3A_1356 : memref<32x128xf32, #tpu.memory_space<vmem>>)
      %dma_wait3A_1360 = arith.constant 3 : i32
      %dma_wait3A_1361 = arith.constant 0 : i32
      %dma_wait3A_1362 = arith.constant 0 : i32
      %dma_wait3A_1363 = tpu.memref_slice %arg9[%dma_wait3A_1360, %dma_wait3A_1361, %dma_wait3A_1362] : memref<16x32x128xf32, #tpu.memory_space<vmem>> -> memref<1x32x128xf32, #tpu.memory_space<vmem>>
      %dma_wait3A_1364 = tpu.memref_squeeze %dma_wait3A_1363 : memref<1x32x128xf32, #tpu.memory_space<vmem>> -> memref<32x128xf32, #tpu.memory_space<vmem>>
      %dma_wait3A_1365 = arith.constant 0 : i32
      %dma_wait3A_1366 = arith.constant 0 : i32
      %dma_wait3A_1367 = tpu.memref_slice %arg4[%dma_wait3A_1365, %dma_wait3A_1366] : memref<32x1000000xf32, #tpu.memory_space<hbm>> -> memref<32x128xf32, #tpu.memory_space<hbm>>
      %dma_wait3A_1368 = arith.constant 0 : i32
      %dma_wait3A_1369 = arith.constant 0 : i32
      %dma_wait3A_1370 = tpu.memref_slice %arg9[%dma_wait3A_1360, %dma_wait3A_1368, %dma_wait3A_1369] : memref<16x32x128xf32, #tpu.memory_space<vmem>> -> memref<1x32x128xf32, #tpu.memory_space<vmem>>
      %dma_wait3A_1371 = tpu.memref_squeeze %dma_wait3A_1370 : memref<1x32x128xf32, #tpu.memory_space<vmem>> -> memref<32x128xf32, #tpu.memory_space<vmem>>
      %dma_wait3A_1372 = arith.constant 0 : i32
      %dma_wait3A_1373 = arith.constant 0 : i32
      %dma_wait3A_1374 = tpu.memref_slice %arg4[%dma_wait3A_1372, %dma_wait3A_1373] : memref<32x1000000xf32, #tpu.memory_space<hbm>> -> memref<32x128xf32, #tpu.memory_space<hbm>>
      tpu.wait_dma2 semaphore(%arg11 : memref<!tpu.dma_semaphore, #tpu.memory_space<semaphore_mem>>) src(%dma_wait3A_1374 : memref<32x128xf32, #tpu.memory_space<hbm>>) dst(%dma_wait3A_1371 : memref<32x128xf32, #tpu.memory_space<vmem>>)
      %dma_wait3A_1375 = arith.constant 4 : i32
      %dma_wait3A_1376 = arith.constant 0 : i32
      %dma_wait3A_1377 = arith.constant 0 : i32
      %dma_wait3A_1378 = tpu.memref_slice %arg9[%dma_wait3A_1375, %dma_wait3A_1376, %dma_wait3A_1377] : memref<16x32x128xf32, #tpu.memory_space<vmem>> -> memref<1x32x128xf32, #tpu.memory_space<vmem>>
      %dma_wait3A_1379 = tpu.memref_squeeze %dma_wait3A_1378 : memref<1x32x128xf32, #tpu.memory_space<vmem>> -> memref<32x128xf32, #tpu.memory_space<vmem>>
      %dma_wait3A_1380 = arith.constant 0 : i32
      %dma_wait3A_1381 = arith.constant 0 : i32
      %dma_wait3A_1382 = tpu.memref_slice %arg4[%dma_wait3A_1380, %dma_wait3A_1381] : memref<32x1000000xf32, #tpu.memory_space<hbm>> -> memref<32x128xf32, #tpu.memory_space<hbm>>
      %dma_wait3A_1383 = arith.constant 0 : i32
      %dma_wait3A_1384 = arith.constant 0 : i32
      %dma_wait3A_1385 = tpu.memref_slice %arg9[%dma_wait3A_1375, %dma_wait3A_1383, %dma_wait3A_1384] : memref<16x32x128xf32, #tpu.memory_space<vmem>> -> memref<1x32x128xf32, #tpu.memory_space<vmem>>
      %dma_wait3A_1386 = tpu.memref_squeeze %dma_wait3A_1385 : memref<1x32x128xf32, #tpu.memory_space<vmem>> -> memref<32x128xf32, #tpu.memory_space<vmem>>
      %dma_wait3A_1387 = arith.constant 0 : i32
      %dma_wait3A_1388 = arith.constant 0 : i32
      %dma_wait3A_1389 = tpu.memref_slice %arg4[%dma_wait3A_1387, %dma_wait3A_1388] : memref<32x1000000xf32, #tpu.memory_space<hbm>> -> memref<32x128xf32, #tpu.memory_space<hbm>>
      tpu.wait_dma2 semaphore(%arg11 : memref<!tpu.dma_semaphore, #tpu.memory_space<semaphore_mem>>) src(%dma_wait3A_1389 : memref<32x128xf32, #tpu.memory_space<hbm>>) dst(%dma_wait3A_1386 : memref<32x128xf32, #tpu.memory_space<vmem>>)
      %dma_wait3A_1390 = arith.constant 5 : i32
      %dma_wait3A_1391 = arith.constant 0 : i32
      %dma_wait3A_1392 = arith.constant 0 : i32
      %dma_wait3A_1393 = tpu.memref_slice %arg9[%dma_wait3A_1390, %dma_wait3A_1391, %dma_wait3A_1392] : memref<16x32x128xf32, #tpu.memory_space<vmem>> -> memref<1x32x128xf32, #tpu.memory_space<vmem>>
      %dma_wait3A_1394 = tpu.memref_squeeze %dma_wait3A_1393 : memref<1x32x128xf32, #tpu.memory_space<vmem>> -> memref<32x128xf32, #tpu.memory_space<vmem>>
      %dma_wait3A_1395 = arith.constant 0 : i32
      %dma_wait3A_1396 = arith.constant 0 : i32
      %dma_wait3A_1397 = tpu.memref_slice %arg4[%dma_wait3A_1395, %dma_wait3A_1396] : memref<32x1000000xf32, #tpu.memory_space<hbm>> -> memref<32x128xf32, #tpu.memory_space<hbm>>
      %dma_wait3A_1398 = arith.constant 0 : i32
      %dma_wait3A_1399 = arith.constant 0 : i32
      %dma_wait3A_1400 = tpu.memref_slice %arg9[%dma_wait3A_1390, %dma_wait3A_1398, %dma_wait3A_1399] : memref<16x32x128xf32, #tpu.memory_space<vmem>> -> memref<1x32x128xf32, #tpu.memory_space<vmem>>
      %dma_wait3A_1401 = tpu.memref_squeeze %dma_wait3A_1400 : memref<1x32x128xf32, #tpu.memory_space<vmem>> -> memref<32x128xf32, #tpu.memory_space<vmem>>
      %dma_wait3A_1402 = arith.constant 0 : i32
      %dma_wait3A_1403 = arith.constant 0 : i32
      %dma_wait3A_1404 = tpu.memref_slice %arg4[%dma_wait3A_1402, %dma_wait3A_1403] : memref<32x1000000xf32, #tpu.memory_space<hbm>> -> memref<32x128xf32, #tpu.memory_space<hbm>>
      tpu.wait_dma2 semaphore(%arg11 : memref<!tpu.dma_semaphore, #tpu.memory_space<semaphore_mem>>) src(%dma_wait3A_1404 : memref<32x128xf32, #tpu.memory_space<hbm>>) dst(%dma_wait3A_1401 : memref<32x128xf32, #tpu.memory_space<vmem>>)
      %dma_wait3A_1405 = arith.constant 6 : i32
      %dma_wait3A_1406 = arith.constant 0 : i32
      %dma_wait3A_1407 = arith.constant 0 : i32
      %dma_wait3A_1408 = tpu.memref_slice %arg9[%dma_wait3A_1405, %dma_wait3A_1406, %dma_wait3A_1407] : memref<16x32x128xf32, #tpu.memory_space<vmem>> -> memref<1x32x128xf32, #tpu.memory_space<vmem>>
      %dma_wait3A_1409 = tpu.memref_squeeze %dma_wait3A_1408 : memref<1x32x128xf32, #tpu.memory_space<vmem>> -> memref<32x128xf32, #tpu.memory_space<vmem>>
      %dma_wait3A_1410 = arith.constant 0 : i32
      %dma_wait3A_1411 = arith.constant 0 : i32
      %dma_wait3A_1412 = tpu.memref_slice %arg4[%dma_wait3A_1410, %dma_wait3A_1411] : memref<32x1000000xf32, #tpu.memory_space<hbm>> -> memref<32x128xf32, #tpu.memory_space<hbm>>
      %dma_wait3A_1413 = arith.constant 0 : i32
      %dma_wait3A_1414 = arith.constant 0 : i32
      %dma_wait3A_1415 = tpu.memref_slice %arg9[%dma_wait3A_1405, %dma_wait3A_1413, %dma_wait3A_1414] : memref<16x32x128xf32, #tpu.memory_space<vmem>> -> memref<1x32x128xf32, #tpu.memory_space<vmem>>
      %dma_wait3A_1416 = tpu.memref_squeeze %dma_wait3A_1415 : memref<1x32x128xf32, #tpu.memory_space<vmem>> -> memref<32x128xf32, #tpu.memory_space<vmem>>
      %dma_wait3A_1417 = arith.constant 0 : i32
      %dma_wait3A_1418 = arith.constant 0 : i32
      %dma_wait3A_1419 = tpu.memref_slice %arg4[%dma_wait3A_1417, %dma_wait3A_1418] : memref<32x1000000xf32, #tpu.memory_space<hbm>> -> memref<32x128xf32, #tpu.memory_space<hbm>>
      tpu.wait_dma2 semaphore(%arg11 : memref<!tpu.dma_semaphore, #tpu.memory_space<semaphore_mem>>) src(%dma_wait3A_1419 : memref<32x128xf32, #tpu.memory_space<hbm>>) dst(%dma_wait3A_1416 : memref<32x128xf32, #tpu.memory_space<vmem>>)
      %dma_wait3A_1420 = arith.constant 7 : i32
      %dma_wait3A_1421 = arith.constant 0 : i32
      %dma_wait3A_1422 = arith.constant 0 : i32
      %dma_wait3A_1423 = tpu.memref_slice %arg9[%dma_wait3A_1420, %dma_wait3A_1421, %dma_wait3A_1422] : memref<16x32x128xf32, #tpu.memory_space<vmem>> -> memref<1x32x128xf32, #tpu.memory_space<vmem>>
      %dma_wait3A_1424 = tpu.memref_squeeze %dma_wait3A_1423 : memref<1x32x128xf32, #tpu.memory_space<vmem>> -> memref<32x128xf32, #tpu.memory_space<vmem>>
      %dma_wait3A_1425 = arith.constant 0 : i32
      %dma_wait3A_1426 = arith.constant 0 : i32
      %dma_wait3A_1427 = tpu.memref_slice %arg4[%dma_wait3A_1425, %dma_wait3A_1426] : memref<32x1000000xf32, #tpu.memory_space<hbm>> -> memref<32x128xf32, #tpu.memory_space<hbm>>
      %dma_wait3A_1428 = arith.constant 0 : i32
      %dma_wait3A_1429 = arith.constant 0 : i32
      %dma_wait3A_1430 = tpu.memref_slice %arg9[%dma_wait3A_1420, %dma_wait3A_1428, %dma_wait3A_1429] : memref<16x32x128xf32, #tpu.memory_space<vmem>> -> memref<1x32x128xf32, #tpu.memory_space<vmem>>
      %dma_wait3A_1431 = tpu.memref_squeeze %dma_wait3A_1430 : memref<1x32x128xf32, #tpu.memory_space<vmem>> -> memref<32x128xf32, #tpu.memory_space<vmem>>
      %dma_wait3A_1432 = arith.constant 0 : i32
      %dma_wait3A_1433 = arith.constant 0 : i32
      %dma_wait3A_1434 = tpu.memref_slice %arg4[%dma_wait3A_1432, %dma_wait3A_1433] : memref<32x1000000xf32, #tpu.memory_space<hbm>> -> memref<32x128xf32, #tpu.memory_space<hbm>>
      tpu.wait_dma2 semaphore(%arg11 : memref<!tpu.dma_semaphore, #tpu.memory_space<semaphore_mem>>) src(%dma_wait3A_1434 : memref<32x128xf32, #tpu.memory_space<hbm>>) dst(%dma_wait3A_1431 : memref<32x128xf32, #tpu.memory_space<vmem>>)
      %slice3A_1435 = vector.extract_strided_slice %get3A_18 {offsets = [0], sizes = [1], strides = [1]} : vector<16xi32> to vector<1xi32>
      %squeeze3A_1436 = vector.extract %slice3A_1435[0] : i32 from vector<1xi32>
      %and3A_1437 = arith.constant 127 : i32
      %and3A_1438 = arith.andi %squeeze3A_1436, %and3A_1437 : i32
      %broadcast_in_dim3A_1439 = vector.broadcast %and3A_1438 : i32 to vector<16xi32>
      %slice3A_1440 = vector.extract_strided_slice %get3A_21 {offsets = [0], sizes = [1], strides = [1]} : vector<16xi32> to vector<1xi32>
      %squeeze3A_1441 = vector.extract %slice3A_1440[0] : i32 from vector<1xi32>
      %and3A_1442 = arith.constant 127 : i32
      %and3A_1443 = arith.andi %squeeze3A_1441, %and3A_1442 : i32
      %broadcast_in_dim3A_1444 = vector.broadcast %and3A_1443 : i32 to vector<16xi32>
      %gather3A = arith.constant 0 : i32
      %gather3A_1445 = arith.constant 0 : i32
      %gather3A_1446 = arith.constant 0 : i32
      %gather3A_1447 = tpu.memref_slice %arg9[%gather3A, %gather3A_1445, %gather3A_1446] : memref<16x32x128xf32, #tpu.memory_space<vmem>> -> memref<1x32x128xf32, #tpu.memory_space<vmem>>
      %gather3A_1448 = tpu.memref_squeeze %gather3A_1447 : memref<1x32x128xf32, #tpu.memory_space<vmem>> -> memref<32x128xf32, #tpu.memory_space<vmem>>
      %gather3A_1449 = tpu.vector_load_idx %gather3A_1448[%iota3A, %broadcast_in_dim3A_1439] : memref<32x128xf32, #tpu.memory_space<vmem>>[vector<16xi32>, vector<16xi32>], vector<16xf32>,
      %add3A_1450 = arith.constant 16 : i32
      %add3A_1451 = vector.broadcast %add3A_1450 : i32 to vector<16xi32>
      %add3A_1452 = arith.addi %iota3A, %add3A_1451 : vector<16xi32>
      %gather3A_1453 = arith.constant 0 : i32
      %gather3A_1454 = arith.constant 0 : i32
      %gather3A_1455 = arith.constant 0 : i32
      %gather3A_1456 = tpu.memref_slice %arg9[%gather3A_1453, %gather3A_1454, %gather3A_1455] : memref<16x32x128xf32, #tpu.memory_space<vmem>> -> memref<1x32x128xf32, #tpu.memory_space<vmem>>
      %gather3A_1457 = tpu.memref_squeeze %gather3A_1456 : memref<1x32x128xf32, #tpu.memory_space<vmem>> -> memref<32x128xf32, #tpu.memory_space<vmem>>
      %gather3A_1458 = tpu.vector_load_idx %gather3A_1457[%add3A_1452, %broadcast_in_dim3A_1439] : memref<32x128xf32, #tpu.memory_space<vmem>>[vector<16xi32>, vector<16xi32>], vector<16xf32>,
      %gather3A_1459 = arith.constant 4 : i32
      %gather3A_1460 = arith.constant 0 : i32
      %gather3A_1461 = arith.constant 0 : i32
      %gather3A_1462 = tpu.memref_slice %arg9[%gather3A_1459, %gather3A_1460, %gather3A_1461] : memref<16x32x128xf32, #tpu.memory_space<vmem>> -> memref<1x32x128xf32, #tpu.memory_space<vmem>>
      %gather3A_1463 = tpu.memref_squeeze %gather3A_1462 : memref<1x32x128xf32, #tpu.memory_space<vmem>> -> memref<32x128xf32, #tpu.memory_space<vmem>>
      %gather3A_1464 = tpu.vector_load_idx %gather3A_1463[%iota3A, %broadcast_in_dim3A_1444] : memref<32x128xf32, #tpu.memory_space<vmem>>[vector<16xi32>, vector<16xi32>], vector<16xf32>,
      %add3A_1465 = arith.constant 16 : i32
      %add3A_1466 = vector.broadcast %add3A_1465 : i32 to vector<16xi32>
      %add3A_1467 = arith.addi %iota3A, %add3A_1466 : vector<16xi32>
      %gather3A_1468 = arith.constant 4 : i32
      %gather3A_1469 = arith.constant 0 : i32
      %gather3A_1470 = arith.constant 0 : i32
      %gather3A_1471 = tpu.memref_slice %arg9[%gather3A_1468, %gather3A_1469, %gather3A_1470] : memref<16x32x128xf32, #tpu.memory_space<vmem>> -> memref<1x32x128xf32, #tpu.memory_space<vmem>>
      %gather3A_1472 = tpu.memref_squeeze %gather3A_1471 : memref<1x32x128xf32, #tpu.memory_space<vmem>> -> memref<32x128xf32, #tpu.memory_space<vmem>>
      %gather3A_1473 = tpu.vector_load_idx %gather3A_1472[%add3A_1467, %broadcast_in_dim3A_1444] : memref<32x128xf32, #tpu.memory_space<vmem>>[vector<16xi32>, vector<16xi32>], vector<16xf32>,
      %mul3A_1474 = arith.mulf %gather3A_1449, %gather3A_1464 : vector<16xf32>
      %mul3A_1475 = arith.mulf %gather3A_1458, %gather3A_1473 : vector<16xf32>
      %add3A_1476 = arith.addf %mul3A_1474, %mul3A_1475 : vector<16xf32>
      %reduce_sum3A = arith.constant true
      %reduce_sum3A_1477 = vector.broadcast %reduce_sum3A : i1 to vector<16xi1>
      %reduce_sum3A_1478 = tpu.scan <sum>, %add3A_1476 masked %reduce_sum3A_1477 : vector<16xf32>, vector<16xi1> -> vector<16xf32>
      %reduce_sum3A_1479 = vector.extract %reduce_sum3A_1478[15] : f32 from vector<16xf32>
      %eq3A = arith.constant 0 : i32
      %eq3A_1480 = vector.broadcast %eq3A : i32 to vector<16xi32>
      %eq3A_1481 = arith.cmpi eq, %iota3A, %eq3A_1480 : vector<16xi32>
      %broadcast_in_dim3A_1482 = vector.broadcast %reduce_sum3A_1479 : f32 to vector<16xf32>
      %select_n3A = arith.select %eq3A_1481, %broadcast_in_dim3A_1482, %broadcast_in_dim3A_22 : vector<16xi1>, vector<16xf32>
      %slice3A_1483 = vector.extract_strided_slice %get3A_18 {offsets = [1], sizes = [1], strides = [1]} : vector<16xi32> to vector<1xi32>
      %squeeze3A_1484 = vector.extract %slice3A_1483[0] : i32 from vector<1xi32>
      %and3A_1485 = arith.constant 127 : i32
      %and3A_1486 = arith.andi %squeeze3A_1484, %and3A_1485 : i32
      %broadcast_in_dim3A_1487 = vector.broadcast %and3A_1486 : i32 to vector<16xi32>
      %slice3A_1488 = vector.extract_strided_slice %get3A_21 {offsets = [1], sizes = [1], strides = [1]} : vector<16xi32> to vector<1xi32>
      %squeeze3A_1489 = vector.extract %slice3A_1488[0] : i32 from vector<1xi32>
      %and3A_1490 = arith.constant 127 : i32
      %and3A_1491 = arith.andi %squeeze3A_1489, %and3A_1490 : i32
      %broadcast_in_dim3A_1492 = vector.broadcast %and3A_1491 : i32 to vector<16xi32>
      %gather3A_1493 = arith.constant 1 : i32
      %gather3A_1494 = arith.constant 0 : i32
      %gather3A_1495 = arith.constant 0 : i32
      %gather3A_1496 = tpu.memref_slice %arg9[%gather3A_1493, %gather3A_1494, %gather3A_1495] : memref<16x32x128xf32, #tpu.memory_space<vmem>> -> memref<1x32x128xf32, #tpu.memory_space<vmem>>
      %gather3A_1497 = tpu.memref_squeeze %gather3A_1496 : memref<1x32x128xf32, #tpu.memory_space<vmem>> -> memref<32x128xf32, #tpu.memory_space<vmem>>
      %gather3A_1498 = tpu.vector_load_idx %gather3A_1497[%iota3A, %broadcast_in_dim3A_1487] : memref<32x128xf32, #tpu.memory_space<vmem>>[vector<16xi32>, vector<16xi32>], vector<16xf32>,
      %add3A_1499 = arith.constant 16 : i32
      %add3A_1500 = vector.broadcast %add3A_1499 : i32 to vector<16xi32>
      %add3A_1501 = arith.addi %iota3A, %add3A_1500 : vector<16xi32>
      %gather3A_1502 = arith.constant 1 : i32
      %gather3A_1503 = arith.constant 0 : i32
      %gather3A_1504 = arith.constant 0 : i32
      %gather3A_1505 = tpu.memref_slice %arg9[%gather3A_1502, %gather3A_1503, %gather3A_1504] : memref<16x32x128xf32, #tpu.memory_space<vmem>> -> memref<1x32x128xf32, #tpu.memory_space<vmem>>
      %gather3A_1506 = tpu.memref_squeeze %gather3A_1505 : memref<1x32x128xf32, #tpu.memory_space<vmem>> -> memref<32x128xf32, #tpu.memory_space<vmem>>
      %gather3A_1507 = tpu.vector_load_idx %gather3A_1506[%add3A_1501, %broadcast_in_dim3A_1487] : memref<32x128xf32, #tpu.memory_space<vmem>>[vector<16xi32>, vector<16xi32>], vector<16xf32>,
      %gather3A_1508 = arith.constant 5 : i32
      %gather3A_1509 = arith.constant 0 : i32
      %gather3A_1510 = arith.constant 0 : i32
      %gather3A_1511 = tpu.memref_slice %arg9[%gather3A_1508, %gather3A_1509, %gather3A_1510] : memref<16x32x128xf32, #tpu.memory_space<vmem>> -> memref<1x32x128xf32, #tpu.memory_space<vmem>>
      %gather3A_1512 = tpu.memref_squeeze %gather3A_1511 : memref<1x32x128xf32, #tpu.memory_space<vmem>> -> memref<32x128xf32, #tpu.memory_space<vmem>>
      %gather3A_1513 = tpu.vector_load_idx %gather3A_1512[%iota3A, %broadcast_in_dim3A_1492] : memref<32x128xf32, #tpu.memory_space<vmem>>[vector<16xi32>, vector<16xi32>], vector<16xf32>,
      %add3A_1514 = arith.constant 16 : i32
      %add3A_1515 = vector.broadcast %add3A_1514 : i32 to vector<16xi32>
      %add3A_1516 = arith.addi %iota3A, %add3A_1515 : vector<16xi32>
      %gather3A_1517 = arith.constant 5 : i32
      %gather3A_1518 = arith.constant 0 : i32
      %gather3A_1519 = arith.constant 0 : i32
      %gather3A_1520 = tpu.memref_slice %arg9[%gather3A_1517, %gather3A_1518, %gather3A_1519] : memref<16x32x128xf32, #tpu.memory_space<vmem>> -> memref<1x32x128xf32, #tpu.memory_space<vmem>>
      %gather3A_1521 = tpu.memref_squeeze %gather3A_1520 : memref<1x32x128xf32, #tpu.memory_space<vmem>> -> memref<32x128xf32, #tpu.memory_space<vmem>>
      %gather3A_1522 = tpu.vector_load_idx %gather3A_1521[%add3A_1516, %broadcast_in_dim3A_1492] : memref<32x128xf32, #tpu.memory_space<vmem>>[vector<16xi32>, vector<16xi32>], vector<16xf32>,
      %mul3A_1523 = arith.mulf %gather3A_1498, %gather3A_1513 : vector<16xf32>
      %mul3A_1524 = arith.mulf %gather3A_1507, %gather3A_1522 : vector<16xf32>
      %add3A_1525 = arith.addf %mul3A_1523, %mul3A_1524 : vector<16xf32>
      %reduce_sum3A_1526 = arith.constant true
      %reduce_sum3A_1527 = vector.broadcast %reduce_sum3A_1526 : i1 to vector<16xi1>
      %reduce_sum3A_1528 = tpu.scan <sum>, %add3A_1525 masked %reduce_sum3A_1527 : vector<16xf32>, vector<16xi1> -> vector<16xf32>
      %reduce_sum3A_1529 = vector.extract %reduce_sum3A_1528[15] : f32 from vector<16xf32>
      %eq3A_1530 = arith.constant 1 : i32
      %eq3A_1531 = vector.broadcast %eq3A_1530 : i32 to vector<16xi32>
      %eq3A_1532 = arith.cmpi eq, %iota3A, %eq3A_1531 : vector<16xi32>
      %broadcast_in_dim3A_1533 = vector.broadcast %reduce_sum3A_1529 : f32 to vector<16xf32>
      %select_n3A_1534 = arith.select %eq3A_1532, %broadcast_in_dim3A_1533, %select_n3A : vector<16xi1>, vector<16xf32>
      %slice3A_1535 = vector.extract_strided_slice %get3A_18 {offsets = [2], sizes = [1], strides = [1]} : vector<16xi32> to vector<1xi32>
      %squeeze3A_1536 = vector.extract %slice3A_1535[0] : i32 from vector<1xi32>
      %and3A_1537 = arith.constant 127 : i32
      %and3A_1538 = arith.andi %squeeze3A_1536, %and3A_1537 : i32
      %broadcast_in_dim3A_1539 = vector.broadcast %and3A_1538 : i32 to vector<16xi32>
      %slice3A_1540 = vector.extract_strided_slice %get3A_21 {offsets = [2], sizes = [1], strides = [1]} : vector<16xi32> to vector<1xi32>
      %squeeze3A_1541 = vector.extract %slice3A_1540[0] : i32 from vector<1xi32>
      %and3A_1542 = arith.constant 127 : i32
      %and3A_1543 = arith.andi %squeeze3A_1541, %and3A_1542 : i32
      %broadcast_in_dim3A_1544 = vector.broadcast %and3A_1543 : i32 to vector<16xi32>
      %gather3A_1545 = arith.constant 2 : i32
      %gather3A_1546 = arith.constant 0 : i32
      %gather3A_1547 = arith.constant 0 : i32
      %gather3A_1548 = tpu.memref_slice %arg9[%gather3A_1545, %gather3A_1546, %gather3A_1547] : memref<16x32x128xf32, #tpu.memory_space<vmem>> -> memref<1x32x128xf32, #tpu.memory_space<vmem>>
      %gather3A_1549 = tpu.memref_squeeze %gather3A_1548 : memref<1x32x128xf32, #tpu.memory_space<vmem>> -> memref<32x128xf32, #tpu.memory_space<vmem>>
      %gather3A_1550 = tpu.vector_load_idx %gather3A_1549[%iota3A, %broadcast_in_dim3A_1539] : memref<32x128xf32, #tpu.memory_space<vmem>>[vector<16xi32>, vector<16xi32>], vector<16xf32>,
      %add3A_1551 = arith.constant 16 : i32
      %add3A_1552 = vector.broadcast %add3A_1551 : i32 to vector<16xi32>
      %add3A_1553 = arith.addi %iota3A, %add3A_1552 : vector<16xi32>
      %gather3A_1554 = arith.constant 2 : i32
      %gather3A_1555 = arith.constant 0 : i32
      %gather3A_1556 = arith.constant 0 : i32
      %gather3A_1557 = tpu.memref_slice %arg9[%gather3A_1554, %gather3A_1555, %gather3A_1556] : memref<16x32x128xf32, #tpu.memory_space<vmem>> -> memref<1x32x128xf32, #tpu.memory_space<vmem>>
      %gather3A_1558 = tpu.memref_squeeze %gather3A_1557 : memref<1x32x128xf32, #tpu.memory_space<vmem>> -> memref<32x128xf32, #tpu.memory_space<vmem>>
      %gather3A_1559 = tpu.vector_load_idx %gather3A_1558[%add3A_1553, %broadcast_in_dim3A_1539] : memref<32x128xf32, #tpu.memory_space<vmem>>[vector<16xi32>, vector<16xi32>], vector<16xf32>,
      %gather3A_1560 = arith.constant 6 : i32
      %gather3A_1561 = arith.constant 0 : i32
      %gather3A_1562 = arith.constant 0 : i32
      %gather3A_1563 = tpu.memref_slice %arg9[%gather3A_1560, %gather3A_1561, %gather3A_1562] : memref<16x32x128xf32, #tpu.memory_space<vmem>> -> memref<1x32x128xf32, #tpu.memory_space<vmem>>
      %gather3A_1564 = tpu.memref_squeeze %gather3A_1563 : memref<1x32x128xf32, #tpu.memory_space<vmem>> -> memref<32x128xf32, #tpu.memory_space<vmem>>
      %gather3A_1565 = tpu.vector_load_idx %gather3A_1564[%iota3A, %broadcast_in_dim3A_1544] : memref<32x128xf32, #tpu.memory_space<vmem>>[vector<16xi32>, vector<16xi32>], vector<16xf32>,
      %add3A_1566 = arith.constant 16 : i32
      %add3A_1567 = vector.broadcast %add3A_1566 : i32 to vector<16xi32>
      %add3A_1568 = arith.addi %iota3A, %add3A_1567 : vector<16xi32>
      %gather3A_1569 = arith.constant 6 : i32
      %gather3A_1570 = arith.constant 0 : i32
      %gather3A_1571 = arith.constant 0 : i32
      %gather3A_1572 = tpu.memref_slice %arg9[%gather3A_1569, %gather3A_1570, %gather3A_1571] : memref<16x32x128xf32, #tpu.memory_space<vmem>> -> memref<1x32x128xf32, #tpu.memory_space<vmem>>
      %gather3A_1573 = tpu.memref_squeeze %gather3A_1572 : memref<1x32x128xf32, #tpu.memory_space<vmem>> -> memref<32x128xf32, #tpu.memory_space<vmem>>
      %gather3A_1574 = tpu.vector_load_idx %gather3A_1573[%add3A_1568, %broadcast_in_dim3A_1544] : memref<32x128xf32, #tpu.memory_space<vmem>>[vector<16xi32>, vector<16xi32>], vector<16xf32>,
      %mul3A_1575 = arith.mulf %gather3A_1550, %gather3A_1565 : vector<16xf32>
      %mul3A_1576 = arith.mulf %gather3A_1559, %gather3A_1574 : vector<16xf32>
      %add3A_1577 = arith.addf %mul3A_1575, %mul3A_1576 : vector<16xf32>
      %reduce_sum3A_1578 = arith.constant true
      %reduce_sum3A_1579 = vector.broadcast %reduce_sum3A_1578 : i1 to vector<16xi1>
      %reduce_sum3A_1580 = tpu.scan <sum>, %add3A_1577 masked %reduce_sum3A_1579 : vector<16xf32>, vector<16xi1> -> vector<16xf32>
      %reduce_sum3A_1581 = vector.extract %reduce_sum3A_1580[15] : f32 from vector<16xf32>
      %eq3A_1582 = arith.constant 2 : i32
      %eq3A_1583 = vector.broadcast %eq3A_1582 : i32 to vector<16xi32>
      %eq3A_1584 = arith.cmpi eq, %iota3A, %eq3A_1583 : vector<16xi32>
      %broadcast_in_dim3A_1585 = vector.broadcast %reduce_sum3A_1581 : f32 to vector<16xf32>
      %select_n3A_1586 = arith.select %eq3A_1584, %broadcast_in_dim3A_1585, %select_n3A_1534 : vector<16xi1>, vector<16xf32>
      %slice3A_1587 = vector.extract_strided_slice %get3A_18 {offsets = [3], sizes = [1], strides = [1]} : vector<16xi32> to vector<1xi32>
      %squeeze3A_1588 = vector.extract %slice3A_1587[0] : i32 from vector<1xi32>
      %and3A_1589 = arith.constant 127 : i32
      %and3A_1590 = arith.andi %squeeze3A_1588, %and3A_1589 : i32
      %broadcast_in_dim3A_1591 = vector.broadcast %and3A_1590 : i32 to vector<16xi32>
      %slice3A_1592 = vector.extract_strided_slice %get3A_21 {offsets = [3], sizes = [1], strides = [1]} : vector<16xi32> to vector<1xi32>
      %squeeze3A_1593 = vector.extract %slice3A_1592[0] : i32 from vector<1xi32>
      %and3A_1594 = arith.constant 127 : i32
      %and3A_1595 = arith.andi %squeeze3A_1593, %and3A_1594 : i32
      %broadcast_in_dim3A_1596 = vector.broadcast %and3A_1595 : i32 to vector<16xi32>
      %gather3A_1597 = arith.constant 3 : i32
      %gather3A_1598 = arith.constant 0 : i32
      %gather3A_1599 = arith.constant 0 : i32
      %gather3A_1600 = tpu.memref_slice %arg9[%gather3A_1597, %gather3A_1598, %gather3A_1599] : memref<16x32x128xf32, #tpu.memory_space<vmem>> -> memref<1x32x128xf32, #tpu.memory_space<vmem>>
      %gather3A_1601 = tpu.memref_squeeze %gather3A_1600 : memref<1x32x128xf32, #tpu.memory_space<vmem>> -> memref<32x128xf32, #tpu.memory_space<vmem>>
      %gather3A_1602 = tpu.vector_load_idx %gather3A_1601[%iota3A, %broadcast_in_dim3A_1591] : memref<32x128xf32, #tpu.memory_space<vmem>>[vector<16xi32>, vector<16xi32>], vector<16xf32>,
      %add3A_1603 = arith.constant 16 : i32
      %add3A_1604 = vector.broadcast %add3A_1603 : i32 to vector<16xi32>
      %add3A_1605 = arith.addi %iota3A, %add3A_1604 : vector<16xi32>
      %gather3A_1606 = arith.constant 3 : i32
      %gather3A_1607 = arith.constant 0 : i32
      %gather3A_1608 = arith.constant 0 : i32
      %gather3A_1609 = tpu.memref_slice %arg9[%gather3A_1606, %gather3A_1607, %gather3A_1608] : memref<16x32x128xf32, #tpu.memory_space<vmem>> -> memref<1x32x128xf32, #tpu.memory_space<vmem>>
      %gather3A_1610 = tpu.memref_squeeze %gather3A_1609 : memref<1x32x128xf32, #tpu.memory_space<vmem>> -> memref<32x128xf32, #tpu.memory_space<vmem>>
      %gather3A_1611 = tpu.vector_load_idx %gather3A_1610[%add3A_1605, %broadcast_in_dim3A_1591] : memref<32x128xf32, #tpu.memory_space<vmem>>[vector<16xi32>, vector<16xi32>], vector<16xf32>,
      %gather3A_1612 = arith.constant 7 : i32
      %gather3A_1613 = arith.constant 0 : i32
      %gather3A_1614 = arith.constant 0 : i32
      %gather3A_1615 = tpu.memref_slice %arg9[%gather3A_1612, %gather3A_1613, %gather3A_1614] : memref<16x32x128xf32, #tpu.memory_space<vmem>> -> memref<1x32x128xf32, #tpu.memory_space<vmem>>
      %gather3A_1616 = tpu.memref_squeeze %gather3A_1615 : memref<1x32x128xf32, #tpu.memory_space<vmem>> -> memref<32x128xf32, #tpu.memory_space<vmem>>
      %gather3A_1617 = tpu.vector_load_idx %gather3A_1616[%iota3A, %broadcast_in_dim3A_1596] : memref<32x128xf32, #tpu.memory_space<vmem>>[vector<16xi32>, vector<16xi32>], vector<16xf32>,
      %add3A_1618 = arith.constant 16 : i32
      %add3A_1619 = vector.broadcast %add3A_1618 : i32 to vector<16xi32>
      %add3A_1620 = arith.addi %iota3A, %add3A_1619 : vector<16xi32>
      %gather3A_1621 = arith.constant 7 : i32
      %gather3A_1622 = arith.constant 0 : i32
      %gather3A_1623 = arith.constant 0 : i32
      %gather3A_1624 = tpu.memref_slice %arg9[%gather3A_1621, %gather3A_1622, %gather3A_1623] : memref<16x32x128xf32, #tpu.memory_space<vmem>> -> memref<1x32x128xf32, #tpu.memory_space<vmem>>
      %gather3A_1625 = tpu.memref_squeeze %gather3A_1624 : memref<1x32x128xf32, #tpu.memory_space<vmem>> -> memref<32x128xf32, #tpu.memory_space<vmem>>
      %gather3A_1626 = tpu.vector_load_idx %gather3A_1625[%add3A_1620, %broadcast_in_dim3A_1596] : memref<32x128xf32, #tpu.memory_space<vmem>>[vector<16xi32>, vector<16xi32>], vector<16xf32>,
      %mul3A_1627 = arith.mulf %gather3A_1602, %gather3A_1617 : vector<16xf32>
      %mul3A_1628 = arith.mulf %gather3A_1611, %gather3A_1626 : vector<16xf32>
      %add3A_1629 = arith.addf %mul3A_1627, %mul3A_1628 : vector<16xf32>
      %reduce_sum3A_1630 = arith.constant true
      %reduce_sum3A_1631 = vector.broadcast %reduce_sum3A_1630 : i1 to vector<16xi1>
      %reduce_sum3A_1632 = tpu.scan <sum>, %add3A_1629 masked %reduce_sum3A_1631 : vector<16xf32>, vector<16xi1> -> vector<16xf32>
      %reduce_sum3A_1633 = vector.extract %reduce_sum3A_1632[15] : f32 from vector<16xf32>
      %eq3A_1634 = arith.constant 3 : i32
      %eq3A_1635 = vector.broadcast %eq3A_1634 : i32 to vector<16xi32>
      %eq3A_1636 = arith.cmpi eq, %iota3A, %eq3A_1635 : vector<16xi32>
      %broadcast_in_dim3A_1637 = vector.broadcast %reduce_sum3A_1633 : f32 to vector<16xf32>
      %select_n3A_1638 = arith.select %eq3A_1636, %broadcast_in_dim3A_1637, %select_n3A_1586 : vector<16xi1>, vector<16xf32>
      %slice3A_1639 = vector.extract_strided_slice %get3A_18 {offsets = [8], sizes = [1], strides = [1]} : vector<16xi32> to vector<1xi32>
      %squeeze3A_1640 = vector.extract %slice3A_1639[0] : i32 from vector<1xi32>
      %and3A_1641 = arith.constant -128 : i32
      %and3A_1642 = arith.andi %squeeze3A_1640, %and3A_1641 : i32
      %multiple_of3A_1643 = tpu.assume_multiple %and3A_1642, 128 : i32
      %slice3A_1644 = vector.extract_strided_slice %get3A_21 {offsets = [8], sizes = [1], strides = [1]} : vector<16xi32> to vector<1xi32>
      %squeeze3A_1645 = vector.extract %slice3A_1644[0] : i32 from vector<1xi32>
      %and3A_1646 = arith.constant -128 : i32
      %and3A_1647 = arith.andi %squeeze3A_1645, %and3A_1646 : i32
      %multiple_of3A_1648 = tpu.assume_multiple %and3A_1647, 128 : i32
      %dma_start3A_1649 = arith.constant 0 : i32
      %dma_start3A_1650 = arith.constant 0 : i32
      %dma_start3A_1651 = arith.constant 0 : i32
      %dma_start3A_1652 = tpu.memref_slice %arg9[%dma_start3A_1649, %dma_start3A_1650, %dma_start3A_1651] : memref<16x32x128xf32, #tpu.memory_space<vmem>> -> memref<1x32x128xf32, #tpu.memory_space<vmem>>
      %dma_start3A_1653 = tpu.memref_squeeze %dma_start3A_1652 : memref<1x32x128xf32, #tpu.memory_space<vmem>> -> memref<32x128xf32, #tpu.memory_space<vmem>>
      %dma_start3A_1654 = arith.constant 0 : i32
      %dma_start3A_1655 = arith.constant 0 : i32
      %dma_start3A_1656 = tpu.memref_slice %dma_start3A_1653[%dma_start3A_1654, %dma_start3A_1655] : memref<32x128xf32, #tpu.memory_space<vmem>> -> memref<8x128xf32, #tpu.memory_space<vmem>>
      %dma_start3A_1657 = arith.constant 0 : i32
      %dma_start3A_1658 = tpu.memref_slice %arg4[%dma_start3A_1657, %multiple_of3A_1643] : memref<32x1000000xf32, #tpu.memory_space<hbm>> -> memref<8x128xf32, #tpu.memory_space<hbm>>
      %dma_start3A_1659 = arith.constant 0 : i32
      %dma_start3A_1660 = arith.constant 0 : i32
      %dma_start3A_1661 = tpu.memref_slice %arg9[%dma_start3A_1649, %dma_start3A_1659, %dma_start3A_1660] : memref<16x32x128xf32, #tpu.memory_space<vmem>> -> memref<1x32x128xf32, #tpu.memory_space<vmem>>
      %dma_start3A_1662 = tpu.memref_squeeze %dma_start3A_1661 : memref<1x32x128xf32, #tpu.memory_space<vmem>> -> memref<32x128xf32, #tpu.memory_space<vmem>>
      %dma_start3A_1663 = arith.constant 0 : i32
      %dma_start3A_1664 = arith.constant 0 : i32
      %dma_start3A_1665 = tpu.memref_slice %dma_start3A_1662[%dma_start3A_1663, %dma_start3A_1664] : memref<32x128xf32, #tpu.memory_space<vmem>> -> memref<8x128xf32, #tpu.memory_space<vmem>>
      %dma_start3A_1666 = arith.constant 0 : i32
      %dma_start3A_1667 = tpu.memref_slice %arg4[%dma_start3A_1666, %multiple_of3A_1643] : memref<32x1000000xf32, #tpu.memory_space<hbm>> -> memref<8x128xf32, #tpu.memory_space<hbm>>
      tpu.enqueue_dma source(%dma_start3A_1667 : memref<8x128xf32, #tpu.memory_space<hbm>>) target(%dma_start3A_1665 : memref<8x128xf32, #tpu.memory_space<vmem>>) target_semaphore(%arg11 : memref<!tpu.dma_semaphore, #tpu.memory_space<semaphore_mem>>)
      %dma_start3A_1668 = arith.constant 4 : i32
      %dma_start3A_1669 = arith.constant 0 : i32
      %dma_start3A_1670 = arith.constant 0 : i32
      %dma_start3A_1671 = tpu.memref_slice %arg9[%dma_start3A_1668, %dma_start3A_1669, %dma_start3A_1670] : memref<16x32x128xf32, #tpu.memory_space<vmem>> -> memref<1x32x128xf32, #tpu.memory_space<vmem>>
      %dma_start3A_1672 = tpu.memref_squeeze %dma_start3A_1671 : memref<1x32x128xf32, #tpu.memory_space<vmem>> -> memref<32x128xf32, #tpu.memory_space<vmem>>
      %dma_start3A_1673 = arith.constant 0 : i32
      %dma_start3A_1674 = arith.constant 0 : i32
      %dma_start3A_1675 = tpu.memref_slice %dma_start3A_1672[%dma_start3A_1673, %dma_start3A_1674] : memref<32x128xf32, #tpu.memory_space<vmem>> -> memref<8x128xf32, #tpu.memory_space<vmem>>
      %dma_start3A_1676 = arith.constant 0 : i32
      %dma_start3A_1677 = tpu.memref_slice %arg5[%dma_start3A_1676, %multiple_of3A_1648] : memref<32x1000000xf32, #tpu.memory_space<hbm>> -> memref<8x128xf32, #tpu.memory_space<hbm>>
      %dma_start3A_1678 = arith.constant 0 : i32
      %dma_start3A_1679 = arith.constant 0 : i32
      %dma_start3A_1680 = tpu.memref_slice %arg9[%dma_start3A_1668, %dma_start3A_1678, %dma_start3A_1679] : memref<16x32x128xf32, #tpu.memory_space<vmem>> -> memref<1x32x128xf32, #tpu.memory_space<vmem>>
      %dma_start3A_1681 = tpu.memref_squeeze %dma_start3A_1680 : memref<1x32x128xf32, #tpu.memory_space<vmem>> -> memref<32x128xf32, #tpu.memory_space<vmem>>
      %dma_start3A_1682 = arith.constant 0 : i32
      %dma_start3A_1683 = arith.constant 0 : i32
      %dma_start3A_1684 = tpu.memref_slice %dma_start3A_1681[%dma_start3A_1682, %dma_start3A_1683] : memref<32x128xf32, #tpu.memory_space<vmem>> -> memref<8x128xf32, #tpu.memory_space<vmem>>
      %dma_start3A_1685 = arith.constant 0 : i32
      %dma_start3A_1686 = tpu.memref_slice %arg5[%dma_start3A_1685, %multiple_of3A_1648] : memref<32x1000000xf32, #tpu.memory_space<hbm>> -> memref<8x128xf32, #tpu.memory_space<hbm>>
      tpu.enqueue_dma source(%dma_start3A_1686 : memref<8x128xf32, #tpu.memory_space<hbm>>) target(%dma_start3A_1684 : memref<8x128xf32, #tpu.memory_space<vmem>>) target_semaphore(%arg11 : memref<!tpu.dma_semaphore, #tpu.memory_space<semaphore_mem>>)
      %dma_start3A_1687 = arith.constant 0 : i32
      %dma_start3A_1688 = arith.constant 0 : i32
      %dma_start3A_1689 = arith.constant 0 : i32
      %dma_start3A_1690 = tpu.memref_slice %arg9[%dma_start3A_1687, %dma_start3A_1688, %dma_start3A_1689] : memref<16x32x128xf32, #tpu.memory_space<vmem>> -> memref<1x32x128xf32, #tpu.memory_space<vmem>>
      %dma_start3A_1691 = tpu.memref_squeeze %dma_start3A_1690 : memref<1x32x128xf32, #tpu.memory_space<vmem>> -> memref<32x128xf32, #tpu.memory_space<vmem>>
      %dma_start3A_1692 = arith.constant 8 : i32
      %dma_start3A_1693 = arith.constant 0 : i32
      %dma_start3A_1694 = tpu.memref_slice %dma_start3A_1691[%dma_start3A_1692, %dma_start3A_1693] : memref<32x128xf32, #tpu.memory_space<vmem>> -> memref<8x128xf32, #tpu.memory_space<vmem>>
      %dma_start3A_1695 = arith.constant 8 : i32
      %dma_start3A_1696 = tpu.memref_slice %arg4[%dma_start3A_1695, %multiple_of3A_1643] : memref<32x1000000xf32, #tpu.memory_space<hbm>> -> memref<8x128xf32, #tpu.memory_space<hbm>>
      %dma_start3A_1697 = arith.constant 0 : i32
      %dma_start3A_1698 = arith.constant 0 : i32
      %dma_start3A_1699 = tpu.memref_slice %arg9[%dma_start3A_1687, %dma_start3A_1697, %dma_start3A_1698] : memref<16x32x128xf32, #tpu.memory_space<vmem>> -> memref<1x32x128xf32, #tpu.memory_space<vmem>>
      %dma_start3A_1700 = tpu.memref_squeeze %dma_start3A_1699 : memref<1x32x128xf32, #tpu.memory_space<vmem>> -> memref<32x128xf32, #tpu.memory_space<vmem>>
      %dma_start3A_1701 = arith.constant 8 : i32
      %dma_start3A_1702 = arith.constant 0 : i32
      %dma_start3A_1703 = tpu.memref_slice %dma_start3A_1700[%dma_start3A_1701, %dma_start3A_1702] : memref<32x128xf32, #tpu.memory_space<vmem>> -> memref<8x128xf32, #tpu.memory_space<vmem>>
      %dma_start3A_1704 = arith.constant 8 : i32
      %dma_start3A_1705 = tpu.memref_slice %arg4[%dma_start3A_1704, %multiple_of3A_1643] : memref<32x1000000xf32, #tpu.memory_space<hbm>> -> memref<8x128xf32, #tpu.memory_space<hbm>>
      tpu.enqueue_dma source(%dma_start3A_1705 : memref<8x128xf32, #tpu.memory_space<hbm>>) target(%dma_start3A_1703 : memref<8x128xf32, #tpu.memory_space<vmem>>) target_semaphore(%arg11 : memref<!tpu.dma_semaphore, #tpu.memory_space<semaphore_mem>>)
      %dma_start3A_1706 = arith.constant 4 : i32
      %dma_start3A_1707 = arith.constant 0 : i32
      %dma_start3A_1708 = arith.constant 0 : i32
      %dma_start3A_1709 = tpu.memref_slice %arg9[%dma_start3A_1706, %dma_start3A_1707, %dma_start3A_1708] : memref<16x32x128xf32, #tpu.memory_space<vmem>> -> memref<1x32x128xf32, #tpu.memory_space<vmem>>
      %dma_start3A_1710 = tpu.memref_squeeze %dma_start3A_1709 : memref<1x32x128xf32, #tpu.memory_space<vmem>> -> memref<32x128xf32, #tpu.memory_space<vmem>>
      %dma_start3A_1711 = arith.constant 8 : i32
      %dma_start3A_1712 = arith.constant 0 : i32
      %dma_start3A_1713 = tpu.memref_slice %dma_start3A_1710[%dma_start3A_1711, %dma_start3A_1712] : memref<32x128xf32, #tpu.memory_space<vmem>> -> memref<8x128xf32, #tpu.memory_space<vmem>>
      %dma_start3A_1714 = arith.constant 8 : i32
      %dma_start3A_1715 = tpu.memref_slice %arg5[%dma_start3A_1714, %multiple_of3A_1648] : memref<32x1000000xf32, #tpu.memory_space<hbm>> -> memref<8x128xf32, #tpu.memory_space<hbm>>
      %dma_start3A_1716 = arith.constant 0 : i32
      %dma_start3A_1717 = arith.constant 0 : i32
      %dma_start3A_1718 = tpu.memref_slice %arg9[%dma_start3A_1706, %dma_start3A_1716, %dma_start3A_1717] : memref<16x32x128xf32, #tpu.memory_space<vmem>> -> memref<1x32x128xf32, #tpu.memory_space<vmem>>
      %dma_start3A_1719 = tpu.memref_squeeze %dma_start3A_1718 : memref<1x32x128xf32, #tpu.memory_space<vmem>> -> memref<32x128xf32, #tpu.memory_space<vmem>>
      %dma_start3A_1720 = arith.constant 8 : i32
      %dma_start3A_1721 = arith.constant 0 : i32
      %dma_start3A_1722 = tpu.memref_slice %dma_start3A_1719[%dma_start3A_1720, %dma_start3A_1721] : memref<32x128xf32, #tpu.memory_space<vmem>> -> memref<8x128xf32, #tpu.memory_space<vmem>>
      %dma_start3A_1723 = arith.constant 8 : i32
      %dma_start3A_1724 = tpu.memref_slice %arg5[%dma_start3A_1723, %multiple_of3A_1648] : memref<32x1000000xf32, #tpu.memory_space<hbm>> -> memref<8x128xf32, #tpu.memory_space<hbm>>
      tpu.enqueue_dma source(%dma_start3A_1724 : memref<8x128xf32, #tpu.memory_space<hbm>>) target(%dma_start3A_1722 : memref<8x128xf32, #tpu.memory_space<vmem>>) target_semaphore(%arg11 : memref<!tpu.dma_semaphore, #tpu.memory_space<semaphore_mem>>)
      %dma_start3A_1725 = arith.constant 0 : i32
      %dma_start3A_1726 = arith.constant 0 : i32
      %dma_start3A_1727 = arith.constant 0 : i32
      %dma_start3A_1728 = tpu.memref_slice %arg9[%dma_start3A_1725, %dma_start3A_1726, %dma_start3A_1727] : memref<16x32x128xf32, #tpu.memory_space<vmem>> -> memref<1x32x128xf32, #tpu.memory_space<vmem>>
      %dma_start3A_1729 = tpu.memref_squeeze %dma_start3A_1728 : memref<1x32x128xf32, #tpu.memory_space<vmem>> -> memref<32x128xf32, #tpu.memory_space<vmem>>
      %dma_start3A_1730 = arith.constant 16 : i32
      %dma_start3A_1731 = arith.constant 0 : i32
      %dma_start3A_1732 = tpu.memref_slice %dma_start3A_1729[%dma_start3A_1730, %dma_start3A_1731] : memref<32x128xf32, #tpu.memory_space<vmem>> -> memref<8x128xf32, #tpu.memory_space<vmem>>
      %dma_start3A_1733 = arith.constant 16 : i32
      %dma_start3A_1734 = tpu.memref_slice %arg4[%dma_start3A_1733, %multiple_of3A_1643] : memref<32x1000000xf32, #tpu.memory_space<hbm>> -> memref<8x128xf32, #tpu.memory_space<hbm>>
      %dma_start3A_1735 = arith.constant 0 : i32
      %dma_start3A_1736 = arith.constant 0 : i32
      %dma_start3A_1737 = tpu.memref_slice %arg9[%dma_start3A_1725, %dma_start3A_1735, %dma_start3A_1736] : memref<16x32x128xf32, #tpu.memory_space<vmem>> -> memref<1x32x128xf32, #tpu.memory_space<vmem>>
      %dma_start3A_1738 = tpu.memref_squeeze %dma_start3A_1737 : memref<1x32x128xf32, #tpu.memory_space<vmem>> -> memref<32x128xf32, #tpu.memory_space<vmem>>
      %dma_start3A_1739 = arith.constant 16 : i32
      %dma_start3A_1740 = arith.constant 0 : i32
      %dma_start3A_1741 = tpu.memref_slice %dma_start3A_1738[%dma_start3A_1739, %dma_start3A_1740] : memref<32x128xf32, #tpu.memory_space<vmem>> -> memref<8x128xf32, #tpu.memory_space<vmem>>
      %dma_start3A_1742 = arith.constant 16 : i32
      %dma_start3A_1743 = tpu.memref_slice %arg4[%dma_start3A_1742, %multiple_of3A_1643] : memref<32x1000000xf32, #tpu.memory_space<hbm>> -> memref<8x128xf32, #tpu.memory_space<hbm>>
      tpu.enqueue_dma source(%dma_start3A_1743 : memref<8x128xf32, #tpu.memory_space<hbm>>) target(%dma_start3A_1741 : memref<8x128xf32, #tpu.memory_space<vmem>>) target_semaphore(%arg11 : memref<!tpu.dma_semaphore, #tpu.memory_space<semaphore_mem>>)
      %dma_start3A_1744 = arith.constant 4 : i32
      %dma_start3A_1745 = arith.constant 0 : i32
      %dma_start3A_1746 = arith.constant 0 : i32
      %dma_start3A_1747 = tpu.memref_slice %arg9[%dma_start3A_1744, %dma_start3A_1745, %dma_start3A_1746] : memref<16x32x128xf32, #tpu.memory_space<vmem>> -> memref<1x32x128xf32, #tpu.memory_space<vmem>>
      %dma_start3A_1748 = tpu.memref_squeeze %dma_start3A_1747 : memref<1x32x128xf32, #tpu.memory_space<vmem>> -> memref<32x128xf32, #tpu.memory_space<vmem>>
      %dma_start3A_1749 = arith.constant 16 : i32
      %dma_start3A_1750 = arith.constant 0 : i32
      %dma_start3A_1751 = tpu.memref_slice %dma_start3A_1748[%dma_start3A_1749, %dma_start3A_1750] : memref<32x128xf32, #tpu.memory_space<vmem>> -> memref<8x128xf32, #tpu.memory_space<vmem>>
      %dma_start3A_1752 = arith.constant 16 : i32
      %dma_start3A_1753 = tpu.memref_slice %arg5[%dma_start3A_1752, %multiple_of3A_1648] : memref<32x1000000xf32, #tpu.memory_space<hbm>> -> memref<8x128xf32, #tpu.memory_space<hbm>>
      %dma_start3A_1754 = arith.constant 0 : i32
      %dma_start3A_1755 = arith.constant 0 : i32
      %dma_start3A_1756 = tpu.memref_slice %arg9[%dma_start3A_1744, %dma_start3A_1754, %dma_start3A_1755] : memref<16x32x128xf32, #tpu.memory_space<vmem>> -> memref<1x32x128xf32, #tpu.memory_space<vmem>>
      %dma_start3A_1757 = tpu.memref_squeeze %dma_start3A_1756 : memref<1x32x128xf32, #tpu.memory_space<vmem>> -> memref<32x128xf32, #tpu.memory_space<vmem>>
      %dma_start3A_1758 = arith.constant 16 : i32
      %dma_start3A_1759 = arith.constant 0 : i32
      %dma_start3A_1760 = tpu.memref_slice %dma_start3A_1757[%dma_start3A_1758, %dma_start3A_1759] : memref<32x128xf32, #tpu.memory_space<vmem>> -> memref<8x128xf32, #tpu.memory_space<vmem>>
      %dma_start3A_1761 = arith.constant 16 : i32
      %dma_start3A_1762 = tpu.memref_slice %arg5[%dma_start3A_1761, %multiple_of3A_1648] : memref<32x1000000xf32, #tpu.memory_space<hbm>> -> memref<8x128xf32, #tpu.memory_space<hbm>>
      tpu.enqueue_dma source(%dma_start3A_1762 : memref<8x128xf32, #tpu.memory_space<hbm>>) target(%dma_start3A_1760 : memref<8x128xf32, #tpu.memory_space<vmem>>) target_semaphore(%arg11 : memref<!tpu.dma_semaphore, #tpu.memory_space<semaphore_mem>>)
      %dma_start3A_1763 = arith.constant 0 : i32
      %dma_start3A_1764 = arith.constant 0 : i32
      %dma_start3A_1765 = arith.constant 0 : i32
      %dma_start3A_1766 = tpu.memref_slice %arg9[%dma_start3A_1763, %dma_start3A_1764, %dma_start3A_1765] : memref<16x32x128xf32, #tpu.memory_space<vmem>> -> memref<1x32x128xf32, #tpu.memory_space<vmem>>
      %dma_start3A_1767 = tpu.memref_squeeze %dma_start3A_1766 : memref<1x32x128xf32, #tpu.memory_space<vmem>> -> memref<32x128xf32, #tpu.memory_space<vmem>>
      %dma_start3A_1768 = arith.constant 24 : i32
      %dma_start3A_1769 = arith.constant 0 : i32
      %dma_start3A_1770 = tpu.memref_slice %dma_start3A_1767[%dma_start3A_1768, %dma_start3A_1769] : memref<32x128xf32, #tpu.memory_space<vmem>> -> memref<8x128xf32, #tpu.memory_space<vmem>>
      %dma_start3A_1771 = arith.constant 24 : i32
      %dma_start3A_1772 = tpu.memref_slice %arg4[%dma_start3A_1771, %multiple_of3A_1643] : memref<32x1000000xf32, #tpu.memory_space<hbm>> -> memref<8x128xf32, #tpu.memory_space<hbm>>
      %dma_start3A_1773 = arith.constant 0 : i32
      %dma_start3A_1774 = arith.constant 0 : i32
      %dma_start3A_1775 = tpu.memref_slice %arg9[%dma_start3A_1763, %dma_start3A_1773, %dma_start3A_1774] : memref<16x32x128xf32, #tpu.memory_space<vmem>> -> memref<1x32x128xf32, #tpu.memory_space<vmem>>
      %dma_start3A_1776 = tpu.memref_squeeze %dma_start3A_1775 : memref<1x32x128xf32, #tpu.memory_space<vmem>> -> memref<32x128xf32, #tpu.memory_space<vmem>>
      %dma_start3A_1777 = arith.constant 24 : i32
      %dma_start3A_1778 = arith.constant 0 : i32
      %dma_start3A_1779 = tpu.memref_slice %dma_start3A_1776[%dma_start3A_1777, %dma_start3A_1778] : memref<32x128xf32, #tpu.memory_space<vmem>> -> memref<8x128xf32, #tpu.memory_space<vmem>>
      %dma_start3A_1780 = arith.constant 24 : i32
      %dma_start3A_1781 = tpu.memref_slice %arg4[%dma_start3A_1780, %multiple_of3A_1643] : memref<32x1000000xf32, #tpu.memory_space<hbm>> -> memref<8x128xf32, #tpu.memory_space<hbm>>
      tpu.enqueue_dma source(%dma_start3A_1781 : memref<8x128xf32, #tpu.memory_space<hbm>>) target(%dma_start3A_1779 : memref<8x128xf32, #tpu.memory_space<vmem>>) target_semaphore(%arg11 : memref<!tpu.dma_semaphore, #tpu.memory_space<semaphore_mem>>)
      %dma_start3A_1782 = arith.constant 4 : i32
      %dma_start3A_1783 = arith.constant 0 : i32
      %dma_start3A_1784 = arith.constant 0 : i32
      %dma_start3A_1785 = tpu.memref_slice %arg9[%dma_start3A_1782, %dma_start3A_1783, %dma_start3A_1784] : memref<16x32x128xf32, #tpu.memory_space<vmem>> -> memref<1x32x128xf32, #tpu.memory_space<vmem>>
      %dma_start3A_1786 = tpu.memref_squeeze %dma_start3A_1785 : memref<1x32x128xf32, #tpu.memory_space<vmem>> -> memref<32x128xf32, #tpu.memory_space<vmem>>
      %dma_start3A_1787 = arith.constant 24 : i32
      %dma_start3A_1788 = arith.constant 0 : i32
      %dma_start3A_1789 = tpu.memref_slice %dma_start3A_1786[%dma_start3A_1787, %dma_start3A_1788] : memref<32x128xf32, #tpu.memory_space<vmem>> -> memref<8x128xf32, #tpu.memory_space<vmem>>
      %dma_start3A_1790 = arith.constant 24 : i32
      %dma_start3A_1791 = tpu.memref_slice %arg5[%dma_start3A_1790, %multiple_of3A_1648] : memref<32x1000000xf32, #tpu.memory_space<hbm>> -> memref<8x128xf32, #tpu.memory_space<hbm>>
      %dma_start3A_1792 = arith.constant 0 : i32
      %dma_start3A_1793 = arith.constant 0 : i32
      %dma_start3A_1794 = tpu.memref_slice %arg9[%dma_start3A_1782, %dma_start3A_1792, %dma_start3A_1793] : memref<16x32x128xf32, #tpu.memory_space<vmem>> -> memref<1x32x128xf32, #tpu.memory_space<vmem>>
      %dma_start3A_1795 = tpu.memref_squeeze %dma_start3A_1794 : memref<1x32x128xf32, #tpu.memory_space<vmem>> -> memref<32x128xf32, #tpu.memory_space<vmem>>
      %dma_start3A_1796 = arith.constant 24 : i32
      %dma_start3A_1797 = arith.constant 0 : i32
      %dma_start3A_1798 = tpu.memref_slice %dma_start3A_1795[%dma_start3A_1796, %dma_start3A_1797] : memref<32x128xf32, #tpu.memory_space<vmem>> -> memref<8x128xf32, #tpu.memory_space<vmem>>
      %dma_start3A_1799 = arith.constant 24 : i32
      %dma_start3A_1800 = tpu.memref_slice %arg5[%dma_start3A_1799, %multiple_of3A_1648] : memref<32x1000000xf32, #tpu.memory_space<hbm>> -> memref<8x128xf32, #tpu.memory_space<hbm>>
      tpu.enqueue_dma source(%dma_start3A_1800 : memref<8x128xf32, #tpu.memory_space<hbm>>) target(%dma_start3A_1798 : memref<8x128xf32, #tpu.memory_space<vmem>>) target_semaphore(%arg11 : memref<!tpu.dma_semaphore, #tpu.memory_space<semaphore_mem>>)
      %slice3A_1801 = vector.extract_strided_slice %get3A_18 {offsets = [9], sizes = [1], strides = [1]} : vector<16xi32> to vector<1xi32>
      %squeeze3A_1802 = vector.extract %slice3A_1801[0] : i32 from vector<1xi32>
      %and3A_1803 = arith.constant -128 : i32
      %and3A_1804 = arith.andi %squeeze3A_1802, %and3A_1803 : i32
      %multiple_of3A_1805 = tpu.assume_multiple %and3A_1804, 128 : i32
      %slice3A_1806 = vector.extract_strided_slice %get3A_21 {offsets = [9], sizes = [1], strides = [1]} : vector<16xi32> to vector<1xi32>
      %squeeze3A_1807 = vector.extract %slice3A_1806[0] : i32 from vector<1xi32>
      %and3A_1808 = arith.constant -128 : i32
      %and3A_1809 = arith.andi %squeeze3A_1807, %and3A_1808 : i32
      %multiple_of3A_1810 = tpu.assume_multiple %and3A_1809, 128 : i32
      %dma_start3A_1811 = arith.constant 1 : i32
      %dma_start3A_1812 = arith.constant 0 : i32
      %dma_start3A_1813 = arith.constant 0 : i32
      %dma_start3A_1814 = tpu.memref_slice %arg9[%dma_start3A_1811, %dma_start3A_1812, %dma_start3A_1813] : memref<16x32x128xf32, #tpu.memory_space<vmem>> -> memref<1x32x128xf32, #tpu.memory_space<vmem>>
      %dma_start3A_1815 = tpu.memref_squeeze %dma_start3A_1814 : memref<1x32x128xf32, #tpu.memory_space<vmem>> -> memref<32x128xf32, #tpu.memory_space<vmem>>
      %dma_start3A_1816 = arith.constant 0 : i32
      %dma_start3A_1817 = arith.constant 0 : i32
      %dma_start3A_1818 = tpu.memref_slice %dma_start3A_1815[%dma_start3A_1816, %dma_start3A_1817] : memref<32x128xf32, #tpu.memory_space<vmem>> -> memref<8x128xf32, #tpu.memory_space<vmem>>
      %dma_start3A_1819 = arith.constant 0 : i32
      %dma_start3A_1820 = tpu.memref_slice %arg4[%dma_start3A_1819, %multiple_of3A_1805] : memref<32x1000000xf32, #tpu.memory_space<hbm>> -> memref<8x128xf32, #tpu.memory_space<hbm>>
      %dma_start3A_1821 = arith.constant 0 : i32
      %dma_start3A_1822 = arith.constant 0 : i32
      %dma_start3A_1823 = tpu.memref_slice %arg9[%dma_start3A_1811, %dma_start3A_1821, %dma_start3A_1822] : memref<16x32x128xf32, #tpu.memory_space<vmem>> -> memref<1x32x128xf32, #tpu.memory_space<vmem>>
      %dma_start3A_1824 = tpu.memref_squeeze %dma_start3A_1823 : memref<1x32x128xf32, #tpu.memory_space<vmem>> -> memref<32x128xf32, #tpu.memory_space<vmem>>
      %dma_start3A_1825 = arith.constant 0 : i32
      %dma_start3A_1826 = arith.constant 0 : i32
      %dma_start3A_1827 = tpu.memref_slice %dma_start3A_1824[%dma_start3A_1825, %dma_start3A_1826] : memref<32x128xf32, #tpu.memory_space<vmem>> -> memref<8x128xf32, #tpu.memory_space<vmem>>
      %dma_start3A_1828 = arith.constant 0 : i32
      %dma_start3A_1829 = tpu.memref_slice %arg4[%dma_start3A_1828, %multiple_of3A_1805] : memref<32x1000000xf32, #tpu.memory_space<hbm>> -> memref<8x128xf32, #tpu.memory_space<hbm>>
      tpu.enqueue_dma source(%dma_start3A_1829 : memref<8x128xf32, #tpu.memory_space<hbm>>) target(%dma_start3A_1827 : memref<8x128xf32, #tpu.memory_space<vmem>>) target_semaphore(%arg11 : memref<!tpu.dma_semaphore, #tpu.memory_space<semaphore_mem>>)
      %dma_start3A_1830 = arith.constant 5 : i32
      %dma_start3A_1831 = arith.constant 0 : i32
      %dma_start3A_1832 = arith.constant 0 : i32
      %dma_start3A_1833 = tpu.memref_slice %arg9[%dma_start3A_1830, %dma_start3A_1831, %dma_start3A_1832] : memref<16x32x128xf32, #tpu.memory_space<vmem>> -> memref<1x32x128xf32, #tpu.memory_space<vmem>>
      %dma_start3A_1834 = tpu.memref_squeeze %dma_start3A_1833 : memref<1x32x128xf32, #tpu.memory_space<vmem>> -> memref<32x128xf32, #tpu.memory_space<vmem>>
      %dma_start3A_1835 = arith.constant 0 : i32
      %dma_start3A_1836 = arith.constant 0 : i32
      %dma_start3A_1837 = tpu.memref_slice %dma_start3A_1834[%dma_start3A_1835, %dma_start3A_1836] : memref<32x128xf32, #tpu.memory_space<vmem>> -> memref<8x128xf32, #tpu.memory_space<vmem>>
      %dma_start3A_1838 = arith.constant 0 : i32
      %dma_start3A_1839 = tpu.memref_slice %arg5[%dma_start3A_1838, %multiple_of3A_1810] : memref<32x1000000xf32, #tpu.memory_space<hbm>> -> memref<8x128xf32, #tpu.memory_space<hbm>>
      %dma_start3A_1840 = arith.constant 0 : i32
      %dma_start3A_1841 = arith.constant 0 : i32
      %dma_start3A_1842 = tpu.memref_slice %arg9[%dma_start3A_1830, %dma_start3A_1840, %dma_start3A_1841] : memref<16x32x128xf32, #tpu.memory_space<vmem>> -> memref<1x32x128xf32, #tpu.memory_space<vmem>>
      %dma_start3A_1843 = tpu.memref_squeeze %dma_start3A_1842 : memref<1x32x128xf32, #tpu.memory_space<vmem>> -> memref<32x128xf32, #tpu.memory_space<vmem>>
      %dma_start3A_1844 = arith.constant 0 : i32
      %dma_start3A_1845 = arith.constant 0 : i32
      %dma_start3A_1846 = tpu.memref_slice %dma_start3A_1843[%dma_start3A_1844, %dma_start3A_1845] : memref<32x128xf32, #tpu.memory_space<vmem>> -> memref<8x128xf32, #tpu.memory_space<vmem>>
      %dma_start3A_1847 = arith.constant 0 : i32
      %dma_start3A_1848 = tpu.memref_slice %arg5[%dma_start3A_1847, %multiple_of3A_1810] : memref<32x1000000xf32, #tpu.memory_space<hbm>> -> memref<8x128xf32, #tpu.memory_space<hbm>>
      tpu.enqueue_dma source(%dma_start3A_1848 : memref<8x128xf32, #tpu.memory_space<hbm>>) target(%dma_start3A_1846 : memref<8x128xf32, #tpu.memory_space<vmem>>) target_semaphore(%arg11 : memref<!tpu.dma_semaphore, #tpu.memory_space<semaphore_mem>>)
      %dma_start3A_1849 = arith.constant 1 : i32
      %dma_start3A_1850 = arith.constant 0 : i32
      %dma_start3A_1851 = arith.constant 0 : i32
      %dma_start3A_1852 = tpu.memref_slice %arg9[%dma_start3A_1849, %dma_start3A_1850, %dma_start3A_1851] : memref<16x32x128xf32, #tpu.memory_space<vmem>> -> memref<1x32x128xf32, #tpu.memory_space<vmem>>
      %dma_start3A_1853 = tpu.memref_squeeze %dma_start3A_1852 : memref<1x32x128xf32, #tpu.memory_space<vmem>> -> memref<32x128xf32, #tpu.memory_space<vmem>>
      %dma_start3A_1854 = arith.constant 8 : i32
      %dma_start3A_1855 = arith.constant 0 : i32
      %dma_start3A_1856 = tpu.memref_slice %dma_start3A_1853[%dma_start3A_1854, %dma_start3A_1855] : memref<32x128xf32, #tpu.memory_space<vmem>> -> memref<8x128xf32, #tpu.memory_space<vmem>>
      %dma_start3A_1857 = arith.constant 8 : i32
      %dma_start3A_1858 = tpu.memref_slice %arg4[%dma_start3A_1857, %multiple_of3A_1805] : memref<32x1000000xf32, #tpu.memory_space<hbm>> -> memref<8x128xf32, #tpu.memory_space<hbm>>
      %dma_start3A_1859 = arith.constant 0 : i32
      %dma_start3A_1860 = arith.constant 0 : i32
      %dma_start3A_1861 = tpu.memref_slice %arg9[%dma_start3A_1849, %dma_start3A_1859, %dma_start3A_1860] : memref<16x32x128xf32, #tpu.memory_space<vmem>> -> memref<1x32x128xf32, #tpu.memory_space<vmem>>
      %dma_start3A_1862 = tpu.memref_squeeze %dma_start3A_1861 : memref<1x32x128xf32, #tpu.memory_space<vmem>> -> memref<32x128xf32, #tpu.memory_space<vmem>>
      %dma_start3A_1863 = arith.constant 8 : i32
      %dma_start3A_1864 = arith.constant 0 : i32
      %dma_start3A_1865 = tpu.memref_slice %dma_start3A_1862[%dma_start3A_1863, %dma_start3A_1864] : memref<32x128xf32, #tpu.memory_space<vmem>> -> memref<8x128xf32, #tpu.memory_space<vmem>>
      %dma_start3A_1866 = arith.constant 8 : i32
      %dma_start3A_1867 = tpu.memref_slice %arg4[%dma_start3A_1866, %multiple_of3A_1805] : memref<32x1000000xf32, #tpu.memory_space<hbm>> -> memref<8x128xf32, #tpu.memory_space<hbm>>
      tpu.enqueue_dma source(%dma_start3A_1867 : memref<8x128xf32, #tpu.memory_space<hbm>>) target(%dma_start3A_1865 : memref<8x128xf32, #tpu.memory_space<vmem>>) target_semaphore(%arg11 : memref<!tpu.dma_semaphore, #tpu.memory_space<semaphore_mem>>)
      %dma_start3A_1868 = arith.constant 5 : i32
      %dma_start3A_1869 = arith.constant 0 : i32
      %dma_start3A_1870 = arith.constant 0 : i32
      %dma_start3A_1871 = tpu.memref_slice %arg9[%dma_start3A_1868, %dma_start3A_1869, %dma_start3A_1870] : memref<16x32x128xf32, #tpu.memory_space<vmem>> -> memref<1x32x128xf32, #tpu.memory_space<vmem>>
      %dma_start3A_1872 = tpu.memref_squeeze %dma_start3A_1871 : memref<1x32x128xf32, #tpu.memory_space<vmem>> -> memref<32x128xf32, #tpu.memory_space<vmem>>
      %dma_start3A_1873 = arith.constant 8 : i32
      %dma_start3A_1874 = arith.constant 0 : i32
      %dma_start3A_1875 = tpu.memref_slice %dma_start3A_1872[%dma_start3A_1873, %dma_start3A_1874] : memref<32x128xf32, #tpu.memory_space<vmem>> -> memref<8x128xf32, #tpu.memory_space<vmem>>
      %dma_start3A_1876 = arith.constant 8 : i32
      %dma_start3A_1877 = tpu.memref_slice %arg5[%dma_start3A_1876, %multiple_of3A_1810] : memref<32x1000000xf32, #tpu.memory_space<hbm>> -> memref<8x128xf32, #tpu.memory_space<hbm>>
      %dma_start3A_1878 = arith.constant 0 : i32
      %dma_start3A_1879 = arith.constant 0 : i32
      %dma_start3A_1880 = tpu.memref_slice %arg9[%dma_start3A_1868, %dma_start3A_1878, %dma_start3A_1879] : memref<16x32x128xf32, #tpu.memory_space<vmem>> -> memref<1x32x128xf32, #tpu.memory_space<vmem>>
      %dma_start3A_1881 = tpu.memref_squeeze %dma_start3A_1880 : memref<1x32x128xf32, #tpu.memory_space<vmem>> -> memref<32x128xf32, #tpu.memory_space<vmem>>
      %dma_start3A_1882 = arith.constant 8 : i32
      %dma_start3A_1883 = arith.constant 0 : i32
      %dma_start3A_1884 = tpu.memref_slice %dma_start3A_1881[%dma_start3A_1882, %dma_start3A_1883] : memref<32x128xf32, #tpu.memory_space<vmem>> -> memref<8x128xf32, #tpu.memory_space<vmem>>
      %dma_start3A_1885 = arith.constant 8 : i32
      %dma_start3A_1886 = tpu.memref_slice %arg5[%dma_start3A_1885, %multiple_of3A_1810] : memref<32x1000000xf32, #tpu.memory_space<hbm>> -> memref<8x128xf32, #tpu.memory_space<hbm>>
      tpu.enqueue_dma source(%dma_start3A_1886 : memref<8x128xf32, #tpu.memory_space<hbm>>) target(%dma_start3A_1884 : memref<8x128xf32, #tpu.memory_space<vmem>>) target_semaphore(%arg11 : memref<!tpu.dma_semaphore, #tpu.memory_space<semaphore_mem>>)
      %dma_start3A_1887 = arith.constant 1 : i32
      %dma_start3A_1888 = arith.constant 0 : i32
      %dma_start3A_1889 = arith.constant 0 : i32
      %dma_start3A_1890 = tpu.memref_slice %arg9[%dma_start3A_1887, %dma_start3A_1888, %dma_start3A_1889] : memref<16x32x128xf32, #tpu.memory_space<vmem>> -> memref<1x32x128xf32, #tpu.memory_space<vmem>>
      %dma_start3A_1891 = tpu.memref_squeeze %dma_start3A_1890 : memref<1x32x128xf32, #tpu.memory_space<vmem>> -> memref<32x128xf32, #tpu.memory_space<vmem>>
      %dma_start3A_1892 = arith.constant 16 : i32
      %dma_start3A_1893 = arith.constant 0 : i32
      %dma_start3A_1894 = tpu.memref_slice %dma_start3A_1891[%dma_start3A_1892, %dma_start3A_1893] : memref<32x128xf32, #tpu.memory_space<vmem>> -> memref<8x128xf32, #tpu.memory_space<vmem>>
      %dma_start3A_1895 = arith.constant 16 : i32
      %dma_start3A_1896 = tpu.memref_slice %arg4[%dma_start3A_1895, %multiple_of3A_1805] : memref<32x1000000xf32, #tpu.memory_space<hbm>> -> memref<8x128xf32, #tpu.memory_space<hbm>>
      %dma_start3A_1897 = arith.constant 0 : i32
      %dma_start3A_1898 = arith.constant 0 : i32
      %dma_start3A_1899 = tpu.memref_slice %arg9[%dma_start3A_1887, %dma_start3A_1897, %dma_start3A_1898] : memref<16x32x128xf32, #tpu.memory_space<vmem>> -> memref<1x32x128xf32, #tpu.memory_space<vmem>>
      %dma_start3A_1900 = tpu.memref_squeeze %dma_start3A_1899 : memref<1x32x128xf32, #tpu.memory_space<vmem>> -> memref<32x128xf32, #tpu.memory_space<vmem>>
      %dma_start3A_1901 = arith.constant 16 : i32
      %dma_start3A_1902 = arith.constant 0 : i32
      %dma_start3A_1903 = tpu.memref_slice %dma_start3A_1900[%dma_start3A_1901, %dma_start3A_1902] : memref<32x128xf32, #tpu.memory_space<vmem>> -> memref<8x128xf32, #tpu.memory_space<vmem>>
      %dma_start3A_1904 = arith.constant 16 : i32
      %dma_start3A_1905 = tpu.memref_slice %arg4[%dma_start3A_1904, %multiple_of3A_1805] : memref<32x1000000xf32, #tpu.memory_space<hbm>> -> memref<8x128xf32, #tpu.memory_space<hbm>>
      tpu.enqueue_dma source(%dma_start3A_1905 : memref<8x128xf32, #tpu.memory_space<hbm>>) target(%dma_start3A_1903 : memref<8x128xf32, #tpu.memory_space<vmem>>) target_semaphore(%arg11 : memref<!tpu.dma_semaphore, #tpu.memory_space<semaphore_mem>>)
      %dma_start3A_1906 = arith.constant 5 : i32
      %dma_start3A_1907 = arith.constant 0 : i32
      %dma_start3A_1908 = arith.constant 0 : i32
      %dma_start3A_1909 = tpu.memref_slice %arg9[%dma_start3A_1906, %dma_start3A_1907, %dma_start3A_1908] : memref<16x32x128xf32, #tpu.memory_space<vmem>> -> memref<1x32x128xf32, #tpu.memory_space<vmem>>
      %dma_start3A_1910 = tpu.memref_squeeze %dma_start3A_1909 : memref<1x32x128xf32, #tpu.memory_space<vmem>> -> memref<32x128xf32, #tpu.memory_space<vmem>>
      %dma_start3A_1911 = arith.constant 16 : i32
      %dma_start3A_1912 = arith.constant 0 : i32
      %dma_start3A_1913 = tpu.memref_slice %dma_start3A_1910[%dma_start3A_1911, %dma_start3A_1912] : memref<32x128xf32, #tpu.memory_space<vmem>> -> memref<8x128xf32, #tpu.memory_space<vmem>>
      %dma_start3A_1914 = arith.constant 16 : i32
      %dma_start3A_1915 = tpu.memref_slice %arg5[%dma_start3A_1914, %multiple_of3A_1810] : memref<32x1000000xf32, #tpu.memory_space<hbm>> -> memref<8x128xf32, #tpu.memory_space<hbm>>
      %dma_start3A_1916 = arith.constant 0 : i32
      %dma_start3A_1917 = arith.constant 0 : i32
      %dma_start3A_1918 = tpu.memref_slice %arg9[%dma_start3A_1906, %dma_start3A_1916, %dma_start3A_1917] : memref<16x32x128xf32, #tpu.memory_space<vmem>> -> memref<1x32x128xf32, #tpu.memory_space<vmem>>
      %dma_start3A_1919 = tpu.memref_squeeze %dma_start3A_1918 : memref<1x32x128xf32, #tpu.memory_space<vmem>> -> memref<32x128xf32, #tpu.memory_space<vmem>>
      %dma_start3A_1920 = arith.constant 16 : i32
      %dma_start3A_1921 = arith.constant 0 : i32
      %dma_start3A_1922 = tpu.memref_slice %dma_start3A_1919[%dma_start3A_1920, %dma_start3A_1921] : memref<32x128xf32, #tpu.memory_space<vmem>> -> memref<8x128xf32, #tpu.memory_space<vmem>>
      %dma_start3A_1923 = arith.constant 16 : i32
      %dma_start3A_1924 = tpu.memref_slice %arg5[%dma_start3A_1923, %multiple_of3A_1810] : memref<32x1000000xf32, #tpu.memory_space<hbm>> -> memref<8x128xf32, #tpu.memory_space<hbm>>
      tpu.enqueue_dma source(%dma_start3A_1924 : memref<8x128xf32, #tpu.memory_space<hbm>>) target(%dma_start3A_1922 : memref<8x128xf32, #tpu.memory_space<vmem>>) target_semaphore(%arg11 : memref<!tpu.dma_semaphore, #tpu.memory_space<semaphore_mem>>)
      %dma_start3A_1925 = arith.constant 1 : i32
      %dma_start3A_1926 = arith.constant 0 : i32
      %dma_start3A_1927 = arith.constant 0 : i32
      %dma_start3A_1928 = tpu.memref_slice %arg9[%dma_start3A_1925, %dma_start3A_1926, %dma_start3A_1927] : memref<16x32x128xf32, #tpu.memory_space<vmem>> -> memref<1x32x128xf32, #tpu.memory_space<vmem>>
      %dma_start3A_1929 = tpu.memref_squeeze %dma_start3A_1928 : memref<1x32x128xf32, #tpu.memory_space<vmem>> -> memref<32x128xf32, #tpu.memory_space<vmem>>
      %dma_start3A_1930 = arith.constant 24 : i32
      %dma_start3A_1931 = arith.constant 0 : i32
      %dma_start3A_1932 = tpu.memref_slice %dma_start3A_1929[%dma_start3A_1930, %dma_start3A_1931] : memref<32x128xf32, #tpu.memory_space<vmem>> -> memref<8x128xf32, #tpu.memory_space<vmem>>
      %dma_start3A_1933 = arith.constant 24 : i32
      %dma_start3A_1934 = tpu.memref_slice %arg4[%dma_start3A_1933, %multiple_of3A_1805] : memref<32x1000000xf32, #tpu.memory_space<hbm>> -> memref<8x128xf32, #tpu.memory_space<hbm>>
      %dma_start3A_1935 = arith.constant 0 : i32
      %dma_start3A_1936 = arith.constant 0 : i32
      %dma_start3A_1937 = tpu.memref_slice %arg9[%dma_start3A_1925, %dma_start3A_1935, %dma_start3A_1936] : memref<16x32x128xf32, #tpu.memory_space<vmem>> -> memref<1x32x128xf32, #tpu.memory_space<vmem>>
      %dma_start3A_1938 = tpu.memref_squeeze %dma_start3A_1937 : memref<1x32x128xf32, #tpu.memory_space<vmem>> -> memref<32x128xf32, #tpu.memory_space<vmem>>
      %dma_start3A_1939 = arith.constant 24 : i32
      %dma_start3A_1940 = arith.constant 0 : i32
      %dma_start3A_1941 = tpu.memref_slice %dma_start3A_1938[%dma_start3A_1939, %dma_start3A_1940] : memref<32x128xf32, #tpu.memory_space<vmem>> -> memref<8x128xf32, #tpu.memory_space<vmem>>
      %dma_start3A_1942 = arith.constant 24 : i32
      %dma_start3A_1943 = tpu.memref_slice %arg4[%dma_start3A_1942, %multiple_of3A_1805] : memref<32x1000000xf32, #tpu.memory_space<hbm>> -> memref<8x128xf32, #tpu.memory_space<hbm>>
      tpu.enqueue_dma source(%dma_start3A_1943 : memref<8x128xf32, #tpu.memory_space<hbm>>) target(%dma_start3A_1941 : memref<8x128xf32, #tpu.memory_space<vmem>>) target_semaphore(%arg11 : memref<!tpu.dma_semaphore, #tpu.memory_space<semaphore_mem>>)
      %dma_start3A_1944 = arith.constant 5 : i32
      %dma_start3A_1945 = arith.constant 0 : i32
      %dma_start3A_1946 = arith.constant 0 : i32
      %dma_start3A_1947 = tpu.memref_slice %arg9[%dma_start3A_1944, %dma_start3A_1945, %dma_start3A_1946] : memref<16x32x128xf32, #tpu.memory_space<vmem>> -> memref<1x32x128xf32, #tpu.memory_space<vmem>>
      %dma_start3A_1948 = tpu.memref_squeeze %dma_start3A_1947 : memref<1x32x128xf32, #tpu.memory_space<vmem>> -> memref<32x128xf32, #tpu.memory_space<vmem>>
      %dma_start3A_1949 = arith.constant 24 : i32
      %dma_start3A_1950 = arith.constant 0 : i32
      %dma_start3A_1951 = tpu.memref_slice %dma_start3A_1948[%dma_start3A_1949, %dma_start3A_1950] : memref<32x128xf32, #tpu.memory_space<vmem>> -> memref<8x128xf32, #tpu.memory_space<vmem>>
      %dma_start3A_1952 = arith.constant 24 : i32
      %dma_start3A_1953 = tpu.memref_slice %arg5[%dma_start3A_1952, %multiple_of3A_1810] : memref<32x1000000xf32, #tpu.memory_space<hbm>> -> memref<8x128xf32, #tpu.memory_space<hbm>>
      %dma_start3A_1954 = arith.constant 0 : i32
      %dma_start3A_1955 = arith.constant 0 : i32
      %dma_start3A_1956 = tpu.memref_slice %arg9[%dma_start3A_1944, %dma_start3A_1954, %dma_start3A_1955] : memref<16x32x128xf32, #tpu.memory_space<vmem>> -> memref<1x32x128xf32, #tpu.memory_space<vmem>>
      %dma_start3A_1957 = tpu.memref_squeeze %dma_start3A_1956 : memref<1x32x128xf32, #tpu.memory_space<vmem>> -> memref<32x128xf32, #tpu.memory_space<vmem>>
      %dma_start3A_1958 = arith.constant 24 : i32
      %dma_start3A_1959 = arith.constant 0 : i32
      %dma_start3A_1960 = tpu.memref_slice %dma_start3A_1957[%dma_start3A_1958, %dma_start3A_1959] : memref<32x128xf32, #tpu.memory_space<vmem>> -> memref<8x128xf32, #tpu.memory_space<vmem>>
      %dma_start3A_1961 = arith.constant 24 : i32
      %dma_start3A_1962 = tpu.memref_slice %arg5[%dma_start3A_1961, %multiple_of3A_1810] : memref<32x1000000xf32, #tpu.memory_space<hbm>> -> memref<8x128xf32, #tpu.memory_space<hbm>>
      tpu.enqueue_dma source(%dma_start3A_1962 : memref<8x128xf32, #tpu.memory_space<hbm>>) target(%dma_start3A_1960 : memref<8x128xf32, #tpu.memory_space<vmem>>) target_semaphore(%arg11 : memref<!tpu.dma_semaphore, #tpu.memory_space<semaphore_mem>>)
      %slice3A_1963 = vector.extract_strided_slice %get3A_18 {offsets = [10], sizes = [1], strides = [1]} : vector<16xi32> to vector<1xi32>
      %squeeze3A_1964 = vector.extract %slice3A_1963[0] : i32 from vector<1xi32>
      %and3A_1965 = arith.constant -128 : i32
      %and3A_1966 = arith.andi %squeeze3A_1964, %and3A_1965 : i32
      %multiple_of3A_1967 = tpu.assume_multiple %and3A_1966, 128 : i32
      %slice3A_1968 = vector.extract_strided_slice %get3A_21 {offsets = [10], sizes = [1], strides = [1]} : vector<16xi32> to vector<1xi32>
      %squeeze3A_1969 = vector.extract %slice3A_1968[0] : i32 from vector<1xi32>
      %and3A_1970 = arith.constant -128 : i32
      %and3A_1971 = arith.andi %squeeze3A_1969, %and3A_1970 : i32
      %multiple_of3A_1972 = tpu.assume_multiple %and3A_1971, 128 : i32
      %dma_start3A_1973 = arith.constant 2 : i32
      %dma_start3A_1974 = arith.constant 0 : i32
      %dma_start3A_1975 = arith.constant 0 : i32
      %dma_start3A_1976 = tpu.memref_slice %arg9[%dma_start3A_1973, %dma_start3A_1974, %dma_start3A_1975] : memref<16x32x128xf32, #tpu.memory_space<vmem>> -> memref<1x32x128xf32, #tpu.memory_space<vmem>>
      %dma_start3A_1977 = tpu.memref_squeeze %dma_start3A_1976 : memref<1x32x128xf32, #tpu.memory_space<vmem>> -> memref<32x128xf32, #tpu.memory_space<vmem>>
      %dma_start3A_1978 = arith.constant 0 : i32
      %dma_start3A_1979 = arith.constant 0 : i32
      %dma_start3A_1980 = tpu.memref_slice %dma_start3A_1977[%dma_start3A_1978, %dma_start3A_1979] : memref<32x128xf32, #tpu.memory_space<vmem>> -> memref<8x128xf32, #tpu.memory_space<vmem>>
      %dma_start3A_1981 = arith.constant 0 : i32
      %dma_start3A_1982 = tpu.memref_slice %arg4[%dma_start3A_1981, %multiple_of3A_1967] : memref<32x1000000xf32, #tpu.memory_space<hbm>> -> memref<8x128xf32, #tpu.memory_space<hbm>>
      %dma_start3A_1983 = arith.constant 0 : i32
      %dma_start3A_1984 = arith.constant 0 : i32
      %dma_start3A_1985 = tpu.memref_slice %arg9[%dma_start3A_1973, %dma_start3A_1983, %dma_start3A_1984] : memref<16x32x128xf32, #tpu.memory_space<vmem>> -> memref<1x32x128xf32, #tpu.memory_space<vmem>>
      %dma_start3A_1986 = tpu.memref_squeeze %dma_start3A_1985 : memref<1x32x128xf32, #tpu.memory_space<vmem>> -> memref<32x128xf32, #tpu.memory_space<vmem>>
      %dma_start3A_1987 = arith.constant 0 : i32
      %dma_start3A_1988 = arith.constant 0 : i32
      %dma_start3A_1989 = tpu.memref_slice %dma_start3A_1986[%dma_start3A_1987, %dma_start3A_1988] : memref<32x128xf32, #tpu.memory_space<vmem>> -> memref<8x128xf32, #tpu.memory_space<vmem>>
      %dma_start3A_1990 = arith.constant 0 : i32
      %dma_start3A_1991 = tpu.memref_slice %arg4[%dma_start3A_1990, %multiple_of3A_1967] : memref<32x1000000xf32, #tpu.memory_space<hbm>> -> memref<8x128xf32, #tpu.memory_space<hbm>>
      tpu.enqueue_dma source(%dma_start3A_1991 : memref<8x128xf32, #tpu.memory_space<hbm>>) target(%dma_start3A_1989 : memref<8x128xf32, #tpu.memory_space<vmem>>) target_semaphore(%arg11 : memref<!tpu.dma_semaphore, #tpu.memory_space<semaphore_mem>>)
      %dma_start3A_1992 = arith.constant 6 : i32
      %dma_start3A_1993 = arith.constant 0 : i32
      %dma_start3A_1994 = arith.constant 0 : i32
      %dma_start3A_1995 = tpu.memref_slice %arg9[%dma_start3A_1992, %dma_start3A_1993, %dma_start3A_1994] : memref<16x32x128xf32, #tpu.memory_space<vmem>> -> memref<1x32x128xf32, #tpu.memory_space<vmem>>
      %dma_start3A_1996 = tpu.memref_squeeze %dma_start3A_1995 : memref<1x32x128xf32, #tpu.memory_space<vmem>> -> memref<32x128xf32, #tpu.memory_space<vmem>>
      %dma_start3A_1997 = arith.constant 0 : i32
      %dma_start3A_1998 = arith.constant 0 : i32
      %dma_start3A_1999 = tpu.memref_slice %dma_start3A_1996[%dma_start3A_1997, %dma_start3A_1998] : memref<32x128xf32, #tpu.memory_space<vmem>> -> memref<8x128xf32, #tpu.memory_space<vmem>>
      %dma_start3A_2000 = arith.constant 0 : i32
      %dma_start3A_2001 = tpu.memref_slice %arg5[%dma_start3A_2000, %multiple_of3A_1972] : memref<32x1000000xf32, #tpu.memory_space<hbm>> -> memref<8x128xf32, #tpu.memory_space<hbm>>
      %dma_start3A_2002 = arith.constant 0 : i32
      %dma_start3A_2003 = arith.constant 0 : i32
      %dma_start3A_2004 = tpu.memref_slice %arg9[%dma_start3A_1992, %dma_start3A_2002, %dma_start3A_2003] : memref<16x32x128xf32, #tpu.memory_space<vmem>> -> memref<1x32x128xf32, #tpu.memory_space<vmem>>
      %dma_start3A_2005 = tpu.memref_squeeze %dma_start3A_2004 : memref<1x32x128xf32, #tpu.memory_space<vmem>> -> memref<32x128xf32, #tpu.memory_space<vmem>>
      %dma_start3A_2006 = arith.constant 0 : i32
      %dma_start3A_2007 = arith.constant 0 : i32
      %dma_start3A_2008 = tpu.memref_slice %dma_start3A_2005[%dma_start3A_2006, %dma_start3A_2007] : memref<32x128xf32, #tpu.memory_space<vmem>> -> memref<8x128xf32, #tpu.memory_space<vmem>>
      %dma_start3A_2009 = arith.constant 0 : i32
      %dma_start3A_2010 = tpu.memref_slice %arg5[%dma_start3A_2009, %multiple_of3A_1972] : memref<32x1000000xf32, #tpu.memory_space<hbm>> -> memref<8x128xf32, #tpu.memory_space<hbm>>
      tpu.enqueue_dma source(%dma_start3A_2010 : memref<8x128xf32, #tpu.memory_space<hbm>>) target(%dma_start3A_2008 : memref<8x128xf32, #tpu.memory_space<vmem>>) target_semaphore(%arg11 : memref<!tpu.dma_semaphore, #tpu.memory_space<semaphore_mem>>)
      %dma_start3A_2011 = arith.constant 2 : i32
      %dma_start3A_2012 = arith.constant 0 : i32
      %dma_start3A_2013 = arith.constant 0 : i32
      %dma_start3A_2014 = tpu.memref_slice %arg9[%dma_start3A_2011, %dma_start3A_2012, %dma_start3A_2013] : memref<16x32x128xf32, #tpu.memory_space<vmem>> -> memref<1x32x128xf32, #tpu.memory_space<vmem>>
      %dma_start3A_2015 = tpu.memref_squeeze %dma_start3A_2014 : memref<1x32x128xf32, #tpu.memory_space<vmem>> -> memref<32x128xf32, #tpu.memory_space<vmem>>
      %dma_start3A_2016 = arith.constant 8 : i32
      %dma_start3A_2017 = arith.constant 0 : i32
      %dma_start3A_2018 = tpu.memref_slice %dma_start3A_2015[%dma_start3A_2016, %dma_start3A_2017] : memref<32x128xf32, #tpu.memory_space<vmem>> -> memref<8x128xf32, #tpu.memory_space<vmem>>
      %dma_start3A_2019 = arith.constant 8 : i32
      %dma_start3A_2020 = tpu.memref_slice %arg4[%dma_start3A_2019, %multiple_of3A_1967] : memref<32x1000000xf32, #tpu.memory_space<hbm>> -> memref<8x128xf32, #tpu.memory_space<hbm>>
      %dma_start3A_2021 = arith.constant 0 : i32
      %dma_start3A_2022 = arith.constant 0 : i32
      %dma_start3A_2023 = tpu.memref_slice %arg9[%dma_start3A_2011, %dma_start3A_2021, %dma_start3A_2022] : memref<16x32x128xf32, #tpu.memory_space<vmem>> -> memref<1x32x128xf32, #tpu.memory_space<vmem>>
      %dma_start3A_2024 = tpu.memref_squeeze %dma_start3A_2023 : memref<1x32x128xf32, #tpu.memory_space<vmem>> -> memref<32x128xf32, #tpu.memory_space<vmem>>
      %dma_start3A_2025 = arith.constant 8 : i32
      %dma_start3A_2026 = arith.constant 0 : i32
      %dma_start3A_2027 = tpu.memref_slice %dma_start3A_2024[%dma_start3A_2025, %dma_start3A_2026] : memref<32x128xf32, #tpu.memory_space<vmem>> -> memref<8x128xf32, #tpu.memory_space<vmem>>
      %dma_start3A_2028 = arith.constant 8 : i32
      %dma_start3A_2029 = tpu.memref_slice %arg4[%dma_start3A_2028, %multiple_of3A_1967] : memref<32x1000000xf32, #tpu.memory_space<hbm>> -> memref<8x128xf32, #tpu.memory_space<hbm>>
      tpu.enqueue_dma source(%dma_start3A_2029 : memref<8x128xf32, #tpu.memory_space<hbm>>) target(%dma_start3A_2027 : memref<8x128xf32, #tpu.memory_space<vmem>>) target_semaphore(%arg11 : memref<!tpu.dma_semaphore, #tpu.memory_space<semaphore_mem>>)
      %dma_start3A_2030 = arith.constant 6 : i32
      %dma_start3A_2031 = arith.constant 0 : i32
      %dma_start3A_2032 = arith.constant 0 : i32
      %dma_start3A_2033 = tpu.memref_slice %arg9[%dma_start3A_2030, %dma_start3A_2031, %dma_start3A_2032] : memref<16x32x128xf32, #tpu.memory_space<vmem>> -> memref<1x32x128xf32, #tpu.memory_space<vmem>>
      %dma_start3A_2034 = tpu.memref_squeeze %dma_start3A_2033 : memref<1x32x128xf32, #tpu.memory_space<vmem>> -> memref<32x128xf32, #tpu.memory_space<vmem>>
      %dma_start3A_2035 = arith.constant 8 : i32
      %dma_start3A_2036 = arith.constant 0 : i32
      %dma_start3A_2037 = tpu.memref_slice %dma_start3A_2034[%dma_start3A_2035, %dma_start3A_2036] : memref<32x128xf32, #tpu.memory_space<vmem>> -> memref<8x128xf32, #tpu.memory_space<vmem>>
      %dma_start3A_2038 = arith.constant 8 : i32
      %dma_start3A_2039 = tpu.memref_slice %arg5[%dma_start3A_2038, %multiple_of3A_1972] : memref<32x1000000xf32, #tpu.memory_space<hbm>> -> memref<8x128xf32, #tpu.memory_space<hbm>>
      %dma_start3A_2040 = arith.constant 0 : i32
      %dma_start3A_2041 = arith.constant 0 : i32
      %dma_start3A_2042 = tpu.memref_slice %arg9[%dma_start3A_2030, %dma_start3A_2040, %dma_start3A_2041] : memref<16x32x128xf32, #tpu.memory_space<vmem>> -> memref<1x32x128xf32, #tpu.memory_space<vmem>>
      %dma_start3A_2043 = tpu.memref_squeeze %dma_start3A_2042 : memref<1x32x128xf32, #tpu.memory_space<vmem>> -> memref<32x128xf32, #tpu.memory_space<vmem>>
      %dma_start3A_2044 = arith.constant 8 : i32
      %dma_start3A_2045 = arith.constant 0 : i32
      %dma_start3A_2046 = tpu.memref_slice %dma_start3A_2043[%dma_start3A_2044, %dma_start3A_2045] : memref<32x128xf32, #tpu.memory_space<vmem>> -> memref<8x128xf32, #tpu.memory_space<vmem>>
      %dma_start3A_2047 = arith.constant 8 : i32
      %dma_start3A_2048 = tpu.memref_slice %arg5[%dma_start3A_2047, %multiple_of3A_1972] : memref<32x1000000xf32, #tpu.memory_space<hbm>> -> memref<8x128xf32, #tpu.memory_space<hbm>>
      tpu.enqueue_dma source(%dma_start3A_2048 : memref<8x128xf32, #tpu.memory_space<hbm>>) target(%dma_start3A_2046 : memref<8x128xf32, #tpu.memory_space<vmem>>) target_semaphore(%arg11 : memref<!tpu.dma_semaphore, #tpu.memory_space<semaphore_mem>>)
      %dma_start3A_2049 = arith.constant 2 : i32
      %dma_start3A_2050 = arith.constant 0 : i32
      %dma_start3A_2051 = arith.constant 0 : i32
      %dma_start3A_2052 = tpu.memref_slice %arg9[%dma_start3A_2049, %dma_start3A_2050, %dma_start3A_2051] : memref<16x32x128xf32, #tpu.memory_space<vmem>> -> memref<1x32x128xf32, #tpu.memory_space<vmem>>
      %dma_start3A_2053 = tpu.memref_squeeze %dma_start3A_2052 : memref<1x32x128xf32, #tpu.memory_space<vmem>> -> memref<32x128xf32, #tpu.memory_space<vmem>>
      %dma_start3A_2054 = arith.constant 16 : i32
      %dma_start3A_2055 = arith.constant 0 : i32
      %dma_start3A_2056 = tpu.memref_slice %dma_start3A_2053[%dma_start3A_2054, %dma_start3A_2055] : memref<32x128xf32, #tpu.memory_space<vmem>> -> memref<8x128xf32, #tpu.memory_space<vmem>>
      %dma_start3A_2057 = arith.constant 16 : i32
      %dma_start3A_2058 = tpu.memref_slice %arg4[%dma_start3A_2057, %multiple_of3A_1967] : memref<32x1000000xf32, #tpu.memory_space<hbm>> -> memref<8x128xf32, #tpu.memory_space<hbm>>
      %dma_start3A_2059 = arith.constant 0 : i32
      %dma_start3A_2060 = arith.constant 0 : i32
      %dma_start3A_2061 = tpu.memref_slice %arg9[%dma_start3A_2049, %dma_start3A_2059, %dma_start3A_2060] : memref<16x32x128xf32, #tpu.memory_space<vmem>> -> memref<1x32x128xf32, #tpu.memory_space<vmem>>
      %dma_start3A_2062 = tpu.memref_squeeze %dma_start3A_2061 : memref<1x32x128xf32, #tpu.memory_space<vmem>> -> memref<32x128xf32, #tpu.memory_space<vmem>>
      %dma_start3A_2063 = arith.constant 16 : i32
      %dma_start3A_2064 = arith.constant 0 : i32
      %dma_start3A_2065 = tpu.memref_slice %dma_start3A_2062[%dma_start3A_2063, %dma_start3A_2064] : memref<32x128xf32, #tpu.memory_space<vmem>> -> memref<8x128xf32, #tpu.memory_space<vmem>>
      %dma_start3A_2066 = arith.constant 16 : i32
      %dma_start3A_2067 = tpu.memref_slice %arg4[%dma_start3A_2066, %multiple_of3A_1967] : memref<32x1000000xf32, #tpu.memory_space<hbm>> -> memref<8x128xf32, #tpu.memory_space<hbm>>
      tpu.enqueue_dma source(%dma_start3A_2067 : memref<8x128xf32, #tpu.memory_space<hbm>>) target(%dma_start3A_2065 : memref<8x128xf32, #tpu.memory_space<vmem>>) target_semaphore(%arg11 : memref<!tpu.dma_semaphore, #tpu.memory_space<semaphore_mem>>)
      %dma_start3A_2068 = arith.constant 6 : i32
      %dma_start3A_2069 = arith.constant 0 : i32
      %dma_start3A_2070 = arith.constant 0 : i32
      %dma_start3A_2071 = tpu.memref_slice %arg9[%dma_start3A_2068, %dma_start3A_2069, %dma_start3A_2070] : memref<16x32x128xf32, #tpu.memory_space<vmem>> -> memref<1x32x128xf32, #tpu.memory_space<vmem>>
      %dma_start3A_2072 = tpu.memref_squeeze %dma_start3A_2071 : memref<1x32x128xf32, #tpu.memory_space<vmem>> -> memref<32x128xf32, #tpu.memory_space<vmem>>
      %dma_start3A_2073 = arith.constant 16 : i32
      %dma_start3A_2074 = arith.constant 0 : i32
      %dma_start3A_2075 = tpu.memref_slice %dma_start3A_2072[%dma_start3A_2073, %dma_start3A_2074] : memref<32x128xf32, #tpu.memory_space<vmem>> -> memref<8x128xf32, #tpu.memory_space<vmem>>
      %dma_start3A_2076 = arith.constant 16 : i32
      %dma_start3A_2077 = tpu.memref_slice %arg5[%dma_start3A_2076, %multiple_of3A_1972] : memref<32x1000000xf32, #tpu.memory_space<hbm>> -> memref<8x128xf32, #tpu.memory_space<hbm>>
      %dma_start3A_2078 = arith.constant 0 : i32
      %dma_start3A_2079 = arith.constant 0 : i32
      %dma_start3A_2080 = tpu.memref_slice %arg9[%dma_start3A_2068, %dma_start3A_2078, %dma_start3A_2079] : memref<16x32x128xf32, #tpu.memory_space<vmem>> -> memref<1x32x128xf32, #tpu.memory_space<vmem>>
      %dma_start3A_2081 = tpu.memref_squeeze %dma_start3A_2080 : memref<1x32x128xf32, #tpu.memory_space<vmem>> -> memref<32x128xf32, #tpu.memory_space<vmem>>
      %dma_start3A_2082 = arith.constant 16 : i32
      %dma_start3A_2083 = arith.constant 0 : i32
      %dma_start3A_2084 = tpu.memref_slice %dma_start3A_2081[%dma_start3A_2082, %dma_start3A_2083] : memref<32x128xf32, #tpu.memory_space<vmem>> -> memref<8x128xf32, #tpu.memory_space<vmem>>
      %dma_start3A_2085 = arith.constant 16 : i32
      %dma_start3A_2086 = tpu.memref_slice %arg5[%dma_start3A_2085, %multiple_of3A_1972] : memref<32x1000000xf32, #tpu.memory_space<hbm>> -> memref<8x128xf32, #tpu.memory_space<hbm>>
      tpu.enqueue_dma source(%dma_start3A_2086 : memref<8x128xf32, #tpu.memory_space<hbm>>) target(%dma_start3A_2084 : memref<8x128xf32, #tpu.memory_space<vmem>>) target_semaphore(%arg11 : memref<!tpu.dma_semaphore, #tpu.memory_space<semaphore_mem>>)
      %dma_start3A_2087 = arith.constant 2 : i32
      %dma_start3A_2088 = arith.constant 0 : i32
      %dma_start3A_2089 = arith.constant 0 : i32
      %dma_start3A_2090 = tpu.memref_slice %arg9[%dma_start3A_2087, %dma_start3A_2088, %dma_start3A_2089] : memref<16x32x128xf32, #tpu.memory_space<vmem>> -> memref<1x32x128xf32, #tpu.memory_space<vmem>>
      %dma_start3A_2091 = tpu.memref_squeeze %dma_start3A_2090 : memref<1x32x128xf32, #tpu.memory_space<vmem>> -> memref<32x128xf32, #tpu.memory_space<vmem>>
      %dma_start3A_2092 = arith.constant 24 : i32
      %dma_start3A_2093 = arith.constant 0 : i32
      %dma_start3A_2094 = tpu.memref_slice %dma_start3A_2091[%dma_start3A_2092, %dma_start3A_2093] : memref<32x128xf32, #tpu.memory_space<vmem>> -> memref<8x128xf32, #tpu.memory_space<vmem>>
      %dma_start3A_2095 = arith.constant 24 : i32
      %dma_start3A_2096 = tpu.memref_slice %arg4[%dma_start3A_2095, %multiple_of3A_1967] : memref<32x1000000xf32, #tpu.memory_space<hbm>> -> memref<8x128xf32, #tpu.memory_space<hbm>>
      %dma_start3A_2097 = arith.constant 0 : i32
      %dma_start3A_2098 = arith.constant 0 : i32
      %dma_start3A_2099 = tpu.memref_slice %arg9[%dma_start3A_2087, %dma_start3A_2097, %dma_start3A_2098] : memref<16x32x128xf32, #tpu.memory_space<vmem>> -> memref<1x32x128xf32, #tpu.memory_space<vmem>>
      %dma_start3A_2100 = tpu.memref_squeeze %dma_start3A_2099 : memref<1x32x128xf32, #tpu.memory_space<vmem>> -> memref<32x128xf32, #tpu.memory_space<vmem>>
      %dma_start3A_2101 = arith.constant 24 : i32
      %dma_start3A_2102 = arith.constant 0 : i32
      %dma_start3A_2103 = tpu.memref_slice %dma_start3A_2100[%dma_start3A_2101, %dma_start3A_2102] : memref<32x128xf32, #tpu.memory_space<vmem>> -> memref<8x128xf32, #tpu.memory_space<vmem>>
      %dma_start3A_2104 = arith.constant 24 : i32
      %dma_start3A_2105 = tpu.memref_slice %arg4[%dma_start3A_2104, %multiple_of3A_1967] : memref<32x1000000xf32, #tpu.memory_space<hbm>> -> memref<8x128xf32, #tpu.memory_space<hbm>>
      tpu.enqueue_dma source(%dma_start3A_2105 : memref<8x128xf32, #tpu.memory_space<hbm>>) target(%dma_start3A_2103 : memref<8x128xf32, #tpu.memory_space<vmem>>) target_semaphore(%arg11 : memref<!tpu.dma_semaphore, #tpu.memory_space<semaphore_mem>>)
      %dma_start3A_2106 = arith.constant 6 : i32
      %dma_start3A_2107 = arith.constant 0 : i32
      %dma_start3A_2108 = arith.constant 0 : i32
      %dma_start3A_2109 = tpu.memref_slice %arg9[%dma_start3A_2106, %dma_start3A_2107, %dma_start3A_2108] : memref<16x32x128xf32, #tpu.memory_space<vmem>> -> memref<1x32x128xf32, #tpu.memory_space<vmem>>
      %dma_start3A_2110 = tpu.memref_squeeze %dma_start3A_2109 : memref<1x32x128xf32, #tpu.memory_space<vmem>> -> memref<32x128xf32, #tpu.memory_space<vmem>>
      %dma_start3A_2111 = arith.constant 24 : i32
      %dma_start3A_2112 = arith.constant 0 : i32
      %dma_start3A_2113 = tpu.memref_slice %dma_start3A_2110[%dma_start3A_2111, %dma_start3A_2112] : memref<32x128xf32, #tpu.memory_space<vmem>> -> memref<8x128xf32, #tpu.memory_space<vmem>>
      %dma_start3A_2114 = arith.constant 24 : i32
      %dma_start3A_2115 = tpu.memref_slice %arg5[%dma_start3A_2114, %multiple_of3A_1972] : memref<32x1000000xf32, #tpu.memory_space<hbm>> -> memref<8x128xf32, #tpu.memory_space<hbm>>
      %dma_start3A_2116 = arith.constant 0 : i32
      %dma_start3A_2117 = arith.constant 0 : i32
      %dma_start3A_2118 = tpu.memref_slice %arg9[%dma_start3A_2106, %dma_start3A_2116, %dma_start3A_2117] : memref<16x32x128xf32, #tpu.memory_space<vmem>> -> memref<1x32x128xf32, #tpu.memory_space<vmem>>
      %dma_start3A_2119 = tpu.memref_squeeze %dma_start3A_2118 : memref<1x32x128xf32, #tpu.memory_space<vmem>> -> memref<32x128xf32, #tpu.memory_space<vmem>>
      %dma_start3A_2120 = arith.constant 24 : i32
      %dma_start3A_2121 = arith.constant 0 : i32
      %dma_start3A_2122 = tpu.memref_slice %dma_start3A_2119[%dma_start3A_2120, %dma_start3A_2121] : memref<32x128xf32, #tpu.memory_space<vmem>> -> memref<8x128xf32, #tpu.memory_space<vmem>>
      %dma_start3A_2123 = arith.constant 24 : i32
      %dma_start3A_2124 = tpu.memref_slice %arg5[%dma_start3A_2123, %multiple_of3A_1972] : memref<32x1000000xf32, #tpu.memory_space<hbm>> -> memref<8x128xf32, #tpu.memory_space<hbm>>
      tpu.enqueue_dma source(%dma_start3A_2124 : memref<8x128xf32, #tpu.memory_space<hbm>>) target(%dma_start3A_2122 : memref<8x128xf32, #tpu.memory_space<vmem>>) target_semaphore(%arg11 : memref<!tpu.dma_semaphore, #tpu.memory_space<semaphore_mem>>)
      %slice3A_2125 = vector.extract_strided_slice %get3A_18 {offsets = [11], sizes = [1], strides = [1]} : vector<16xi32> to vector<1xi32>
      %squeeze3A_2126 = vector.extract %slice3A_2125[0] : i32 from vector<1xi32>
      %and3A_2127 = arith.constant -128 : i32
      %and3A_2128 = arith.andi %squeeze3A_2126, %and3A_2127 : i32
      %multiple_of3A_2129 = tpu.assume_multiple %and3A_2128, 128 : i32
      %slice3A_2130 = vector.extract_strided_slice %get3A_21 {offsets = [11], sizes = [1], strides = [1]} : vector<16xi32> to vector<1xi32>
      %squeeze3A_2131 = vector.extract %slice3A_2130[0] : i32 from vector<1xi32>
      %and3A_2132 = arith.constant -128 : i32
      %and3A_2133 = arith.andi %squeeze3A_2131, %and3A_2132 : i32
      %multiple_of3A_2134 = tpu.assume_multiple %and3A_2133, 128 : i32
      %dma_start3A_2135 = arith.constant 3 : i32
      %dma_start3A_2136 = arith.constant 0 : i32
      %dma_start3A_2137 = arith.constant 0 : i32
      %dma_start3A_2138 = tpu.memref_slice %arg9[%dma_start3A_2135, %dma_start3A_2136, %dma_start3A_2137] : memref<16x32x128xf32, #tpu.memory_space<vmem>> -> memref<1x32x128xf32, #tpu.memory_space<vmem>>
      %dma_start3A_2139 = tpu.memref_squeeze %dma_start3A_2138 : memref<1x32x128xf32, #tpu.memory_space<vmem>> -> memref<32x128xf32, #tpu.memory_space<vmem>>
      %dma_start3A_2140 = arith.constant 0 : i32
      %dma_start3A_2141 = arith.constant 0 : i32
      %dma_start3A_2142 = tpu.memref_slice %dma_start3A_2139[%dma_start3A_2140, %dma_start3A_2141] : memref<32x128xf32, #tpu.memory_space<vmem>> -> memref<8x128xf32, #tpu.memory_space<vmem>>
      %dma_start3A_2143 = arith.constant 0 : i32
      %dma_start3A_2144 = tpu.memref_slice %arg4[%dma_start3A_2143, %multiple_of3A_2129] : memref<32x1000000xf32, #tpu.memory_space<hbm>> -> memref<8x128xf32, #tpu.memory_space<hbm>>
      %dma_start3A_2145 = arith.constant 0 : i32
      %dma_start3A_2146 = arith.constant 0 : i32
      %dma_start3A_2147 = tpu.memref_slice %arg9[%dma_start3A_2135, %dma_start3A_2145, %dma_start3A_2146] : memref<16x32x128xf32, #tpu.memory_space<vmem>> -> memref<1x32x128xf32, #tpu.memory_space<vmem>>
      %dma_start3A_2148 = tpu.memref_squeeze %dma_start3A_2147 : memref<1x32x128xf32, #tpu.memory_space<vmem>> -> memref<32x128xf32, #tpu.memory_space<vmem>>
      %dma_start3A_2149 = arith.constant 0 : i32
      %dma_start3A_2150 = arith.constant 0 : i32
      %dma_start3A_2151 = tpu.memref_slice %dma_start3A_2148[%dma_start3A_2149, %dma_start3A_2150] : memref<32x128xf32, #tpu.memory_space<vmem>> -> memref<8x128xf32, #tpu.memory_space<vmem>>
      %dma_start3A_2152 = arith.constant 0 : i32
      %dma_start3A_2153 = tpu.memref_slice %arg4[%dma_start3A_2152, %multiple_of3A_2129] : memref<32x1000000xf32, #tpu.memory_space<hbm>> -> memref<8x128xf32, #tpu.memory_space<hbm>>
      tpu.enqueue_dma source(%dma_start3A_2153 : memref<8x128xf32, #tpu.memory_space<hbm>>) target(%dma_start3A_2151 : memref<8x128xf32, #tpu.memory_space<vmem>>) target_semaphore(%arg11 : memref<!tpu.dma_semaphore, #tpu.memory_space<semaphore_mem>>)
      %dma_start3A_2154 = arith.constant 7 : i32
      %dma_start3A_2155 = arith.constant 0 : i32
      %dma_start3A_2156 = arith.constant 0 : i32
      %dma_start3A_2157 = tpu.memref_slice %arg9[%dma_start3A_2154, %dma_start3A_2155, %dma_start3A_2156] : memref<16x32x128xf32, #tpu.memory_space<vmem>> -> memref<1x32x128xf32, #tpu.memory_space<vmem>>
      %dma_start3A_2158 = tpu.memref_squeeze %dma_start3A_2157 : memref<1x32x128xf32, #tpu.memory_space<vmem>> -> memref<32x128xf32, #tpu.memory_space<vmem>>
      %dma_start3A_2159 = arith.constant 0 : i32
      %dma_start3A_2160 = arith.constant 0 : i32
      %dma_start3A_2161 = tpu.memref_slice %dma_start3A_2158[%dma_start3A_2159, %dma_start3A_2160] : memref<32x128xf32, #tpu.memory_space<vmem>> -> memref<8x128xf32, #tpu.memory_space<vmem>>
      %dma_start3A_2162 = arith.constant 0 : i32
      %dma_start3A_2163 = tpu.memref_slice %arg5[%dma_start3A_2162, %multiple_of3A_2134] : memref<32x1000000xf32, #tpu.memory_space<hbm>> -> memref<8x128xf32, #tpu.memory_space<hbm>>
      %dma_start3A_2164 = arith.constant 0 : i32
      %dma_start3A_2165 = arith.constant 0 : i32
      %dma_start3A_2166 = tpu.memref_slice %arg9[%dma_start3A_2154, %dma_start3A_2164, %dma_start3A_2165] : memref<16x32x128xf32, #tpu.memory_space<vmem>> -> memref<1x32x128xf32, #tpu.memory_space<vmem>>
      %dma_start3A_2167 = tpu.memref_squeeze %dma_start3A_2166 : memref<1x32x128xf32, #tpu.memory_space<vmem>> -> memref<32x128xf32, #tpu.memory_space<vmem>>
      %dma_start3A_2168 = arith.constant 0 : i32
      %dma_start3A_2169 = arith.constant 0 : i32
      %dma_start3A_2170 = tpu.memref_slice %dma_start3A_2167[%dma_start3A_2168, %dma_start3A_2169] : memref<32x128xf32, #tpu.memory_space<vmem>> -> memref<8x128xf32, #tpu.memory_space<vmem>>
      %dma_start3A_2171 = arith.constant 0 : i32
      %dma_start3A_2172 = tpu.memref_slice %arg5[%dma_start3A_2171, %multiple_of3A_2134] : memref<32x1000000xf32, #tpu.memory_space<hbm>> -> memref<8x128xf32, #tpu.memory_space<hbm>>
      tpu.enqueue_dma source(%dma_start3A_2172 : memref<8x128xf32, #tpu.memory_space<hbm>>) target(%dma_start3A_2170 : memref<8x128xf32, #tpu.memory_space<vmem>>) target_semaphore(%arg11 : memref<!tpu.dma_semaphore, #tpu.memory_space<semaphore_mem>>)
      %dma_start3A_2173 = arith.constant 3 : i32
      %dma_start3A_2174 = arith.constant 0 : i32
      %dma_start3A_2175 = arith.constant 0 : i32
      %dma_start3A_2176 = tpu.memref_slice %arg9[%dma_start3A_2173, %dma_start3A_2174, %dma_start3A_2175] : memref<16x32x128xf32, #tpu.memory_space<vmem>> -> memref<1x32x128xf32, #tpu.memory_space<vmem>>
      %dma_start3A_2177 = tpu.memref_squeeze %dma_start3A_2176 : memref<1x32x128xf32, #tpu.memory_space<vmem>> -> memref<32x128xf32, #tpu.memory_space<vmem>>
      %dma_start3A_2178 = arith.constant 8 : i32
      %dma_start3A_2179 = arith.constant 0 : i32
      %dma_start3A_2180 = tpu.memref_slice %dma_start3A_2177[%dma_start3A_2178, %dma_start3A_2179] : memref<32x128xf32, #tpu.memory_space<vmem>> -> memref<8x128xf32, #tpu.memory_space<vmem>>
      %dma_start3A_2181 = arith.constant 8 : i32
      %dma_start3A_2182 = tpu.memref_slice %arg4[%dma_start3A_2181, %multiple_of3A_2129] : memref<32x1000000xf32, #tpu.memory_space<hbm>> -> memref<8x128xf32, #tpu.memory_space<hbm>>
      %dma_start3A_2183 = arith.constant 0 : i32
      %dma_start3A_2184 = arith.constant 0 : i32
      %dma_start3A_2185 = tpu.memref_slice %arg9[%dma_start3A_2173, %dma_start3A_2183, %dma_start3A_2184] : memref<16x32x128xf32, #tpu.memory_space<vmem>> -> memref<1x32x128xf32, #tpu.memory_space<vmem>>
      %dma_start3A_2186 = tpu.memref_squeeze %dma_start3A_2185 : memref<1x32x128xf32, #tpu.memory_space<vmem>> -> memref<32x128xf32, #tpu.memory_space<vmem>>
      %dma_start3A_2187 = arith.constant 8 : i32
      %dma_start3A_2188 = arith.constant 0 : i32
      %dma_start3A_2189 = tpu.memref_slice %dma_start3A_2186[%dma_start3A_2187, %dma_start3A_2188] : memref<32x128xf32, #tpu.memory_space<vmem>> -> memref<8x128xf32, #tpu.memory_space<vmem>>
      %dma_start3A_2190 = arith.constant 8 : i32
      %dma_start3A_2191 = tpu.memref_slice %arg4[%dma_start3A_2190, %multiple_of3A_2129] : memref<32x1000000xf32, #tpu.memory_space<hbm>> -> memref<8x128xf32, #tpu.memory_space<hbm>>
      tpu.enqueue_dma source(%dma_start3A_2191 : memref<8x128xf32, #tpu.memory_space<hbm>>) target(%dma_start3A_2189 : memref<8x128xf32, #tpu.memory_space<vmem>>) target_semaphore(%arg11 : memref<!tpu.dma_semaphore, #tpu.memory_space<semaphore_mem>>)
      %dma_start3A_2192 = arith.constant 7 : i32
      %dma_start3A_2193 = arith.constant 0 : i32
      %dma_start3A_2194 = arith.constant 0 : i32
      %dma_start3A_2195 = tpu.memref_slice %arg9[%dma_start3A_2192, %dma_start3A_2193, %dma_start3A_2194] : memref<16x32x128xf32, #tpu.memory_space<vmem>> -> memref<1x32x128xf32, #tpu.memory_space<vmem>>
      %dma_start3A_2196 = tpu.memref_squeeze %dma_start3A_2195 : memref<1x32x128xf32, #tpu.memory_space<vmem>> -> memref<32x128xf32, #tpu.memory_space<vmem>>
      %dma_start3A_2197 = arith.constant 8 : i32
      %dma_start3A_2198 = arith.constant 0 : i32
      %dma_start3A_2199 = tpu.memref_slice %dma_start3A_2196[%dma_start3A_2197, %dma_start3A_2198] : memref<32x128xf32, #tpu.memory_space<vmem>> -> memref<8x128xf32, #tpu.memory_space<vmem>>
      %dma_start3A_2200 = arith.constant 8 : i32
      %dma_start3A_2201 = tpu.memref_slice %arg5[%dma_start3A_2200, %multiple_of3A_2134] : memref<32x1000000xf32, #tpu.memory_space<hbm>> -> memref<8x128xf32, #tpu.memory_space<hbm>>
      %dma_start3A_2202 = arith.constant 0 : i32
      %dma_start3A_2203 = arith.constant 0 : i32
      %dma_start3A_2204 = tpu.memref_slice %arg9[%dma_start3A_2192, %dma_start3A_2202, %dma_start3A_2203] : memref<16x32x128xf32, #tpu.memory_space<vmem>> -> memref<1x32x128xf32, #tpu.memory_space<vmem>>
      %dma_start3A_2205 = tpu.memref_squeeze %dma_start3A_2204 : memref<1x32x128xf32, #tpu.memory_space<vmem>> -> memref<32x128xf32, #tpu.memory_space<vmem>>
      %dma_start3A_2206 = arith.constant 8 : i32
      %dma_start3A_2207 = arith.constant 0 : i32
      %dma_start3A_2208 = tpu.memref_slice %dma_start3A_2205[%dma_start3A_2206, %dma_start3A_2207] : memref<32x128xf32, #tpu.memory_space<vmem>> -> memref<8x128xf32, #tpu.memory_space<vmem>>
      %dma_start3A_2209 = arith.constant 8 : i32
      %dma_start3A_2210 = tpu.memref_slice %arg5[%dma_start3A_2209, %multiple_of3A_2134] : memref<32x1000000xf32, #tpu.memory_space<hbm>> -> memref<8x128xf32, #tpu.memory_space<hbm>>
      tpu.enqueue_dma source(%dma_start3A_2210 : memref<8x128xf32, #tpu.memory_space<hbm>>) target(%dma_start3A_2208 : memref<8x128xf32, #tpu.memory_space<vmem>>) target_semaphore(%arg11 : memref<!tpu.dma_semaphore, #tpu.memory_space<semaphore_mem>>)
      %dma_start3A_2211 = arith.constant 3 : i32
      %dma_start3A_2212 = arith.constant 0 : i32
      %dma_start3A_2213 = arith.constant 0 : i32
      %dma_start3A_2214 = tpu.memref_slice %arg9[%dma_start3A_2211, %dma_start3A_2212, %dma_start3A_2213] : memref<16x32x128xf32, #tpu.memory_space<vmem>> -> memref<1x32x128xf32, #tpu.memory_space<vmem>>
      %dma_start3A_2215 = tpu.memref_squeeze %dma_start3A_2214 : memref<1x32x128xf32, #tpu.memory_space<vmem>> -> memref<32x128xf32, #tpu.memory_space<vmem>>
      %dma_start3A_2216 = arith.constant 16 : i32
      %dma_start3A_2217 = arith.constant 0 : i32
      %dma_start3A_2218 = tpu.memref_slice %dma_start3A_2215[%dma_start3A_2216, %dma_start3A_2217] : memref<32x128xf32, #tpu.memory_space<vmem>> -> memref<8x128xf32, #tpu.memory_space<vmem>>
      %dma_start3A_2219 = arith.constant 16 : i32
      %dma_start3A_2220 = tpu.memref_slice %arg4[%dma_start3A_2219, %multiple_of3A_2129] : memref<32x1000000xf32, #tpu.memory_space<hbm>> -> memref<8x128xf32, #tpu.memory_space<hbm>>
      %dma_start3A_2221 = arith.constant 0 : i32
      %dma_start3A_2222 = arith.constant 0 : i32
      %dma_start3A_2223 = tpu.memref_slice %arg9[%dma_start3A_2211, %dma_start3A_2221, %dma_start3A_2222] : memref<16x32x128xf32, #tpu.memory_space<vmem>> -> memref<1x32x128xf32, #tpu.memory_space<vmem>>
      %dma_start3A_2224 = tpu.memref_squeeze %dma_start3A_2223 : memref<1x32x128xf32, #tpu.memory_space<vmem>> -> memref<32x128xf32, #tpu.memory_space<vmem>>
      %dma_start3A_2225 = arith.constant 16 : i32
      %dma_start3A_2226 = arith.constant 0 : i32
      %dma_start3A_2227 = tpu.memref_slice %dma_start3A_2224[%dma_start3A_2225, %dma_start3A_2226] : memref<32x128xf32, #tpu.memory_space<vmem>> -> memref<8x128xf32, #tpu.memory_space<vmem>>
      %dma_start3A_2228 = arith.constant 16 : i32
      %dma_start3A_2229 = tpu.memref_slice %arg4[%dma_start3A_2228, %multiple_of3A_2129] : memref<32x1000000xf32, #tpu.memory_space<hbm>> -> memref<8x128xf32, #tpu.memory_space<hbm>>
      tpu.enqueue_dma source(%dma_start3A_2229 : memref<8x128xf32, #tpu.memory_space<hbm>>) target(%dma_start3A_2227 : memref<8x128xf32, #tpu.memory_space<vmem>>) target_semaphore(%arg11 : memref<!tpu.dma_semaphore, #tpu.memory_space<semaphore_mem>>)
      %dma_start3A_2230 = arith.constant 7 : i32
      %dma_start3A_2231 = arith.constant 0 : i32
      %dma_start3A_2232 = arith.constant 0 : i32
      %dma_start3A_2233 = tpu.memref_slice %arg9[%dma_start3A_2230, %dma_start3A_2231, %dma_start3A_2232] : memref<16x32x128xf32, #tpu.memory_space<vmem>> -> memref<1x32x128xf32, #tpu.memory_space<vmem>>
      %dma_start3A_2234 = tpu.memref_squeeze %dma_start3A_2233 : memref<1x32x128xf32, #tpu.memory_space<vmem>> -> memref<32x128xf32, #tpu.memory_space<vmem>>
      %dma_start3A_2235 = arith.constant 16 : i32
      %dma_start3A_2236 = arith.constant 0 : i32
      %dma_start3A_2237 = tpu.memref_slice %dma_start3A_2234[%dma_start3A_2235, %dma_start3A_2236] : memref<32x128xf32, #tpu.memory_space<vmem>> -> memref<8x128xf32, #tpu.memory_space<vmem>>
      %dma_start3A_2238 = arith.constant 16 : i32
      %dma_start3A_2239 = tpu.memref_slice %arg5[%dma_start3A_2238, %multiple_of3A_2134] : memref<32x1000000xf32, #tpu.memory_space<hbm>> -> memref<8x128xf32, #tpu.memory_space<hbm>>
      %dma_start3A_2240 = arith.constant 0 : i32
      %dma_start3A_2241 = arith.constant 0 : i32
      %dma_start3A_2242 = tpu.memref_slice %arg9[%dma_start3A_2230, %dma_start3A_2240, %dma_start3A_2241] : memref<16x32x128xf32, #tpu.memory_space<vmem>> -> memref<1x32x128xf32, #tpu.memory_space<vmem>>
      %dma_start3A_2243 = tpu.memref_squeeze %dma_start3A_2242 : memref<1x32x128xf32, #tpu.memory_space<vmem>> -> memref<32x128xf32, #tpu.memory_space<vmem>>
      %dma_start3A_2244 = arith.constant 16 : i32
      %dma_start3A_2245 = arith.constant 0 : i32
      %dma_start3A_2246 = tpu.memref_slice %dma_start3A_2243[%dma_start3A_2244, %dma_start3A_2245] : memref<32x128xf32, #tpu.memory_space<vmem>> -> memref<8x128xf32, #tpu.memory_space<vmem>>
      %dma_start3A_2247 = arith.constant 16 : i32
      %dma_start3A_2248 = tpu.memref_slice %arg5[%dma_start3A_2247, %multiple_of3A_2134] : memref<32x1000000xf32, #tpu.memory_space<hbm>> -> memref<8x128xf32, #tpu.memory_space<hbm>>
      tpu.enqueue_dma source(%dma_start3A_2248 : memref<8x128xf32, #tpu.memory_space<hbm>>) target(%dma_start3A_2246 : memref<8x128xf32, #tpu.memory_space<vmem>>) target_semaphore(%arg11 : memref<!tpu.dma_semaphore, #tpu.memory_space<semaphore_mem>>)
      %dma_start3A_2249 = arith.constant 3 : i32
      %dma_start3A_2250 = arith.constant 0 : i32
      %dma_start3A_2251 = arith.constant 0 : i32
      %dma_start3A_2252 = tpu.memref_slice %arg9[%dma_start3A_2249, %dma_start3A_2250, %dma_start3A_2251] : memref<16x32x128xf32, #tpu.memory_space<vmem>> -> memref<1x32x128xf32, #tpu.memory_space<vmem>>
      %dma_start3A_2253 = tpu.memref_squeeze %dma_start3A_2252 : memref<1x32x128xf32, #tpu.memory_space<vmem>> -> memref<32x128xf32, #tpu.memory_space<vmem>>
      %dma_start3A_2254 = arith.constant 24 : i32
      %dma_start3A_2255 = arith.constant 0 : i32
      %dma_start3A_2256 = tpu.memref_slice %dma_start3A_2253[%dma_start3A_2254, %dma_start3A_2255] : memref<32x128xf32, #tpu.memory_space<vmem>> -> memref<8x128xf32, #tpu.memory_space<vmem>>
      %dma_start3A_2257 = arith.constant 24 : i32
      %dma_start3A_2258 = tpu.memref_slice %arg4[%dma_start3A_2257, %multiple_of3A_2129] : memref<32x1000000xf32, #tpu.memory_space<hbm>> -> memref<8x128xf32, #tpu.memory_space<hbm>>
      %dma_start3A_2259 = arith.constant 0 : i32
      %dma_start3A_2260 = arith.constant 0 : i32
      %dma_start3A_2261 = tpu.memref_slice %arg9[%dma_start3A_2249, %dma_start3A_2259, %dma_start3A_2260] : memref<16x32x128xf32, #tpu.memory_space<vmem>> -> memref<1x32x128xf32, #tpu.memory_space<vmem>>
      %dma_start3A_2262 = tpu.memref_squeeze %dma_start3A_2261 : memref<1x32x128xf32, #tpu.memory_space<vmem>> -> memref<32x128xf32, #tpu.memory_space<vmem>>
      %dma_start3A_2263 = arith.constant 24 : i32
      %dma_start3A_2264 = arith.constant 0 : i32
      %dma_start3A_2265 = tpu.memref_slice %dma_start3A_2262[%dma_start3A_2263, %dma_start3A_2264] : memref<32x128xf32, #tpu.memory_space<vmem>> -> memref<8x128xf32, #tpu.memory_space<vmem>>
      %dma_start3A_2266 = arith.constant 24 : i32
      %dma_start3A_2267 = tpu.memref_slice %arg4[%dma_start3A_2266, %multiple_of3A_2129] : memref<32x1000000xf32, #tpu.memory_space<hbm>> -> memref<8x128xf32, #tpu.memory_space<hbm>>
      tpu.enqueue_dma source(%dma_start3A_2267 : memref<8x128xf32, #tpu.memory_space<hbm>>) target(%dma_start3A_2265 : memref<8x128xf32, #tpu.memory_space<vmem>>) target_semaphore(%arg11 : memref<!tpu.dma_semaphore, #tpu.memory_space<semaphore_mem>>)
      %dma_start3A_2268 = arith.constant 7 : i32
      %dma_start3A_2269 = arith.constant 0 : i32
      %dma_start3A_2270 = arith.constant 0 : i32
      %dma_start3A_2271 = tpu.memref_slice %arg9[%dma_start3A_2268, %dma_start3A_2269, %dma_start3A_2270] : memref<16x32x128xf32, #tpu.memory_space<vmem>> -> memref<1x32x128xf32, #tpu.memory_space<vmem>>
      %dma_start3A_2272 = tpu.memref_squeeze %dma_start3A_2271 : memref<1x32x128xf32, #tpu.memory_space<vmem>> -> memref<32x128xf32, #tpu.memory_space<vmem>>
      %dma_start3A_2273 = arith.constant 24 : i32
      %dma_start3A_2274 = arith.constant 0 : i32
      %dma_start3A_2275 = tpu.memref_slice %dma_start3A_2272[%dma_start3A_2273, %dma_start3A_2274] : memref<32x128xf32, #tpu.memory_space<vmem>> -> memref<8x128xf32, #tpu.memory_space<vmem>>
      %dma_start3A_2276 = arith.constant 24 : i32
      %dma_start3A_2277 = tpu.memref_slice %arg5[%dma_start3A_2276, %multiple_of3A_2134] : memref<32x1000000xf32, #tpu.memory_space<hbm>> -> memref<8x128xf32, #tpu.memory_space<hbm>>
      %dma_start3A_2278 = arith.constant 0 : i32
      %dma_start3A_2279 = arith.constant 0 : i32
      %dma_start3A_2280 = tpu.memref_slice %arg9[%dma_start3A_2268, %dma_start3A_2278, %dma_start3A_2279] : memref<16x32x128xf32, #tpu.memory_space<vmem>> -> memref<1x32x128xf32, #tpu.memory_space<vmem>>
      %dma_start3A_2281 = tpu.memref_squeeze %dma_start3A_2280 : memref<1x32x128xf32, #tpu.memory_space<vmem>> -> memref<32x128xf32, #tpu.memory_space<vmem>>
      %dma_start3A_2282 = arith.constant 24 : i32
      %dma_start3A_2283 = arith.constant 0 : i32
      %dma_start3A_2284 = tpu.memref_slice %dma_start3A_2281[%dma_start3A_2282, %dma_start3A_2283] : memref<32x128xf32, #tpu.memory_space<vmem>> -> memref<8x128xf32, #tpu.memory_space<vmem>>
      %dma_start3A_2285 = arith.constant 24 : i32
      %dma_start3A_2286 = tpu.memref_slice %arg5[%dma_start3A_2285, %multiple_of3A_2134] : memref<32x1000000xf32, #tpu.memory_space<hbm>> -> memref<8x128xf32, #tpu.memory_space<hbm>>
      tpu.enqueue_dma source(%dma_start3A_2286 : memref<8x128xf32, #tpu.memory_space<hbm>>) target(%dma_start3A_2284 : memref<8x128xf32, #tpu.memory_space<vmem>>) target_semaphore(%arg11 : memref<!tpu.dma_semaphore, #tpu.memory_space<semaphore_mem>>)
      %dma_wait3A_2287 = arith.constant 8 : i32
      %dma_wait3A_2288 = arith.constant 0 : i32
      %dma_wait3A_2289 = arith.constant 0 : i32
      %dma_wait3A_2290 = tpu.memref_slice %arg9[%dma_wait3A_2287, %dma_wait3A_2288, %dma_wait3A_2289] : memref<16x32x128xf32, #tpu.memory_space<vmem>> -> memref<1x32x128xf32, #tpu.memory_space<vmem>>
      %dma_wait3A_2291 = tpu.memref_squeeze %dma_wait3A_2290 : memref<1x32x128xf32, #tpu.memory_space<vmem>> -> memref<32x128xf32, #tpu.memory_space<vmem>>
      %dma_wait3A_2292 = arith.constant 0 : i32
      %dma_wait3A_2293 = arith.constant 0 : i32
      %dma_wait3A_2294 = tpu.memref_slice %arg4[%dma_wait3A_2292, %dma_wait3A_2293] : memref<32x1000000xf32, #tpu.memory_space<hbm>> -> memref<32x128xf32, #tpu.memory_space<hbm>>
      %dma_wait3A_2295 = arith.constant 0 : i32
      %dma_wait3A_2296 = arith.constant 0 : i32
      %dma_wait3A_2297 = tpu.memref_slice %arg9[%dma_wait3A_2287, %dma_wait3A_2295, %dma_wait3A_2296] : memref<16x32x128xf32, #tpu.memory_space<vmem>> -> memref<1x32x128xf32, #tpu.memory_space<vmem>>
      %dma_wait3A_2298 = tpu.memref_squeeze %dma_wait3A_2297 : memref<1x32x128xf32, #tpu.memory_space<vmem>> -> memref<32x128xf32, #tpu.memory_space<vmem>>
      %dma_wait3A_2299 = arith.constant 0 : i32
      %dma_wait3A_2300 = arith.constant 0 : i32
      %dma_wait3A_2301 = tpu.memref_slice %arg4[%dma_wait3A_2299, %dma_wait3A_2300] : memref<32x1000000xf32, #tpu.memory_space<hbm>> -> memref<32x128xf32, #tpu.memory_space<hbm>>
      tpu.wait_dma2 semaphore(%arg12 : memref<!tpu.dma_semaphore, #tpu.memory_space<semaphore_mem>>) src(%dma_wait3A_2301 : memref<32x128xf32, #tpu.memory_space<hbm>>) dst(%dma_wait3A_2298 : memref<32x128xf32, #tpu.memory_space<vmem>>)
      %dma_wait3A_2302 = arith.constant 9 : i32
      %dma_wait3A_2303 = arith.constant 0 : i32
      %dma_wait3A_2304 = arith.constant 0 : i32
      %dma_wait3A_2305 = tpu.memref_slice %arg9[%dma_wait3A_2302, %dma_wait3A_2303, %dma_wait3A_2304] : memref<16x32x128xf32, #tpu.memory_space<vmem>> -> memref<1x32x128xf32, #tpu.memory_space<vmem>>
      %dma_wait3A_2306 = tpu.memref_squeeze %dma_wait3A_2305 : memref<1x32x128xf32, #tpu.memory_space<vmem>> -> memref<32x128xf32, #tpu.memory_space<vmem>>
      %dma_wait3A_2307 = arith.constant 0 : i32
      %dma_wait3A_2308 = arith.constant 0 : i32
      %dma_wait3A_2309 = tpu.memref_slice %arg4[%dma_wait3A_2307, %dma_wait3A_2308] : memref<32x1000000xf32, #tpu.memory_space<hbm>> -> memref<32x128xf32, #tpu.memory_space<hbm>>
      %dma_wait3A_2310 = arith.constant 0 : i32
      %dma_wait3A_2311 = arith.constant 0 : i32
      %dma_wait3A_2312 = tpu.memref_slice %arg9[%dma_wait3A_2302, %dma_wait3A_2310, %dma_wait3A_2311] : memref<16x32x128xf32, #tpu.memory_space<vmem>> -> memref<1x32x128xf32, #tpu.memory_space<vmem>>
      %dma_wait3A_2313 = tpu.memref_squeeze %dma_wait3A_2312 : memref<1x32x128xf32, #tpu.memory_space<vmem>> -> memref<32x128xf32, #tpu.memory_space<vmem>>
      %dma_wait3A_2314 = arith.constant 0 : i32
      %dma_wait3A_2315 = arith.constant 0 : i32
      %dma_wait3A_2316 = tpu.memref_slice %arg4[%dma_wait3A_2314, %dma_wait3A_2315] : memref<32x1000000xf32, #tpu.memory_space<hbm>> -> memref<32x128xf32, #tpu.memory_space<hbm>>
      tpu.wait_dma2 semaphore(%arg12 : memref<!tpu.dma_semaphore, #tpu.memory_space<semaphore_mem>>) src(%dma_wait3A_2316 : memref<32x128xf32, #tpu.memory_space<hbm>>) dst(%dma_wait3A_2313 : memref<32x128xf32, #tpu.memory_space<vmem>>)
      %dma_wait3A_2317 = arith.constant 10 : i32
      %dma_wait3A_2318 = arith.constant 0 : i32
      %dma_wait3A_2319 = arith.constant 0 : i32
      %dma_wait3A_2320 = tpu.memref_slice %arg9[%dma_wait3A_2317, %dma_wait3A_2318, %dma_wait3A_2319] : memref<16x32x128xf32, #tpu.memory_space<vmem>> -> memref<1x32x128xf32, #tpu.memory_space<vmem>>
      %dma_wait3A_2321 = tpu.memref_squeeze %dma_wait3A_2320 : memref<1x32x128xf32, #tpu.memory_space<vmem>> -> memref<32x128xf32, #tpu.memory_space<vmem>>
      %dma_wait3A_2322 = arith.constant 0 : i32
      %dma_wait3A_2323 = arith.constant 0 : i32
      %dma_wait3A_2324 = tpu.memref_slice %arg4[%dma_wait3A_2322, %dma_wait3A_2323] : memref<32x1000000xf32, #tpu.memory_space<hbm>> -> memref<32x128xf32, #tpu.memory_space<hbm>>
      %dma_wait3A_2325 = arith.constant 0 : i32
      %dma_wait3A_2326 = arith.constant 0 : i32
      %dma_wait3A_2327 = tpu.memref_slice %arg9[%dma_wait3A_2317, %dma_wait3A_2325, %dma_wait3A_2326] : memref<16x32x128xf32, #tpu.memory_space<vmem>> -> memref<1x32x128xf32, #tpu.memory_space<vmem>>
      %dma_wait3A_2328 = tpu.memref_squeeze %dma_wait3A_2327 : memref<1x32x128xf32, #tpu.memory_space<vmem>> -> memref<32x128xf32, #tpu.memory_space<vmem>>
      %dma_wait3A_2329 = arith.constant 0 : i32
      %dma_wait3A_2330 = arith.constant 0 : i32
      %dma_wait3A_2331 = tpu.memref_slice %arg4[%dma_wait3A_2329, %dma_wait3A_2330] : memref<32x1000000xf32, #tpu.memory_space<hbm>> -> memref<32x128xf32, #tpu.memory_space<hbm>>
      tpu.wait_dma2 semaphore(%arg12 : memref<!tpu.dma_semaphore, #tpu.memory_space<semaphore_mem>>) src(%dma_wait3A_2331 : memref<32x128xf32, #tpu.memory_space<hbm>>) dst(%dma_wait3A_2328 : memref<32x128xf32, #tpu.memory_space<vmem>>)
      %dma_wait3A_2332 = arith.constant 11 : i32
      %dma_wait3A_2333 = arith.constant 0 : i32
      %dma_wait3A_2334 = arith.constant 0 : i32
      %dma_wait3A_2335 = tpu.memref_slice %arg9[%dma_wait3A_2332, %dma_wait3A_2333, %dma_wait3A_2334] : memref<16x32x128xf32, #tpu.memory_space<vmem>> -> memref<1x32x128xf32, #tpu.memory_space<vmem>>
      %dma_wait3A_2336 = tpu.memref_squeeze %dma_wait3A_2335 : memref<1x32x128xf32, #tpu.memory_space<vmem>> -> memref<32x128xf32, #tpu.memory_space<vmem>>
      %dma_wait3A_2337 = arith.constant 0 : i32
      %dma_wait3A_2338 = arith.constant 0 : i32
      %dma_wait3A_2339 = tpu.memref_slice %arg4[%dma_wait3A_2337, %dma_wait3A_2338] : memref<32x1000000xf32, #tpu.memory_space<hbm>> -> memref<32x128xf32, #tpu.memory_space<hbm>>
      %dma_wait3A_2340 = arith.constant 0 : i32
      %dma_wait3A_2341 = arith.constant 0 : i32
      %dma_wait3A_2342 = tpu.memref_slice %arg9[%dma_wait3A_2332, %dma_wait3A_2340, %dma_wait3A_2341] : memref<16x32x128xf32, #tpu.memory_space<vmem>> -> memref<1x32x128xf32, #tpu.memory_space<vmem>>
      %dma_wait3A_2343 = tpu.memref_squeeze %dma_wait3A_2342 : memref<1x32x128xf32, #tpu.memory_space<vmem>> -> memref<32x128xf32, #tpu.memory_space<vmem>>
      %dma_wait3A_2344 = arith.constant 0 : i32
      %dma_wait3A_2345 = arith.constant 0 : i32
      %dma_wait3A_2346 = tpu.memref_slice %arg4[%dma_wait3A_2344, %dma_wait3A_2345] : memref<32x1000000xf32, #tpu.memory_space<hbm>> -> memref<32x128xf32, #tpu.memory_space<hbm>>
      tpu.wait_dma2 semaphore(%arg12 : memref<!tpu.dma_semaphore, #tpu.memory_space<semaphore_mem>>) src(%dma_wait3A_2346 : memref<32x128xf32, #tpu.memory_space<hbm>>) dst(%dma_wait3A_2343 : memref<32x128xf32, #tpu.memory_space<vmem>>)
      %dma_wait3A_2347 = arith.constant 12 : i32
      %dma_wait3A_2348 = arith.constant 0 : i32
      %dma_wait3A_2349 = arith.constant 0 : i32
      %dma_wait3A_2350 = tpu.memref_slice %arg9[%dma_wait3A_2347, %dma_wait3A_2348, %dma_wait3A_2349] : memref<16x32x128xf32, #tpu.memory_space<vmem>> -> memref<1x32x128xf32, #tpu.memory_space<vmem>>
      %dma_wait3A_2351 = tpu.memref_squeeze %dma_wait3A_2350 : memref<1x32x128xf32, #tpu.memory_space<vmem>> -> memref<32x128xf32, #tpu.memory_space<vmem>>
      %dma_wait3A_2352 = arith.constant 0 : i32
      %dma_wait3A_2353 = arith.constant 0 : i32
      %dma_wait3A_2354 = tpu.memref_slice %arg4[%dma_wait3A_2352, %dma_wait3A_2353] : memref<32x1000000xf32, #tpu.memory_space<hbm>> -> memref<32x128xf32, #tpu.memory_space<hbm>>
      %dma_wait3A_2355 = arith.constant 0 : i32
      %dma_wait3A_2356 = arith.constant 0 : i32
      %dma_wait3A_2357 = tpu.memref_slice %arg9[%dma_wait3A_2347, %dma_wait3A_2355, %dma_wait3A_2356] : memref<16x32x128xf32, #tpu.memory_space<vmem>> -> memref<1x32x128xf32, #tpu.memory_space<vmem>>
      %dma_wait3A_2358 = tpu.memref_squeeze %dma_wait3A_2357 : memref<1x32x128xf32, #tpu.memory_space<vmem>> -> memref<32x128xf32, #tpu.memory_space<vmem>>
      %dma_wait3A_2359 = arith.constant 0 : i32
      %dma_wait3A_2360 = arith.constant 0 : i32
      %dma_wait3A_2361 = tpu.memref_slice %arg4[%dma_wait3A_2359, %dma_wait3A_2360] : memref<32x1000000xf32, #tpu.memory_space<hbm>> -> memref<32x128xf32, #tpu.memory_space<hbm>>
      tpu.wait_dma2 semaphore(%arg12 : memref<!tpu.dma_semaphore, #tpu.memory_space<semaphore_mem>>) src(%dma_wait3A_2361 : memref<32x128xf32, #tpu.memory_space<hbm>>) dst(%dma_wait3A_2358 : memref<32x128xf32, #tpu.memory_space<vmem>>)
      %dma_wait3A_2362 = arith.constant 13 : i32
      %dma_wait3A_2363 = arith.constant 0 : i32
      %dma_wait3A_2364 = arith.constant 0 : i32
      %dma_wait3A_2365 = tpu.memref_slice %arg9[%dma_wait3A_2362, %dma_wait3A_2363, %dma_wait3A_2364] : memref<16x32x128xf32, #tpu.memory_space<vmem>> -> memref<1x32x128xf32, #tpu.memory_space<vmem>>
      %dma_wait3A_2366 = tpu.memref_squeeze %dma_wait3A_2365 : memref<1x32x128xf32, #tpu.memory_space<vmem>> -> memref<32x128xf32, #tpu.memory_space<vmem>>
      %dma_wait3A_2367 = arith.constant 0 : i32
      %dma_wait3A_2368 = arith.constant 0 : i32
      %dma_wait3A_2369 = tpu.memref_slice %arg4[%dma_wait3A_2367, %dma_wait3A_2368] : memref<32x1000000xf32, #tpu.memory_space<hbm>> -> memref<32x128xf32, #tpu.memory_space<hbm>>
      %dma_wait3A_2370 = arith.constant 0 : i32
      %dma_wait3A_2371 = arith.constant 0 : i32
      %dma_wait3A_2372 = tpu.memref_slice %arg9[%dma_wait3A_2362, %dma_wait3A_2370, %dma_wait3A_2371] : memref<16x32x128xf32, #tpu.memory_space<vmem>> -> memref<1x32x128xf32, #tpu.memory_space<vmem>>
      %dma_wait3A_2373 = tpu.memref_squeeze %dma_wait3A_2372 : memref<1x32x128xf32, #tpu.memory_space<vmem>> -> memref<32x128xf32, #tpu.memory_space<vmem>>
      %dma_wait3A_2374 = arith.constant 0 : i32
      %dma_wait3A_2375 = arith.constant 0 : i32
      %dma_wait3A_2376 = tpu.memref_slice %arg4[%dma_wait3A_2374, %dma_wait3A_2375] : memref<32x1000000xf32, #tpu.memory_space<hbm>> -> memref<32x128xf32, #tpu.memory_space<hbm>>
      tpu.wait_dma2 semaphore(%arg12 : memref<!tpu.dma_semaphore, #tpu.memory_space<semaphore_mem>>) src(%dma_wait3A_2376 : memref<32x128xf32, #tpu.memory_space<hbm>>) dst(%dma_wait3A_2373 : memref<32x128xf32, #tpu.memory_space<vmem>>)
      %dma_wait3A_2377 = arith.constant 14 : i32
      %dma_wait3A_2378 = arith.constant 0 : i32
      %dma_wait3A_2379 = arith.constant 0 : i32
      %dma_wait3A_2380 = tpu.memref_slice %arg9[%dma_wait3A_2377, %dma_wait3A_2378, %dma_wait3A_2379] : memref<16x32x128xf32, #tpu.memory_space<vmem>> -> memref<1x32x128xf32, #tpu.memory_space<vmem>>
      %dma_wait3A_2381 = tpu.memref_squeeze %dma_wait3A_2380 : memref<1x32x128xf32, #tpu.memory_space<vmem>> -> memref<32x128xf32, #tpu.memory_space<vmem>>
      %dma_wait3A_2382 = arith.constant 0 : i32
      %dma_wait3A_2383 = arith.constant 0 : i32
      %dma_wait3A_2384 = tpu.memref_slice %arg4[%dma_wait3A_2382, %dma_wait3A_2383] : memref<32x1000000xf32, #tpu.memory_space<hbm>> -> memref<32x128xf32, #tpu.memory_space<hbm>>
      %dma_wait3A_2385 = arith.constant 0 : i32
      %dma_wait3A_2386 = arith.constant 0 : i32
      %dma_wait3A_2387 = tpu.memref_slice %arg9[%dma_wait3A_2377, %dma_wait3A_2385, %dma_wait3A_2386] : memref<16x32x128xf32, #tpu.memory_space<vmem>> -> memref<1x32x128xf32, #tpu.memory_space<vmem>>
      %dma_wait3A_2388 = tpu.memref_squeeze %dma_wait3A_2387 : memref<1x32x128xf32, #tpu.memory_space<vmem>> -> memref<32x128xf32, #tpu.memory_space<vmem>>
      %dma_wait3A_2389 = arith.constant 0 : i32
      %dma_wait3A_2390 = arith.constant 0 : i32
      %dma_wait3A_2391 = tpu.memref_slice %arg4[%dma_wait3A_2389, %dma_wait3A_2390] : memref<32x1000000xf32, #tpu.memory_space<hbm>> -> memref<32x128xf32, #tpu.memory_space<hbm>>
      tpu.wait_dma2 semaphore(%arg12 : memref<!tpu.dma_semaphore, #tpu.memory_space<semaphore_mem>>) src(%dma_wait3A_2391 : memref<32x128xf32, #tpu.memory_space<hbm>>) dst(%dma_wait3A_2388 : memref<32x128xf32, #tpu.memory_space<vmem>>)
      %dma_wait3A_2392 = arith.constant 15 : i32
      %dma_wait3A_2393 = arith.constant 0 : i32
      %dma_wait3A_2394 = arith.constant 0 : i32
      %dma_wait3A_2395 = tpu.memref_slice %arg9[%dma_wait3A_2392, %dma_wait3A_2393, %dma_wait3A_2394] : memref<16x32x128xf32, #tpu.memory_space<vmem>> -> memref<1x32x128xf32, #tpu.memory_space<vmem>>
      %dma_wait3A_2396 = tpu.memref_squeeze %dma_wait3A_2395 : memref<1x32x128xf32, #tpu.memory_space<vmem>> -> memref<32x128xf32, #tpu.memory_space<vmem>>
      %dma_wait3A_2397 = arith.constant 0 : i32
      %dma_wait3A_2398 = arith.constant 0 : i32
      %dma_wait3A_2399 = tpu.memref_slice %arg4[%dma_wait3A_2397, %dma_wait3A_2398] : memref<32x1000000xf32, #tpu.memory_space<hbm>> -> memref<32x128xf32, #tpu.memory_space<hbm>>
      %dma_wait3A_2400 = arith.constant 0 : i32
      %dma_wait3A_2401 = arith.constant 0 : i32
      %dma_wait3A_2402 = tpu.memref_slice %arg9[%dma_wait3A_2392, %dma_wait3A_2400, %dma_wait3A_2401] : memref<16x32x128xf32, #tpu.memory_space<vmem>> -> memref<1x32x128xf32, #tpu.memory_space<vmem>>
      %dma_wait3A_2403 = tpu.memref_squeeze %dma_wait3A_2402 : memref<1x32x128xf32, #tpu.memory_space<vmem>> -> memref<32x128xf32, #tpu.memory_space<vmem>>
      %dma_wait3A_2404 = arith.constant 0 : i32
      %dma_wait3A_2405 = arith.constant 0 : i32
      %dma_wait3A_2406 = tpu.memref_slice %arg4[%dma_wait3A_2404, %dma_wait3A_2405] : memref<32x1000000xf32, #tpu.memory_space<hbm>> -> memref<32x128xf32, #tpu.memory_space<hbm>>
      tpu.wait_dma2 semaphore(%arg12 : memref<!tpu.dma_semaphore, #tpu.memory_space<semaphore_mem>>) src(%dma_wait3A_2406 : memref<32x128xf32, #tpu.memory_space<hbm>>) dst(%dma_wait3A_2403 : memref<32x128xf32, #tpu.memory_space<vmem>>)
      %slice3A_2407 = vector.extract_strided_slice %get3A_18 {offsets = [4], sizes = [1], strides = [1]} : vector<16xi32> to vector<1xi32>
      %squeeze3A_2408 = vector.extract %slice3A_2407[0] : i32 from vector<1xi32>
      %and3A_2409 = arith.constant 127 : i32
      %and3A_2410 = arith.andi %squeeze3A_2408, %and3A_2409 : i32
      %broadcast_in_dim3A_2411 = vector.broadcast %and3A_2410 : i32 to vector<16xi32>
      %slice3A_2412 = vector.extract_strided_slice %get3A_21 {offsets = [4], sizes = [1], strides = [1]} : vector<16xi32> to vector<1xi32>
      %squeeze3A_2413 = vector.extract %slice3A_2412[0] : i32 from vector<1xi32>
      %and3A_2414 = arith.constant 127 : i32
      %and3A_2415 = arith.andi %squeeze3A_2413, %and3A_2414 : i32
      %broadcast_in_dim3A_2416 = vector.broadcast %and3A_2415 : i32 to vector<16xi32>
      %gather3A_2417 = arith.constant 8 : i32
      %gather3A_2418 = arith.constant 0 : i32
      %gather3A_2419 = arith.constant 0 : i32
      %gather3A_2420 = tpu.memref_slice %arg9[%gather3A_2417, %gather3A_2418, %gather3A_2419] : memref<16x32x128xf32, #tpu.memory_space<vmem>> -> memref<1x32x128xf32, #tpu.memory_space<vmem>>
      %gather3A_2421 = tpu.memref_squeeze %gather3A_2420 : memref<1x32x128xf32, #tpu.memory_space<vmem>> -> memref<32x128xf32, #tpu.memory_space<vmem>>
      %gather3A_2422 = tpu.vector_load_idx %gather3A_2421[%iota3A, %broadcast_in_dim3A_2411] : memref<32x128xf32, #tpu.memory_space<vmem>>[vector<16xi32>, vector<16xi32>], vector<16xf32>,
      %add3A_2423 = arith.constant 16 : i32
      %add3A_2424 = vector.broadcast %add3A_2423 : i32 to vector<16xi32>
      %add3A_2425 = arith.addi %iota3A, %add3A_2424 : vector<16xi32>
      %gather3A_2426 = arith.constant 8 : i32
      %gather3A_2427 = arith.constant 0 : i32
      %gather3A_2428 = arith.constant 0 : i32
      %gather3A_2429 = tpu.memref_slice %arg9[%gather3A_2426, %gather3A_2427, %gather3A_2428] : memref<16x32x128xf32, #tpu.memory_space<vmem>> -> memref<1x32x128xf32, #tpu.memory_space<vmem>>
      %gather3A_2430 = tpu.memref_squeeze %gather3A_2429 : memref<1x32x128xf32, #tpu.memory_space<vmem>> -> memref<32x128xf32, #tpu.memory_space<vmem>>
      %gather3A_2431 = tpu.vector_load_idx %gather3A_2430[%add3A_2425, %broadcast_in_dim3A_2411] : memref<32x128xf32, #tpu.memory_space<vmem>>[vector<16xi32>, vector<16xi32>], vector<16xf32>,
      %gather3A_2432 = arith.constant 12 : i32
      %gather3A_2433 = arith.constant 0 : i32
      %gather3A_2434 = arith.constant 0 : i32
      %gather3A_2435 = tpu.memref_slice %arg9[%gather3A_2432, %gather3A_2433, %gather3A_2434] : memref<16x32x128xf32, #tpu.memory_space<vmem>> -> memref<1x32x128xf32, #tpu.memory_space<vmem>>
      %gather3A_2436 = tpu.memref_squeeze %gather3A_2435 : memref<1x32x128xf32, #tpu.memory_space<vmem>> -> memref<32x128xf32, #tpu.memory_space<vmem>>
      %gather3A_2437 = tpu.vector_load_idx %gather3A_2436[%iota3A, %broadcast_in_dim3A_2416] : memref<32x128xf32, #tpu.memory_space<vmem>>[vector<16xi32>, vector<16xi32>], vector<16xf32>,
      %add3A_2438 = arith.constant 16 : i32
      %add3A_2439 = vector.broadcast %add3A_2438 : i32 to vector<16xi32>
      %add3A_2440 = arith.addi %iota3A, %add3A_2439 : vector<16xi32>
      %gather3A_2441 = arith.constant 12 : i32
      %gather3A_2442 = arith.constant 0 : i32
      %gather3A_2443 = arith.constant 0 : i32
      %gather3A_2444 = tpu.memref_slice %arg9[%gather3A_2441, %gather3A_2442, %gather3A_2443] : memref<16x32x128xf32, #tpu.memory_space<vmem>> -> memref<1x32x128xf32, #tpu.memory_space<vmem>>
      %gather3A_2445 = tpu.memref_squeeze %gather3A_2444 : memref<1x32x128xf32, #tpu.memory_space<vmem>> -> memref<32x128xf32, #tpu.memory_space<vmem>>
      %gather3A_2446 = tpu.vector_load_idx %gather3A_2445[%add3A_2440, %broadcast_in_dim3A_2416] : memref<32x128xf32, #tpu.memory_space<vmem>>[vector<16xi32>, vector<16xi32>], vector<16xf32>,
      %mul3A_2447 = arith.mulf %gather3A_2422, %gather3A_2437 : vector<16xf32>
      %mul3A_2448 = arith.mulf %gather3A_2431, %gather3A_2446 : vector<16xf32>
      %add3A_2449 = arith.addf %mul3A_2447, %mul3A_2448 : vector<16xf32>
      %reduce_sum3A_2450 = arith.constant true
      %reduce_sum3A_2451 = vector.broadcast %reduce_sum3A_2450 : i1 to vector<16xi1>
      %reduce_sum3A_2452 = tpu.scan <sum>, %add3A_2449 masked %reduce_sum3A_2451 : vector<16xf32>, vector<16xi1> -> vector<16xf32>
      %reduce_sum3A_2453 = vector.extract %reduce_sum3A_2452[15] : f32 from vector<16xf32>
      %eq3A_2454 = arith.constant 4 : i32
      %eq3A_2455 = vector.broadcast %eq3A_2454 : i32 to vector<16xi32>
      %eq3A_2456 = arith.cmpi eq, %iota3A, %eq3A_2455 : vector<16xi32>
      %broadcast_in_dim3A_2457 = vector.broadcast %reduce_sum3A_2453 : f32 to vector<16xf32>
      %select_n3A_2458 = arith.select %eq3A_2456, %broadcast_in_dim3A_2457, %select_n3A_1638 : vector<16xi1>, vector<16xf32>
      %slice3A_2459 = vector.extract_strided_slice %get3A_18 {offsets = [5], sizes = [1], strides = [1]} : vector<16xi32> to vector<1xi32>
      %squeeze3A_2460 = vector.extract %slice3A_2459[0] : i32 from vector<1xi32>
      %and3A_2461 = arith.constant 127 : i32
      %and3A_2462 = arith.andi %squeeze3A_2460, %and3A_2461 : i32
      %broadcast_in_dim3A_2463 = vector.broadcast %and3A_2462 : i32 to vector<16xi32>
      %slice3A_2464 = vector.extract_strided_slice %get3A_21 {offsets = [5], sizes = [1], strides = [1]} : vector<16xi32> to vector<1xi32>
      %squeeze3A_2465 = vector.extract %slice3A_2464[0] : i32 from vector<1xi32>
      %and3A_2466 = arith.constant 127 : i32
      %and3A_2467 = arith.andi %squeeze3A_2465, %and3A_2466 : i32
      %broadcast_in_dim3A_2468 = vector.broadcast %and3A_2467 : i32 to vector<16xi32>
      %gather3A_2469 = arith.constant 9 : i32
      %gather3A_2470 = arith.constant 0 : i32
      %gather3A_2471 = arith.constant 0 : i32
      %gather3A_2472 = tpu.memref_slice %arg9[%gather3A_2469, %gather3A_2470, %gather3A_2471] : memref<16x32x128xf32, #tpu.memory_space<vmem>> -> memref<1x32x128xf32, #tpu.memory_space<vmem>>
      %gather3A_2473 = tpu.memref_squeeze %gather3A_2472 : memref<1x32x128xf32, #tpu.memory_space<vmem>> -> memref<32x128xf32, #tpu.memory_space<vmem>>
      %gather3A_2474 = tpu.vector_load_idx %gather3A_2473[%iota3A, %broadcast_in_dim3A_2463] : memref<32x128xf32, #tpu.memory_space<vmem>>[vector<16xi32>, vector<16xi32>], vector<16xf32>,
      %add3A_2475 = arith.constant 16 : i32
      %add3A_2476 = vector.broadcast %add3A_2475 : i32 to vector<16xi32>
      %add3A_2477 = arith.addi %iota3A, %add3A_2476 : vector<16xi32>
      %gather3A_2478 = arith.constant 9 : i32
      %gather3A_2479 = arith.constant 0 : i32
      %gather3A_2480 = arith.constant 0 : i32
      %gather3A_2481 = tpu.memref_slice %arg9[%gather3A_2478, %gather3A_2479, %gather3A_2480] : memref<16x32x128xf32, #tpu.memory_space<vmem>> -> memref<1x32x128xf32, #tpu.memory_space<vmem>>
      %gather3A_2482 = tpu.memref_squeeze %gather3A_2481 : memref<1x32x128xf32, #tpu.memory_space<vmem>> -> memref<32x128xf32, #tpu.memory_space<vmem>>
      %gather3A_2483 = tpu.vector_load_idx %gather3A_2482[%add3A_2477, %broadcast_in_dim3A_2463] : memref<32x128xf32, #tpu.memory_space<vmem>>[vector<16xi32>, vector<16xi32>], vector<16xf32>,
      %gather3A_2484 = arith.constant 13 : i32
      %gather3A_2485 = arith.constant 0 : i32
      %gather3A_2486 = arith.constant 0 : i32
      %gather3A_2487 = tpu.memref_slice %arg9[%gather3A_2484, %gather3A_2485, %gather3A_2486] : memref<16x32x128xf32, #tpu.memory_space<vmem>> -> memref<1x32x128xf32, #tpu.memory_space<vmem>>
      %gather3A_2488 = tpu.memref_squeeze %gather3A_2487 : memref<1x32x128xf32, #tpu.memory_space<vmem>> -> memref<32x128xf32, #tpu.memory_space<vmem>>
      %gather3A_2489 = tpu.vector_load_idx %gather3A_2488[%iota3A, %broadcast_in_dim3A_2468] : memref<32x128xf32, #tpu.memory_space<vmem>>[vector<16xi32>, vector<16xi32>], vector<16xf32>,
      %add3A_2490 = arith.constant 16 : i32
      %add3A_2491 = vector.broadcast %add3A_2490 : i32 to vector<16xi32>
      %add3A_2492 = arith.addi %iota3A, %add3A_2491 : vector<16xi32>
      %gather3A_2493 = arith.constant 13 : i32
      %gather3A_2494 = arith.constant 0 : i32
      %gather3A_2495 = arith.constant 0 : i32
      %gather3A_2496 = tpu.memref_slice %arg9[%gather3A_2493, %gather3A_2494, %gather3A_2495] : memref<16x32x128xf32, #tpu.memory_space<vmem>> -> memref<1x32x128xf32, #tpu.memory_space<vmem>>
      %gather3A_2497 = tpu.memref_squeeze %gather3A_2496 : memref<1x32x128xf32, #tpu.memory_space<vmem>> -> memref<32x128xf32, #tpu.memory_space<vmem>>
      %gather3A_2498 = tpu.vector_load_idx %gather3A_2497[%add3A_2492, %broadcast_in_dim3A_2468] : memref<32x128xf32, #tpu.memory_space<vmem>>[vector<16xi32>, vector<16xi32>], vector<16xf32>,
      %mul3A_2499 = arith.mulf %gather3A_2474, %gather3A_2489 : vector<16xf32>
      %mul3A_2500 = arith.mulf %gather3A_2483, %gather3A_2498 : vector<16xf32>
      %add3A_2501 = arith.addf %mul3A_2499, %mul3A_2500 : vector<16xf32>
      %reduce_sum3A_2502 = arith.constant true
      %reduce_sum3A_2503 = vector.broadcast %reduce_sum3A_2502 : i1 to vector<16xi1>
      %reduce_sum3A_2504 = tpu.scan <sum>, %add3A_2501 masked %reduce_sum3A_2503 : vector<16xf32>, vector<16xi1> -> vector<16xf32>
      %reduce_sum3A_2505 = vector.extract %reduce_sum3A_2504[15] : f32 from vector<16xf32>
      %eq3A_2506 = arith.constant 5 : i32
      %eq3A_2507 = vector.broadcast %eq3A_2506 : i32 to vector<16xi32>
      %eq3A_2508 = arith.cmpi eq, %iota3A, %eq3A_2507 : vector<16xi32>
      %broadcast_in_dim3A_2509 = vector.broadcast %reduce_sum3A_2505 : f32 to vector<16xf32>
      %select_n3A_2510 = arith.select %eq3A_2508, %broadcast_in_dim3A_2509, %select_n3A_2458 : vector<16xi1>, vector<16xf32>
      %slice3A_2511 = vector.extract_strided_slice %get3A_18 {offsets = [6], sizes = [1], strides = [1]} : vector<16xi32> to vector<1xi32>
      %squeeze3A_2512 = vector.extract %slice3A_2511[0] : i32 from vector<1xi32>
      %and3A_2513 = arith.constant 127 : i32
      %and3A_2514 = arith.andi %squeeze3A_2512, %and3A_2513 : i32
      %broadcast_in_dim3A_2515 = vector.broadcast %and3A_2514 : i32 to vector<16xi32>
      %slice3A_2516 = vector.extract_strided_slice %get3A_21 {offsets = [6], sizes = [1], strides = [1]} : vector<16xi32> to vector<1xi32>
      %squeeze3A_2517 = vector.extract %slice3A_2516[0] : i32 from vector<1xi32>
      %and3A_2518 = arith.constant 127 : i32
      %and3A_2519 = arith.andi %squeeze3A_2517, %and3A_2518 : i32
      %broadcast_in_dim3A_2520 = vector.broadcast %and3A_2519 : i32 to vector<16xi32>
      %gather3A_2521 = arith.constant 10 : i32
      %gather3A_2522 = arith.constant 0 : i32
      %gather3A_2523 = arith.constant 0 : i32
      %gather3A_2524 = tpu.memref_slice %arg9[%gather3A_2521, %gather3A_2522, %gather3A_2523] : memref<16x32x128xf32, #tpu.memory_space<vmem>> -> memref<1x32x128xf32, #tpu.memory_space<vmem>>
      %gather3A_2525 = tpu.memref_squeeze %gather3A_2524 : memref<1x32x128xf32, #tpu.memory_space<vmem>> -> memref<32x128xf32, #tpu.memory_space<vmem>>
      %gather3A_2526 = tpu.vector_load_idx %gather3A_2525[%iota3A, %broadcast_in_dim3A_2515] : memref<32x128xf32, #tpu.memory_space<vmem>>[vector<16xi32>, vector<16xi32>], vector<16xf32>,
      %add3A_2527 = arith.constant 16 : i32
      %add3A_2528 = vector.broadcast %add3A_2527 : i32 to vector<16xi32>
      %add3A_2529 = arith.addi %iota3A, %add3A_2528 : vector<16xi32>
      %gather3A_2530 = arith.constant 10 : i32
      %gather3A_2531 = arith.constant 0 : i32
      %gather3A_2532 = arith.constant 0 : i32
      %gather3A_2533 = tpu.memref_slice %arg9[%gather3A_2530, %gather3A_2531, %gather3A_2532] : memref<16x32x128xf32, #tpu.memory_space<vmem>> -> memref<1x32x128xf32, #tpu.memory_space<vmem>>
      %gather3A_2534 = tpu.memref_squeeze %gather3A_2533 : memref<1x32x128xf32, #tpu.memory_space<vmem>> -> memref<32x128xf32, #tpu.memory_space<vmem>>
      %gather3A_2535 = tpu.vector_load_idx %gather3A_2534[%add3A_2529, %broadcast_in_dim3A_2515] : memref<32x128xf32, #tpu.memory_space<vmem>>[vector<16xi32>, vector<16xi32>], vector<16xf32>,
      %gather3A_2536 = arith.constant 14 : i32
      %gather3A_2537 = arith.constant 0 : i32
      %gather3A_2538 = arith.constant 0 : i32
      %gather3A_2539 = tpu.memref_slice %arg9[%gather3A_2536, %gather3A_2537, %gather3A_2538] : memref<16x32x128xf32, #tpu.memory_space<vmem>> -> memref<1x32x128xf32, #tpu.memory_space<vmem>>
      %gather3A_2540 = tpu.memref_squeeze %gather3A_2539 : memref<1x32x128xf32, #tpu.memory_space<vmem>> -> memref<32x128xf32, #tpu.memory_space<vmem>>
      %gather3A_2541 = tpu.vector_load_idx %gather3A_2540[%iota3A, %broadcast_in_dim3A_2520] : memref<32x128xf32, #tpu.memory_space<vmem>>[vector<16xi32>, vector<16xi32>], vector<16xf32>,
      %add3A_2542 = arith.constant 16 : i32
      %add3A_2543 = vector.broadcast %add3A_2542 : i32 to vector<16xi32>
      %add3A_2544 = arith.addi %iota3A, %add3A_2543 : vector<16xi32>
      %gather3A_2545 = arith.constant 14 : i32
      %gather3A_2546 = arith.constant 0 : i32
      %gather3A_2547 = arith.constant 0 : i32
      %gather3A_2548 = tpu.memref_slice %arg9[%gather3A_2545, %gather3A_2546, %gather3A_2547] : memref<16x32x128xf32, #tpu.memory_space<vmem>> -> memref<1x32x128xf32, #tpu.memory_space<vmem>>
      %gather3A_2549 = tpu.memref_squeeze %gather3A_2548 : memref<1x32x128xf32, #tpu.memory_space<vmem>> -> memref<32x128xf32, #tpu.memory_space<vmem>>
      %gather3A_2550 = tpu.vector_load_idx %gather3A_2549[%add3A_2544, %broadcast_in_dim3A_2520] : memref<32x128xf32, #tpu.memory_space<vmem>>[vector<16xi32>, vector<16xi32>], vector<16xf32>,
      %mul3A_2551 = arith.mulf %gather3A_2526, %gather3A_2541 : vector<16xf32>
      %mul3A_2552 = arith.mulf %gather3A_2535, %gather3A_2550 : vector<16xf32>
      %add3A_2553 = arith.addf %mul3A_2551, %mul3A_2552 : vector<16xf32>
      %reduce_sum3A_2554 = arith.constant true
      %reduce_sum3A_2555 = vector.broadcast %reduce_sum3A_2554 : i1 to vector<16xi1>
      %reduce_sum3A_2556 = tpu.scan <sum>, %add3A_2553 masked %reduce_sum3A_2555 : vector<16xf32>, vector<16xi1> -> vector<16xf32>
      %reduce_sum3A_2557 = vector.extract %reduce_sum3A_2556[15] : f32 from vector<16xf32>
      %eq3A_2558 = arith.constant 6 : i32
      %eq3A_2559 = vector.broadcast %eq3A_2558 : i32 to vector<16xi32>
      %eq3A_2560 = arith.cmpi eq, %iota3A, %eq3A_2559 : vector<16xi32>
      %broadcast_in_dim3A_2561 = vector.broadcast %reduce_sum3A_2557 : f32 to vector<16xf32>
      %select_n3A_2562 = arith.select %eq3A_2560, %broadcast_in_dim3A_2561, %select_n3A_2510 : vector<16xi1>, vector<16xf32>
      %slice3A_2563 = vector.extract_strided_slice %get3A_18 {offsets = [7], sizes = [1], strides = [1]} : vector<16xi32> to vector<1xi32>
      %squeeze3A_2564 = vector.extract %slice3A_2563[0] : i32 from vector<1xi32>
      %and3A_2565 = arith.constant 127 : i32
      %and3A_2566 = arith.andi %squeeze3A_2564, %and3A_2565 : i32
      %broadcast_in_dim3A_2567 = vector.broadcast %and3A_2566 : i32 to vector<16xi32>
      %slice3A_2568 = vector.extract_strided_slice %get3A_21 {offsets = [7], sizes = [1], strides = [1]} : vector<16xi32> to vector<1xi32>
      %squeeze3A_2569 = vector.extract %slice3A_2568[0] : i32 from vector<1xi32>
      %and3A_2570 = arith.constant 127 : i32
      %and3A_2571 = arith.andi %squeeze3A_2569, %and3A_2570 : i32
      %broadcast_in_dim3A_2572 = vector.broadcast %and3A_2571 : i32 to vector<16xi32>
      %gather3A_2573 = arith.constant 11 : i32
      %gather3A_2574 = arith.constant 0 : i32
      %gather3A_2575 = arith.constant 0 : i32
      %gather3A_2576 = tpu.memref_slice %arg9[%gather3A_2573, %gather3A_2574, %gather3A_2575] : memref<16x32x128xf32, #tpu.memory_space<vmem>> -> memref<1x32x128xf32, #tpu.memory_space<vmem>>
      %gather3A_2577 = tpu.memref_squeeze %gather3A_2576 : memref<1x32x128xf32, #tpu.memory_space<vmem>> -> memref<32x128xf32, #tpu.memory_space<vmem>>
      %gather3A_2578 = tpu.vector_load_idx %gather3A_2577[%iota3A, %broadcast_in_dim3A_2567] : memref<32x128xf32, #tpu.memory_space<vmem>>[vector<16xi32>, vector<16xi32>], vector<16xf32>,
      %add3A_2579 = arith.constant 16 : i32
      %add3A_2580 = vector.broadcast %add3A_2579 : i32 to vector<16xi32>
      %add3A_2581 = arith.addi %iota3A, %add3A_2580 : vector<16xi32>
      %gather3A_2582 = arith.constant 11 : i32
      %gather3A_2583 = arith.constant 0 : i32
      %gather3A_2584 = arith.constant 0 : i32
      %gather3A_2585 = tpu.memref_slice %arg9[%gather3A_2582, %gather3A_2583, %gather3A_2584] : memref<16x32x128xf32, #tpu.memory_space<vmem>> -> memref<1x32x128xf32, #tpu.memory_space<vmem>>
      %gather3A_2586 = tpu.memref_squeeze %gather3A_2585 : memref<1x32x128xf32, #tpu.memory_space<vmem>> -> memref<32x128xf32, #tpu.memory_space<vmem>>
      %gather3A_2587 = tpu.vector_load_idx %gather3A_2586[%add3A_2581, %broadcast_in_dim3A_2567] : memref<32x128xf32, #tpu.memory_space<vmem>>[vector<16xi32>, vector<16xi32>], vector<16xf32>,
      %gather3A_2588 = arith.constant 15 : i32
      %gather3A_2589 = arith.constant 0 : i32
      %gather3A_2590 = arith.constant 0 : i32
      %gather3A_2591 = tpu.memref_slice %arg9[%gather3A_2588, %gather3A_2589, %gather3A_2590] : memref<16x32x128xf32, #tpu.memory_space<vmem>> -> memref<1x32x128xf32, #tpu.memory_space<vmem>>
      %gather3A_2592 = tpu.memref_squeeze %gather3A_2591 : memref<1x32x128xf32, #tpu.memory_space<vmem>> -> memref<32x128xf32, #tpu.memory_space<vmem>>
      %gather3A_2593 = tpu.vector_load_idx %gather3A_2592[%iota3A, %broadcast_in_dim3A_2572] : memref<32x128xf32, #tpu.memory_space<vmem>>[vector<16xi32>, vector<16xi32>], vector<16xf32>,
      %add3A_2594 = arith.constant 16 : i32
      %add3A_2595 = vector.broadcast %add3A_2594 : i32 to vector<16xi32>
      %add3A_2596 = arith.addi %iota3A, %add3A_2595 : vector<16xi32>
      %gather3A_2597 = arith.constant 15 : i32
      %gather3A_2598 = arith.constant 0 : i32
      %gather3A_2599 = arith.constant 0 : i32
      %gather3A_2600 = tpu.memref_slice %arg9[%gather3A_2597, %gather3A_2598, %gather3A_2599] : memref<16x32x128xf32, #tpu.memory_space<vmem>> -> memref<1x32x128xf32, #tpu.memory_space<vmem>>
      %gather3A_2601 = tpu.memref_squeeze %gather3A_2600 : memref<1x32x128xf32, #tpu.memory_space<vmem>> -> memref<32x128xf32, #tpu.memory_space<vmem>>
      %gather3A_2602 = tpu.vector_load_idx %gather3A_2601[%add3A_2596, %broadcast_in_dim3A_2572] : memref<32x128xf32, #tpu.memory_space<vmem>>[vector<16xi32>, vector<16xi32>], vector<16xf32>,
      %mul3A_2603 = arith.mulf %gather3A_2578, %gather3A_2593 : vector<16xf32>
      %mul3A_2604 = arith.mulf %gather3A_2587, %gather3A_2602 : vector<16xf32>
      %add3A_2605 = arith.addf %mul3A_2603, %mul3A_2604 : vector<16xf32>
      %reduce_sum3A_2606 = arith.constant true
      %reduce_sum3A_2607 = vector.broadcast %reduce_sum3A_2606 : i1 to vector<16xi1>
      %reduce_sum3A_2608 = tpu.scan <sum>, %add3A_2605 masked %reduce_sum3A_2607 : vector<16xf32>, vector<16xi1> -> vector<16xf32>
      %reduce_sum3A_2609 = vector.extract %reduce_sum3A_2608[15] : f32 from vector<16xf32>
      %eq3A_2610 = arith.constant 7 : i32
      %eq3A_2611 = vector.broadcast %eq3A_2610 : i32 to vector<16xi32>
      %eq3A_2612 = arith.cmpi eq, %iota3A, %eq3A_2611 : vector<16xi32>
      %broadcast_in_dim3A_2613 = vector.broadcast %reduce_sum3A_2609 : f32 to vector<16xf32>
      %select_n3A_2614 = arith.select %eq3A_2612, %broadcast_in_dim3A_2613, %select_n3A_2562 : vector<16xi1>, vector<16xf32>
      %slice3A_2615 = vector.extract_strided_slice %get3A_18 {offsets = [12], sizes = [1], strides = [1]} : vector<16xi32> to vector<1xi32>
      %squeeze3A_2616 = vector.extract %slice3A_2615[0] : i32 from vector<1xi32>
      %and3A_2617 = arith.constant -128 : i32
      %and3A_2618 = arith.andi %squeeze3A_2616, %and3A_2617 : i32
      %multiple_of3A_2619 = tpu.assume_multiple %and3A_2618, 128 : i32
      %slice3A_2620 = vector.extract_strided_slice %get3A_21 {offsets = [12], sizes = [1], strides = [1]} : vector<16xi32> to vector<1xi32>
      %squeeze3A_2621 = vector.extract %slice3A_2620[0] : i32 from vector<1xi32>
      %and3A_2622 = arith.constant -128 : i32
      %and3A_2623 = arith.andi %squeeze3A_2621, %and3A_2622 : i32
      %multiple_of3A_2624 = tpu.assume_multiple %and3A_2623, 128 : i32
      %dma_start3A_2625 = arith.constant 8 : i32
      %dma_start3A_2626 = arith.constant 0 : i32
      %dma_start3A_2627 = arith.constant 0 : i32
      %dma_start3A_2628 = tpu.memref_slice %arg9[%dma_start3A_2625, %dma_start3A_2626, %dma_start3A_2627] : memref<16x32x128xf32, #tpu.memory_space<vmem>> -> memref<1x32x128xf32, #tpu.memory_space<vmem>>
      %dma_start3A_2629 = tpu.memref_squeeze %dma_start3A_2628 : memref<1x32x128xf32, #tpu.memory_space<vmem>> -> memref<32x128xf32, #tpu.memory_space<vmem>>
      %dma_start3A_2630 = arith.constant 0 : i32
      %dma_start3A_2631 = arith.constant 0 : i32
      %dma_start3A_2632 = tpu.memref_slice %dma_start3A_2629[%dma_start3A_2630, %dma_start3A_2631] : memref<32x128xf32, #tpu.memory_space<vmem>> -> memref<8x128xf32, #tpu.memory_space<vmem>>
      %dma_start3A_2633 = arith.constant 0 : i32
      %dma_start3A_2634 = tpu.memref_slice %arg4[%dma_start3A_2633, %multiple_of3A_2619] : memref<32x1000000xf32, #tpu.memory_space<hbm>> -> memref<8x128xf32, #tpu.memory_space<hbm>>
      %dma_start3A_2635 = arith.constant 0 : i32
      %dma_start3A_2636 = arith.constant 0 : i32
      %dma_start3A_2637 = tpu.memref_slice %arg9[%dma_start3A_2625, %dma_start3A_2635, %dma_start3A_2636] : memref<16x32x128xf32, #tpu.memory_space<vmem>> -> memref<1x32x128xf32, #tpu.memory_space<vmem>>
      %dma_start3A_2638 = tpu.memref_squeeze %dma_start3A_2637 : memref<1x32x128xf32, #tpu.memory_space<vmem>> -> memref<32x128xf32, #tpu.memory_space<vmem>>
      %dma_start3A_2639 = arith.constant 0 : i32
      %dma_start3A_2640 = arith.constant 0 : i32
      %dma_start3A_2641 = tpu.memref_slice %dma_start3A_2638[%dma_start3A_2639, %dma_start3A_2640] : memref<32x128xf32, #tpu.memory_space<vmem>> -> memref<8x128xf32, #tpu.memory_space<vmem>>
      %dma_start3A_2642 = arith.constant 0 : i32
      %dma_start3A_2643 = tpu.memref_slice %arg4[%dma_start3A_2642, %multiple_of3A_2619] : memref<32x1000000xf32, #tpu.memory_space<hbm>> -> memref<8x128xf32, #tpu.memory_space<hbm>>
      tpu.enqueue_dma source(%dma_start3A_2643 : memref<8x128xf32, #tpu.memory_space<hbm>>) target(%dma_start3A_2641 : memref<8x128xf32, #tpu.memory_space<vmem>>) target_semaphore(%arg12 : memref<!tpu.dma_semaphore, #tpu.memory_space<semaphore_mem>>)
      %dma_start3A_2644 = arith.constant 12 : i32
      %dma_start3A_2645 = arith.constant 0 : i32
      %dma_start3A_2646 = arith.constant 0 : i32
      %dma_start3A_2647 = tpu.memref_slice %arg9[%dma_start3A_2644, %dma_start3A_2645, %dma_start3A_2646] : memref<16x32x128xf32, #tpu.memory_space<vmem>> -> memref<1x32x128xf32, #tpu.memory_space<vmem>>
      %dma_start3A_2648 = tpu.memref_squeeze %dma_start3A_2647 : memref<1x32x128xf32, #tpu.memory_space<vmem>> -> memref<32x128xf32, #tpu.memory_space<vmem>>
      %dma_start3A_2649 = arith.constant 0 : i32
      %dma_start3A_2650 = arith.constant 0 : i32
      %dma_start3A_2651 = tpu.memref_slice %dma_start3A_2648[%dma_start3A_2649, %dma_start3A_2650] : memref<32x128xf32, #tpu.memory_space<vmem>> -> memref<8x128xf32, #tpu.memory_space<vmem>>
      %dma_start3A_2652 = arith.constant 0 : i32
      %dma_start3A_2653 = tpu.memref_slice %arg5[%dma_start3A_2652, %multiple_of3A_2624] : memref<32x1000000xf32, #tpu.memory_space<hbm>> -> memref<8x128xf32, #tpu.memory_space<hbm>>
      %dma_start3A_2654 = arith.constant 0 : i32
      %dma_start3A_2655 = arith.constant 0 : i32
      %dma_start3A_2656 = tpu.memref_slice %arg9[%dma_start3A_2644, %dma_start3A_2654, %dma_start3A_2655] : memref<16x32x128xf32, #tpu.memory_space<vmem>> -> memref<1x32x128xf32, #tpu.memory_space<vmem>>
      %dma_start3A_2657 = tpu.memref_squeeze %dma_start3A_2656 : memref<1x32x128xf32, #tpu.memory_space<vmem>> -> memref<32x128xf32, #tpu.memory_space<vmem>>
      %dma_start3A_2658 = arith.constant 0 : i32
      %dma_start3A_2659 = arith.constant 0 : i32
      %dma_start3A_2660 = tpu.memref_slice %dma_start3A_2657[%dma_start3A_2658, %dma_start3A_2659] : memref<32x128xf32, #tpu.memory_space<vmem>> -> memref<8x128xf32, #tpu.memory_space<vmem>>
      %dma_start3A_2661 = arith.constant 0 : i32
      %dma_start3A_2662 = tpu.memref_slice %arg5[%dma_start3A_2661, %multiple_of3A_2624] : memref<32x1000000xf32, #tpu.memory_space<hbm>> -> memref<8x128xf32, #tpu.memory_space<hbm>>
      tpu.enqueue_dma source(%dma_start3A_2662 : memref<8x128xf32, #tpu.memory_space<hbm>>) target(%dma_start3A_2660 : memref<8x128xf32, #tpu.memory_space<vmem>>) target_semaphore(%arg12 : memref<!tpu.dma_semaphore, #tpu.memory_space<semaphore_mem>>)
      %dma_start3A_2663 = arith.constant 8 : i32
      %dma_start3A_2664 = arith.constant 0 : i32
      %dma_start3A_2665 = arith.constant 0 : i32
      %dma_start3A_2666 = tpu.memref_slice %arg9[%dma_start3A_2663, %dma_start3A_2664, %dma_start3A_2665] : memref<16x32x128xf32, #tpu.memory_space<vmem>> -> memref<1x32x128xf32, #tpu.memory_space<vmem>>
      %dma_start3A_2667 = tpu.memref_squeeze %dma_start3A_2666 : memref<1x32x128xf32, #tpu.memory_space<vmem>> -> memref<32x128xf32, #tpu.memory_space<vmem>>
      %dma_start3A_2668 = arith.constant 8 : i32
      %dma_start3A_2669 = arith.constant 0 : i32
      %dma_start3A_2670 = tpu.memref_slice %dma_start3A_2667[%dma_start3A_2668, %dma_start3A_2669] : memref<32x128xf32, #tpu.memory_space<vmem>> -> memref<8x128xf32, #tpu.memory_space<vmem>>
      %dma_start3A_2671 = arith.constant 8 : i32
      %dma_start3A_2672 = tpu.memref_slice %arg4[%dma_start3A_2671, %multiple_of3A_2619] : memref<32x1000000xf32, #tpu.memory_space<hbm>> -> memref<8x128xf32, #tpu.memory_space<hbm>>
      %dma_start3A_2673 = arith.constant 0 : i32
      %dma_start3A_2674 = arith.constant 0 : i32
      %dma_start3A_2675 = tpu.memref_slice %arg9[%dma_start3A_2663, %dma_start3A_2673, %dma_start3A_2674] : memref<16x32x128xf32, #tpu.memory_space<vmem>> -> memref<1x32x128xf32, #tpu.memory_space<vmem>>
      %dma_start3A_2676 = tpu.memref_squeeze %dma_start3A_2675 : memref<1x32x128xf32, #tpu.memory_space<vmem>> -> memref<32x128xf32, #tpu.memory_space<vmem>>
      %dma_start3A_2677 = arith.constant 8 : i32
      %dma_start3A_2678 = arith.constant 0 : i32
      %dma_start3A_2679 = tpu.memref_slice %dma_start3A_2676[%dma_start3A_2677, %dma_start3A_2678] : memref<32x128xf32, #tpu.memory_space<vmem>> -> memref<8x128xf32, #tpu.memory_space<vmem>>
      %dma_start3A_2680 = arith.constant 8 : i32
      %dma_start3A_2681 = tpu.memref_slice %arg4[%dma_start3A_2680, %multiple_of3A_2619] : memref<32x1000000xf32, #tpu.memory_space<hbm>> -> memref<8x128xf32, #tpu.memory_space<hbm>>
      tpu.enqueue_dma source(%dma_start3A_2681 : memref<8x128xf32, #tpu.memory_space<hbm>>) target(%dma_start3A_2679 : memref<8x128xf32, #tpu.memory_space<vmem>>) target_semaphore(%arg12 : memref<!tpu.dma_semaphore, #tpu.memory_space<semaphore_mem>>)
      %dma_start3A_2682 = arith.constant 12 : i32
      %dma_start3A_2683 = arith.constant 0 : i32
      %dma_start3A_2684 = arith.constant 0 : i32
      %dma_start3A_2685 = tpu.memref_slice %arg9[%dma_start3A_2682, %dma_start3A_2683, %dma_start3A_2684] : memref<16x32x128xf32, #tpu.memory_space<vmem>> -> memref<1x32x128xf32, #tpu.memory_space<vmem>>
      %dma_start3A_2686 = tpu.memref_squeeze %dma_start3A_2685 : memref<1x32x128xf32, #tpu.memory_space<vmem>> -> memref<32x128xf32, #tpu.memory_space<vmem>>
      %dma_start3A_2687 = arith.constant 8 : i32
      %dma_start3A_2688 = arith.constant 0 : i32
      %dma_start3A_2689 = tpu.memref_slice %dma_start3A_2686[%dma_start3A_2687, %dma_start3A_2688] : memref<32x128xf32, #tpu.memory_space<vmem>> -> memref<8x128xf32, #tpu.memory_space<vmem>>
      %dma_start3A_2690 = arith.constant 8 : i32
      %dma_start3A_2691 = tpu.memref_slice %arg5[%dma_start3A_2690, %multiple_of3A_2624] : memref<32x1000000xf32, #tpu.memory_space<hbm>> -> memref<8x128xf32, #tpu.memory_space<hbm>>
      %dma_start3A_2692 = arith.constant 0 : i32
      %dma_start3A_2693 = arith.constant 0 : i32
      %dma_start3A_2694 = tpu.memref_slice %arg9[%dma_start3A_2682, %dma_start3A_2692, %dma_start3A_2693] : memref<16x32x128xf32, #tpu.memory_space<vmem>> -> memref<1x32x128xf32, #tpu.memory_space<vmem>>
      %dma_start3A_2695 = tpu.memref_squeeze %dma_start3A_2694 : memref<1x32x128xf32, #tpu.memory_space<vmem>> -> memref<32x128xf32, #tpu.memory_space<vmem>>
      %dma_start3A_2696 = arith.constant 8 : i32
      %dma_start3A_2697 = arith.constant 0 : i32
      %dma_start3A_2698 = tpu.memref_slice %dma_start3A_2695[%dma_start3A_2696, %dma_start3A_2697] : memref<32x128xf32, #tpu.memory_space<vmem>> -> memref<8x128xf32, #tpu.memory_space<vmem>>
      %dma_start3A_2699 = arith.constant 8 : i32
      %dma_start3A_2700 = tpu.memref_slice %arg5[%dma_start3A_2699, %multiple_of3A_2624] : memref<32x1000000xf32, #tpu.memory_space<hbm>> -> memref<8x128xf32, #tpu.memory_space<hbm>>
      tpu.enqueue_dma source(%dma_start3A_2700 : memref<8x128xf32, #tpu.memory_space<hbm>>) target(%dma_start3A_2698 : memref<8x128xf32, #tpu.memory_space<vmem>>) target_semaphore(%arg12 : memref<!tpu.dma_semaphore, #tpu.memory_space<semaphore_mem>>)
      %dma_start3A_2701 = arith.constant 8 : i32
      %dma_start3A_2702 = arith.constant 0 : i32
      %dma_start3A_2703 = arith.constant 0 : i32
      %dma_start3A_2704 = tpu.memref_slice %arg9[%dma_start3A_2701, %dma_start3A_2702, %dma_start3A_2703] : memref<16x32x128xf32, #tpu.memory_space<vmem>> -> memref<1x32x128xf32, #tpu.memory_space<vmem>>
      %dma_start3A_2705 = tpu.memref_squeeze %dma_start3A_2704 : memref<1x32x128xf32, #tpu.memory_space<vmem>> -> memref<32x128xf32, #tpu.memory_space<vmem>>
      %dma_start3A_2706 = arith.constant 16 : i32
      %dma_start3A_2707 = arith.constant 0 : i32
      %dma_start3A_2708 = tpu.memref_slice %dma_start3A_2705[%dma_start3A_2706, %dma_start3A_2707] : memref<32x128xf32, #tpu.memory_space<vmem>> -> memref<8x128xf32, #tpu.memory_space<vmem>>
      %dma_start3A_2709 = arith.constant 16 : i32
      %dma_start3A_2710 = tpu.memref_slice %arg4[%dma_start3A_2709, %multiple_of3A_2619] : memref<32x1000000xf32, #tpu.memory_space<hbm>> -> memref<8x128xf32, #tpu.memory_space<hbm>>
      %dma_start3A_2711 = arith.constant 0 : i32
      %dma_start3A_2712 = arith.constant 0 : i32
      %dma_start3A_2713 = tpu.memref_slice %arg9[%dma_start3A_2701, %dma_start3A_2711, %dma_start3A_2712] : memref<16x32x128xf32, #tpu.memory_space<vmem>> -> memref<1x32x128xf32, #tpu.memory_space<vmem>>
      %dma_start3A_2714 = tpu.memref_squeeze %dma_start3A_2713 : memref<1x32x128xf32, #tpu.memory_space<vmem>> -> memref<32x128xf32, #tpu.memory_space<vmem>>
      %dma_start3A_2715 = arith.constant 16 : i32
      %dma_start3A_2716 = arith.constant 0 : i32
      %dma_start3A_2717 = tpu.memref_slice %dma_start3A_2714[%dma_start3A_2715, %dma_start3A_2716] : memref<32x128xf32, #tpu.memory_space<vmem>> -> memref<8x128xf32, #tpu.memory_space<vmem>>
      %dma_start3A_2718 = arith.constant 16 : i32
      %dma_start3A_2719 = tpu.memref_slice %arg4[%dma_start3A_2718, %multiple_of3A_2619] : memref<32x1000000xf32, #tpu.memory_space<hbm>> -> memref<8x128xf32, #tpu.memory_space<hbm>>
      tpu.enqueue_dma source(%dma_start3A_2719 : memref<8x128xf32, #tpu.memory_space<hbm>>) target(%dma_start3A_2717 : memref<8x128xf32, #tpu.memory_space<vmem>>) target_semaphore(%arg12 : memref<!tpu.dma_semaphore, #tpu.memory_space<semaphore_mem>>)
      %dma_start3A_2720 = arith.constant 12 : i32
      %dma_start3A_2721 = arith.constant 0 : i32
      %dma_start3A_2722 = arith.constant 0 : i32
      %dma_start3A_2723 = tpu.memref_slice %arg9[%dma_start3A_2720, %dma_start3A_2721, %dma_start3A_2722] : memref<16x32x128xf32, #tpu.memory_space<vmem>> -> memref<1x32x128xf32, #tpu.memory_space<vmem>>
      %dma_start3A_2724 = tpu.memref_squeeze %dma_start3A_2723 : memref<1x32x128xf32, #tpu.memory_space<vmem>> -> memref<32x128xf32, #tpu.memory_space<vmem>>
      %dma_start3A_2725 = arith.constant 16 : i32
      %dma_start3A_2726 = arith.constant 0 : i32
      %dma_start3A_2727 = tpu.memref_slice %dma_start3A_2724[%dma_start3A_2725, %dma_start3A_2726] : memref<32x128xf32, #tpu.memory_space<vmem>> -> memref<8x128xf32, #tpu.memory_space<vmem>>
      %dma_start3A_2728 = arith.constant 16 : i32
      %dma_start3A_2729 = tpu.memref_slice %arg5[%dma_start3A_2728, %multiple_of3A_2624] : memref<32x1000000xf32, #tpu.memory_space<hbm>> -> memref<8x128xf32, #tpu.memory_space<hbm>>
      %dma_start3A_2730 = arith.constant 0 : i32
      %dma_start3A_2731 = arith.constant 0 : i32
      %dma_start3A_2732 = tpu.memref_slice %arg9[%dma_start3A_2720, %dma_start3A_2730, %dma_start3A_2731] : memref<16x32x128xf32, #tpu.memory_space<vmem>> -> memref<1x32x128xf32, #tpu.memory_space<vmem>>
      %dma_start3A_2733 = tpu.memref_squeeze %dma_start3A_2732 : memref<1x32x128xf32, #tpu.memory_space<vmem>> -> memref<32x128xf32, #tpu.memory_space<vmem>>
      %dma_start3A_2734 = arith.constant 16 : i32
      %dma_start3A_2735 = arith.constant 0 : i32
      %dma_start3A_2736 = tpu.memref_slice %dma_start3A_2733[%dma_start3A_2734, %dma_start3A_2735] : memref<32x128xf32, #tpu.memory_space<vmem>> -> memref<8x128xf32, #tpu.memory_space<vmem>>
      %dma_start3A_2737 = arith.constant 16 : i32
      %dma_start3A_2738 = tpu.memref_slice %arg5[%dma_start3A_2737, %multiple_of3A_2624] : memref<32x1000000xf32, #tpu.memory_space<hbm>> -> memref<8x128xf32, #tpu.memory_space<hbm>>
      tpu.enqueue_dma source(%dma_start3A_2738 : memref<8x128xf32, #tpu.memory_space<hbm>>) target(%dma_start3A_2736 : memref<8x128xf32, #tpu.memory_space<vmem>>) target_semaphore(%arg12 : memref<!tpu.dma_semaphore, #tpu.memory_space<semaphore_mem>>)
      %dma_start3A_2739 = arith.constant 8 : i32
      %dma_start3A_2740 = arith.constant 0 : i32
      %dma_start3A_2741 = arith.constant 0 : i32
      %dma_start3A_2742 = tpu.memref_slice %arg9[%dma_start3A_2739, %dma_start3A_2740, %dma_start3A_2741] : memref<16x32x128xf32, #tpu.memory_space<vmem>> -> memref<1x32x128xf32, #tpu.memory_space<vmem>>
      %dma_start3A_2743 = tpu.memref_squeeze %dma_start3A_2742 : memref<1x32x128xf32, #tpu.memory_space<vmem>> -> memref<32x128xf32, #tpu.memory_space<vmem>>
      %dma_start3A_2744 = arith.constant 24 : i32
      %dma_start3A_2745 = arith.constant 0 : i32
      %dma_start3A_2746 = tpu.memref_slice %dma_start3A_2743[%dma_start3A_2744, %dma_start3A_2745] : memref<32x128xf32, #tpu.memory_space<vmem>> -> memref<8x128xf32, #tpu.memory_space<vmem>>
      %dma_start3A_2747 = arith.constant 24 : i32
      %dma_start3A_2748 = tpu.memref_slice %arg4[%dma_start3A_2747, %multiple_of3A_2619] : memref<32x1000000xf32, #tpu.memory_space<hbm>> -> memref<8x128xf32, #tpu.memory_space<hbm>>
      %dma_start3A_2749 = arith.constant 0 : i32
      %dma_start3A_2750 = arith.constant 0 : i32
      %dma_start3A_2751 = tpu.memref_slice %arg9[%dma_start3A_2739, %dma_start3A_2749, %dma_start3A_2750] : memref<16x32x128xf32, #tpu.memory_space<vmem>> -> memref<1x32x128xf32, #tpu.memory_space<vmem>>
      %dma_start3A_2752 = tpu.memref_squeeze %dma_start3A_2751 : memref<1x32x128xf32, #tpu.memory_space<vmem>> -> memref<32x128xf32, #tpu.memory_space<vmem>>
      %dma_start3A_2753 = arith.constant 24 : i32
      %dma_start3A_2754 = arith.constant 0 : i32
      %dma_start3A_2755 = tpu.memref_slice %dma_start3A_2752[%dma_start3A_2753, %dma_start3A_2754] : memref<32x128xf32, #tpu.memory_space<vmem>> -> memref<8x128xf32, #tpu.memory_space<vmem>>
      %dma_start3A_2756 = arith.constant 24 : i32
      %dma_start3A_2757 = tpu.memref_slice %arg4[%dma_start3A_2756, %multiple_of3A_2619] : memref<32x1000000xf32, #tpu.memory_space<hbm>> -> memref<8x128xf32, #tpu.memory_space<hbm>>
      tpu.enqueue_dma source(%dma_start3A_2757 : memref<8x128xf32, #tpu.memory_space<hbm>>) target(%dma_start3A_2755 : memref<8x128xf32, #tpu.memory_space<vmem>>) target_semaphore(%arg12 : memref<!tpu.dma_semaphore, #tpu.memory_space<semaphore_mem>>)
      %dma_start3A_2758 = arith.constant 12 : i32
      %dma_start3A_2759 = arith.constant 0 : i32
      %dma_start3A_2760 = arith.constant 0 : i32
      %dma_start3A_2761 = tpu.memref_slice %arg9[%dma_start3A_2758, %dma_start3A_2759, %dma_start3A_2760] : memref<16x32x128xf32, #tpu.memory_space<vmem>> -> memref<1x32x128xf32, #tpu.memory_space<vmem>>
      %dma_start3A_2762 = tpu.memref_squeeze %dma_start3A_2761 : memref<1x32x128xf32, #tpu.memory_space<vmem>> -> memref<32x128xf32, #tpu.memory_space<vmem>>
      %dma_start3A_2763 = arith.constant 24 : i32
      %dma_start3A_2764 = arith.constant 0 : i32
      %dma_start3A_2765 = tpu.memref_slice %dma_start3A_2762[%dma_start3A_2763, %dma_start3A_2764] : memref<32x128xf32, #tpu.memory_space<vmem>> -> memref<8x128xf32, #tpu.memory_space<vmem>>
      %dma_start3A_2766 = arith.constant 24 : i32
      %dma_start3A_2767 = tpu.memref_slice %arg5[%dma_start3A_2766, %multiple_of3A_2624] : memref<32x1000000xf32, #tpu.memory_space<hbm>> -> memref<8x128xf32, #tpu.memory_space<hbm>>
      %dma_start3A_2768 = arith.constant 0 : i32
      %dma_start3A_2769 = arith.constant 0 : i32
      %dma_start3A_2770 = tpu.memref_slice %arg9[%dma_start3A_2758, %dma_start3A_2768, %dma_start3A_2769] : memref<16x32x128xf32, #tpu.memory_space<vmem>> -> memref<1x32x128xf32, #tpu.memory_space<vmem>>
      %dma_start3A_2771 = tpu.memref_squeeze %dma_start3A_2770 : memref<1x32x128xf32, #tpu.memory_space<vmem>> -> memref<32x128xf32, #tpu.memory_space<vmem>>
      %dma_start3A_2772 = arith.constant 24 : i32
      %dma_start3A_2773 = arith.constant 0 : i32
      %dma_start3A_2774 = tpu.memref_slice %dma_start3A_2771[%dma_start3A_2772, %dma_start3A_2773] : memref<32x128xf32, #tpu.memory_space<vmem>> -> memref<8x128xf32, #tpu.memory_space<vmem>>
      %dma_start3A_2775 = arith.constant 24 : i32
      %dma_start3A_2776 = tpu.memref_slice %arg5[%dma_start3A_2775, %multiple_of3A_2624] : memref<32x1000000xf32, #tpu.memory_space<hbm>> -> memref<8x128xf32, #tpu.memory_space<hbm>>
      tpu.enqueue_dma source(%dma_start3A_2776 : memref<8x128xf32, #tpu.memory_space<hbm>>) target(%dma_start3A_2774 : memref<8x128xf32, #tpu.memory_space<vmem>>) target_semaphore(%arg12 : memref<!tpu.dma_semaphore, #tpu.memory_space<semaphore_mem>>)
      %slice3A_2777 = vector.extract_strided_slice %get3A_18 {offsets = [13], sizes = [1], strides = [1]} : vector<16xi32> to vector<1xi32>
      %squeeze3A_2778 = vector.extract %slice3A_2777[0] : i32 from vector<1xi32>
      %and3A_2779 = arith.constant -128 : i32
      %and3A_2780 = arith.andi %squeeze3A_2778, %and3A_2779 : i32
      %multiple_of3A_2781 = tpu.assume_multiple %and3A_2780, 128 : i32
      %slice3A_2782 = vector.extract_strided_slice %get3A_21 {offsets = [13], sizes = [1], strides = [1]} : vector<16xi32> to vector<1xi32>
      %squeeze3A_2783 = vector.extract %slice3A_2782[0] : i32 from vector<1xi32>
      %and3A_2784 = arith.constant -128 : i32
      %and3A_2785 = arith.andi %squeeze3A_2783, %and3A_2784 : i32
      %multiple_of3A_2786 = tpu.assume_multiple %and3A_2785, 128 : i32
      %dma_start3A_2787 = arith.constant 9 : i32
      %dma_start3A_2788 = arith.constant 0 : i32
      %dma_start3A_2789 = arith.constant 0 : i32
      %dma_start3A_2790 = tpu.memref_slice %arg9[%dma_start3A_2787, %dma_start3A_2788, %dma_start3A_2789] : memref<16x32x128xf32, #tpu.memory_space<vmem>> -> memref<1x32x128xf32, #tpu.memory_space<vmem>>
      %dma_start3A_2791 = tpu.memref_squeeze %dma_start3A_2790 : memref<1x32x128xf32, #tpu.memory_space<vmem>> -> memref<32x128xf32, #tpu.memory_space<vmem>>
      %dma_start3A_2792 = arith.constant 0 : i32
      %dma_start3A_2793 = arith.constant 0 : i32
      %dma_start3A_2794 = tpu.memref_slice %dma_start3A_2791[%dma_start3A_2792, %dma_start3A_2793] : memref<32x128xf32, #tpu.memory_space<vmem>> -> memref<8x128xf32, #tpu.memory_space<vmem>>
      %dma_start3A_2795 = arith.constant 0 : i32
      %dma_start3A_2796 = tpu.memref_slice %arg4[%dma_start3A_2795, %multiple_of3A_2781] : memref<32x1000000xf32, #tpu.memory_space<hbm>> -> memref<8x128xf32, #tpu.memory_space<hbm>>
      %dma_start3A_2797 = arith.constant 0 : i32
      %dma_start3A_2798 = arith.constant 0 : i32
      %dma_start3A_2799 = tpu.memref_slice %arg9[%dma_start3A_2787, %dma_start3A_2797, %dma_start3A_2798] : memref<16x32x128xf32, #tpu.memory_space<vmem>> -> memref<1x32x128xf32, #tpu.memory_space<vmem>>
      %dma_start3A_2800 = tpu.memref_squeeze %dma_start3A_2799 : memref<1x32x128xf32, #tpu.memory_space<vmem>> -> memref<32x128xf32, #tpu.memory_space<vmem>>
      %dma_start3A_2801 = arith.constant 0 : i32
      %dma_start3A_2802 = arith.constant 0 : i32
      %dma_start3A_2803 = tpu.memref_slice %dma_start3A_2800[%dma_start3A_2801, %dma_start3A_2802] : memref<32x128xf32, #tpu.memory_space<vmem>> -> memref<8x128xf32, #tpu.memory_space<vmem>>
      %dma_start3A_2804 = arith.constant 0 : i32
      %dma_start3A_2805 = tpu.memref_slice %arg4[%dma_start3A_2804, %multiple_of3A_2781] : memref<32x1000000xf32, #tpu.memory_space<hbm>> -> memref<8x128xf32, #tpu.memory_space<hbm>>
      tpu.enqueue_dma source(%dma_start3A_2805 : memref<8x128xf32, #tpu.memory_space<hbm>>) target(%dma_start3A_2803 : memref<8x128xf32, #tpu.memory_space<vmem>>) target_semaphore(%arg12 : memref<!tpu.dma_semaphore, #tpu.memory_space<semaphore_mem>>)
      %dma_start3A_2806 = arith.constant 13 : i32
      %dma_start3A_2807 = arith.constant 0 : i32
      %dma_start3A_2808 = arith.constant 0 : i32
      %dma_start3A_2809 = tpu.memref_slice %arg9[%dma_start3A_2806, %dma_start3A_2807, %dma_start3A_2808] : memref<16x32x128xf32, #tpu.memory_space<vmem>> -> memref<1x32x128xf32, #tpu.memory_space<vmem>>
      %dma_start3A_2810 = tpu.memref_squeeze %dma_start3A_2809 : memref<1x32x128xf32, #tpu.memory_space<vmem>> -> memref<32x128xf32, #tpu.memory_space<vmem>>
      %dma_start3A_2811 = arith.constant 0 : i32
      %dma_start3A_2812 = arith.constant 0 : i32
      %dma_start3A_2813 = tpu.memref_slice %dma_start3A_2810[%dma_start3A_2811, %dma_start3A_2812] : memref<32x128xf32, #tpu.memory_space<vmem>> -> memref<8x128xf32, #tpu.memory_space<vmem>>
      %dma_start3A_2814 = arith.constant 0 : i32
      %dma_start3A_2815 = tpu.memref_slice %arg5[%dma_start3A_2814, %multiple_of3A_2786] : memref<32x1000000xf32, #tpu.memory_space<hbm>> -> memref<8x128xf32, #tpu.memory_space<hbm>>
      %dma_start3A_2816 = arith.constant 0 : i32
      %dma_start3A_2817 = arith.constant 0 : i32
      %dma_start3A_2818 = tpu.memref_slice %arg9[%dma_start3A_2806, %dma_start3A_2816, %dma_start3A_2817] : memref<16x32x128xf32, #tpu.memory_space<vmem>> -> memref<1x32x128xf32, #tpu.memory_space<vmem>>
      %dma_start3A_2819 = tpu.memref_squeeze %dma_start3A_2818 : memref<1x32x128xf32, #tpu.memory_space<vmem>> -> memref<32x128xf32, #tpu.memory_space<vmem>>
      %dma_start3A_2820 = arith.constant 0 : i32
      %dma_start3A_2821 = arith.constant 0 : i32
      %dma_start3A_2822 = tpu.memref_slice %dma_start3A_2819[%dma_start3A_2820, %dma_start3A_2821] : memref<32x128xf32, #tpu.memory_space<vmem>> -> memref<8x128xf32, #tpu.memory_space<vmem>>
      %dma_start3A_2823 = arith.constant 0 : i32
      %dma_start3A_2824 = tpu.memref_slice %arg5[%dma_start3A_2823, %multiple_of3A_2786] : memref<32x1000000xf32, #tpu.memory_space<hbm>> -> memref<8x128xf32, #tpu.memory_space<hbm>>
      tpu.enqueue_dma source(%dma_start3A_2824 : memref<8x128xf32, #tpu.memory_space<hbm>>) target(%dma_start3A_2822 : memref<8x128xf32, #tpu.memory_space<vmem>>) target_semaphore(%arg12 : memref<!tpu.dma_semaphore, #tpu.memory_space<semaphore_mem>>)
      %dma_start3A_2825 = arith.constant 9 : i32
      %dma_start3A_2826 = arith.constant 0 : i32
      %dma_start3A_2827 = arith.constant 0 : i32
      %dma_start3A_2828 = tpu.memref_slice %arg9[%dma_start3A_2825, %dma_start3A_2826, %dma_start3A_2827] : memref<16x32x128xf32, #tpu.memory_space<vmem>> -> memref<1x32x128xf32, #tpu.memory_space<vmem>>
      %dma_start3A_2829 = tpu.memref_squeeze %dma_start3A_2828 : memref<1x32x128xf32, #tpu.memory_space<vmem>> -> memref<32x128xf32, #tpu.memory_space<vmem>>
      %dma_start3A_2830 = arith.constant 8 : i32
      %dma_start3A_2831 = arith.constant 0 : i32
      %dma_start3A_2832 = tpu.memref_slice %dma_start3A_2829[%dma_start3A_2830, %dma_start3A_2831] : memref<32x128xf32, #tpu.memory_space<vmem>> -> memref<8x128xf32, #tpu.memory_space<vmem>>
      %dma_start3A_2833 = arith.constant 8 : i32
      %dma_start3A_2834 = tpu.memref_slice %arg4[%dma_start3A_2833, %multiple_of3A_2781] : memref<32x1000000xf32, #tpu.memory_space<hbm>> -> memref<8x128xf32, #tpu.memory_space<hbm>>
      %dma_start3A_2835 = arith.constant 0 : i32
      %dma_start3A_2836 = arith.constant 0 : i32
      %dma_start3A_2837 = tpu.memref_slice %arg9[%dma_start3A_2825, %dma_start3A_2835, %dma_start3A_2836] : memref<16x32x128xf32, #tpu.memory_space<vmem>> -> memref<1x32x128xf32, #tpu.memory_space<vmem>>
      %dma_start3A_2838 = tpu.memref_squeeze %dma_start3A_2837 : memref<1x32x128xf32, #tpu.memory_space<vmem>> -> memref<32x128xf32, #tpu.memory_space<vmem>>
      %dma_start3A_2839 = arith.constant 8 : i32
      %dma_start3A_2840 = arith.constant 0 : i32
      %dma_start3A_2841 = tpu.memref_slice %dma_start3A_2838[%dma_start3A_2839, %dma_start3A_2840] : memref<32x128xf32, #tpu.memory_space<vmem>> -> memref<8x128xf32, #tpu.memory_space<vmem>>
      %dma_start3A_2842 = arith.constant 8 : i32
      %dma_start3A_2843 = tpu.memref_slice %arg4[%dma_start3A_2842, %multiple_of3A_2781] : memref<32x1000000xf32, #tpu.memory_space<hbm>> -> memref<8x128xf32, #tpu.memory_space<hbm>>
      tpu.enqueue_dma source(%dma_start3A_2843 : memref<8x128xf32, #tpu.memory_space<hbm>>) target(%dma_start3A_2841 : memref<8x128xf32, #tpu.memory_space<vmem>>) target_semaphore(%arg12 : memref<!tpu.dma_semaphore, #tpu.memory_space<semaphore_mem>>)
      %dma_start3A_2844 = arith.constant 13 : i32
      %dma_start3A_2845 = arith.constant 0 : i32
      %dma_start3A_2846 = arith.constant 0 : i32
      %dma_start3A_2847 = tpu.memref_slice %arg9[%dma_start3A_2844, %dma_start3A_2845, %dma_start3A_2846] : memref<16x32x128xf32, #tpu.memory_space<vmem>> -> memref<1x32x128xf32, #tpu.memory_space<vmem>>
      %dma_start3A_2848 = tpu.memref_squeeze %dma_start3A_2847 : memref<1x32x128xf32, #tpu.memory_space<vmem>> -> memref<32x128xf32, #tpu.memory_space<vmem>>
      %dma_start3A_2849 = arith.constant 8 : i32
      %dma_start3A_2850 = arith.constant 0 : i32
      %dma_start3A_2851 = tpu.memref_slice %dma_start3A_2848[%dma_start3A_2849, %dma_start3A_2850] : memref<32x128xf32, #tpu.memory_space<vmem>> -> memref<8x128xf32, #tpu.memory_space<vmem>>
      %dma_start3A_2852 = arith.constant 8 : i32
      %dma_start3A_2853 = tpu.memref_slice %arg5[%dma_start3A_2852, %multiple_of3A_2786] : memref<32x1000000xf32, #tpu.memory_space<hbm>> -> memref<8x128xf32, #tpu.memory_space<hbm>>
      %dma_start3A_2854 = arith.constant 0 : i32
      %dma_start3A_2855 = arith.constant 0 : i32
      %dma_start3A_2856 = tpu.memref_slice %arg9[%dma_start3A_2844, %dma_start3A_2854, %dma_start3A_2855] : memref<16x32x128xf32, #tpu.memory_space<vmem>> -> memref<1x32x128xf32, #tpu.memory_space<vmem>>
      %dma_start3A_2857 = tpu.memref_squeeze %dma_start3A_2856 : memref<1x32x128xf32, #tpu.memory_space<vmem>> -> memref<32x128xf32, #tpu.memory_space<vmem>>
      %dma_start3A_2858 = arith.constant 8 : i32
      %dma_start3A_2859 = arith.constant 0 : i32
      %dma_start3A_2860 = tpu.memref_slice %dma_start3A_2857[%dma_start3A_2858, %dma_start3A_2859] : memref<32x128xf32, #tpu.memory_space<vmem>> -> memref<8x128xf32, #tpu.memory_space<vmem>>
      %dma_start3A_2861 = arith.constant 8 : i32
      %dma_start3A_2862 = tpu.memref_slice %arg5[%dma_start3A_2861, %multiple_of3A_2786] : memref<32x1000000xf32, #tpu.memory_space<hbm>> -> memref<8x128xf32, #tpu.memory_space<hbm>>
      tpu.enqueue_dma source(%dma_start3A_2862 : memref<8x128xf32, #tpu.memory_space<hbm>>) target(%dma_start3A_2860 : memref<8x128xf32, #tpu.memory_space<vmem>>) target_semaphore(%arg12 : memref<!tpu.dma_semaphore, #tpu.memory_space<semaphore_mem>>)
      %dma_start3A_2863 = arith.constant 9 : i32
      %dma_start3A_2864 = arith.constant 0 : i32
      %dma_start3A_2865 = arith.constant 0 : i32
      %dma_start3A_2866 = tpu.memref_slice %arg9[%dma_start3A_2863, %dma_start3A_2864, %dma_start3A_2865] : memref<16x32x128xf32, #tpu.memory_space<vmem>> -> memref<1x32x128xf32, #tpu.memory_space<vmem>>
      %dma_start3A_2867 = tpu.memref_squeeze %dma_start3A_2866 : memref<1x32x128xf32, #tpu.memory_space<vmem>> -> memref<32x128xf32, #tpu.memory_space<vmem>>
      %dma_start3A_2868 = arith.constant 16 : i32
      %dma_start3A_2869 = arith.constant 0 : i32
      %dma_start3A_2870 = tpu.memref_slice %dma_start3A_2867[%dma_start3A_2868, %dma_start3A_2869] : memref<32x128xf32, #tpu.memory_space<vmem>> -> memref<8x128xf32, #tpu.memory_space<vmem>>
      %dma_start3A_2871 = arith.constant 16 : i32
      %dma_start3A_2872 = tpu.memref_slice %arg4[%dma_start3A_2871, %multiple_of3A_2781] : memref<32x1000000xf32, #tpu.memory_space<hbm>> -> memref<8x128xf32, #tpu.memory_space<hbm>>
      %dma_start3A_2873 = arith.constant 0 : i32
      %dma_start3A_2874 = arith.constant 0 : i32
      %dma_start3A_2875 = tpu.memref_slice %arg9[%dma_start3A_2863, %dma_start3A_2873, %dma_start3A_2874] : memref<16x32x128xf32, #tpu.memory_space<vmem>> -> memref<1x32x128xf32, #tpu.memory_space<vmem>>
      %dma_start3A_2876 = tpu.memref_squeeze %dma_start3A_2875 : memref<1x32x128xf32, #tpu.memory_space<vmem>> -> memref<32x128xf32, #tpu.memory_space<vmem>>
      %dma_start3A_2877 = arith.constant 16 : i32
      %dma_start3A_2878 = arith.constant 0 : i32
      %dma_start3A_2879 = tpu.memref_slice %dma_start3A_2876[%dma_start3A_2877, %dma_start3A_2878] : memref<32x128xf32, #tpu.memory_space<vmem>> -> memref<8x128xf32, #tpu.memory_space<vmem>>
      %dma_start3A_2880 = arith.constant 16 : i32
      %dma_start3A_2881 = tpu.memref_slice %arg4[%dma_start3A_2880, %multiple_of3A_2781] : memref<32x1000000xf32, #tpu.memory_space<hbm>> -> memref<8x128xf32, #tpu.memory_space<hbm>>
      tpu.enqueue_dma source(%dma_start3A_2881 : memref<8x128xf32, #tpu.memory_space<hbm>>) target(%dma_start3A_2879 : memref<8x128xf32, #tpu.memory_space<vmem>>) target_semaphore(%arg12 : memref<!tpu.dma_semaphore, #tpu.memory_space<semaphore_mem>>)
      %dma_start3A_2882 = arith.constant 13 : i32
      %dma_start3A_2883 = arith.constant 0 : i32
      %dma_start3A_2884 = arith.constant 0 : i32
      %dma_start3A_2885 = tpu.memref_slice %arg9[%dma_start3A_2882, %dma_start3A_2883, %dma_start3A_2884] : memref<16x32x128xf32, #tpu.memory_space<vmem>> -> memref<1x32x128xf32, #tpu.memory_space<vmem>>
      %dma_start3A_2886 = tpu.memref_squeeze %dma_start3A_2885 : memref<1x32x128xf32, #tpu.memory_space<vmem>> -> memref<32x128xf32, #tpu.memory_space<vmem>>
      %dma_start3A_2887 = arith.constant 16 : i32
      %dma_start3A_2888 = arith.constant 0 : i32
      %dma_start3A_2889 = tpu.memref_slice %dma_start3A_2886[%dma_start3A_2887, %dma_start3A_2888] : memref<32x128xf32, #tpu.memory_space<vmem>> -> memref<8x128xf32, #tpu.memory_space<vmem>>
      %dma_start3A_2890 = arith.constant 16 : i32
      %dma_start3A_2891 = tpu.memref_slice %arg5[%dma_start3A_2890, %multiple_of3A_2786] : memref<32x1000000xf32, #tpu.memory_space<hbm>> -> memref<8x128xf32, #tpu.memory_space<hbm>>
      %dma_start3A_2892 = arith.constant 0 : i32
      %dma_start3A_2893 = arith.constant 0 : i32
      %dma_start3A_2894 = tpu.memref_slice %arg9[%dma_start3A_2882, %dma_start3A_2892, %dma_start3A_2893] : memref<16x32x128xf32, #tpu.memory_space<vmem>> -> memref<1x32x128xf32, #tpu.memory_space<vmem>>
      %dma_start3A_2895 = tpu.memref_squeeze %dma_start3A_2894 : memref<1x32x128xf32, #tpu.memory_space<vmem>> -> memref<32x128xf32, #tpu.memory_space<vmem>>
      %dma_start3A_2896 = arith.constant 16 : i32
      %dma_start3A_2897 = arith.constant 0 : i32
      %dma_start3A_2898 = tpu.memref_slice %dma_start3A_2895[%dma_start3A_2896, %dma_start3A_2897] : memref<32x128xf32, #tpu.memory_space<vmem>> -> memref<8x128xf32, #tpu.memory_space<vmem>>
      %dma_start3A_2899 = arith.constant 16 : i32
      %dma_start3A_2900 = tpu.memref_slice %arg5[%dma_start3A_2899, %multiple_of3A_2786] : memref<32x1000000xf32, #tpu.memory_space<hbm>> -> memref<8x128xf32, #tpu.memory_space<hbm>>
      tpu.enqueue_dma source(%dma_start3A_2900 : memref<8x128xf32, #tpu.memory_space<hbm>>) target(%dma_start3A_2898 : memref<8x128xf32, #tpu.memory_space<vmem>>) target_semaphore(%arg12 : memref<!tpu.dma_semaphore, #tpu.memory_space<semaphore_mem>>)
      %dma_start3A_2901 = arith.constant 9 : i32
      %dma_start3A_2902 = arith.constant 0 : i32
      %dma_start3A_2903 = arith.constant 0 : i32
      %dma_start3A_2904 = tpu.memref_slice %arg9[%dma_start3A_2901, %dma_start3A_2902, %dma_start3A_2903] : memref<16x32x128xf32, #tpu.memory_space<vmem>> -> memref<1x32x128xf32, #tpu.memory_space<vmem>>
      %dma_start3A_2905 = tpu.memref_squeeze %dma_start3A_2904 : memref<1x32x128xf32, #tpu.memory_space<vmem>> -> memref<32x128xf32, #tpu.memory_space<vmem>>
      %dma_start3A_2906 = arith.constant 24 : i32
      %dma_start3A_2907 = arith.constant 0 : i32
      %dma_start3A_2908 = tpu.memref_slice %dma_start3A_2905[%dma_start3A_2906, %dma_start3A_2907] : memref<32x128xf32, #tpu.memory_space<vmem>> -> memref<8x128xf32, #tpu.memory_space<vmem>>
      %dma_start3A_2909 = arith.constant 24 : i32
      %dma_start3A_2910 = tpu.memref_slice %arg4[%dma_start3A_2909, %multiple_of3A_2781] : memref<32x1000000xf32, #tpu.memory_space<hbm>> -> memref<8x128xf32, #tpu.memory_space<hbm>>
      %dma_start3A_2911 = arith.constant 0 : i32
      %dma_start3A_2912 = arith.constant 0 : i32
      %dma_start3A_2913 = tpu.memref_slice %arg9[%dma_start3A_2901, %dma_start3A_2911, %dma_start3A_2912] : memref<16x32x128xf32, #tpu.memory_space<vmem>> -> memref<1x32x128xf32, #tpu.memory_space<vmem>>
      %dma_start3A_2914 = tpu.memref_squeeze %dma_start3A_2913 : memref<1x32x128xf32, #tpu.memory_space<vmem>> -> memref<32x128xf32, #tpu.memory_space<vmem>>
      %dma_start3A_2915 = arith.constant 24 : i32
      %dma_start3A_2916 = arith.constant 0 : i32
      %dma_start3A_2917 = tpu.memref_slice %dma_start3A_2914[%dma_start3A_2915, %dma_start3A_2916] : memref<32x128xf32, #tpu.memory_space<vmem>> -> memref<8x128xf32, #tpu.memory_space<vmem>>
      %dma_start3A_2918 = arith.constant 24 : i32
      %dma_start3A_2919 = tpu.memref_slice %arg4[%dma_start3A_2918, %multiple_of3A_2781] : memref<32x1000000xf32, #tpu.memory_space<hbm>> -> memref<8x128xf32, #tpu.memory_space<hbm>>
      tpu.enqueue_dma source(%dma_start3A_2919 : memref<8x128xf32, #tpu.memory_space<hbm>>) target(%dma_start3A_2917 : memref<8x128xf32, #tpu.memory_space<vmem>>) target_semaphore(%arg12 : memref<!tpu.dma_semaphore, #tpu.memory_space<semaphore_mem>>)
      %dma_start3A_2920 = arith.constant 13 : i32
      %dma_start3A_2921 = arith.constant 0 : i32
      %dma_start3A_2922 = arith.constant 0 : i32
      %dma_start3A_2923 = tpu.memref_slice %arg9[%dma_start3A_2920, %dma_start3A_2921, %dma_start3A_2922] : memref<16x32x128xf32, #tpu.memory_space<vmem>> -> memref<1x32x128xf32, #tpu.memory_space<vmem>>
      %dma_start3A_2924 = tpu.memref_squeeze %dma_start3A_2923 : memref<1x32x128xf32, #tpu.memory_space<vmem>> -> memref<32x128xf32, #tpu.memory_space<vmem>>
      %dma_start3A_2925 = arith.constant 24 : i32
      %dma_start3A_2926 = arith.constant 0 : i32
      %dma_start3A_2927 = tpu.memref_slice %dma_start3A_2924[%dma_start3A_2925, %dma_start3A_2926] : memref<32x128xf32, #tpu.memory_space<vmem>> -> memref<8x128xf32, #tpu.memory_space<vmem>>
      %dma_start3A_2928 = arith.constant 24 : i32
      %dma_start3A_2929 = tpu.memref_slice %arg5[%dma_start3A_2928, %multiple_of3A_2786] : memref<32x1000000xf32, #tpu.memory_space<hbm>> -> memref<8x128xf32, #tpu.memory_space<hbm>>
      %dma_start3A_2930 = arith.constant 0 : i32
      %dma_start3A_2931 = arith.constant 0 : i32
      %dma_start3A_2932 = tpu.memref_slice %arg9[%dma_start3A_2920, %dma_start3A_2930, %dma_start3A_2931] : memref<16x32x128xf32, #tpu.memory_space<vmem>> -> memref<1x32x128xf32, #tpu.memory_space<vmem>>
      %dma_start3A_2933 = tpu.memref_squeeze %dma_start3A_2932 : memref<1x32x128xf32, #tpu.memory_space<vmem>> -> memref<32x128xf32, #tpu.memory_space<vmem>>
      %dma_start3A_2934 = arith.constant 24 : i32
      %dma_start3A_2935 = arith.constant 0 : i32
      %dma_start3A_2936 = tpu.memref_slice %dma_start3A_2933[%dma_start3A_2934, %dma_start3A_2935] : memref<32x128xf32, #tpu.memory_space<vmem>> -> memref<8x128xf32, #tpu.memory_space<vmem>>
      %dma_start3A_2937 = arith.constant 24 : i32
      %dma_start3A_2938 = tpu.memref_slice %arg5[%dma_start3A_2937, %multiple_of3A_2786] : memref<32x1000000xf32, #tpu.memory_space<hbm>> -> memref<8x128xf32, #tpu.memory_space<hbm>>
      tpu.enqueue_dma source(%dma_start3A_2938 : memref<8x128xf32, #tpu.memory_space<hbm>>) target(%dma_start3A_2936 : memref<8x128xf32, #tpu.memory_space<vmem>>) target_semaphore(%arg12 : memref<!tpu.dma_semaphore, #tpu.memory_space<semaphore_mem>>)
      %slice3A_2939 = vector.extract_strided_slice %get3A_18 {offsets = [14], sizes = [1], strides = [1]} : vector<16xi32> to vector<1xi32>
      %squeeze3A_2940 = vector.extract %slice3A_2939[0] : i32 from vector<1xi32>
      %and3A_2941 = arith.constant -128 : i32
      %and3A_2942 = arith.andi %squeeze3A_2940, %and3A_2941 : i32
      %multiple_of3A_2943 = tpu.assume_multiple %and3A_2942, 128 : i32
      %slice3A_2944 = vector.extract_strided_slice %get3A_21 {offsets = [14], sizes = [1], strides = [1]} : vector<16xi32> to vector<1xi32>
      %squeeze3A_2945 = vector.extract %slice3A_2944[0] : i32 from vector<1xi32>
      %and3A_2946 = arith.constant -128 : i32
      %and3A_2947 = arith.andi %squeeze3A_2945, %and3A_2946 : i32
      %multiple_of3A_2948 = tpu.assume_multiple %and3A_2947, 128 : i32
      %dma_start3A_2949 = arith.constant 10 : i32
      %dma_start3A_2950 = arith.constant 0 : i32
      %dma_start3A_2951 = arith.constant 0 : i32
      %dma_start3A_2952 = tpu.memref_slice %arg9[%dma_start3A_2949, %dma_start3A_2950, %dma_start3A_2951] : memref<16x32x128xf32, #tpu.memory_space<vmem>> -> memref<1x32x128xf32, #tpu.memory_space<vmem>>
      %dma_start3A_2953 = tpu.memref_squeeze %dma_start3A_2952 : memref<1x32x128xf32, #tpu.memory_space<vmem>> -> memref<32x128xf32, #tpu.memory_space<vmem>>
      %dma_start3A_2954 = arith.constant 0 : i32
      %dma_start3A_2955 = arith.constant 0 : i32
      %dma_start3A_2956 = tpu.memref_slice %dma_start3A_2953[%dma_start3A_2954, %dma_start3A_2955] : memref<32x128xf32, #tpu.memory_space<vmem>> -> memref<8x128xf32, #tpu.memory_space<vmem>>
      %dma_start3A_2957 = arith.constant 0 : i32
      %dma_start3A_2958 = tpu.memref_slice %arg4[%dma_start3A_2957, %multiple_of3A_2943] : memref<32x1000000xf32, #tpu.memory_space<hbm>> -> memref<8x128xf32, #tpu.memory_space<hbm>>
      %dma_start3A_2959 = arith.constant 0 : i32
      %dma_start3A_2960 = arith.constant 0 : i32
      %dma_start3A_2961 = tpu.memref_slice %arg9[%dma_start3A_2949, %dma_start3A_2959, %dma_start3A_2960] : memref<16x32x128xf32, #tpu.memory_space<vmem>> -> memref<1x32x128xf32, #tpu.memory_space<vmem>>
      %dma_start3A_2962 = tpu.memref_squeeze %dma_start3A_2961 : memref<1x32x128xf32, #tpu.memory_space<vmem>> -> memref<32x128xf32, #tpu.memory_space<vmem>>
      %dma_start3A_2963 = arith.constant 0 : i32
      %dma_start3A_2964 = arith.constant 0 : i32
      %dma_start3A_2965 = tpu.memref_slice %dma_start3A_2962[%dma_start3A_2963, %dma_start3A_2964] : memref<32x128xf32, #tpu.memory_space<vmem>> -> memref<8x128xf32, #tpu.memory_space<vmem>>
      %dma_start3A_2966 = arith.constant 0 : i32
      %dma_start3A_2967 = tpu.memref_slice %arg4[%dma_start3A_2966, %multiple_of3A_2943] : memref<32x1000000xf32, #tpu.memory_space<hbm>> -> memref<8x128xf32, #tpu.memory_space<hbm>>
      tpu.enqueue_dma source(%dma_start3A_2967 : memref<8x128xf32, #tpu.memory_space<hbm>>) target(%dma_start3A_2965 : memref<8x128xf32, #tpu.memory_space<vmem>>) target_semaphore(%arg12 : memref<!tpu.dma_semaphore, #tpu.memory_space<semaphore_mem>>)
      %dma_start3A_2968 = arith.constant 14 : i32
      %dma_start3A_2969 = arith.constant 0 : i32
      %dma_start3A_2970 = arith.constant 0 : i32
      %dma_start3A_2971 = tpu.memref_slice %arg9[%dma_start3A_2968, %dma_start3A_2969, %dma_start3A_2970] : memref<16x32x128xf32, #tpu.memory_space<vmem>> -> memref<1x32x128xf32, #tpu.memory_space<vmem>>
      %dma_start3A_2972 = tpu.memref_squeeze %dma_start3A_2971 : memref<1x32x128xf32, #tpu.memory_space<vmem>> -> memref<32x128xf32, #tpu.memory_space<vmem>>
      %dma_start3A_2973 = arith.constant 0 : i32
      %dma_start3A_2974 = arith.constant 0 : i32
      %dma_start3A_2975 = tpu.memref_slice %dma_start3A_2972[%dma_start3A_2973, %dma_start3A_2974] : memref<32x128xf32, #tpu.memory_space<vmem>> -> memref<8x128xf32, #tpu.memory_space<vmem>>
      %dma_start3A_2976 = arith.constant 0 : i32
      %dma_start3A_2977 = tpu.memref_slice %arg5[%dma_start3A_2976, %multiple_of3A_2948] : memref<32x1000000xf32, #tpu.memory_space<hbm>> -> memref<8x128xf32, #tpu.memory_space<hbm>>
      %dma_start3A_2978 = arith.constant 0 : i32
      %dma_start3A_2979 = arith.constant 0 : i32
      %dma_start3A_2980 = tpu.memref_slice %arg9[%dma_start3A_2968, %dma_start3A_2978, %dma_start3A_2979] : memref<16x32x128xf32, #tpu.memory_space<vmem>> -> memref<1x32x128xf32, #tpu.memory_space<vmem>>
      %dma_start3A_2981 = tpu.memref_squeeze %dma_start3A_2980 : memref<1x32x128xf32, #tpu.memory_space<vmem>> -> memref<32x128xf32, #tpu.memory_space<vmem>>
      %dma_start3A_2982 = arith.constant 0 : i32
      %dma_start3A_2983 = arith.constant 0 : i32
      %dma_start3A_2984 = tpu.memref_slice %dma_start3A_2981[%dma_start3A_2982, %dma_start3A_2983] : memref<32x128xf32, #tpu.memory_space<vmem>> -> memref<8x128xf32, #tpu.memory_space<vmem>>
      %dma_start3A_2985 = arith.constant 0 : i32
      %dma_start3A_2986 = tpu.memref_slice %arg5[%dma_start3A_2985, %multiple_of3A_2948] : memref<32x1000000xf32, #tpu.memory_space<hbm>> -> memref<8x128xf32, #tpu.memory_space<hbm>>
      tpu.enqueue_dma source(%dma_start3A_2986 : memref<8x128xf32, #tpu.memory_space<hbm>>) target(%dma_start3A_2984 : memref<8x128xf32, #tpu.memory_space<vmem>>) target_semaphore(%arg12 : memref<!tpu.dma_semaphore, #tpu.memory_space<semaphore_mem>>)
      %dma_start3A_2987 = arith.constant 10 : i32
      %dma_start3A_2988 = arith.constant 0 : i32
      %dma_start3A_2989 = arith.constant 0 : i32
      %dma_start3A_2990 = tpu.memref_slice %arg9[%dma_start3A_2987, %dma_start3A_2988, %dma_start3A_2989] : memref<16x32x128xf32, #tpu.memory_space<vmem>> -> memref<1x32x128xf32, #tpu.memory_space<vmem>>
      %dma_start3A_2991 = tpu.memref_squeeze %dma_start3A_2990 : memref<1x32x128xf32, #tpu.memory_space<vmem>> -> memref<32x128xf32, #tpu.memory_space<vmem>>
      %dma_start3A_2992 = arith.constant 8 : i32
      %dma_start3A_2993 = arith.constant 0 : i32
      %dma_start3A_2994 = tpu.memref_slice %dma_start3A_2991[%dma_start3A_2992, %dma_start3A_2993] : memref<32x128xf32, #tpu.memory_space<vmem>> -> memref<8x128xf32, #tpu.memory_space<vmem>>
      %dma_start3A_2995 = arith.constant 8 : i32
      %dma_start3A_2996 = tpu.memref_slice %arg4[%dma_start3A_2995, %multiple_of3A_2943] : memref<32x1000000xf32, #tpu.memory_space<hbm>> -> memref<8x128xf32, #tpu.memory_space<hbm>>
      %dma_start3A_2997 = arith.constant 0 : i32
      %dma_start3A_2998 = arith.constant 0 : i32
      %dma_start3A_2999 = tpu.memref_slice %arg9[%dma_start3A_2987, %dma_start3A_2997, %dma_start3A_2998] : memref<16x32x128xf32, #tpu.memory_space<vmem>> -> memref<1x32x128xf32, #tpu.memory_space<vmem>>
      %dma_start3A_3000 = tpu.memref_squeeze %dma_start3A_2999 : memref<1x32x128xf32, #tpu.memory_space<vmem>> -> memref<32x128xf32, #tpu.memory_space<vmem>>
      %dma_start3A_3001 = arith.constant 8 : i32
      %dma_start3A_3002 = arith.constant 0 : i32
      %dma_start3A_3003 = tpu.memref_slice %dma_start3A_3000[%dma_start3A_3001, %dma_start3A_3002] : memref<32x128xf32, #tpu.memory_space<vmem>> -> memref<8x128xf32, #tpu.memory_space<vmem>>
      %dma_start3A_3004 = arith.constant 8 : i32
      %dma_start3A_3005 = tpu.memref_slice %arg4[%dma_start3A_3004, %multiple_of3A_2943] : memref<32x1000000xf32, #tpu.memory_space<hbm>> -> memref<8x128xf32, #tpu.memory_space<hbm>>
      tpu.enqueue_dma source(%dma_start3A_3005 : memref<8x128xf32, #tpu.memory_space<hbm>>) target(%dma_start3A_3003 : memref<8x128xf32, #tpu.memory_space<vmem>>) target_semaphore(%arg12 : memref<!tpu.dma_semaphore, #tpu.memory_space<semaphore_mem>>)
      %dma_start3A_3006 = arith.constant 14 : i32
      %dma_start3A_3007 = arith.constant 0 : i32
      %dma_start3A_3008 = arith.constant 0 : i32
      %dma_start3A_3009 = tpu.memref_slice %arg9[%dma_start3A_3006, %dma_start3A_3007, %dma_start3A_3008] : memref<16x32x128xf32, #tpu.memory_space<vmem>> -> memref<1x32x128xf32, #tpu.memory_space<vmem>>
      %dma_start3A_3010 = tpu.memref_squeeze %dma_start3A_3009 : memref<1x32x128xf32, #tpu.memory_space<vmem>> -> memref<32x128xf32, #tpu.memory_space<vmem>>
      %dma_start3A_3011 = arith.constant 8 : i32
      %dma_start3A_3012 = arith.constant 0 : i32
      %dma_start3A_3013 = tpu.memref_slice %dma_start3A_3010[%dma_start3A_3011, %dma_start3A_3012] : memref<32x128xf32, #tpu.memory_space<vmem>> -> memref<8x128xf32, #tpu.memory_space<vmem>>
      %dma_start3A_3014 = arith.constant 8 : i32
      %dma_start3A_3015 = tpu.memref_slice %arg5[%dma_start3A_3014, %multiple_of3A_2948] : memref<32x1000000xf32, #tpu.memory_space<hbm>> -> memref<8x128xf32, #tpu.memory_space<hbm>>
      %dma_start3A_3016 = arith.constant 0 : i32
      %dma_start3A_3017 = arith.constant 0 : i32
      %dma_start3A_3018 = tpu.memref_slice %arg9[%dma_start3A_3006, %dma_start3A_3016, %dma_start3A_3017] : memref<16x32x128xf32, #tpu.memory_space<vmem>> -> memref<1x32x128xf32, #tpu.memory_space<vmem>>
      %dma_start3A_3019 = tpu.memref_squeeze %dma_start3A_3018 : memref<1x32x128xf32, #tpu.memory_space<vmem>> -> memref<32x128xf32, #tpu.memory_space<vmem>>
      %dma_start3A_3020 = arith.constant 8 : i32
      %dma_start3A_3021 = arith.constant 0 : i32
      %dma_start3A_3022 = tpu.memref_slice %dma_start3A_3019[%dma_start3A_3020, %dma_start3A_3021] : memref<32x128xf32, #tpu.memory_space<vmem>> -> memref<8x128xf32, #tpu.memory_space<vmem>>
      %dma_start3A_3023 = arith.constant 8 : i32
      %dma_start3A_3024 = tpu.memref_slice %arg5[%dma_start3A_3023, %multiple_of3A_2948] : memref<32x1000000xf32, #tpu.memory_space<hbm>> -> memref<8x128xf32, #tpu.memory_space<hbm>>
      tpu.enqueue_dma source(%dma_start3A_3024 : memref<8x128xf32, #tpu.memory_space<hbm>>) target(%dma_start3A_3022 : memref<8x128xf32, #tpu.memory_space<vmem>>) target_semaphore(%arg12 : memref<!tpu.dma_semaphore, #tpu.memory_space<semaphore_mem>>)
      %dma_start3A_3025 = arith.constant 10 : i32
      %dma_start3A_3026 = arith.constant 0 : i32
      %dma_start3A_3027 = arith.constant 0 : i32
      %dma_start3A_3028 = tpu.memref_slice %arg9[%dma_start3A_3025, %dma_start3A_3026, %dma_start3A_3027] : memref<16x32x128xf32, #tpu.memory_space<vmem>> -> memref<1x32x128xf32, #tpu.memory_space<vmem>>
      %dma_start3A_3029 = tpu.memref_squeeze %dma_start3A_3028 : memref<1x32x128xf32, #tpu.memory_space<vmem>> -> memref<32x128xf32, #tpu.memory_space<vmem>>
      %dma_start3A_3030 = arith.constant 16 : i32
      %dma_start3A_3031 = arith.constant 0 : i32
      %dma_start3A_3032 = tpu.memref_slice %dma_start3A_3029[%dma_start3A_3030, %dma_start3A_3031] : memref<32x128xf32, #tpu.memory_space<vmem>> -> memref<8x128xf32, #tpu.memory_space<vmem>>
      %dma_start3A_3033 = arith.constant 16 : i32
      %dma_start3A_3034 = tpu.memref_slice %arg4[%dma_start3A_3033, %multiple_of3A_2943] : memref<32x1000000xf32, #tpu.memory_space<hbm>> -> memref<8x128xf32, #tpu.memory_space<hbm>>
      %dma_start3A_3035 = arith.constant 0 : i32
      %dma_start3A_3036 = arith.constant 0 : i32
      %dma_start3A_3037 = tpu.memref_slice %arg9[%dma_start3A_3025, %dma_start3A_3035, %dma_start3A_3036] : memref<16x32x128xf32, #tpu.memory_space<vmem>> -> memref<1x32x128xf32, #tpu.memory_space<vmem>>
      %dma_start3A_3038 = tpu.memref_squeeze %dma_start3A_3037 : memref<1x32x128xf32, #tpu.memory_space<vmem>> -> memref<32x128xf32, #tpu.memory_space<vmem>>
      %dma_start3A_3039 = arith.constant 16 : i32
      %dma_start3A_3040 = arith.constant 0 : i32
      %dma_start3A_3041 = tpu.memref_slice %dma_start3A_3038[%dma_start3A_3039, %dma_start3A_3040] : memref<32x128xf32, #tpu.memory_space<vmem>> -> memref<8x128xf32, #tpu.memory_space<vmem>>
      %dma_start3A_3042 = arith.constant 16 : i32
      %dma_start3A_3043 = tpu.memref_slice %arg4[%dma_start3A_3042, %multiple_of3A_2943] : memref<32x1000000xf32, #tpu.memory_space<hbm>> -> memref<8x128xf32, #tpu.memory_space<hbm>>
      tpu.enqueue_dma source(%dma_start3A_3043 : memref<8x128xf32, #tpu.memory_space<hbm>>) target(%dma_start3A_3041 : memref<8x128xf32, #tpu.memory_space<vmem>>) target_semaphore(%arg12 : memref<!tpu.dma_semaphore, #tpu.memory_space<semaphore_mem>>)
      %dma_start3A_3044 = arith.constant 14 : i32
      %dma_start3A_3045 = arith.constant 0 : i32
      %dma_start3A_3046 = arith.constant 0 : i32
      %dma_start3A_3047 = tpu.memref_slice %arg9[%dma_start3A_3044, %dma_start3A_3045, %dma_start3A_3046] : memref<16x32x128xf32, #tpu.memory_space<vmem>> -> memref<1x32x128xf32, #tpu.memory_space<vmem>>
      %dma_start3A_3048 = tpu.memref_squeeze %dma_start3A_3047 : memref<1x32x128xf32, #tpu.memory_space<vmem>> -> memref<32x128xf32, #tpu.memory_space<vmem>>
      %dma_start3A_3049 = arith.constant 16 : i32
      %dma_start3A_3050 = arith.constant 0 : i32
      %dma_start3A_3051 = tpu.memref_slice %dma_start3A_3048[%dma_start3A_3049, %dma_start3A_3050] : memref<32x128xf32, #tpu.memory_space<vmem>> -> memref<8x128xf32, #tpu.memory_space<vmem>>
      %dma_start3A_3052 = arith.constant 16 : i32
      %dma_start3A_3053 = tpu.memref_slice %arg5[%dma_start3A_3052, %multiple_of3A_2948] : memref<32x1000000xf32, #tpu.memory_space<hbm>> -> memref<8x128xf32, #tpu.memory_space<hbm>>
      %dma_start3A_3054 = arith.constant 0 : i32
      %dma_start3A_3055 = arith.constant 0 : i32
      %dma_start3A_3056 = tpu.memref_slice %arg9[%dma_start3A_3044, %dma_start3A_3054, %dma_start3A_3055] : memref<16x32x128xf32, #tpu.memory_space<vmem>> -> memref<1x32x128xf32, #tpu.memory_space<vmem>>
      %dma_start3A_3057 = tpu.memref_squeeze %dma_start3A_3056 : memref<1x32x128xf32, #tpu.memory_space<vmem>> -> memref<32x128xf32, #tpu.memory_space<vmem>>
      %dma_start3A_3058 = arith.constant 16 : i32
      %dma_start3A_3059 = arith.constant 0 : i32
      %dma_start3A_3060 = tpu.memref_slice %dma_start3A_3057[%dma_start3A_3058, %dma_start3A_3059] : memref<32x128xf32, #tpu.memory_space<vmem>> -> memref<8x128xf32, #tpu.memory_space<vmem>>
      %dma_start3A_3061 = arith.constant 16 : i32
      %dma_start3A_3062 = tpu.memref_slice %arg5[%dma_start3A_3061, %multiple_of3A_2948] : memref<32x1000000xf32, #tpu.memory_space<hbm>> -> memref<8x128xf32, #tpu.memory_space<hbm>>
      tpu.enqueue_dma source(%dma_start3A_3062 : memref<8x128xf32, #tpu.memory_space<hbm>>) target(%dma_start3A_3060 : memref<8x128xf32, #tpu.memory_space<vmem>>) target_semaphore(%arg12 : memref<!tpu.dma_semaphore, #tpu.memory_space<semaphore_mem>>)
      %dma_start3A_3063 = arith.constant 10 : i32
      %dma_start3A_3064 = arith.constant 0 : i32
      %dma_start3A_3065 = arith.constant 0 : i32
      %dma_start3A_3066 = tpu.memref_slice %arg9[%dma_start3A_3063, %dma_start3A_3064, %dma_start3A_3065] : memref<16x32x128xf32, #tpu.memory_space<vmem>> -> memref<1x32x128xf32, #tpu.memory_space<vmem>>
      %dma_start3A_3067 = tpu.memref_squeeze %dma_start3A_3066 : memref<1x32x128xf32, #tpu.memory_space<vmem>> -> memref<32x128xf32, #tpu.memory_space<vmem>>
      %dma_start3A_3068 = arith.constant 24 : i32
      %dma_start3A_3069 = arith.constant 0 : i32
      %dma_start3A_3070 = tpu.memref_slice %dma_start3A_3067[%dma_start3A_3068, %dma_start3A_3069] : memref<32x128xf32, #tpu.memory_space<vmem>> -> memref<8x128xf32, #tpu.memory_space<vmem>>
      %dma_start3A_3071 = arith.constant 24 : i32
      %dma_start3A_3072 = tpu.memref_slice %arg4[%dma_start3A_3071, %multiple_of3A_2943] : memref<32x1000000xf32, #tpu.memory_space<hbm>> -> memref<8x128xf32, #tpu.memory_space<hbm>>
      %dma_start3A_3073 = arith.constant 0 : i32
      %dma_start3A_3074 = arith.constant 0 : i32
      %dma_start3A_3075 = tpu.memref_slice %arg9[%dma_start3A_3063, %dma_start3A_3073, %dma_start3A_3074] : memref<16x32x128xf32, #tpu.memory_space<vmem>> -> memref<1x32x128xf32, #tpu.memory_space<vmem>>
      %dma_start3A_3076 = tpu.memref_squeeze %dma_start3A_3075 : memref<1x32x128xf32, #tpu.memory_space<vmem>> -> memref<32x128xf32, #tpu.memory_space<vmem>>
      %dma_start3A_3077 = arith.constant 24 : i32
      %dma_start3A_3078 = arith.constant 0 : i32
      %dma_start3A_3079 = tpu.memref_slice %dma_start3A_3076[%dma_start3A_3077, %dma_start3A_3078] : memref<32x128xf32, #tpu.memory_space<vmem>> -> memref<8x128xf32, #tpu.memory_space<vmem>>
      %dma_start3A_3080 = arith.constant 24 : i32
      %dma_start3A_3081 = tpu.memref_slice %arg4[%dma_start3A_3080, %multiple_of3A_2943] : memref<32x1000000xf32, #tpu.memory_space<hbm>> -> memref<8x128xf32, #tpu.memory_space<hbm>>
      tpu.enqueue_dma source(%dma_start3A_3081 : memref<8x128xf32, #tpu.memory_space<hbm>>) target(%dma_start3A_3079 : memref<8x128xf32, #tpu.memory_space<vmem>>) target_semaphore(%arg12 : memref<!tpu.dma_semaphore, #tpu.memory_space<semaphore_mem>>)
      %dma_start3A_3082 = arith.constant 14 : i32
      %dma_start3A_3083 = arith.constant 0 : i32
      %dma_start3A_3084 = arith.constant 0 : i32
      %dma_start3A_3085 = tpu.memref_slice %arg9[%dma_start3A_3082, %dma_start3A_3083, %dma_start3A_3084] : memref<16x32x128xf32, #tpu.memory_space<vmem>> -> memref<1x32x128xf32, #tpu.memory_space<vmem>>
      %dma_start3A_3086 = tpu.memref_squeeze %dma_start3A_3085 : memref<1x32x128xf32, #tpu.memory_space<vmem>> -> memref<32x128xf32, #tpu.memory_space<vmem>>
      %dma_start3A_3087 = arith.constant 24 : i32
      %dma_start3A_3088 = arith.constant 0 : i32
      %dma_start3A_3089 = tpu.memref_slice %dma_start3A_3086[%dma_start3A_3087, %dma_start3A_3088] : memref<32x128xf32, #tpu.memory_space<vmem>> -> memref<8x128xf32, #tpu.memory_space<vmem>>
      %dma_start3A_3090 = arith.constant 24 : i32
      %dma_start3A_3091 = tpu.memref_slice %arg5[%dma_start3A_3090, %multiple_of3A_2948] : memref<32x1000000xf32, #tpu.memory_space<hbm>> -> memref<8x128xf32, #tpu.memory_space<hbm>>
      %dma_start3A_3092 = arith.constant 0 : i32
      %dma_start3A_3093 = arith.constant 0 : i32
      %dma_start3A_3094 = tpu.memref_slice %arg9[%dma_start3A_3082, %dma_start3A_3092, %dma_start3A_3093] : memref<16x32x128xf32, #tpu.memory_space<vmem>> -> memref<1x32x128xf32, #tpu.memory_space<vmem>>
      %dma_start3A_3095 = tpu.memref_squeeze %dma_start3A_3094 : memref<1x32x128xf32, #tpu.memory_space<vmem>> -> memref<32x128xf32, #tpu.memory_space<vmem>>
      %dma_start3A_3096 = arith.constant 24 : i32
      %dma_start3A_3097 = arith.constant 0 : i32
      %dma_start3A_3098 = tpu.memref_slice %dma_start3A_3095[%dma_start3A_3096, %dma_start3A_3097] : memref<32x128xf32, #tpu.memory_space<vmem>> -> memref<8x128xf32, #tpu.memory_space<vmem>>
      %dma_start3A_3099 = arith.constant 24 : i32
      %dma_start3A_3100 = tpu.memref_slice %arg5[%dma_start3A_3099, %multiple_of3A_2948] : memref<32x1000000xf32, #tpu.memory_space<hbm>> -> memref<8x128xf32, #tpu.memory_space<hbm>>
      tpu.enqueue_dma source(%dma_start3A_3100 : memref<8x128xf32, #tpu.memory_space<hbm>>) target(%dma_start3A_3098 : memref<8x128xf32, #tpu.memory_space<vmem>>) target_semaphore(%arg12 : memref<!tpu.dma_semaphore, #tpu.memory_space<semaphore_mem>>)
      %slice3A_3101 = vector.extract_strided_slice %get3A_18 {offsets = [15], sizes = [1], strides = [1]} : vector<16xi32> to vector<1xi32>
      %squeeze3A_3102 = vector.extract %slice3A_3101[0] : i32 from vector<1xi32>
      %and3A_3103 = arith.constant -128 : i32
      %and3A_3104 = arith.andi %squeeze3A_3102, %and3A_3103 : i32
      %multiple_of3A_3105 = tpu.assume_multiple %and3A_3104, 128 : i32
      %slice3A_3106 = vector.extract_strided_slice %get3A_21 {offsets = [15], sizes = [1], strides = [1]} : vector<16xi32> to vector<1xi32>
      %squeeze3A_3107 = vector.extract %slice3A_3106[0] : i32 from vector<1xi32>
      %and3A_3108 = arith.constant -128 : i32
      %and3A_3109 = arith.andi %squeeze3A_3107, %and3A_3108 : i32
      %multiple_of3A_3110 = tpu.assume_multiple %and3A_3109, 128 : i32
      %dma_start3A_3111 = arith.constant 11 : i32
      %dma_start3A_3112 = arith.constant 0 : i32
      %dma_start3A_3113 = arith.constant 0 : i32
      %dma_start3A_3114 = tpu.memref_slice %arg9[%dma_start3A_3111, %dma_start3A_3112, %dma_start3A_3113] : memref<16x32x128xf32, #tpu.memory_space<vmem>> -> memref<1x32x128xf32, #tpu.memory_space<vmem>>
      %dma_start3A_3115 = tpu.memref_squeeze %dma_start3A_3114 : memref<1x32x128xf32, #tpu.memory_space<vmem>> -> memref<32x128xf32, #tpu.memory_space<vmem>>
      %dma_start3A_3116 = arith.constant 0 : i32
      %dma_start3A_3117 = arith.constant 0 : i32
      %dma_start3A_3118 = tpu.memref_slice %dma_start3A_3115[%dma_start3A_3116, %dma_start3A_3117] : memref<32x128xf32, #tpu.memory_space<vmem>> -> memref<8x128xf32, #tpu.memory_space<vmem>>
      %dma_start3A_3119 = arith.constant 0 : i32
      %dma_start3A_3120 = tpu.memref_slice %arg4[%dma_start3A_3119, %multiple_of3A_3105] : memref<32x1000000xf32, #tpu.memory_space<hbm>> -> memref<8x128xf32, #tpu.memory_space<hbm>>
      %dma_start3A_3121 = arith.constant 0 : i32
      %dma_start3A_3122 = arith.constant 0 : i32
      %dma_start3A_3123 = tpu.memref_slice %arg9[%dma_start3A_3111, %dma_start3A_3121, %dma_start3A_3122] : memref<16x32x128xf32, #tpu.memory_space<vmem>> -> memref<1x32x128xf32, #tpu.memory_space<vmem>>
      %dma_start3A_3124 = tpu.memref_squeeze %dma_start3A_3123 : memref<1x32x128xf32, #tpu.memory_space<vmem>> -> memref<32x128xf32, #tpu.memory_space<vmem>>
      %dma_start3A_3125 = arith.constant 0 : i32
      %dma_start3A_3126 = arith.constant 0 : i32
      %dma_start3A_3127 = tpu.memref_slice %dma_start3A_3124[%dma_start3A_3125, %dma_start3A_3126] : memref<32x128xf32, #tpu.memory_space<vmem>> -> memref<8x128xf32, #tpu.memory_space<vmem>>
      %dma_start3A_3128 = arith.constant 0 : i32
      %dma_start3A_3129 = tpu.memref_slice %arg4[%dma_start3A_3128, %multiple_of3A_3105] : memref<32x1000000xf32, #tpu.memory_space<hbm>> -> memref<8x128xf32, #tpu.memory_space<hbm>>
      tpu.enqueue_dma source(%dma_start3A_3129 : memref<8x128xf32, #tpu.memory_space<hbm>>) target(%dma_start3A_3127 : memref<8x128xf32, #tpu.memory_space<vmem>>) target_semaphore(%arg12 : memref<!tpu.dma_semaphore, #tpu.memory_space<semaphore_mem>>)
      %dma_start3A_3130 = arith.constant 15 : i32
      %dma_start3A_3131 = arith.constant 0 : i32
      %dma_start3A_3132 = arith.constant 0 : i32
      %dma_start3A_3133 = tpu.memref_slice %arg9[%dma_start3A_3130, %dma_start3A_3131, %dma_start3A_3132] : memref<16x32x128xf32, #tpu.memory_space<vmem>> -> memref<1x32x128xf32, #tpu.memory_space<vmem>>
      %dma_start3A_3134 = tpu.memref_squeeze %dma_start3A_3133 : memref<1x32x128xf32, #tpu.memory_space<vmem>> -> memref<32x128xf32, #tpu.memory_space<vmem>>
      %dma_start3A_3135 = arith.constant 0 : i32
      %dma_start3A_3136 = arith.constant 0 : i32
      %dma_start3A_3137 = tpu.memref_slice %dma_start3A_3134[%dma_start3A_3135, %dma_start3A_3136] : memref<32x128xf32, #tpu.memory_space<vmem>> -> memref<8x128xf32, #tpu.memory_space<vmem>>
      %dma_start3A_3138 = arith.constant 0 : i32
      %dma_start3A_3139 = tpu.memref_slice %arg5[%dma_start3A_3138, %multiple_of3A_3110] : memref<32x1000000xf32, #tpu.memory_space<hbm>> -> memref<8x128xf32, #tpu.memory_space<hbm>>
      %dma_start3A_3140 = arith.constant 0 : i32
      %dma_start3A_3141 = arith.constant 0 : i32
      %dma_start3A_3142 = tpu.memref_slice %arg9[%dma_start3A_3130, %dma_start3A_3140, %dma_start3A_3141] : memref<16x32x128xf32, #tpu.memory_space<vmem>> -> memref<1x32x128xf32, #tpu.memory_space<vmem>>
      %dma_start3A_3143 = tpu.memref_squeeze %dma_start3A_3142 : memref<1x32x128xf32, #tpu.memory_space<vmem>> -> memref<32x128xf32, #tpu.memory_space<vmem>>
      %dma_start3A_3144 = arith.constant 0 : i32
      %dma_start3A_3145 = arith.constant 0 : i32
      %dma_start3A_3146 = tpu.memref_slice %dma_start3A_3143[%dma_start3A_3144, %dma_start3A_3145] : memref<32x128xf32, #tpu.memory_space<vmem>> -> memref<8x128xf32, #tpu.memory_space<vmem>>
      %dma_start3A_3147 = arith.constant 0 : i32
      %dma_start3A_3148 = tpu.memref_slice %arg5[%dma_start3A_3147, %multiple_of3A_3110] : memref<32x1000000xf32, #tpu.memory_space<hbm>> -> memref<8x128xf32, #tpu.memory_space<hbm>>
      tpu.enqueue_dma source(%dma_start3A_3148 : memref<8x128xf32, #tpu.memory_space<hbm>>) target(%dma_start3A_3146 : memref<8x128xf32, #tpu.memory_space<vmem>>) target_semaphore(%arg12 : memref<!tpu.dma_semaphore, #tpu.memory_space<semaphore_mem>>)
      %dma_start3A_3149 = arith.constant 11 : i32
      %dma_start3A_3150 = arith.constant 0 : i32
      %dma_start3A_3151 = arith.constant 0 : i32
      %dma_start3A_3152 = tpu.memref_slice %arg9[%dma_start3A_3149, %dma_start3A_3150, %dma_start3A_3151] : memref<16x32x128xf32, #tpu.memory_space<vmem>> -> memref<1x32x128xf32, #tpu.memory_space<vmem>>
      %dma_start3A_3153 = tpu.memref_squeeze %dma_start3A_3152 : memref<1x32x128xf32, #tpu.memory_space<vmem>> -> memref<32x128xf32, #tpu.memory_space<vmem>>
      %dma_start3A_3154 = arith.constant 8 : i32
      %dma_start3A_3155 = arith.constant 0 : i32
      %dma_start3A_3156 = tpu.memref_slice %dma_start3A_3153[%dma_start3A_3154, %dma_start3A_3155] : memref<32x128xf32, #tpu.memory_space<vmem>> -> memref<8x128xf32, #tpu.memory_space<vmem>>
      %dma_start3A_3157 = arith.constant 8 : i32
      %dma_start3A_3158 = tpu.memref_slice %arg4[%dma_start3A_3157, %multiple_of3A_3105] : memref<32x1000000xf32, #tpu.memory_space<hbm>> -> memref<8x128xf32, #tpu.memory_space<hbm>>
      %dma_start3A_3159 = arith.constant 0 : i32
      %dma_start3A_3160 = arith.constant 0 : i32
      %dma_start3A_3161 = tpu.memref_slice %arg9[%dma_start3A_3149, %dma_start3A_3159, %dma_start3A_3160] : memref<16x32x128xf32, #tpu.memory_space<vmem>> -> memref<1x32x128xf32, #tpu.memory_space<vmem>>
      %dma_start3A_3162 = tpu.memref_squeeze %dma_start3A_3161 : memref<1x32x128xf32, #tpu.memory_space<vmem>> -> memref<32x128xf32, #tpu.memory_space<vmem>>
      %dma_start3A_3163 = arith.constant 8 : i32
      %dma_start3A_3164 = arith.constant 0 : i32
      %dma_start3A_3165 = tpu.memref_slice %dma_start3A_3162[%dma_start3A_3163, %dma_start3A_3164] : memref<32x128xf32, #tpu.memory_space<vmem>> -> memref<8x128xf32, #tpu.memory_space<vmem>>
      %dma_start3A_3166 = arith.constant 8 : i32
      %dma_start3A_3167 = tpu.memref_slice %arg4[%dma_start3A_3166, %multiple_of3A_3105] : memref<32x1000000xf32, #tpu.memory_space<hbm>> -> memref<8x128xf32, #tpu.memory_space<hbm>>
      tpu.enqueue_dma source(%dma_start3A_3167 : memref<8x128xf32, #tpu.memory_space<hbm>>) target(%dma_start3A_3165 : memref<8x128xf32, #tpu.memory_space<vmem>>) target_semaphore(%arg12 : memref<!tpu.dma_semaphore, #tpu.memory_space<semaphore_mem>>)
      %dma_start3A_3168 = arith.constant 15 : i32
      %dma_start3A_3169 = arith.constant 0 : i32
      %dma_start3A_3170 = arith.constant 0 : i32
      %dma_start3A_3171 = tpu.memref_slice %arg9[%dma_start3A_3168, %dma_start3A_3169, %dma_start3A_3170] : memref<16x32x128xf32, #tpu.memory_space<vmem>> -> memref<1x32x128xf32, #tpu.memory_space<vmem>>
      %dma_start3A_3172 = tpu.memref_squeeze %dma_start3A_3171 : memref<1x32x128xf32, #tpu.memory_space<vmem>> -> memref<32x128xf32, #tpu.memory_space<vmem>>
      %dma_start3A_3173 = arith.constant 8 : i32
      %dma_start3A_3174 = arith.constant 0 : i32
      %dma_start3A_3175 = tpu.memref_slice %dma_start3A_3172[%dma_start3A_3173, %dma_start3A_3174] : memref<32x128xf32, #tpu.memory_space<vmem>> -> memref<8x128xf32, #tpu.memory_space<vmem>>
      %dma_start3A_3176 = arith.constant 8 : i32
      %dma_start3A_3177 = tpu.memref_slice %arg5[%dma_start3A_3176, %multiple_of3A_3110] : memref<32x1000000xf32, #tpu.memory_space<hbm>> -> memref<8x128xf32, #tpu.memory_space<hbm>>
      %dma_start3A_3178 = arith.constant 0 : i32
      %dma_start3A_3179 = arith.constant 0 : i32
      %dma_start3A_3180 = tpu.memref_slice %arg9[%dma_start3A_3168, %dma_start3A_3178, %dma_start3A_3179] : memref<16x32x128xf32, #tpu.memory_space<vmem>> -> memref<1x32x128xf32, #tpu.memory_space<vmem>>
      %dma_start3A_3181 = tpu.memref_squeeze %dma_start3A_3180 : memref<1x32x128xf32, #tpu.memory_space<vmem>> -> memref<32x128xf32, #tpu.memory_space<vmem>>
      %dma_start3A_3182 = arith.constant 8 : i32
      %dma_start3A_3183 = arith.constant 0 : i32
      %dma_start3A_3184 = tpu.memref_slice %dma_start3A_3181[%dma_start3A_3182, %dma_start3A_3183] : memref<32x128xf32, #tpu.memory_space<vmem>> -> memref<8x128xf32, #tpu.memory_space<vmem>>
      %dma_start3A_3185 = arith.constant 8 : i32
      %dma_start3A_3186 = tpu.memref_slice %arg5[%dma_start3A_3185, %multiple_of3A_3110] : memref<32x1000000xf32, #tpu.memory_space<hbm>> -> memref<8x128xf32, #tpu.memory_space<hbm>>
      tpu.enqueue_dma source(%dma_start3A_3186 : memref<8x128xf32, #tpu.memory_space<hbm>>) target(%dma_start3A_3184 : memref<8x128xf32, #tpu.memory_space<vmem>>) target_semaphore(%arg12 : memref<!tpu.dma_semaphore, #tpu.memory_space<semaphore_mem>>)
      %dma_start3A_3187 = arith.constant 11 : i32
      %dma_start3A_3188 = arith.constant 0 : i32
      %dma_start3A_3189 = arith.constant 0 : i32
      %dma_start3A_3190 = tpu.memref_slice %arg9[%dma_start3A_3187, %dma_start3A_3188, %dma_start3A_3189] : memref<16x32x128xf32, #tpu.memory_space<vmem>> -> memref<1x32x128xf32, #tpu.memory_space<vmem>>
      %dma_start3A_3191 = tpu.memref_squeeze %dma_start3A_3190 : memref<1x32x128xf32, #tpu.memory_space<vmem>> -> memref<32x128xf32, #tpu.memory_space<vmem>>
      %dma_start3A_3192 = arith.constant 16 : i32
      %dma_start3A_3193 = arith.constant 0 : i32
      %dma_start3A_3194 = tpu.memref_slice %dma_start3A_3191[%dma_start3A_3192, %dma_start3A_3193] : memref<32x128xf32, #tpu.memory_space<vmem>> -> memref<8x128xf32, #tpu.memory_space<vmem>>
      %dma_start3A_3195 = arith.constant 16 : i32
      %dma_start3A_3196 = tpu.memref_slice %arg4[%dma_start3A_3195, %multiple_of3A_3105] : memref<32x1000000xf32, #tpu.memory_space<hbm>> -> memref<8x128xf32, #tpu.memory_space<hbm>>
      %dma_start3A_3197 = arith.constant 0 : i32
      %dma_start3A_3198 = arith.constant 0 : i32
      %dma_start3A_3199 = tpu.memref_slice %arg9[%dma_start3A_3187, %dma_start3A_3197, %dma_start3A_3198] : memref<16x32x128xf32, #tpu.memory_space<vmem>> -> memref<1x32x128xf32, #tpu.memory_space<vmem>>
      %dma_start3A_3200 = tpu.memref_squeeze %dma_start3A_3199 : memref<1x32x128xf32, #tpu.memory_space<vmem>> -> memref<32x128xf32, #tpu.memory_space<vmem>>
      %dma_start3A_3201 = arith.constant 16 : i32
      %dma_start3A_3202 = arith.constant 0 : i32
      %dma_start3A_3203 = tpu.memref_slice %dma_start3A_3200[%dma_start3A_3201, %dma_start3A_3202] : memref<32x128xf32, #tpu.memory_space<vmem>> -> memref<8x128xf32, #tpu.memory_space<vmem>>
      %dma_start3A_3204 = arith.constant 16 : i32
      %dma_start3A_3205 = tpu.memref_slice %arg4[%dma_start3A_3204, %multiple_of3A_3105] : memref<32x1000000xf32, #tpu.memory_space<hbm>> -> memref<8x128xf32, #tpu.memory_space<hbm>>
      tpu.enqueue_dma source(%dma_start3A_3205 : memref<8x128xf32, #tpu.memory_space<hbm>>) target(%dma_start3A_3203 : memref<8x128xf32, #tpu.memory_space<vmem>>) target_semaphore(%arg12 : memref<!tpu.dma_semaphore, #tpu.memory_space<semaphore_mem>>)
      %dma_start3A_3206 = arith.constant 15 : i32
      %dma_start3A_3207 = arith.constant 0 : i32
      %dma_start3A_3208 = arith.constant 0 : i32
      %dma_start3A_3209 = tpu.memref_slice %arg9[%dma_start3A_3206, %dma_start3A_3207, %dma_start3A_3208] : memref<16x32x128xf32, #tpu.memory_space<vmem>> -> memref<1x32x128xf32, #tpu.memory_space<vmem>>
      %dma_start3A_3210 = tpu.memref_squeeze %dma_start3A_3209 : memref<1x32x128xf32, #tpu.memory_space<vmem>> -> memref<32x128xf32, #tpu.memory_space<vmem>>
      %dma_start3A_3211 = arith.constant 16 : i32
      %dma_start3A_3212 = arith.constant 0 : i32
      %dma_start3A_3213 = tpu.memref_slice %dma_start3A_3210[%dma_start3A_3211, %dma_start3A_3212] : memref<32x128xf32, #tpu.memory_space<vmem>> -> memref<8x128xf32, #tpu.memory_space<vmem>>
      %dma_start3A_3214 = arith.constant 16 : i32
      %dma_start3A_3215 = tpu.memref_slice %arg5[%dma_start3A_3214, %multiple_of3A_3110] : memref<32x1000000xf32, #tpu.memory_space<hbm>> -> memref<8x128xf32, #tpu.memory_space<hbm>>
      %dma_start3A_3216 = arith.constant 0 : i32
      %dma_start3A_3217 = arith.constant 0 : i32
      %dma_start3A_3218 = tpu.memref_slice %arg9[%dma_start3A_3206, %dma_start3A_3216, %dma_start3A_3217] : memref<16x32x128xf32, #tpu.memory_space<vmem>> -> memref<1x32x128xf32, #tpu.memory_space<vmem>>
      %dma_start3A_3219 = tpu.memref_squeeze %dma_start3A_3218 : memref<1x32x128xf32, #tpu.memory_space<vmem>> -> memref<32x128xf32, #tpu.memory_space<vmem>>
      %dma_start3A_3220 = arith.constant 16 : i32
      %dma_start3A_3221 = arith.constant 0 : i32
      %dma_start3A_3222 = tpu.memref_slice %dma_start3A_3219[%dma_start3A_3220, %dma_start3A_3221] : memref<32x128xf32, #tpu.memory_space<vmem>> -> memref<8x128xf32, #tpu.memory_space<vmem>>
      %dma_start3A_3223 = arith.constant 16 : i32
      %dma_start3A_3224 = tpu.memref_slice %arg5[%dma_start3A_3223, %multiple_of3A_3110] : memref<32x1000000xf32, #tpu.memory_space<hbm>> -> memref<8x128xf32, #tpu.memory_space<hbm>>
      tpu.enqueue_dma source(%dma_start3A_3224 : memref<8x128xf32, #tpu.memory_space<hbm>>) target(%dma_start3A_3222 : memref<8x128xf32, #tpu.memory_space<vmem>>) target_semaphore(%arg12 : memref<!tpu.dma_semaphore, #tpu.memory_space<semaphore_mem>>)
      %dma_start3A_3225 = arith.constant 11 : i32
      %dma_start3A_3226 = arith.constant 0 : i32
      %dma_start3A_3227 = arith.constant 0 : i32
      %dma_start3A_3228 = tpu.memref_slice %arg9[%dma_start3A_3225, %dma_start3A_3226, %dma_start3A_3227] : memref<16x32x128xf32, #tpu.memory_space<vmem>> -> memref<1x32x128xf32, #tpu.memory_space<vmem>>
      %dma_start3A_3229 = tpu.memref_squeeze %dma_start3A_3228 : memref<1x32x128xf32, #tpu.memory_space<vmem>> -> memref<32x128xf32, #tpu.memory_space<vmem>>
      %dma_start3A_3230 = arith.constant 24 : i32
      %dma_start3A_3231 = arith.constant 0 : i32
      %dma_start3A_3232 = tpu.memref_slice %dma_start3A_3229[%dma_start3A_3230, %dma_start3A_3231] : memref<32x128xf32, #tpu.memory_space<vmem>> -> memref<8x128xf32, #tpu.memory_space<vmem>>
      %dma_start3A_3233 = arith.constant 24 : i32
      %dma_start3A_3234 = tpu.memref_slice %arg4[%dma_start3A_3233, %multiple_of3A_3105] : memref<32x1000000xf32, #tpu.memory_space<hbm>> -> memref<8x128xf32, #tpu.memory_space<hbm>>
      %dma_start3A_3235 = arith.constant 0 : i32
      %dma_start3A_3236 = arith.constant 0 : i32
      %dma_start3A_3237 = tpu.memref_slice %arg9[%dma_start3A_3225, %dma_start3A_3235, %dma_start3A_3236] : memref<16x32x128xf32, #tpu.memory_space<vmem>> -> memref<1x32x128xf32, #tpu.memory_space<vmem>>
      %dma_start3A_3238 = tpu.memref_squeeze %dma_start3A_3237 : memref<1x32x128xf32, #tpu.memory_space<vmem>> -> memref<32x128xf32, #tpu.memory_space<vmem>>
      %dma_start3A_3239 = arith.constant 24 : i32
      %dma_start3A_3240 = arith.constant 0 : i32
      %dma_start3A_3241 = tpu.memref_slice %dma_start3A_3238[%dma_start3A_3239, %dma_start3A_3240] : memref<32x128xf32, #tpu.memory_space<vmem>> -> memref<8x128xf32, #tpu.memory_space<vmem>>
      %dma_start3A_3242 = arith.constant 24 : i32
      %dma_start3A_3243 = tpu.memref_slice %arg4[%dma_start3A_3242, %multiple_of3A_3105] : memref<32x1000000xf32, #tpu.memory_space<hbm>> -> memref<8x128xf32, #tpu.memory_space<hbm>>
      tpu.enqueue_dma source(%dma_start3A_3243 : memref<8x128xf32, #tpu.memory_space<hbm>>) target(%dma_start3A_3241 : memref<8x128xf32, #tpu.memory_space<vmem>>) target_semaphore(%arg12 : memref<!tpu.dma_semaphore, #tpu.memory_space<semaphore_mem>>)
      %dma_start3A_3244 = arith.constant 15 : i32
      %dma_start3A_3245 = arith.constant 0 : i32
      %dma_start3A_3246 = arith.constant 0 : i32
      %dma_start3A_3247 = tpu.memref_slice %arg9[%dma_start3A_3244, %dma_start3A_3245, %dma_start3A_3246] : memref<16x32x128xf32, #tpu.memory_space<vmem>> -> memref<1x32x128xf32, #tpu.memory_space<vmem>>
      %dma_start3A_3248 = tpu.memref_squeeze %dma_start3A_3247 : memref<1x32x128xf32, #tpu.memory_space<vmem>> -> memref<32x128xf32, #tpu.memory_space<vmem>>
      %dma_start3A_3249 = arith.constant 24 : i32
      %dma_start3A_3250 = arith.constant 0 : i32
      %dma_start3A_3251 = tpu.memref_slice %dma_start3A_3248[%dma_start3A_3249, %dma_start3A_3250] : memref<32x128xf32, #tpu.memory_space<vmem>> -> memref<8x128xf32, #tpu.memory_space<vmem>>
      %dma_start3A_3252 = arith.constant 24 : i32
      %dma_start3A_3253 = tpu.memref_slice %arg5[%dma_start3A_3252, %multiple_of3A_3110] : memref<32x1000000xf32, #tpu.memory_space<hbm>> -> memref<8x128xf32, #tpu.memory_space<hbm>>
      %dma_start3A_3254 = arith.constant 0 : i32
      %dma_start3A_3255 = arith.constant 0 : i32
      %dma_start3A_3256 = tpu.memref_slice %arg9[%dma_start3A_3244, %dma_start3A_3254, %dma_start3A_3255] : memref<16x32x128xf32, #tpu.memory_space<vmem>> -> memref<1x32x128xf32, #tpu.memory_space<vmem>>
      %dma_start3A_3257 = tpu.memref_squeeze %dma_start3A_3256 : memref<1x32x128xf32, #tpu.memory_space<vmem>> -> memref<32x128xf32, #tpu.memory_space<vmem>>
      %dma_start3A_3258 = arith.constant 24 : i32
      %dma_start3A_3259 = arith.constant 0 : i32
      %dma_start3A_3260 = tpu.memref_slice %dma_start3A_3257[%dma_start3A_3258, %dma_start3A_3259] : memref<32x128xf32, #tpu.memory_space<vmem>> -> memref<8x128xf32, #tpu.memory_space<vmem>>
      %dma_start3A_3261 = arith.constant 24 : i32
      %dma_start3A_3262 = tpu.memref_slice %arg5[%dma_start3A_3261, %multiple_of3A_3110] : memref<32x1000000xf32, #tpu.memory_space<hbm>> -> memref<8x128xf32, #tpu.memory_space<hbm>>
      tpu.enqueue_dma source(%dma_start3A_3262 : memref<8x128xf32, #tpu.memory_space<hbm>>) target(%dma_start3A_3260 : memref<8x128xf32, #tpu.memory_space<vmem>>) target_semaphore(%arg12 : memref<!tpu.dma_semaphore, #tpu.memory_space<semaphore_mem>>)
      %dma_wait3A_3263 = arith.constant 0 : i32
      %dma_wait3A_3264 = arith.constant 0 : i32
      %dma_wait3A_3265 = arith.constant 0 : i32
      %dma_wait3A_3266 = tpu.memref_slice %arg9[%dma_wait3A_3263, %dma_wait3A_3264, %dma_wait3A_3265] : memref<16x32x128xf32, #tpu.memory_space<vmem>> -> memref<1x32x128xf32, #tpu.memory_space<vmem>>
      %dma_wait3A_3267 = tpu.memref_squeeze %dma_wait3A_3266 : memref<1x32x128xf32, #tpu.memory_space<vmem>> -> memref<32x128xf32, #tpu.memory_space<vmem>>
      %dma_wait3A_3268 = arith.constant 0 : i32
      %dma_wait3A_3269 = arith.constant 0 : i32
      %dma_wait3A_3270 = tpu.memref_slice %arg4[%dma_wait3A_3268, %dma_wait3A_3269] : memref<32x1000000xf32, #tpu.memory_space<hbm>> -> memref<32x128xf32, #tpu.memory_space<hbm>>
      %dma_wait3A_3271 = arith.constant 0 : i32
      %dma_wait3A_3272 = arith.constant 0 : i32
      %dma_wait3A_3273 = tpu.memref_slice %arg9[%dma_wait3A_3263, %dma_wait3A_3271, %dma_wait3A_3272] : memref<16x32x128xf32, #tpu.memory_space<vmem>> -> memref<1x32x128xf32, #tpu.memory_space<vmem>>
      %dma_wait3A_3274 = tpu.memref_squeeze %dma_wait3A_3273 : memref<1x32x128xf32, #tpu.memory_space<vmem>> -> memref<32x128xf32, #tpu.memory_space<vmem>>
      %dma_wait3A_3275 = arith.constant 0 : i32
      %dma_wait3A_3276 = arith.constant 0 : i32
      %dma_wait3A_3277 = tpu.memref_slice %arg4[%dma_wait3A_3275, %dma_wait3A_3276] : memref<32x1000000xf32, #tpu.memory_space<hbm>> -> memref<32x128xf32, #tpu.memory_space<hbm>>
      tpu.wait_dma2 semaphore(%arg11 : memref<!tpu.dma_semaphore, #tpu.memory_space<semaphore_mem>>) src(%dma_wait3A_3277 : memref<32x128xf32, #tpu.memory_space<hbm>>) dst(%dma_wait3A_3274 : memref<32x128xf32, #tpu.memory_space<vmem>>)
      %dma_wait3A_3278 = arith.constant 1 : i32
      %dma_wait3A_3279 = arith.constant 0 : i32
      %dma_wait3A_3280 = arith.constant 0 : i32
      %dma_wait3A_3281 = tpu.memref_slice %arg9[%dma_wait3A_3278, %dma_wait3A_3279, %dma_wait3A_3280] : memref<16x32x128xf32, #tpu.memory_space<vmem>> -> memref<1x32x128xf32, #tpu.memory_space<vmem>>
      %dma_wait3A_3282 = tpu.memref_squeeze %dma_wait3A_3281 : memref<1x32x128xf32, #tpu.memory_space<vmem>> -> memref<32x128xf32, #tpu.memory_space<vmem>>
      %dma_wait3A_3283 = arith.constant 0 : i32
      %dma_wait3A_3284 = arith.constant 0 : i32
      %dma_wait3A_3285 = tpu.memref_slice %arg4[%dma_wait3A_3283, %dma_wait3A_3284] : memref<32x1000000xf32, #tpu.memory_space<hbm>> -> memref<32x128xf32, #tpu.memory_space<hbm>>
      %dma_wait3A_3286 = arith.constant 0 : i32
      %dma_wait3A_3287 = arith.constant 0 : i32
      %dma_wait3A_3288 = tpu.memref_slice %arg9[%dma_wait3A_3278, %dma_wait3A_3286, %dma_wait3A_3287] : memref<16x32x128xf32, #tpu.memory_space<vmem>> -> memref<1x32x128xf32, #tpu.memory_space<vmem>>
      %dma_wait3A_3289 = tpu.memref_squeeze %dma_wait3A_3288 : memref<1x32x128xf32, #tpu.memory_space<vmem>> -> memref<32x128xf32, #tpu.memory_space<vmem>>
      %dma_wait3A_3290 = arith.constant 0 : i32
      %dma_wait3A_3291 = arith.constant 0 : i32
      %dma_wait3A_3292 = tpu.memref_slice %arg4[%dma_wait3A_3290, %dma_wait3A_3291] : memref<32x1000000xf32, #tpu.memory_space<hbm>> -> memref<32x128xf32, #tpu.memory_space<hbm>>
      tpu.wait_dma2 semaphore(%arg11 : memref<!tpu.dma_semaphore, #tpu.memory_space<semaphore_mem>>) src(%dma_wait3A_3292 : memref<32x128xf32, #tpu.memory_space<hbm>>) dst(%dma_wait3A_3289 : memref<32x128xf32, #tpu.memory_space<vmem>>)
      %dma_wait3A_3293 = arith.constant 2 : i32
      %dma_wait3A_3294 = arith.constant 0 : i32
      %dma_wait3A_3295 = arith.constant 0 : i32
      %dma_wait3A_3296 = tpu.memref_slice %arg9[%dma_wait3A_3293, %dma_wait3A_3294, %dma_wait3A_3295] : memref<16x32x128xf32, #tpu.memory_space<vmem>> -> memref<1x32x128xf32, #tpu.memory_space<vmem>>
      %dma_wait3A_3297 = tpu.memref_squeeze %dma_wait3A_3296 : memref<1x32x128xf32, #tpu.memory_space<vmem>> -> memref<32x128xf32, #tpu.memory_space<vmem>>
      %dma_wait3A_3298 = arith.constant 0 : i32
      %dma_wait3A_3299 = arith.constant 0 : i32
      %dma_wait3A_3300 = tpu.memref_slice %arg4[%dma_wait3A_3298, %dma_wait3A_3299] : memref<32x1000000xf32, #tpu.memory_space<hbm>> -> memref<32x128xf32, #tpu.memory_space<hbm>>
      %dma_wait3A_3301 = arith.constant 0 : i32
      %dma_wait3A_3302 = arith.constant 0 : i32
      %dma_wait3A_3303 = tpu.memref_slice %arg9[%dma_wait3A_3293, %dma_wait3A_3301, %dma_wait3A_3302] : memref<16x32x128xf32, #tpu.memory_space<vmem>> -> memref<1x32x128xf32, #tpu.memory_space<vmem>>
      %dma_wait3A_3304 = tpu.memref_squeeze %dma_wait3A_3303 : memref<1x32x128xf32, #tpu.memory_space<vmem>> -> memref<32x128xf32, #tpu.memory_space<vmem>>
      %dma_wait3A_3305 = arith.constant 0 : i32
      %dma_wait3A_3306 = arith.constant 0 : i32
      %dma_wait3A_3307 = tpu.memref_slice %arg4[%dma_wait3A_3305, %dma_wait3A_3306] : memref<32x1000000xf32, #tpu.memory_space<hbm>> -> memref<32x128xf32, #tpu.memory_space<hbm>>
      tpu.wait_dma2 semaphore(%arg11 : memref<!tpu.dma_semaphore, #tpu.memory_space<semaphore_mem>>) src(%dma_wait3A_3307 : memref<32x128xf32, #tpu.memory_space<hbm>>) dst(%dma_wait3A_3304 : memref<32x128xf32, #tpu.memory_space<vmem>>)
      %dma_wait3A_3308 = arith.constant 3 : i32
      %dma_wait3A_3309 = arith.constant 0 : i32
      %dma_wait3A_3310 = arith.constant 0 : i32
      %dma_wait3A_3311 = tpu.memref_slice %arg9[%dma_wait3A_3308, %dma_wait3A_3309, %dma_wait3A_3310] : memref<16x32x128xf32, #tpu.memory_space<vmem>> -> memref<1x32x128xf32, #tpu.memory_space<vmem>>
      %dma_wait3A_3312 = tpu.memref_squeeze %dma_wait3A_3311 : memref<1x32x128xf32, #tpu.memory_space<vmem>> -> memref<32x128xf32, #tpu.memory_space<vmem>>
      %dma_wait3A_3313 = arith.constant 0 : i32
      %dma_wait3A_3314 = arith.constant 0 : i32
      %dma_wait3A_3315 = tpu.memref_slice %arg4[%dma_wait3A_3313, %dma_wait3A_3314] : memref<32x1000000xf32, #tpu.memory_space<hbm>> -> memref<32x128xf32, #tpu.memory_space<hbm>>
      %dma_wait3A_3316 = arith.constant 0 : i32
      %dma_wait3A_3317 = arith.constant 0 : i32
      %dma_wait3A_3318 = tpu.memref_slice %arg9[%dma_wait3A_3308, %dma_wait3A_3316, %dma_wait3A_3317] : memref<16x32x128xf32, #tpu.memory_space<vmem>> -> memref<1x32x128xf32, #tpu.memory_space<vmem>>
      %dma_wait3A_3319 = tpu.memref_squeeze %dma_wait3A_3318 : memref<1x32x128xf32, #tpu.memory_space<vmem>> -> memref<32x128xf32, #tpu.memory_space<vmem>>
      %dma_wait3A_3320 = arith.constant 0 : i32
      %dma_wait3A_3321 = arith.constant 0 : i32
      %dma_wait3A_3322 = tpu.memref_slice %arg4[%dma_wait3A_3320, %dma_wait3A_3321] : memref<32x1000000xf32, #tpu.memory_space<hbm>> -> memref<32x128xf32, #tpu.memory_space<hbm>>
      tpu.wait_dma2 semaphore(%arg11 : memref<!tpu.dma_semaphore, #tpu.memory_space<semaphore_mem>>) src(%dma_wait3A_3322 : memref<32x128xf32, #tpu.memory_space<hbm>>) dst(%dma_wait3A_3319 : memref<32x128xf32, #tpu.memory_space<vmem>>)
      %dma_wait3A_3323 = arith.constant 4 : i32
      %dma_wait3A_3324 = arith.constant 0 : i32
      %dma_wait3A_3325 = arith.constant 0 : i32
      %dma_wait3A_3326 = tpu.memref_slice %arg9[%dma_wait3A_3323, %dma_wait3A_3324, %dma_wait3A_3325] : memref<16x32x128xf32, #tpu.memory_space<vmem>> -> memref<1x32x128xf32, #tpu.memory_space<vmem>>
      %dma_wait3A_3327 = tpu.memref_squeeze %dma_wait3A_3326 : memref<1x32x128xf32, #tpu.memory_space<vmem>> -> memref<32x128xf32, #tpu.memory_space<vmem>>
      %dma_wait3A_3328 = arith.constant 0 : i32
      %dma_wait3A_3329 = arith.constant 0 : i32
      %dma_wait3A_3330 = tpu.memref_slice %arg4[%dma_wait3A_3328, %dma_wait3A_3329] : memref<32x1000000xf32, #tpu.memory_space<hbm>> -> memref<32x128xf32, #tpu.memory_space<hbm>>
      %dma_wait3A_3331 = arith.constant 0 : i32
      %dma_wait3A_3332 = arith.constant 0 : i32
      %dma_wait3A_3333 = tpu.memref_slice %arg9[%dma_wait3A_3323, %dma_wait3A_3331, %dma_wait3A_3332] : memref<16x32x128xf32, #tpu.memory_space<vmem>> -> memref<1x32x128xf32, #tpu.memory_space<vmem>>
      %dma_wait3A_3334 = tpu.memref_squeeze %dma_wait3A_3333 : memref<1x32x128xf32, #tpu.memory_space<vmem>> -> memref<32x128xf32, #tpu.memory_space<vmem>>
      %dma_wait3A_3335 = arith.constant 0 : i32
      %dma_wait3A_3336 = arith.constant 0 : i32
      %dma_wait3A_3337 = tpu.memref_slice %arg4[%dma_wait3A_3335, %dma_wait3A_3336] : memref<32x1000000xf32, #tpu.memory_space<hbm>> -> memref<32x128xf32, #tpu.memory_space<hbm>>
      tpu.wait_dma2 semaphore(%arg11 : memref<!tpu.dma_semaphore, #tpu.memory_space<semaphore_mem>>) src(%dma_wait3A_3337 : memref<32x128xf32, #tpu.memory_space<hbm>>) dst(%dma_wait3A_3334 : memref<32x128xf32, #tpu.memory_space<vmem>>)
      %dma_wait3A_3338 = arith.constant 5 : i32
      %dma_wait3A_3339 = arith.constant 0 : i32
      %dma_wait3A_3340 = arith.constant 0 : i32
      %dma_wait3A_3341 = tpu.memref_slice %arg9[%dma_wait3A_3338, %dma_wait3A_3339, %dma_wait3A_3340] : memref<16x32x128xf32, #tpu.memory_space<vmem>> -> memref<1x32x128xf32, #tpu.memory_space<vmem>>
      %dma_wait3A_3342 = tpu.memref_squeeze %dma_wait3A_3341 : memref<1x32x128xf32, #tpu.memory_space<vmem>> -> memref<32x128xf32, #tpu.memory_space<vmem>>
      %dma_wait3A_3343 = arith.constant 0 : i32
      %dma_wait3A_3344 = arith.constant 0 : i32
      %dma_wait3A_3345 = tpu.memref_slice %arg4[%dma_wait3A_3343, %dma_wait3A_3344] : memref<32x1000000xf32, #tpu.memory_space<hbm>> -> memref<32x128xf32, #tpu.memory_space<hbm>>
      %dma_wait3A_3346 = arith.constant 0 : i32
      %dma_wait3A_3347 = arith.constant 0 : i32
      %dma_wait3A_3348 = tpu.memref_slice %arg9[%dma_wait3A_3338, %dma_wait3A_3346, %dma_wait3A_3347] : memref<16x32x128xf32, #tpu.memory_space<vmem>> -> memref<1x32x128xf32, #tpu.memory_space<vmem>>
      %dma_wait3A_3349 = tpu.memref_squeeze %dma_wait3A_3348 : memref<1x32x128xf32, #tpu.memory_space<vmem>> -> memref<32x128xf32, #tpu.memory_space<vmem>>
      %dma_wait3A_3350 = arith.constant 0 : i32
      %dma_wait3A_3351 = arith.constant 0 : i32
      %dma_wait3A_3352 = tpu.memref_slice %arg4[%dma_wait3A_3350, %dma_wait3A_3351] : memref<32x1000000xf32, #tpu.memory_space<hbm>> -> memref<32x128xf32, #tpu.memory_space<hbm>>
      tpu.wait_dma2 semaphore(%arg11 : memref<!tpu.dma_semaphore, #tpu.memory_space<semaphore_mem>>) src(%dma_wait3A_3352 : memref<32x128xf32, #tpu.memory_space<hbm>>) dst(%dma_wait3A_3349 : memref<32x128xf32, #tpu.memory_space<vmem>>)
      %dma_wait3A_3353 = arith.constant 6 : i32
      %dma_wait3A_3354 = arith.constant 0 : i32
      %dma_wait3A_3355 = arith.constant 0 : i32
      %dma_wait3A_3356 = tpu.memref_slice %arg9[%dma_wait3A_3353, %dma_wait3A_3354, %dma_wait3A_3355] : memref<16x32x128xf32, #tpu.memory_space<vmem>> -> memref<1x32x128xf32, #tpu.memory_space<vmem>>
      %dma_wait3A_3357 = tpu.memref_squeeze %dma_wait3A_3356 : memref<1x32x128xf32, #tpu.memory_space<vmem>> -> memref<32x128xf32, #tpu.memory_space<vmem>>
      %dma_wait3A_3358 = arith.constant 0 : i32
      %dma_wait3A_3359 = arith.constant 0 : i32
      %dma_wait3A_3360 = tpu.memref_slice %arg4[%dma_wait3A_3358, %dma_wait3A_3359] : memref<32x1000000xf32, #tpu.memory_space<hbm>> -> memref<32x128xf32, #tpu.memory_space<hbm>>
      %dma_wait3A_3361 = arith.constant 0 : i32
      %dma_wait3A_3362 = arith.constant 0 : i32
      %dma_wait3A_3363 = tpu.memref_slice %arg9[%dma_wait3A_3353, %dma_wait3A_3361, %dma_wait3A_3362] : memref<16x32x128xf32, #tpu.memory_space<vmem>> -> memref<1x32x128xf32, #tpu.memory_space<vmem>>
      %dma_wait3A_3364 = tpu.memref_squeeze %dma_wait3A_3363 : memref<1x32x128xf32, #tpu.memory_space<vmem>> -> memref<32x128xf32, #tpu.memory_space<vmem>>
      %dma_wait3A_3365 = arith.constant 0 : i32
      %dma_wait3A_3366 = arith.constant 0 : i32
      %dma_wait3A_3367 = tpu.memref_slice %arg4[%dma_wait3A_3365, %dma_wait3A_3366] : memref<32x1000000xf32, #tpu.memory_space<hbm>> -> memref<32x128xf32, #tpu.memory_space<hbm>>
      tpu.wait_dma2 semaphore(%arg11 : memref<!tpu.dma_semaphore, #tpu.memory_space<semaphore_mem>>) src(%dma_wait3A_3367 : memref<32x128xf32, #tpu.memory_space<hbm>>) dst(%dma_wait3A_3364 : memref<32x128xf32, #tpu.memory_space<vmem>>)
      %dma_wait3A_3368 = arith.constant 7 : i32
      %dma_wait3A_3369 = arith.constant 0 : i32
      %dma_wait3A_3370 = arith.constant 0 : i32
      %dma_wait3A_3371 = tpu.memref_slice %arg9[%dma_wait3A_3368, %dma_wait3A_3369, %dma_wait3A_3370] : memref<16x32x128xf32, #tpu.memory_space<vmem>> -> memref<1x32x128xf32, #tpu.memory_space<vmem>>
      %dma_wait3A_3372 = tpu.memref_squeeze %dma_wait3A_3371 : memref<1x32x128xf32, #tpu.memory_space<vmem>> -> memref<32x128xf32, #tpu.memory_space<vmem>>
      %dma_wait3A_3373 = arith.constant 0 : i32
      %dma_wait3A_3374 = arith.constant 0 : i32
      %dma_wait3A_3375 = tpu.memref_slice %arg4[%dma_wait3A_3373, %dma_wait3A_3374] : memref<32x1000000xf32, #tpu.memory_space<hbm>> -> memref<32x128xf32, #tpu.memory_space<hbm>>
      %dma_wait3A_3376 = arith.constant 0 : i32
      %dma_wait3A_3377 = arith.constant 0 : i32
      %dma_wait3A_3378 = tpu.memref_slice %arg9[%dma_wait3A_3368, %dma_wait3A_3376, %dma_wait3A_3377] : memref<16x32x128xf32, #tpu.memory_space<vmem>> -> memref<1x32x128xf32, #tpu.memory_space<vmem>>
      %dma_wait3A_3379 = tpu.memref_squeeze %dma_wait3A_3378 : memref<1x32x128xf32, #tpu.memory_space<vmem>> -> memref<32x128xf32, #tpu.memory_space<vmem>>
      %dma_wait3A_3380 = arith.constant 0 : i32
      %dma_wait3A_3381 = arith.constant 0 : i32
      %dma_wait3A_3382 = tpu.memref_slice %arg4[%dma_wait3A_3380, %dma_wait3A_3381] : memref<32x1000000xf32, #tpu.memory_space<hbm>> -> memref<32x128xf32, #tpu.memory_space<hbm>>
      tpu.wait_dma2 semaphore(%arg11 : memref<!tpu.dma_semaphore, #tpu.memory_space<semaphore_mem>>) src(%dma_wait3A_3382 : memref<32x128xf32, #tpu.memory_space<hbm>>) dst(%dma_wait3A_3379 : memref<32x128xf32, #tpu.memory_space<vmem>>)
      %slice3A_3383 = vector.extract_strided_slice %get3A_18 {offsets = [8], sizes = [1], strides = [1]} : vector<16xi32> to vector<1xi32>
      %squeeze3A_3384 = vector.extract %slice3A_3383[0] : i32 from vector<1xi32>
      %and3A_3385 = arith.constant 127 : i32
      %and3A_3386 = arith.andi %squeeze3A_3384, %and3A_3385 : i32
      %broadcast_in_dim3A_3387 = vector.broadcast %and3A_3386 : i32 to vector<16xi32>
      %slice3A_3388 = vector.extract_strided_slice %get3A_21 {offsets = [8], sizes = [1], strides = [1]} : vector<16xi32> to vector<1xi32>
      %squeeze3A_3389 = vector.extract %slice3A_3388[0] : i32 from vector<1xi32>
      %and3A_3390 = arith.constant 127 : i32
      %and3A_3391 = arith.andi %squeeze3A_3389, %and3A_3390 : i32
      %broadcast_in_dim3A_3392 = vector.broadcast %and3A_3391 : i32 to vector<16xi32>
      %gather3A_3393 = arith.constant 0 : i32
      %gather3A_3394 = arith.constant 0 : i32
      %gather3A_3395 = arith.constant 0 : i32
      %gather3A_3396 = tpu.memref_slice %arg9[%gather3A_3393, %gather3A_3394, %gather3A_3395] : memref<16x32x128xf32, #tpu.memory_space<vmem>> -> memref<1x32x128xf32, #tpu.memory_space<vmem>>
      %gather3A_3397 = tpu.memref_squeeze %gather3A_3396 : memref<1x32x128xf32, #tpu.memory_space<vmem>> -> memref<32x128xf32, #tpu.memory_space<vmem>>
      %gather3A_3398 = tpu.vector_load_idx %gather3A_3397[%iota3A, %broadcast_in_dim3A_3387] : memref<32x128xf32, #tpu.memory_space<vmem>>[vector<16xi32>, vector<16xi32>], vector<16xf32>,
      %add3A_3399 = arith.constant 16 : i32
      %add3A_3400 = vector.broadcast %add3A_3399 : i32 to vector<16xi32>
      %add3A_3401 = arith.addi %iota3A, %add3A_3400 : vector<16xi32>
      %gather3A_3402 = arith.constant 0 : i32
      %gather3A_3403 = arith.constant 0 : i32
      %gather3A_3404 = arith.constant 0 : i32
      %gather3A_3405 = tpu.memref_slice %arg9[%gather3A_3402, %gather3A_3403, %gather3A_3404] : memref<16x32x128xf32, #tpu.memory_space<vmem>> -> memref<1x32x128xf32, #tpu.memory_space<vmem>>
      %gather3A_3406 = tpu.memref_squeeze %gather3A_3405 : memref<1x32x128xf32, #tpu.memory_space<vmem>> -> memref<32x128xf32, #tpu.memory_space<vmem>>
      %gather3A_3407 = tpu.vector_load_idx %gather3A_3406[%add3A_3401, %broadcast_in_dim3A_3387] : memref<32x128xf32, #tpu.memory_space<vmem>>[vector<16xi32>, vector<16xi32>], vector<16xf32>,
      %gather3A_3408 = arith.constant 4 : i32
      %gather3A_3409 = arith.constant 0 : i32
      %gather3A_3410 = arith.constant 0 : i32
      %gather3A_3411 = tpu.memref_slice %arg9[%gather3A_3408, %gather3A_3409, %gather3A_3410] : memref<16x32x128xf32, #tpu.memory_space<vmem>> -> memref<1x32x128xf32, #tpu.memory_space<vmem>>
      %gather3A_3412 = tpu.memref_squeeze %gather3A_3411 : memref<1x32x128xf32, #tpu.memory_space<vmem>> -> memref<32x128xf32, #tpu.memory_space<vmem>>
      %gather3A_3413 = tpu.vector_load_idx %gather3A_3412[%iota3A, %broadcast_in_dim3A_3392] : memref<32x128xf32, #tpu.memory_space<vmem>>[vector<16xi32>, vector<16xi32>], vector<16xf32>,
      %add3A_3414 = arith.constant 16 : i32
      %add3A_3415 = vector.broadcast %add3A_3414 : i32 to vector<16xi32>
      %add3A_3416 = arith.addi %iota3A, %add3A_3415 : vector<16xi32>
      %gather3A_3417 = arith.constant 4 : i32
      %gather3A_3418 = arith.constant 0 : i32
      %gather3A_3419 = arith.constant 0 : i32
      %gather3A_3420 = tpu.memref_slice %arg9[%gather3A_3417, %gather3A_3418, %gather3A_3419] : memref<16x32x128xf32, #tpu.memory_space<vmem>> -> memref<1x32x128xf32, #tpu.memory_space<vmem>>
      %gather3A_3421 = tpu.memref_squeeze %gather3A_3420 : memref<1x32x128xf32, #tpu.memory_space<vmem>> -> memref<32x128xf32, #tpu.memory_space<vmem>>
      %gather3A_3422 = tpu.vector_load_idx %gather3A_3421[%add3A_3416, %broadcast_in_dim3A_3392] : memref<32x128xf32, #tpu.memory_space<vmem>>[vector<16xi32>, vector<16xi32>], vector<16xf32>,
      %mul3A_3423 = arith.mulf %gather3A_3398, %gather3A_3413 : vector<16xf32>
      %mul3A_3424 = arith.mulf %gather3A_3407, %gather3A_3422 : vector<16xf32>
      %add3A_3425 = arith.addf %mul3A_3423, %mul3A_3424 : vector<16xf32>
      %reduce_sum3A_3426 = arith.constant true
      %reduce_sum3A_3427 = vector.broadcast %reduce_sum3A_3426 : i1 to vector<16xi1>
      %reduce_sum3A_3428 = tpu.scan <sum>, %add3A_3425 masked %reduce_sum3A_3427 : vector<16xf32>, vector<16xi1> -> vector<16xf32>
      %reduce_sum3A_3429 = vector.extract %reduce_sum3A_3428[15] : f32 from vector<16xf32>
      %eq3A_3430 = arith.constant 8 : i32
      %eq3A_3431 = vector.broadcast %eq3A_3430 : i32 to vector<16xi32>
      %eq3A_3432 = arith.cmpi eq, %iota3A, %eq3A_3431 : vector<16xi32>
      %broadcast_in_dim3A_3433 = vector.broadcast %reduce_sum3A_3429 : f32 to vector<16xf32>
      %select_n3A_3434 = arith.select %eq3A_3432, %broadcast_in_dim3A_3433, %select_n3A_2614 : vector<16xi1>, vector<16xf32>
      %slice3A_3435 = vector.extract_strided_slice %get3A_18 {offsets = [9], sizes = [1], strides = [1]} : vector<16xi32> to vector<1xi32>
      %squeeze3A_3436 = vector.extract %slice3A_3435[0] : i32 from vector<1xi32>
      %and3A_3437 = arith.constant 127 : i32
      %and3A_3438 = arith.andi %squeeze3A_3436, %and3A_3437 : i32
      %broadcast_in_dim3A_3439 = vector.broadcast %and3A_3438 : i32 to vector<16xi32>
      %slice3A_3440 = vector.extract_strided_slice %get3A_21 {offsets = [9], sizes = [1], strides = [1]} : vector<16xi32> to vector<1xi32>
      %squeeze3A_3441 = vector.extract %slice3A_3440[0] : i32 from vector<1xi32>
      %and3A_3442 = arith.constant 127 : i32
      %and3A_3443 = arith.andi %squeeze3A_3441, %and3A_3442 : i32
      %broadcast_in_dim3A_3444 = vector.broadcast %and3A_3443 : i32 to vector<16xi32>
      %gather3A_3445 = arith.constant 1 : i32
      %gather3A_3446 = arith.constant 0 : i32
      %gather3A_3447 = arith.constant 0 : i32
      %gather3A_3448 = tpu.memref_slice %arg9[%gather3A_3445, %gather3A_3446, %gather3A_3447] : memref<16x32x128xf32, #tpu.memory_space<vmem>> -> memref<1x32x128xf32, #tpu.memory_space<vmem>>
      %gather3A_3449 = tpu.memref_squeeze %gather3A_3448 : memref<1x32x128xf32, #tpu.memory_space<vmem>> -> memref<32x128xf32, #tpu.memory_space<vmem>>
      %gather3A_3450 = tpu.vector_load_idx %gather3A_3449[%iota3A, %broadcast_in_dim3A_3439] : memref<32x128xf32, #tpu.memory_space<vmem>>[vector<16xi32>, vector<16xi32>], vector<16xf32>,
      %add3A_3451 = arith.constant 16 : i32
      %add3A_3452 = vector.broadcast %add3A_3451 : i32 to vector<16xi32>
      %add3A_3453 = arith.addi %iota3A, %add3A_3452 : vector<16xi32>
      %gather3A_3454 = arith.constant 1 : i32
      %gather3A_3455 = arith.constant 0 : i32
      %gather3A_3456 = arith.constant 0 : i32
      %gather3A_3457 = tpu.memref_slice %arg9[%gather3A_3454, %gather3A_3455, %gather3A_3456] : memref<16x32x128xf32, #tpu.memory_space<vmem>> -> memref<1x32x128xf32, #tpu.memory_space<vmem>>
      %gather3A_3458 = tpu.memref_squeeze %gather3A_3457 : memref<1x32x128xf32, #tpu.memory_space<vmem>> -> memref<32x128xf32, #tpu.memory_space<vmem>>
      %gather3A_3459 = tpu.vector_load_idx %gather3A_3458[%add3A_3453, %broadcast_in_dim3A_3439] : memref<32x128xf32, #tpu.memory_space<vmem>>[vector<16xi32>, vector<16xi32>], vector<16xf32>,
      %gather3A_3460 = arith.constant 5 : i32
      %gather3A_3461 = arith.constant 0 : i32
      %gather3A_3462 = arith.constant 0 : i32
      %gather3A_3463 = tpu.memref_slice %arg9[%gather3A_3460, %gather3A_3461, %gather3A_3462] : memref<16x32x128xf32, #tpu.memory_space<vmem>> -> memref<1x32x128xf32, #tpu.memory_space<vmem>>
      %gather3A_3464 = tpu.memref_squeeze %gather3A_3463 : memref<1x32x128xf32, #tpu.memory_space<vmem>> -> memref<32x128xf32, #tpu.memory_space<vmem>>
      %gather3A_3465 = tpu.vector_load_idx %gather3A_3464[%iota3A, %broadcast_in_dim3A_3444] : memref<32x128xf32, #tpu.memory_space<vmem>>[vector<16xi32>, vector<16xi32>], vector<16xf32>,
      %add3A_3466 = arith.constant 16 : i32
      %add3A_3467 = vector.broadcast %add3A_3466 : i32 to vector<16xi32>
      %add3A_3468 = arith.addi %iota3A, %add3A_3467 : vector<16xi32>
      %gather3A_3469 = arith.constant 5 : i32
      %gather3A_3470 = arith.constant 0 : i32
      %gather3A_3471 = arith.constant 0 : i32
      %gather3A_3472 = tpu.memref_slice %arg9[%gather3A_3469, %gather3A_3470, %gather3A_3471] : memref<16x32x128xf32, #tpu.memory_space<vmem>> -> memref<1x32x128xf32, #tpu.memory_space<vmem>>
      %gather3A_3473 = tpu.memref_squeeze %gather3A_3472 : memref<1x32x128xf32, #tpu.memory_space<vmem>> -> memref<32x128xf32, #tpu.memory_space<vmem>>
      %gather3A_3474 = tpu.vector_load_idx %gather3A_3473[%add3A_3468, %broadcast_in_dim3A_3444] : memref<32x128xf32, #tpu.memory_space<vmem>>[vector<16xi32>, vector<16xi32>], vector<16xf32>,
      %mul3A_3475 = arith.mulf %gather3A_3450, %gather3A_3465 : vector<16xf32>
      %mul3A_3476 = arith.mulf %gather3A_3459, %gather3A_3474 : vector<16xf32>
      %add3A_3477 = arith.addf %mul3A_3475, %mul3A_3476 : vector<16xf32>
      %reduce_sum3A_3478 = arith.constant true
      %reduce_sum3A_3479 = vector.broadcast %reduce_sum3A_3478 : i1 to vector<16xi1>
      %reduce_sum3A_3480 = tpu.scan <sum>, %add3A_3477 masked %reduce_sum3A_3479 : vector<16xf32>, vector<16xi1> -> vector<16xf32>
      %reduce_sum3A_3481 = vector.extract %reduce_sum3A_3480[15] : f32 from vector<16xf32>
      %eq3A_3482 = arith.constant 9 : i32
      %eq3A_3483 = vector.broadcast %eq3A_3482 : i32 to vector<16xi32>
      %eq3A_3484 = arith.cmpi eq, %iota3A, %eq3A_3483 : vector<16xi32>
      %broadcast_in_dim3A_3485 = vector.broadcast %reduce_sum3A_3481 : f32 to vector<16xf32>
      %select_n3A_3486 = arith.select %eq3A_3484, %broadcast_in_dim3A_3485, %select_n3A_3434 : vector<16xi1>, vector<16xf32>
      %slice3A_3487 = vector.extract_strided_slice %get3A_18 {offsets = [10], sizes = [1], strides = [1]} : vector<16xi32> to vector<1xi32>
      %squeeze3A_3488 = vector.extract %slice3A_3487[0] : i32 from vector<1xi32>
      %and3A_3489 = arith.constant 127 : i32
      %and3A_3490 = arith.andi %squeeze3A_3488, %and3A_3489 : i32
      %broadcast_in_dim3A_3491 = vector.broadcast %and3A_3490 : i32 to vector<16xi32>
      %slice3A_3492 = vector.extract_strided_slice %get3A_21 {offsets = [10], sizes = [1], strides = [1]} : vector<16xi32> to vector<1xi32>
      %squeeze3A_3493 = vector.extract %slice3A_3492[0] : i32 from vector<1xi32>
      %and3A_3494 = arith.constant 127 : i32
      %and3A_3495 = arith.andi %squeeze3A_3493, %and3A_3494 : i32
      %broadcast_in_dim3A_3496 = vector.broadcast %and3A_3495 : i32 to vector<16xi32>
      %gather3A_3497 = arith.constant 2 : i32
      %gather3A_3498 = arith.constant 0 : i32
      %gather3A_3499 = arith.constant 0 : i32
      %gather3A_3500 = tpu.memref_slice %arg9[%gather3A_3497, %gather3A_3498, %gather3A_3499] : memref<16x32x128xf32, #tpu.memory_space<vmem>> -> memref<1x32x128xf32, #tpu.memory_space<vmem>>
      %gather3A_3501 = tpu.memref_squeeze %gather3A_3500 : memref<1x32x128xf32, #tpu.memory_space<vmem>> -> memref<32x128xf32, #tpu.memory_space<vmem>>
      %gather3A_3502 = tpu.vector_load_idx %gather3A_3501[%iota3A, %broadcast_in_dim3A_3491] : memref<32x128xf32, #tpu.memory_space<vmem>>[vector<16xi32>, vector<16xi32>], vector<16xf32>,
      %add3A_3503 = arith.constant 16 : i32
      %add3A_3504 = vector.broadcast %add3A_3503 : i32 to vector<16xi32>
      %add3A_3505 = arith.addi %iota3A, %add3A_3504 : vector<16xi32>
      %gather3A_3506 = arith.constant 2 : i32
      %gather3A_3507 = arith.constant 0 : i32
      %gather3A_3508 = arith.constant 0 : i32
      %gather3A_3509 = tpu.memref_slice %arg9[%gather3A_3506, %gather3A_3507, %gather3A_3508] : memref<16x32x128xf32, #tpu.memory_space<vmem>> -> memref<1x32x128xf32, #tpu.memory_space<vmem>>
      %gather3A_3510 = tpu.memref_squeeze %gather3A_3509 : memref<1x32x128xf32, #tpu.memory_space<vmem>> -> memref<32x128xf32, #tpu.memory_space<vmem>>
      %gather3A_3511 = tpu.vector_load_idx %gather3A_3510[%add3A_3505, %broadcast_in_dim3A_3491] : memref<32x128xf32, #tpu.memory_space<vmem>>[vector<16xi32>, vector<16xi32>], vector<16xf32>,
      %gather3A_3512 = arith.constant 6 : i32
      %gather3A_3513 = arith.constant 0 : i32
      %gather3A_3514 = arith.constant 0 : i32
      %gather3A_3515 = tpu.memref_slice %arg9[%gather3A_3512, %gather3A_3513, %gather3A_3514] : memref<16x32x128xf32, #tpu.memory_space<vmem>> -> memref<1x32x128xf32, #tpu.memory_space<vmem>>
      %gather3A_3516 = tpu.memref_squeeze %gather3A_3515 : memref<1x32x128xf32, #tpu.memory_space<vmem>> -> memref<32x128xf32, #tpu.memory_space<vmem>>
      %gather3A_3517 = tpu.vector_load_idx %gather3A_3516[%iota3A, %broadcast_in_dim3A_3496] : memref<32x128xf32, #tpu.memory_space<vmem>>[vector<16xi32>, vector<16xi32>], vector<16xf32>,
      %add3A_3518 = arith.constant 16 : i32
      %add3A_3519 = vector.broadcast %add3A_3518 : i32 to vector<16xi32>
      %add3A_3520 = arith.addi %iota3A, %add3A_3519 : vector<16xi32>
      %gather3A_3521 = arith.constant 6 : i32
      %gather3A_3522 = arith.constant 0 : i32
      %gather3A_3523 = arith.constant 0 : i32
      %gather3A_3524 = tpu.memref_slice %arg9[%gather3A_3521, %gather3A_3522, %gather3A_3523] : memref<16x32x128xf32, #tpu.memory_space<vmem>> -> memref<1x32x128xf32, #tpu.memory_space<vmem>>
      %gather3A_3525 = tpu.memref_squeeze %gather3A_3524 : memref<1x32x128xf32, #tpu.memory_space<vmem>> -> memref<32x128xf32, #tpu.memory_space<vmem>>
      %gather3A_3526 = tpu.vector_load_idx %gather3A_3525[%add3A_3520, %broadcast_in_dim3A_3496] : memref<32x128xf32, #tpu.memory_space<vmem>>[vector<16xi32>, vector<16xi32>], vector<16xf32>,
      %mul3A_3527 = arith.mulf %gather3A_3502, %gather3A_3517 : vector<16xf32>
      %mul3A_3528 = arith.mulf %gather3A_3511, %gather3A_3526 : vector<16xf32>
      %add3A_3529 = arith.addf %mul3A_3527, %mul3A_3528 : vector<16xf32>
      %reduce_sum3A_3530 = arith.constant true
      %reduce_sum3A_3531 = vector.broadcast %reduce_sum3A_3530 : i1 to vector<16xi1>
      %reduce_sum3A_3532 = tpu.scan <sum>, %add3A_3529 masked %reduce_sum3A_3531 : vector<16xf32>, vector<16xi1> -> vector<16xf32>
      %reduce_sum3A_3533 = vector.extract %reduce_sum3A_3532[15] : f32 from vector<16xf32>
      %eq3A_3534 = arith.constant 10 : i32
      %eq3A_3535 = vector.broadcast %eq3A_3534 : i32 to vector<16xi32>
      %eq3A_3536 = arith.cmpi eq, %iota3A, %eq3A_3535 : vector<16xi32>
      %broadcast_in_dim3A_3537 = vector.broadcast %reduce_sum3A_3533 : f32 to vector<16xf32>
      %select_n3A_3538 = arith.select %eq3A_3536, %broadcast_in_dim3A_3537, %select_n3A_3486 : vector<16xi1>, vector<16xf32>
      %slice3A_3539 = vector.extract_strided_slice %get3A_18 {offsets = [11], sizes = [1], strides = [1]} : vector<16xi32> to vector<1xi32>
      %squeeze3A_3540 = vector.extract %slice3A_3539[0] : i32 from vector<1xi32>
      %and3A_3541 = arith.constant 127 : i32
      %and3A_3542 = arith.andi %squeeze3A_3540, %and3A_3541 : i32
      %broadcast_in_dim3A_3543 = vector.broadcast %and3A_3542 : i32 to vector<16xi32>
      %slice3A_3544 = vector.extract_strided_slice %get3A_21 {offsets = [11], sizes = [1], strides = [1]} : vector<16xi32> to vector<1xi32>
      %squeeze3A_3545 = vector.extract %slice3A_3544[0] : i32 from vector<1xi32>
      %and3A_3546 = arith.constant 127 : i32
      %and3A_3547 = arith.andi %squeeze3A_3545, %and3A_3546 : i32
      %broadcast_in_dim3A_3548 = vector.broadcast %and3A_3547 : i32 to vector<16xi32>
      %gather3A_3549 = arith.constant 3 : i32
      %gather3A_3550 = arith.constant 0 : i32
      %gather3A_3551 = arith.constant 0 : i32
      %gather3A_3552 = tpu.memref_slice %arg9[%gather3A_3549, %gather3A_3550, %gather3A_3551] : memref<16x32x128xf32, #tpu.memory_space<vmem>> -> memref<1x32x128xf32, #tpu.memory_space<vmem>>
      %gather3A_3553 = tpu.memref_squeeze %gather3A_3552 : memref<1x32x128xf32, #tpu.memory_space<vmem>> -> memref<32x128xf32, #tpu.memory_space<vmem>>
      %gather3A_3554 = tpu.vector_load_idx %gather3A_3553[%iota3A, %broadcast_in_dim3A_3543] : memref<32x128xf32, #tpu.memory_space<vmem>>[vector<16xi32>, vector<16xi32>], vector<16xf32>,
      %add3A_3555 = arith.constant 16 : i32
      %add3A_3556 = vector.broadcast %add3A_3555 : i32 to vector<16xi32>
      %add3A_3557 = arith.addi %iota3A, %add3A_3556 : vector<16xi32>
      %gather3A_3558 = arith.constant 3 : i32
      %gather3A_3559 = arith.constant 0 : i32
      %gather3A_3560 = arith.constant 0 : i32
      %gather3A_3561 = tpu.memref_slice %arg9[%gather3A_3558, %gather3A_3559, %gather3A_3560] : memref<16x32x128xf32, #tpu.memory_space<vmem>> -> memref<1x32x128xf32, #tpu.memory_space<vmem>>
      %gather3A_3562 = tpu.memref_squeeze %gather3A_3561 : memref<1x32x128xf32, #tpu.memory_space<vmem>> -> memref<32x128xf32, #tpu.memory_space<vmem>>
      %gather3A_3563 = tpu.vector_load_idx %gather3A_3562[%add3A_3557, %broadcast_in_dim3A_3543] : memref<32x128xf32, #tpu.memory_space<vmem>>[vector<16xi32>, vector<16xi32>], vector<16xf32>,
      %gather3A_3564 = arith.constant 7 : i32
      %gather3A_3565 = arith.constant 0 : i32
      %gather3A_3566 = arith.constant 0 : i32
      %gather3A_3567 = tpu.memref_slice %arg9[%gather3A_3564, %gather3A_3565, %gather3A_3566] : memref<16x32x128xf32, #tpu.memory_space<vmem>> -> memref<1x32x128xf32, #tpu.memory_space<vmem>>
      %gather3A_3568 = tpu.memref_squeeze %gather3A_3567 : memref<1x32x128xf32, #tpu.memory_space<vmem>> -> memref<32x128xf32, #tpu.memory_space<vmem>>
      %gather3A_3569 = tpu.vector_load_idx %gather3A_3568[%iota3A, %broadcast_in_dim3A_3548] : memref<32x128xf32, #tpu.memory_space<vmem>>[vector<16xi32>, vector<16xi32>], vector<16xf32>,
      %add3A_3570 = arith.constant 16 : i32
      %add3A_3571 = vector.broadcast %add3A_3570 : i32 to vector<16xi32>
      %add3A_3572 = arith.addi %iota3A, %add3A_3571 : vector<16xi32>
      %gather3A_3573 = arith.constant 7 : i32
      %gather3A_3574 = arith.constant 0 : i32
      %gather3A_3575 = arith.constant 0 : i32
      %gather3A_3576 = tpu.memref_slice %arg9[%gather3A_3573, %gather3A_3574, %gather3A_3575] : memref<16x32x128xf32, #tpu.memory_space<vmem>> -> memref<1x32x128xf32, #tpu.memory_space<vmem>>
      %gather3A_3577 = tpu.memref_squeeze %gather3A_3576 : memref<1x32x128xf32, #tpu.memory_space<vmem>> -> memref<32x128xf32, #tpu.memory_space<vmem>>
      %gather3A_3578 = tpu.vector_load_idx %gather3A_3577[%add3A_3572, %broadcast_in_dim3A_3548] : memref<32x128xf32, #tpu.memory_space<vmem>>[vector<16xi32>, vector<16xi32>], vector<16xf32>,
      %mul3A_3579 = arith.mulf %gather3A_3554, %gather3A_3569 : vector<16xf32>
      %mul3A_3580 = arith.mulf %gather3A_3563, %gather3A_3578 : vector<16xf32>
      %add3A_3581 = arith.addf %mul3A_3579, %mul3A_3580 : vector<16xf32>
      %reduce_sum3A_3582 = arith.constant true
      %reduce_sum3A_3583 = vector.broadcast %reduce_sum3A_3582 : i1 to vector<16xi1>
      %reduce_sum3A_3584 = tpu.scan <sum>, %add3A_3581 masked %reduce_sum3A_3583 : vector<16xf32>, vector<16xi1> -> vector<16xf32>
      %reduce_sum3A_3585 = vector.extract %reduce_sum3A_3584[15] : f32 from vector<16xf32>
      %eq3A_3586 = arith.constant 11 : i32
      %eq3A_3587 = vector.broadcast %eq3A_3586 : i32 to vector<16xi32>
      %eq3A_3588 = arith.cmpi eq, %iota3A, %eq3A_3587 : vector<16xi32>
      %broadcast_in_dim3A_3589 = vector.broadcast %reduce_sum3A_3585 : f32 to vector<16xf32>
      %select_n3A_3590 = arith.select %eq3A_3588, %broadcast_in_dim3A_3589, %select_n3A_3538 : vector<16xi1>, vector<16xf32>
      %dma_wait3A_3591 = arith.constant 8 : i32
      %dma_wait3A_3592 = arith.constant 0 : i32
      %dma_wait3A_3593 = arith.constant 0 : i32
      %dma_wait3A_3594 = tpu.memref_slice %arg9[%dma_wait3A_3591, %dma_wait3A_3592, %dma_wait3A_3593] : memref<16x32x128xf32, #tpu.memory_space<vmem>> -> memref<1x32x128xf32, #tpu.memory_space<vmem>>
      %dma_wait3A_3595 = tpu.memref_squeeze %dma_wait3A_3594 : memref<1x32x128xf32, #tpu.memory_space<vmem>> -> memref<32x128xf32, #tpu.memory_space<vmem>>
      %dma_wait3A_3596 = arith.constant 0 : i32
      %dma_wait3A_3597 = arith.constant 0 : i32
      %dma_wait3A_3598 = tpu.memref_slice %arg4[%dma_wait3A_3596, %dma_wait3A_3597] : memref<32x1000000xf32, #tpu.memory_space<hbm>> -> memref<32x128xf32, #tpu.memory_space<hbm>>
      %dma_wait3A_3599 = arith.constant 0 : i32
      %dma_wait3A_3600 = arith.constant 0 : i32
      %dma_wait3A_3601 = tpu.memref_slice %arg9[%dma_wait3A_3591, %dma_wait3A_3599, %dma_wait3A_3600] : memref<16x32x128xf32, #tpu.memory_space<vmem>> -> memref<1x32x128xf32, #tpu.memory_space<vmem>>
      %dma_wait3A_3602 = tpu.memref_squeeze %dma_wait3A_3601 : memref<1x32x128xf32, #tpu.memory_space<vmem>> -> memref<32x128xf32, #tpu.memory_space<vmem>>
      %dma_wait3A_3603 = arith.constant 0 : i32
      %dma_wait3A_3604 = arith.constant 0 : i32
      %dma_wait3A_3605 = tpu.memref_slice %arg4[%dma_wait3A_3603, %dma_wait3A_3604] : memref<32x1000000xf32, #tpu.memory_space<hbm>> -> memref<32x128xf32, #tpu.memory_space<hbm>>
      tpu.wait_dma2 semaphore(%arg12 : memref<!tpu.dma_semaphore, #tpu.memory_space<semaphore_mem>>) src(%dma_wait3A_3605 : memref<32x128xf32, #tpu.memory_space<hbm>>) dst(%dma_wait3A_3602 : memref<32x128xf32, #tpu.memory_space<vmem>>)
      %dma_wait3A_3606 = arith.constant 9 : i32
      %dma_wait3A_3607 = arith.constant 0 : i32
      %dma_wait3A_3608 = arith.constant 0 : i32
      %dma_wait3A_3609 = tpu.memref_slice %arg9[%dma_wait3A_3606, %dma_wait3A_3607, %dma_wait3A_3608] : memref<16x32x128xf32, #tpu.memory_space<vmem>> -> memref<1x32x128xf32, #tpu.memory_space<vmem>>
      %dma_wait3A_3610 = tpu.memref_squeeze %dma_wait3A_3609 : memref<1x32x128xf32, #tpu.memory_space<vmem>> -> memref<32x128xf32, #tpu.memory_space<vmem>>
      %dma_wait3A_3611 = arith.constant 0 : i32
      %dma_wait3A_3612 = arith.constant 0 : i32
      %dma_wait3A_3613 = tpu.memref_slice %arg4[%dma_wait3A_3611, %dma_wait3A_3612] : memref<32x1000000xf32, #tpu.memory_space<hbm>> -> memref<32x128xf32, #tpu.memory_space<hbm>>
      %dma_wait3A_3614 = arith.constant 0 : i32
      %dma_wait3A_3615 = arith.constant 0 : i32
      %dma_wait3A_3616 = tpu.memref_slice %arg9[%dma_wait3A_3606, %dma_wait3A_3614, %dma_wait3A_3615] : memref<16x32x128xf32, #tpu.memory_space<vmem>> -> memref<1x32x128xf32, #tpu.memory_space<vmem>>
      %dma_wait3A_3617 = tpu.memref_squeeze %dma_wait3A_3616 : memref<1x32x128xf32, #tpu.memory_space<vmem>> -> memref<32x128xf32, #tpu.memory_space<vmem>>
      %dma_wait3A_3618 = arith.constant 0 : i32
      %dma_wait3A_3619 = arith.constant 0 : i32
      %dma_wait3A_3620 = tpu.memref_slice %arg4[%dma_wait3A_3618, %dma_wait3A_3619] : memref<32x1000000xf32, #tpu.memory_space<hbm>> -> memref<32x128xf32, #tpu.memory_space<hbm>>
      tpu.wait_dma2 semaphore(%arg12 : memref<!tpu.dma_semaphore, #tpu.memory_space<semaphore_mem>>) src(%dma_wait3A_3620 : memref<32x128xf32, #tpu.memory_space<hbm>>) dst(%dma_wait3A_3617 : memref<32x128xf32, #tpu.memory_space<vmem>>)
      %dma_wait3A_3621 = arith.constant 10 : i32
      %dma_wait3A_3622 = arith.constant 0 : i32
      %dma_wait3A_3623 = arith.constant 0 : i32
      %dma_wait3A_3624 = tpu.memref_slice %arg9[%dma_wait3A_3621, %dma_wait3A_3622, %dma_wait3A_3623] : memref<16x32x128xf32, #tpu.memory_space<vmem>> -> memref<1x32x128xf32, #tpu.memory_space<vmem>>
      %dma_wait3A_3625 = tpu.memref_squeeze %dma_wait3A_3624 : memref<1x32x128xf32, #tpu.memory_space<vmem>> -> memref<32x128xf32, #tpu.memory_space<vmem>>
      %dma_wait3A_3626 = arith.constant 0 : i32
      %dma_wait3A_3627 = arith.constant 0 : i32
      %dma_wait3A_3628 = tpu.memref_slice %arg4[%dma_wait3A_3626, %dma_wait3A_3627] : memref<32x1000000xf32, #tpu.memory_space<hbm>> -> memref<32x128xf32, #tpu.memory_space<hbm>>
      %dma_wait3A_3629 = arith.constant 0 : i32
      %dma_wait3A_3630 = arith.constant 0 : i32
      %dma_wait3A_3631 = tpu.memref_slice %arg9[%dma_wait3A_3621, %dma_wait3A_3629, %dma_wait3A_3630] : memref<16x32x128xf32, #tpu.memory_space<vmem>> -> memref<1x32x128xf32, #tpu.memory_space<vmem>>
      %dma_wait3A_3632 = tpu.memref_squeeze %dma_wait3A_3631 : memref<1x32x128xf32, #tpu.memory_space<vmem>> -> memref<32x128xf32, #tpu.memory_space<vmem>>
      %dma_wait3A_3633 = arith.constant 0 : i32
      %dma_wait3A_3634 = arith.constant 0 : i32
      %dma_wait3A_3635 = tpu.memref_slice %arg4[%dma_wait3A_3633, %dma_wait3A_3634] : memref<32x1000000xf32, #tpu.memory_space<hbm>> -> memref<32x128xf32, #tpu.memory_space<hbm>>
      tpu.wait_dma2 semaphore(%arg12 : memref<!tpu.dma_semaphore, #tpu.memory_space<semaphore_mem>>) src(%dma_wait3A_3635 : memref<32x128xf32, #tpu.memory_space<hbm>>) dst(%dma_wait3A_3632 : memref<32x128xf32, #tpu.memory_space<vmem>>)
      %dma_wait3A_3636 = arith.constant 11 : i32
      %dma_wait3A_3637 = arith.constant 0 : i32
      %dma_wait3A_3638 = arith.constant 0 : i32
      %dma_wait3A_3639 = tpu.memref_slice %arg9[%dma_wait3A_3636, %dma_wait3A_3637, %dma_wait3A_3638] : memref<16x32x128xf32, #tpu.memory_space<vmem>> -> memref<1x32x128xf32, #tpu.memory_space<vmem>>
      %dma_wait3A_3640 = tpu.memref_squeeze %dma_wait3A_3639 : memref<1x32x128xf32, #tpu.memory_space<vmem>> -> memref<32x128xf32, #tpu.memory_space<vmem>>
      %dma_wait3A_3641 = arith.constant 0 : i32
      %dma_wait3A_3642 = arith.constant 0 : i32
      %dma_wait3A_3643 = tpu.memref_slice %arg4[%dma_wait3A_3641, %dma_wait3A_3642] : memref<32x1000000xf32, #tpu.memory_space<hbm>> -> memref<32x128xf32, #tpu.memory_space<hbm>>
      %dma_wait3A_3644 = arith.constant 0 : i32
      %dma_wait3A_3645 = arith.constant 0 : i32
      %dma_wait3A_3646 = tpu.memref_slice %arg9[%dma_wait3A_3636, %dma_wait3A_3644, %dma_wait3A_3645] : memref<16x32x128xf32, #tpu.memory_space<vmem>> -> memref<1x32x128xf32, #tpu.memory_space<vmem>>
      %dma_wait3A_3647 = tpu.memref_squeeze %dma_wait3A_3646 : memref<1x32x128xf32, #tpu.memory_space<vmem>> -> memref<32x128xf32, #tpu.memory_space<vmem>>
      %dma_wait3A_3648 = arith.constant 0 : i32
      %dma_wait3A_3649 = arith.constant 0 : i32
      %dma_wait3A_3650 = tpu.memref_slice %arg4[%dma_wait3A_3648, %dma_wait3A_3649] : memref<32x1000000xf32, #tpu.memory_space<hbm>> -> memref<32x128xf32, #tpu.memory_space<hbm>>
      tpu.wait_dma2 semaphore(%arg12 : memref<!tpu.dma_semaphore, #tpu.memory_space<semaphore_mem>>) src(%dma_wait3A_3650 : memref<32x128xf32, #tpu.memory_space<hbm>>) dst(%dma_wait3A_3647 : memref<32x128xf32, #tpu.memory_space<vmem>>)
      %dma_wait3A_3651 = arith.constant 12 : i32
      %dma_wait3A_3652 = arith.constant 0 : i32
      %dma_wait3A_3653 = arith.constant 0 : i32
      %dma_wait3A_3654 = tpu.memref_slice %arg9[%dma_wait3A_3651, %dma_wait3A_3652, %dma_wait3A_3653] : memref<16x32x128xf32, #tpu.memory_space<vmem>> -> memref<1x32x128xf32, #tpu.memory_space<vmem>>
      %dma_wait3A_3655 = tpu.memref_squeeze %dma_wait3A_3654 : memref<1x32x128xf32, #tpu.memory_space<vmem>> -> memref<32x128xf32, #tpu.memory_space<vmem>>
      %dma_wait3A_3656 = arith.constant 0 : i32
      %dma_wait3A_3657 = arith.constant 0 : i32
      %dma_wait3A_3658 = tpu.memref_slice %arg4[%dma_wait3A_3656, %dma_wait3A_3657] : memref<32x1000000xf32, #tpu.memory_space<hbm>> -> memref<32x128xf32, #tpu.memory_space<hbm>>
      %dma_wait3A_3659 = arith.constant 0 : i32
      %dma_wait3A_3660 = arith.constant 0 : i32
      %dma_wait3A_3661 = tpu.memref_slice %arg9[%dma_wait3A_3651, %dma_wait3A_3659, %dma_wait3A_3660] : memref<16x32x128xf32, #tpu.memory_space<vmem>> -> memref<1x32x128xf32, #tpu.memory_space<vmem>>
      %dma_wait3A_3662 = tpu.memref_squeeze %dma_wait3A_3661 : memref<1x32x128xf32, #tpu.memory_space<vmem>> -> memref<32x128xf32, #tpu.memory_space<vmem>>
      %dma_wait3A_3663 = arith.constant 0 : i32
      %dma_wait3A_3664 = arith.constant 0 : i32
      %dma_wait3A_3665 = tpu.memref_slice %arg4[%dma_wait3A_3663, %dma_wait3A_3664] : memref<32x1000000xf32, #tpu.memory_space<hbm>> -> memref<32x128xf32, #tpu.memory_space<hbm>>
      tpu.wait_dma2 semaphore(%arg12 : memref<!tpu.dma_semaphore, #tpu.memory_space<semaphore_mem>>) src(%dma_wait3A_3665 : memref<32x128xf32, #tpu.memory_space<hbm>>) dst(%dma_wait3A_3662 : memref<32x128xf32, #tpu.memory_space<vmem>>)
      %dma_wait3A_3666 = arith.constant 13 : i32
      %dma_wait3A_3667 = arith.constant 0 : i32
      %dma_wait3A_3668 = arith.constant 0 : i32
      %dma_wait3A_3669 = tpu.memref_slice %arg9[%dma_wait3A_3666, %dma_wait3A_3667, %dma_wait3A_3668] : memref<16x32x128xf32, #tpu.memory_space<vmem>> -> memref<1x32x128xf32, #tpu.memory_space<vmem>>
      %dma_wait3A_3670 = tpu.memref_squeeze %dma_wait3A_3669 : memref<1x32x128xf32, #tpu.memory_space<vmem>> -> memref<32x128xf32, #tpu.memory_space<vmem>>
      %dma_wait3A_3671 = arith.constant 0 : i32
      %dma_wait3A_3672 = arith.constant 0 : i32
      %dma_wait3A_3673 = tpu.memref_slice %arg4[%dma_wait3A_3671, %dma_wait3A_3672] : memref<32x1000000xf32, #tpu.memory_space<hbm>> -> memref<32x128xf32, #tpu.memory_space<hbm>>
      %dma_wait3A_3674 = arith.constant 0 : i32
      %dma_wait3A_3675 = arith.constant 0 : i32
      %dma_wait3A_3676 = tpu.memref_slice %arg9[%dma_wait3A_3666, %dma_wait3A_3674, %dma_wait3A_3675] : memref<16x32x128xf32, #tpu.memory_space<vmem>> -> memref<1x32x128xf32, #tpu.memory_space<vmem>>
      %dma_wait3A_3677 = tpu.memref_squeeze %dma_wait3A_3676 : memref<1x32x128xf32, #tpu.memory_space<vmem>> -> memref<32x128xf32, #tpu.memory_space<vmem>>
      %dma_wait3A_3678 = arith.constant 0 : i32
      %dma_wait3A_3679 = arith.constant 0 : i32
      %dma_wait3A_3680 = tpu.memref_slice %arg4[%dma_wait3A_3678, %dma_wait3A_3679] : memref<32x1000000xf32, #tpu.memory_space<hbm>> -> memref<32x128xf32, #tpu.memory_space<hbm>>
      tpu.wait_dma2 semaphore(%arg12 : memref<!tpu.dma_semaphore, #tpu.memory_space<semaphore_mem>>) src(%dma_wait3A_3680 : memref<32x128xf32, #tpu.memory_space<hbm>>) dst(%dma_wait3A_3677 : memref<32x128xf32, #tpu.memory_space<vmem>>)
      %dma_wait3A_3681 = arith.constant 14 : i32
      %dma_wait3A_3682 = arith.constant 0 : i32
      %dma_wait3A_3683 = arith.constant 0 : i32
      %dma_wait3A_3684 = tpu.memref_slice %arg9[%dma_wait3A_3681, %dma_wait3A_3682, %dma_wait3A_3683] : memref<16x32x128xf32, #tpu.memory_space<vmem>> -> memref<1x32x128xf32, #tpu.memory_space<vmem>>
      %dma_wait3A_3685 = tpu.memref_squeeze %dma_wait3A_3684 : memref<1x32x128xf32, #tpu.memory_space<vmem>> -> memref<32x128xf32, #tpu.memory_space<vmem>>
      %dma_wait3A_3686 = arith.constant 0 : i32
      %dma_wait3A_3687 = arith.constant 0 : i32
      %dma_wait3A_3688 = tpu.memref_slice %arg4[%dma_wait3A_3686, %dma_wait3A_3687] : memref<32x1000000xf32, #tpu.memory_space<hbm>> -> memref<32x128xf32, #tpu.memory_space<hbm>>
      %dma_wait3A_3689 = arith.constant 0 : i32
      %dma_wait3A_3690 = arith.constant 0 : i32
      %dma_wait3A_3691 = tpu.memref_slice %arg9[%dma_wait3A_3681, %dma_wait3A_3689, %dma_wait3A_3690] : memref<16x32x128xf32, #tpu.memory_space<vmem>> -> memref<1x32x128xf32, #tpu.memory_space<vmem>>
      %dma_wait3A_3692 = tpu.memref_squeeze %dma_wait3A_3691 : memref<1x32x128xf32, #tpu.memory_space<vmem>> -> memref<32x128xf32, #tpu.memory_space<vmem>>
      %dma_wait3A_3693 = arith.constant 0 : i32
      %dma_wait3A_3694 = arith.constant 0 : i32
      %dma_wait3A_3695 = tpu.memref_slice %arg4[%dma_wait3A_3693, %dma_wait3A_3694] : memref<32x1000000xf32, #tpu.memory_space<hbm>> -> memref<32x128xf32, #tpu.memory_space<hbm>>
      tpu.wait_dma2 semaphore(%arg12 : memref<!tpu.dma_semaphore, #tpu.memory_space<semaphore_mem>>) src(%dma_wait3A_3695 : memref<32x128xf32, #tpu.memory_space<hbm>>) dst(%dma_wait3A_3692 : memref<32x128xf32, #tpu.memory_space<vmem>>)
      %dma_wait3A_3696 = arith.constant 15 : i32
      %dma_wait3A_3697 = arith.constant 0 : i32
      %dma_wait3A_3698 = arith.constant 0 : i32
      %dma_wait3A_3699 = tpu.memref_slice %arg9[%dma_wait3A_3696, %dma_wait3A_3697, %dma_wait3A_3698] : memref<16x32x128xf32, #tpu.memory_space<vmem>> -> memref<1x32x128xf32, #tpu.memory_space<vmem>>
      %dma_wait3A_3700 = tpu.memref_squeeze %dma_wait3A_3699 : memref<1x32x128xf32, #tpu.memory_space<vmem>> -> memref<32x128xf32, #tpu.memory_space<vmem>>
      %dma_wait3A_3701 = arith.constant 0 : i32
      %dma_wait3A_3702 = arith.constant 0 : i32
      %dma_wait3A_3703 = tpu.memref_slice %arg4[%dma_wait3A_3701, %dma_wait3A_3702] : memref<32x1000000xf32, #tpu.memory_space<hbm>> -> memref<32x128xf32, #tpu.memory_space<hbm>>
      %dma_wait3A_3704 = arith.constant 0 : i32
      %dma_wait3A_3705 = arith.constant 0 : i32
      %dma_wait3A_3706 = tpu.memref_slice %arg9[%dma_wait3A_3696, %dma_wait3A_3704, %dma_wait3A_3705] : memref<16x32x128xf32, #tpu.memory_space<vmem>> -> memref<1x32x128xf32, #tpu.memory_space<vmem>>
      %dma_wait3A_3707 = tpu.memref_squeeze %dma_wait3A_3706 : memref<1x32x128xf32, #tpu.memory_space<vmem>> -> memref<32x128xf32, #tpu.memory_space<vmem>>
      %dma_wait3A_3708 = arith.constant 0 : i32
      %dma_wait3A_3709 = arith.constant 0 : i32
      %dma_wait3A_3710 = tpu.memref_slice %arg4[%dma_wait3A_3708, %dma_wait3A_3709] : memref<32x1000000xf32, #tpu.memory_space<hbm>> -> memref<32x128xf32, #tpu.memory_space<hbm>>
      tpu.wait_dma2 semaphore(%arg12 : memref<!tpu.dma_semaphore, #tpu.memory_space<semaphore_mem>>) src(%dma_wait3A_3710 : memref<32x128xf32, #tpu.memory_space<hbm>>) dst(%dma_wait3A_3707 : memref<32x128xf32, #tpu.memory_space<vmem>>)
      %slice3A_3711 = vector.extract_strided_slice %get3A_18 {offsets = [12], sizes = [1], strides = [1]} : vector<16xi32> to vector<1xi32>
      %squeeze3A_3712 = vector.extract %slice3A_3711[0] : i32 from vector<1xi32>
      %and3A_3713 = arith.constant 127 : i32
      %and3A_3714 = arith.andi %squeeze3A_3712, %and3A_3713 : i32
      %broadcast_in_dim3A_3715 = vector.broadcast %and3A_3714 : i32 to vector<16xi32>
      %slice3A_3716 = vector.extract_strided_slice %get3A_21 {offsets = [12], sizes = [1], strides = [1]} : vector<16xi32> to vector<1xi32>
      %squeeze3A_3717 = vector.extract %slice3A_3716[0] : i32 from vector<1xi32>
      %and3A_3718 = arith.constant 127 : i32
      %and3A_3719 = arith.andi %squeeze3A_3717, %and3A_3718 : i32
      %broadcast_in_dim3A_3720 = vector.broadcast %and3A_3719 : i32 to vector<16xi32>
      %gather3A_3721 = arith.constant 8 : i32
      %gather3A_3722 = arith.constant 0 : i32
      %gather3A_3723 = arith.constant 0 : i32
      %gather3A_3724 = tpu.memref_slice %arg9[%gather3A_3721, %gather3A_3722, %gather3A_3723] : memref<16x32x128xf32, #tpu.memory_space<vmem>> -> memref<1x32x128xf32, #tpu.memory_space<vmem>>
      %gather3A_3725 = tpu.memref_squeeze %gather3A_3724 : memref<1x32x128xf32, #tpu.memory_space<vmem>> -> memref<32x128xf32, #tpu.memory_space<vmem>>
      %gather3A_3726 = tpu.vector_load_idx %gather3A_3725[%iota3A, %broadcast_in_dim3A_3715] : memref<32x128xf32, #tpu.memory_space<vmem>>[vector<16xi32>, vector<16xi32>], vector<16xf32>,
      %add3A_3727 = arith.constant 16 : i32
      %add3A_3728 = vector.broadcast %add3A_3727 : i32 to vector<16xi32>
      %add3A_3729 = arith.addi %iota3A, %add3A_3728 : vector<16xi32>
      %gather3A_3730 = arith.constant 8 : i32
      %gather3A_3731 = arith.constant 0 : i32
      %gather3A_3732 = arith.constant 0 : i32
      %gather3A_3733 = tpu.memref_slice %arg9[%gather3A_3730, %gather3A_3731, %gather3A_3732] : memref<16x32x128xf32, #tpu.memory_space<vmem>> -> memref<1x32x128xf32, #tpu.memory_space<vmem>>
      %gather3A_3734 = tpu.memref_squeeze %gather3A_3733 : memref<1x32x128xf32, #tpu.memory_space<vmem>> -> memref<32x128xf32, #tpu.memory_space<vmem>>
      %gather3A_3735 = tpu.vector_load_idx %gather3A_3734[%add3A_3729, %broadcast_in_dim3A_3715] : memref<32x128xf32, #tpu.memory_space<vmem>>[vector<16xi32>, vector<16xi32>], vector<16xf32>,
      %gather3A_3736 = arith.constant 12 : i32
      %gather3A_3737 = arith.constant 0 : i32
      %gather3A_3738 = arith.constant 0 : i32
      %gather3A_3739 = tpu.memref_slice %arg9[%gather3A_3736, %gather3A_3737, %gather3A_3738] : memref<16x32x128xf32, #tpu.memory_space<vmem>> -> memref<1x32x128xf32, #tpu.memory_space<vmem>>
      %gather3A_3740 = tpu.memref_squeeze %gather3A_3739 : memref<1x32x128xf32, #tpu.memory_space<vmem>> -> memref<32x128xf32, #tpu.memory_space<vmem>>
      %gather3A_3741 = tpu.vector_load_idx %gather3A_3740[%iota3A, %broadcast_in_dim3A_3720] : memref<32x128xf32, #tpu.memory_space<vmem>>[vector<16xi32>, vector<16xi32>], vector<16xf32>,
      %add3A_3742 = arith.constant 16 : i32
      %add3A_3743 = vector.broadcast %add3A_3742 : i32 to vector<16xi32>
      %add3A_3744 = arith.addi %iota3A, %add3A_3743 : vector<16xi32>
      %gather3A_3745 = arith.constant 12 : i32
      %gather3A_3746 = arith.constant 0 : i32
      %gather3A_3747 = arith.constant 0 : i32
      %gather3A_3748 = tpu.memref_slice %arg9[%gather3A_3745, %gather3A_3746, %gather3A_3747] : memref<16x32x128xf32, #tpu.memory_space<vmem>> -> memref<1x32x128xf32, #tpu.memory_space<vmem>>
      %gather3A_3749 = tpu.memref_squeeze %gather3A_3748 : memref<1x32x128xf32, #tpu.memory_space<vmem>> -> memref<32x128xf32, #tpu.memory_space<vmem>>
      %gather3A_3750 = tpu.vector_load_idx %gather3A_3749[%add3A_3744, %broadcast_in_dim3A_3720] : memref<32x128xf32, #tpu.memory_space<vmem>>[vector<16xi32>, vector<16xi32>], vector<16xf32>,
      %mul3A_3751 = arith.mulf %gather3A_3726, %gather3A_3741 : vector<16xf32>
      %mul3A_3752 = arith.mulf %gather3A_3735, %gather3A_3750 : vector<16xf32>
      %add3A_3753 = arith.addf %mul3A_3751, %mul3A_3752 : vector<16xf32>
      %reduce_sum3A_3754 = arith.constant true
      %reduce_sum3A_3755 = vector.broadcast %reduce_sum3A_3754 : i1 to vector<16xi1>
      %reduce_sum3A_3756 = tpu.scan <sum>, %add3A_3753 masked %reduce_sum3A_3755 : vector<16xf32>, vector<16xi1> -> vector<16xf32>
      %reduce_sum3A_3757 = vector.extract %reduce_sum3A_3756[15] : f32 from vector<16xf32>
      %eq3A_3758 = arith.constant 12 : i32
      %eq3A_3759 = vector.broadcast %eq3A_3758 : i32 to vector<16xi32>
      %eq3A_3760 = arith.cmpi eq, %iota3A, %eq3A_3759 : vector<16xi32>
      %broadcast_in_dim3A_3761 = vector.broadcast %reduce_sum3A_3757 : f32 to vector<16xf32>
      %select_n3A_3762 = arith.select %eq3A_3760, %broadcast_in_dim3A_3761, %select_n3A_3590 : vector<16xi1>, vector<16xf32>
      %slice3A_3763 = vector.extract_strided_slice %get3A_18 {offsets = [13], sizes = [1], strides = [1]} : vector<16xi32> to vector<1xi32>
      %squeeze3A_3764 = vector.extract %slice3A_3763[0] : i32 from vector<1xi32>
      %and3A_3765 = arith.constant 127 : i32
      %and3A_3766 = arith.andi %squeeze3A_3764, %and3A_3765 : i32
      %broadcast_in_dim3A_3767 = vector.broadcast %and3A_3766 : i32 to vector<16xi32>
      %slice3A_3768 = vector.extract_strided_slice %get3A_21 {offsets = [13], sizes = [1], strides = [1]} : vector<16xi32> to vector<1xi32>
      %squeeze3A_3769 = vector.extract %slice3A_3768[0] : i32 from vector<1xi32>
      %and3A_3770 = arith.constant 127 : i32
      %and3A_3771 = arith.andi %squeeze3A_3769, %and3A_3770 : i32
      %broadcast_in_dim3A_3772 = vector.broadcast %and3A_3771 : i32 to vector<16xi32>
      %gather3A_3773 = arith.constant 9 : i32
      %gather3A_3774 = arith.constant 0 : i32
      %gather3A_3775 = arith.constant 0 : i32
      %gather3A_3776 = tpu.memref_slice %arg9[%gather3A_3773, %gather3A_3774, %gather3A_3775] : memref<16x32x128xf32, #tpu.memory_space<vmem>> -> memref<1x32x128xf32, #tpu.memory_space<vmem>>
      %gather3A_3777 = tpu.memref_squeeze %gather3A_3776 : memref<1x32x128xf32, #tpu.memory_space<vmem>> -> memref<32x128xf32, #tpu.memory_space<vmem>>
      %gather3A_3778 = tpu.vector_load_idx %gather3A_3777[%iota3A, %broadcast_in_dim3A_3767] : memref<32x128xf32, #tpu.memory_space<vmem>>[vector<16xi32>, vector<16xi32>], vector<16xf32>,
      %add3A_3779 = arith.constant 16 : i32
      %add3A_3780 = vector.broadcast %add3A_3779 : i32 to vector<16xi32>
      %add3A_3781 = arith.addi %iota3A, %add3A_3780 : vector<16xi32>
      %gather3A_3782 = arith.constant 9 : i32
      %gather3A_3783 = arith.constant 0 : i32
      %gather3A_3784 = arith.constant 0 : i32
      %gather3A_3785 = tpu.memref_slice %arg9[%gather3A_3782, %gather3A_3783, %gather3A_3784] : memref<16x32x128xf32, #tpu.memory_space<vmem>> -> memref<1x32x128xf32, #tpu.memory_space<vmem>>
      %gather3A_3786 = tpu.memref_squeeze %gather3A_3785 : memref<1x32x128xf32, #tpu.memory_space<vmem>> -> memref<32x128xf32, #tpu.memory_space<vmem>>
      %gather3A_3787 = tpu.vector_load_idx %gather3A_3786[%add3A_3781, %broadcast_in_dim3A_3767] : memref<32x128xf32, #tpu.memory_space<vmem>>[vector<16xi32>, vector<16xi32>], vector<16xf32>,
      %gather3A_3788 = arith.constant 13 : i32
      %gather3A_3789 = arith.constant 0 : i32
      %gather3A_3790 = arith.constant 0 : i32
      %gather3A_3791 = tpu.memref_slice %arg9[%gather3A_3788, %gather3A_3789, %gather3A_3790] : memref<16x32x128xf32, #tpu.memory_space<vmem>> -> memref<1x32x128xf32, #tpu.memory_space<vmem>>
      %gather3A_3792 = tpu.memref_squeeze %gather3A_3791 : memref<1x32x128xf32, #tpu.memory_space<vmem>> -> memref<32x128xf32, #tpu.memory_space<vmem>>
      %gather3A_3793 = tpu.vector_load_idx %gather3A_3792[%iota3A, %broadcast_in_dim3A_3772] : memref<32x128xf32, #tpu.memory_space<vmem>>[vector<16xi32>, vector<16xi32>], vector<16xf32>,
      %add3A_3794 = arith.constant 16 : i32
      %add3A_3795 = vector.broadcast %add3A_3794 : i32 to vector<16xi32>
      %add3A_3796 = arith.addi %iota3A, %add3A_3795 : vector<16xi32>
      %gather3A_3797 = arith.constant 13 : i32
      %gather3A_3798 = arith.constant 0 : i32
      %gather3A_3799 = arith.constant 0 : i32
      %gather3A_3800 = tpu.memref_slice %arg9[%gather3A_3797, %gather3A_3798, %gather3A_3799] : memref<16x32x128xf32, #tpu.memory_space<vmem>> -> memref<1x32x128xf32, #tpu.memory_space<vmem>>
      %gather3A_3801 = tpu.memref_squeeze %gather3A_3800 : memref<1x32x128xf32, #tpu.memory_space<vmem>> -> memref<32x128xf32, #tpu.memory_space<vmem>>
      %gather3A_3802 = tpu.vector_load_idx %gather3A_3801[%add3A_3796, %broadcast_in_dim3A_3772] : memref<32x128xf32, #tpu.memory_space<vmem>>[vector<16xi32>, vector<16xi32>], vector<16xf32>,
      %mul3A_3803 = arith.mulf %gather3A_3778, %gather3A_3793 : vector<16xf32>
      %mul3A_3804 = arith.mulf %gather3A_3787, %gather3A_3802 : vector<16xf32>
      %add3A_3805 = arith.addf %mul3A_3803, %mul3A_3804 : vector<16xf32>
      %reduce_sum3A_3806 = arith.constant true
      %reduce_sum3A_3807 = vector.broadcast %reduce_sum3A_3806 : i1 to vector<16xi1>
      %reduce_sum3A_3808 = tpu.scan <sum>, %add3A_3805 masked %reduce_sum3A_3807 : vector<16xf32>, vector<16xi1> -> vector<16xf32>
      %reduce_sum3A_3809 = vector.extract %reduce_sum3A_3808[15] : f32 from vector<16xf32>
      %eq3A_3810 = arith.constant 13 : i32
      %eq3A_3811 = vector.broadcast %eq3A_3810 : i32 to vector<16xi32>
      %eq3A_3812 = arith.cmpi eq, %iota3A, %eq3A_3811 : vector<16xi32>
      %broadcast_in_dim3A_3813 = vector.broadcast %reduce_sum3A_3809 : f32 to vector<16xf32>
      %select_n3A_3814 = arith.select %eq3A_3812, %broadcast_in_dim3A_3813, %select_n3A_3762 : vector<16xi1>, vector<16xf32>
      %slice3A_3815 = vector.extract_strided_slice %get3A_18 {offsets = [14], sizes = [1], strides = [1]} : vector<16xi32> to vector<1xi32>
      %squeeze3A_3816 = vector.extract %slice3A_3815[0] : i32 from vector<1xi32>
      %and3A_3817 = arith.constant 127 : i32
      %and3A_3818 = arith.andi %squeeze3A_3816, %and3A_3817 : i32
      %broadcast_in_dim3A_3819 = vector.broadcast %and3A_3818 : i32 to vector<16xi32>
      %slice3A_3820 = vector.extract_strided_slice %get3A_21 {offsets = [14], sizes = [1], strides = [1]} : vector<16xi32> to vector<1xi32>
      %squeeze3A_3821 = vector.extract %slice3A_3820[0] : i32 from vector<1xi32>
      %and3A_3822 = arith.constant 127 : i32
      %and3A_3823 = arith.andi %squeeze3A_3821, %and3A_3822 : i32
      %broadcast_in_dim3A_3824 = vector.broadcast %and3A_3823 : i32 to vector<16xi32>
      %gather3A_3825 = arith.constant 10 : i32
      %gather3A_3826 = arith.constant 0 : i32
      %gather3A_3827 = arith.constant 0 : i32
      %gather3A_3828 = tpu.memref_slice %arg9[%gather3A_3825, %gather3A_3826, %gather3A_3827] : memref<16x32x128xf32, #tpu.memory_space<vmem>> -> memref<1x32x128xf32, #tpu.memory_space<vmem>>
      %gather3A_3829 = tpu.memref_squeeze %gather3A_3828 : memref<1x32x128xf32, #tpu.memory_space<vmem>> -> memref<32x128xf32, #tpu.memory_space<vmem>>
      %gather3A_3830 = tpu.vector_load_idx %gather3A_3829[%iota3A, %broadcast_in_dim3A_3819] : memref<32x128xf32, #tpu.memory_space<vmem>>[vector<16xi32>, vector<16xi32>], vector<16xf32>,
      %add3A_3831 = arith.constant 16 : i32
      %add3A_3832 = vector.broadcast %add3A_3831 : i32 to vector<16xi32>
      %add3A_3833 = arith.addi %iota3A, %add3A_3832 : vector<16xi32>
      %gather3A_3834 = arith.constant 10 : i32
      %gather3A_3835 = arith.constant 0 : i32
      %gather3A_3836 = arith.constant 0 : i32
      %gather3A_3837 = tpu.memref_slice %arg9[%gather3A_3834, %gather3A_3835, %gather3A_3836] : memref<16x32x128xf32, #tpu.memory_space<vmem>> -> memref<1x32x128xf32, #tpu.memory_space<vmem>>
      %gather3A_3838 = tpu.memref_squeeze %gather3A_3837 : memref<1x32x128xf32, #tpu.memory_space<vmem>> -> memref<32x128xf32, #tpu.memory_space<vmem>>
      %gather3A_3839 = tpu.vector_load_idx %gather3A_3838[%add3A_3833, %broadcast_in_dim3A_3819] : memref<32x128xf32, #tpu.memory_space<vmem>>[vector<16xi32>, vector<16xi32>], vector<16xf32>,
      %gather3A_3840 = arith.constant 14 : i32
      %gather3A_3841 = arith.constant 0 : i32
      %gather3A_3842 = arith.constant 0 : i32
      %gather3A_3843 = tpu.memref_slice %arg9[%gather3A_3840, %gather3A_3841, %gather3A_3842] : memref<16x32x128xf32, #tpu.memory_space<vmem>> -> memref<1x32x128xf32, #tpu.memory_space<vmem>>
      %gather3A_3844 = tpu.memref_squeeze %gather3A_3843 : memref<1x32x128xf32, #tpu.memory_space<vmem>> -> memref<32x128xf32, #tpu.memory_space<vmem>>
      %gather3A_3845 = tpu.vector_load_idx %gather3A_3844[%iota3A, %broadcast_in_dim3A_3824] : memref<32x128xf32, #tpu.memory_space<vmem>>[vector<16xi32>, vector<16xi32>], vector<16xf32>,
      %add3A_3846 = arith.constant 16 : i32
      %add3A_3847 = vector.broadcast %add3A_3846 : i32 to vector<16xi32>
      %add3A_3848 = arith.addi %iota3A, %add3A_3847 : vector<16xi32>
      %gather3A_3849 = arith.constant 14 : i32
      %gather3A_3850 = arith.constant 0 : i32
      %gather3A_3851 = arith.constant 0 : i32
      %gather3A_3852 = tpu.memref_slice %arg9[%gather3A_3849, %gather3A_3850, %gather3A_3851] : memref<16x32x128xf32, #tpu.memory_space<vmem>> -> memref<1x32x128xf32, #tpu.memory_space<vmem>>
      %gather3A_3853 = tpu.memref_squeeze %gather3A_3852 : memref<1x32x128xf32, #tpu.memory_space<vmem>> -> memref<32x128xf32, #tpu.memory_space<vmem>>
      %gather3A_3854 = tpu.vector_load_idx %gather3A_3853[%add3A_3848, %broadcast_in_dim3A_3824] : memref<32x128xf32, #tpu.memory_space<vmem>>[vector<16xi32>, vector<16xi32>], vector<16xf32>,
      %mul3A_3855 = arith.mulf %gather3A_3830, %gather3A_3845 : vector<16xf32>
      %mul3A_3856 = arith.mulf %gather3A_3839, %gather3A_3854 : vector<16xf32>
      %add3A_3857 = arith.addf %mul3A_3855, %mul3A_3856 : vector<16xf32>
      %reduce_sum3A_3858 = arith.constant true
      %reduce_sum3A_3859 = vector.broadcast %reduce_sum3A_3858 : i1 to vector<16xi1>
      %reduce_sum3A_3860 = tpu.scan <sum>, %add3A_3857 masked %reduce_sum3A_3859 : vector<16xf32>, vector<16xi1> -> vector<16xf32>
      %reduce_sum3A_3861 = vector.extract %reduce_sum3A_3860[15] : f32 from vector<16xf32>
      %eq3A_3862 = arith.constant 14 : i32
      %eq3A_3863 = vector.broadcast %eq3A_3862 : i32 to vector<16xi32>
      %eq3A_3864 = arith.cmpi eq, %iota3A, %eq3A_3863 : vector<16xi32>
      %broadcast_in_dim3A_3865 = vector.broadcast %reduce_sum3A_3861 : f32 to vector<16xf32>
      %select_n3A_3866 = arith.select %eq3A_3864, %broadcast_in_dim3A_3865, %select_n3A_3814 : vector<16xi1>, vector<16xf32>
      %slice3A_3867 = vector.extract_strided_slice %get3A_18 {offsets = [15], sizes = [1], strides = [1]} : vector<16xi32> to vector<1xi32>
      %squeeze3A_3868 = vector.extract %slice3A_3867[0] : i32 from vector<1xi32>
      %and3A_3869 = arith.constant 127 : i32
      %and3A_3870 = arith.andi %squeeze3A_3868, %and3A_3869 : i32
      %broadcast_in_dim3A_3871 = vector.broadcast %and3A_3870 : i32 to vector<16xi32>
      %slice3A_3872 = vector.extract_strided_slice %get3A_21 {offsets = [15], sizes = [1], strides = [1]} : vector<16xi32> to vector<1xi32>
      %squeeze3A_3873 = vector.extract %slice3A_3872[0] : i32 from vector<1xi32>
      %and3A_3874 = arith.constant 127 : i32
      %and3A_3875 = arith.andi %squeeze3A_3873, %and3A_3874 : i32
      %broadcast_in_dim3A_3876 = vector.broadcast %and3A_3875 : i32 to vector<16xi32>
      %gather3A_3877 = arith.constant 11 : i32
      %gather3A_3878 = arith.constant 0 : i32
      %gather3A_3879 = arith.constant 0 : i32
      %gather3A_3880 = tpu.memref_slice %arg9[%gather3A_3877, %gather3A_3878, %gather3A_3879] : memref<16x32x128xf32, #tpu.memory_space<vmem>> -> memref<1x32x128xf32, #tpu.memory_space<vmem>>
      %gather3A_3881 = tpu.memref_squeeze %gather3A_3880 : memref<1x32x128xf32, #tpu.memory_space<vmem>> -> memref<32x128xf32, #tpu.memory_space<vmem>>
      %gather3A_3882 = tpu.vector_load_idx %gather3A_3881[%iota3A, %broadcast_in_dim3A_3871] : memref<32x128xf32, #tpu.memory_space<vmem>>[vector<16xi32>, vector<16xi32>], vector<16xf32>,
      %add3A_3883 = arith.constant 16 : i32
      %add3A_3884 = vector.broadcast %add3A_3883 : i32 to vector<16xi32>
      %add3A_3885 = arith.addi %iota3A, %add3A_3884 : vector<16xi32>
      %gather3A_3886 = arith.constant 11 : i32
      %gather3A_3887 = arith.constant 0 : i32
      %gather3A_3888 = arith.constant 0 : i32
      %gather3A_3889 = tpu.memref_slice %arg9[%gather3A_3886, %gather3A_3887, %gather3A_3888] : memref<16x32x128xf32, #tpu.memory_space<vmem>> -> memref<1x32x128xf32, #tpu.memory_space<vmem>>
      %gather3A_3890 = tpu.memref_squeeze %gather3A_3889 : memref<1x32x128xf32, #tpu.memory_space<vmem>> -> memref<32x128xf32, #tpu.memory_space<vmem>>
      %gather3A_3891 = tpu.vector_load_idx %gather3A_3890[%add3A_3885, %broadcast_in_dim3A_3871] : memref<32x128xf32, #tpu.memory_space<vmem>>[vector<16xi32>, vector<16xi32>], vector<16xf32>,
      %gather3A_3892 = arith.constant 15 : i32
      %gather3A_3893 = arith.constant 0 : i32
      %gather3A_3894 = arith.constant 0 : i32
      %gather3A_3895 = tpu.memref_slice %arg9[%gather3A_3892, %gather3A_3893, %gather3A_3894] : memref<16x32x128xf32, #tpu.memory_space<vmem>> -> memref<1x32x128xf32, #tpu.memory_space<vmem>>
      %gather3A_3896 = tpu.memref_squeeze %gather3A_3895 : memref<1x32x128xf32, #tpu.memory_space<vmem>> -> memref<32x128xf32, #tpu.memory_space<vmem>>
      %gather3A_3897 = tpu.vector_load_idx %gather3A_3896[%iota3A, %broadcast_in_dim3A_3876] : memref<32x128xf32, #tpu.memory_space<vmem>>[vector<16xi32>, vector<16xi32>], vector<16xf32>,
      %add3A_3898 = arith.constant 16 : i32
      %add3A_3899 = vector.broadcast %add3A_3898 : i32 to vector<16xi32>
      %add3A_3900 = arith.addi %iota3A, %add3A_3899 : vector<16xi32>
      %gather3A_3901 = arith.constant 15 : i32
      %gather3A_3902 = arith.constant 0 : i32
      %gather3A_3903 = arith.constant 0 : i32
      %gather3A_3904 = tpu.memref_slice %arg9[%gather3A_3901, %gather3A_3902, %gather3A_3903] : memref<16x32x128xf32, #tpu.memory_space<vmem>> -> memref<1x32x128xf32, #tpu.memory_space<vmem>>
      %gather3A_3905 = tpu.memref_squeeze %gather3A_3904 : memref<1x32x128xf32, #tpu.memory_space<vmem>> -> memref<32x128xf32, #tpu.memory_space<vmem>>
      %gather3A_3906 = tpu.vector_load_idx %gather3A_3905[%add3A_3900, %broadcast_in_dim3A_3876] : memref<32x128xf32, #tpu.memory_space<vmem>>[vector<16xi32>, vector<16xi32>], vector<16xf32>,
      %mul3A_3907 = arith.mulf %gather3A_3882, %gather3A_3897 : vector<16xf32>
      %mul3A_3908 = arith.mulf %gather3A_3891, %gather3A_3906 : vector<16xf32>
      %add3A_3909 = arith.addf %mul3A_3907, %mul3A_3908 : vector<16xf32>
      %reduce_sum3A_3910 = arith.constant true
      %reduce_sum3A_3911 = vector.broadcast %reduce_sum3A_3910 : i1 to vector<16xi1>
      %reduce_sum3A_3912 = tpu.scan <sum>, %add3A_3909 masked %reduce_sum3A_3911 : vector<16xf32>, vector<16xi1> -> vector<16xf32>
      %reduce_sum3A_3913 = vector.extract %reduce_sum3A_3912[15] : f32 from vector<16xf32>
      %eq3A_3914 = arith.constant 15 : i32
      %eq3A_3915 = vector.broadcast %eq3A_3914 : i32 to vector<16xi32>
      %eq3A_3916 = arith.cmpi eq, %iota3A, %eq3A_3915 : vector<16xi32>
      %broadcast_in_dim3A_3917 = vector.broadcast %reduce_sum3A_3913 : f32 to vector<16xf32>
      %select_n3A_3918 = arith.select %eq3A_3916, %broadcast_in_dim3A_3917, %select_n3A_3866 : vector<16xi1>, vector<16xf32>
      %mul3A_3919 = arith.constant 16 : i32
      %mul3A_3920 = arith.muli %scan3A_12, %mul3A_3919 : i32
      %multiple_of3A_3921 = tpu.assume_multiple %mul3A_3920, 16 : i32
      %swap3A = arith.index_cast %multiple_of3A_3921 : i32 to index
      %swap3A_3922 = tpu.vector_load %arg10[%swap3A] {strides = array<i32>} : memref<512xf32, #tpu.memory_space<vmem>>, vector<16xf32>,
      tpu.vector_store %arg10[%swap3A], %select_n3A_3918 {strides = array<i32>} : memref<512xf32, #tpu.memory_space<vmem>>, vector<16xf32>,
    }
    %scan3A_9 = arith.constant 32 : i32
    %mul3A_10 = arith.constant 512 : i32
    %mul3A_11 = arith.muli %add3A, %mul3A_10 : i32
    "tpu.region"() ({
      %run_scoped3A = tpu.sem_alloc : memref<!tpu.dma_semaphore, #tpu.memory_space<semaphore_mem>>
      %dma_start3A = tpu.memref_slice %arg6[%mul3A_11] : memref<16384xf32, #tpu.memory_space<hbm>> -> memref<512xf32, #tpu.memory_space<hbm>>
      %dma_start3A_12 = tpu.memref_slice %arg6[%mul3A_11] : memref<16384xf32, #tpu.memory_space<hbm>> -> memref<512xf32, #tpu.memory_space<hbm>>
      tpu.enqueue_dma source(%arg10 : memref<512xf32, #tpu.memory_space<vmem>>) target(%dma_start3A_12 : memref<512xf32, #tpu.memory_space<hbm>>) target_semaphore(%run_scoped3A : memref<!tpu.dma_semaphore, #tpu.memory_space<semaphore_mem>>)
      %dma_wait3A = tpu.memref_slice %arg6[%mul3A_11] : memref<16384xf32, #tpu.memory_space<hbm>> -> memref<512xf32, #tpu.memory_space<hbm>>
      %dma_wait3A_13 = tpu.memref_slice %arg6[%mul3A_11] : memref<16384xf32, #tpu.memory_space<hbm>> -> memref<512xf32, #tpu.memory_space<hbm>>
      tpu.wait_dma2 semaphore(%run_scoped3A : memref<!tpu.dma_semaphore, #tpu.memory_space<semaphore_mem>>) src(%arg10 : memref<512xf32, #tpu.memory_space<vmem>>) dst(%dma_wait3A_13 : memref<512xf32, #tpu.memory_space<hbm>>)
      tpu.yield
    }) : () -> ()
    return
  }
}

</mosaic_0001>

<sc_bundles>
// kernel: kernel.3.cloned.1.call-start
scs
__scs_entry_jumppad:
0x0: {  	(pc) =	sbr.rel $0x88, $3  }
0x1: {  	(tag) =	ssettag $0x0;
	lr =	simm.s32 $0x1  }
0x2: {  	[smem:$0x3F9D] =	sst lr;
	_ =	strace $0xD0000000  }
0x3: {  	_ = 	snop  }
0x4: {  	_ = 	snop  }
0x5: {  	_ = 	snop  }
0x6: {  	_ = 	snop  }
0x7: {  	_ = 	snop  }
__scs_overlays_trampoline_lowered:
0x8: {  	[smem:$0x3FAC] =	sst s0  }
0x9: {  	[smem:$0x3FAD] =	sst s1  }
0xa: {  	[smem:$0x3FAE] =	sst s2  }
0xb: {  	[smem:$0x3FAF] =	sst s3  }
0xc: {  	[smem:$0x3FB0] =	sst s4  }
0xd: {  	[smem:$0x3FB1] =	sst s5  }
0xe: {  	[smem:$0x3FB2] =	sst s6  }
0xf: {  	[smem:$0x3FB3] =	sst s7  }
0x10: {  	[smem:$0x3FB4] =	sst s8  }
0x11: {  	[smem:$0x3FB5] =	sst s9;
	s0 =	simm.s32 @!p0 $0x0  }
0x12: {  	s1 =	sld [smem:$0x3F9B];
	s0 =	simm.s32 @p0 $0x1  }
0x13: {  	[smem:$0x3FB6] =	sst s0;
	s0 =	simm.s32 @!p1 $0x0  }
0x14: {  	s2 =	sld [smem:$0x3F9A];
	s0 =	simm.s32 @p1 $0x1  }
0x15: {  	[smem:$0x3FB7] =	sst s0;
	s0 =	simm.s32 @!p2 $0x0  }
0x16: {  	s3 =	sld [smem:$0x3FDB];
	s0 =	simm.s32 @p2 $0x1  }
0x17: {  	s4 =	simm.s32 $0x1BF5;
	[smem:$0x3FB9] =	sst s0  }
0x18: {  	s0 =	sld [smem:$0x3F9C];
	_ =	swait.ge [sflag:s4], $0x0  }
0x19: {  	s7 =	sld [smem:$0x3F9D]  }
0x1a: {  	s8 =	sadd.s32 $0xFFFFE003, lr  }
0x1b: {  	s9 =	sadd.s32 $0xFFFFFEF7, lr;
	s5 =	simm.s32 $0xFFFFFFFF;
	p2 =	slt.u32 s8, $0xFFFFF086  }
0x1c: {  	p1 =	slt.u32 s9, $0xF7A;
	s5 =	simm.s32 @!p2 $0x0  }
0x1d: {  	s5 =	simm.s32 @p1 $0x1;
	p0 =	seq.s32 s7, s2  }
0x1e: {  	s7 =	smul.u32 @!p0 $0xF7A, s2;
	p2 =	seq.s32 @!p0 s5, $0x0  }
0x1f: {  	s9 =	smul.u32 $0xF7A, s1;
	s8 =	simm.s32 @!p0 $0x1BF5;
	p2 =	por !p2, p0  }
0x20: {  	[sflag:s8] =	ssyncset.s32 @!p0 $0xFFFFF086;
	s6 =	sadd.s32 @!p0 s3, s7;
	s7 =	simm.s32 @!p0 $0x108  }
0x21: {  	s3 =	sadd.s32 s3, s9;
	s6 =	sadd.s32 @!p0 $0x88, s6;
	s7 =	simm.s32 @p2 $0x1082  }
0x22: {  	[simem:s7], [sflag:s8] =	dma.local @!p0 [hbm:s6], $0xF7A  }
0x23: {  	s9 =	sor.u32 $0xD0000000, s2;
	s6 =	simm.s32 $0x108;
	_ =	swait.ge @!p0 [sflag:s8], $0x0  }
0x24: {  	s3 =	sadd.s32 $0x88, s3;
	s6 =	simm.s32 @!p1 $0x1082;
	[sflag:s4] =	ssyncset.s32 $0xFFFFF086  }
0x25: {  	[simem:s6], [sflag:s4] =	dma.local [hbm:s3], $0xF7A  }
0x26: {  	[smem:$0x3F9D] =	sst s1;
	(tag) =	ssettag s2;
	_ =	strace s9  }
0x27: {  	s1 =	sld [smem:$0x3FAD]  }
0x28: {  	s2 =	sld [smem:$0x3FAE]  }
0x29: {  	s4 =	sld [smem:$0x3FB0]  }
0x2a: {  	p0 =	seq.s32 s5, $0x0;
	s5 =	sld [smem:$0x3FB1]  }
0x2b: {  	s6 =	sld [smem:$0x3FB2]  }
0x2c: {  	s7 =	sld [smem:$0x3FB3]  }
0x2d: {  	s3 =	simm.s32 $0x108;
	s8 =	sld [smem:$0x3FB4]  }
0x2e: {  	s3 =	simm.s32 @!p0 $0x1082;
	s9 =	sld [smem:$0x3FB5]  }
0x2f: {  	lr =	sadd.s32 s0, s3;
	s0 =	sld [smem:$0x3FAC]  }
0x30: {  	s3 =	sld [smem:$0x3FAF]  }
0x31: {  	[smem:$0x3FB8] =	sst s10  }
0x32: {  	s10 =	sld [smem:$0x3FB6];
	_ =	sdelay $0x3  }
0x33: {  	p0 =	seq.s32 s10, $0x1;
	s10 =	sld [smem:$0x3FB8];
	_ =	sdelay $0x3  }
0x34: {  	[smem:$0x3FB8] =	sst s10  }
0x35: {  	s10 =	sld [smem:$0x3FB7];
	_ =	sdelay $0x3  }
0x36: {  	p1 =	seq.s32 s10, $0x1;
	s10 =	sld [smem:$0x3FB8];
	_ =	sdelay $0x3  }
0x37: {  	[smem:$0x3FB8] =	sst s10  }
0x38: {  	s10 =	sld [smem:$0x3FB9]  }
0x39: {  	_ = 	snop;
	(pc) =	sbr.ind lr, $3  }
0x3a: {  	_ = 	snop  }
0x3b: {  	_ = 	snop  }
0x3c: {  	p2 =	seq.s32 s10, $0x1;
	s10 =	sld [smem:$0x3FB8]  }
0x3d: {  	_ =	shalt  }
0x3e: {  	_ =	shalt  }
0x3f: {  	_ =	shalt  }
0x40: {  	_ =	shalt  }
0x41: {  	_ =	shalt  }
0x42: {  	_ =	shalt  }
0x43: {  	_ =	shalt  }
0x44: {  	_ =	shalt  }
0x45: {  	_ =	shalt  }
0x46: {  	_ =	shalt  }
0x47: {  	_ =	shalt  }
0x48: {  	_ =	shalt  }
0x49: {  	_ =	shalt  }
0x4a: {  	_ =	shalt  }
0x4b: {  	_ =	shalt  }
0x4c: {  	_ =	shalt  }
0x4d: {  	_ =	shalt  }
0x4e: {  	_ =	shalt  }
0x4f: {  	_ =	shalt  }
0x50: {  	_ =	shalt  }
0x51: {  	_ =	shalt  }
0x52: {  	_ =	shalt  }
0x53: {  	_ =	shalt  }
0x54: {  	_ =	shalt  }
0x55: {  	_ =	shalt  }
0x56: {  	_ =	shalt  }
0x57: {  	_ =	shalt  }
0x58: {  	_ =	shalt  }
0x59: {  	_ =	shalt  }
0x5a: {  	_ =	shalt  }
0x5b: {  	_ =	shalt  }
0x5c: {  	_ =	shalt  }
0x5d: {  	_ =	shalt  }
0x5e: {  	_ =	shalt  }
0x5f: {  	_ =	shalt  }
0x60: {  	_ =	shalt  }
0x61: {  	_ =	shalt  }
0x62: {  	_ =	shalt  }
0x63: {  	_ =	shalt  }
0x64: {  	_ =	shalt  }
0x65: {  	_ =	shalt  }
0x66: {  	_ =	shalt  }
0x67: {  	_ =	shalt  }
0x68: {  	_ =	shalt  }
0x69: {  	_ =	shalt  }
0x6a: {  	_ =	shalt  }
0x6b: {  	_ =	shalt  }
0x6c: {  	_ =	shalt  }
0x6d: {  	_ =	shalt  }
0x6e: {  	_ =	shalt  }
0x6f: {  	_ =	shalt  }
0x70: {  	_ =	shalt  }
0x71: {  	_ =	shalt  }
0x72: {  	_ =	shalt  }
0x73: {  	_ =	shalt  }
0x74: {  	_ =	shalt  }
0x75: {  	_ =	shalt  }
0x76: {  	_ =	shalt  }
0x77: {  	_ =	shalt  }
0x78: {  	_ =	shalt  }
0x79: {  	_ =	shalt  }
0x7a: {  	_ =	shalt  }
0x7b: {  	_ =	shalt  }
0x7c: {  	_ =	shalt  }
0x7d: {  	_ =	shalt  }
0x7e: {  	_ =	shalt  }
0x7f: {  	_ =	shalt  }
0x80: {  	_ =	shalt  }
0x81: {  	_ =	shalt  }
0x82: {  	_ =	shalt  }
0x83: {  	_ =	shalt  }
0x84: {  	_ =	shalt  }
0x85: {  	_ =	shalt  }
0x86: {  	_ =	shalt  }
0x87: {  	_ =	shalt  }
.Lfunc_end0:
.L_simem_size_0:
called_computation_lowered:
.L_overlay_start_0:
0x88: {  	s2 =	sld [smem:$0x3FD9]  }
0x89: {  	s3 =	sld [smem:$0x3FFE];
	_ =	sdelay $0x1  }
0x8a: {  	s1 =	srdreg.scid  }
0x8b: {  	s0 =	sand.u32 $0x1, s1  }
0x8c: {  	s18 =	sshll.u32 s0, $0xA;
	s2 =	sadd.s32 s3, s2  }
0x8d: {  	s2 =	sadd.s32 s2, s18  }
0x8e: {  	[smem:$0x3FC4] =	sst s2  }
0x8f: {  	_ = 	snop  }
0x90: {  	s2 =	sld [smem:$0x3FC9]  }
0x91: {  	s19 =	sld [smem:$0x3FC8]  }
0x92: {  	s4 =	sld [smem:$0x3FC7]  }
0x93: {  	s5 =	sld [smem:$0x3FC6]  }
0x94: {  	s6 =	sld [smem:$0x3FD0];
	(tm) =	ssettm $0x1  }
0x95: {  	s7 =	sld [smem:$0x3FFB];
	_ =	sdelay $0x3  }
0x96: {  	_ =	strace s7  }
0x97: {  	s7 =	sld [smem:$0x3FFC];
	_ =	sdelay $0x3  }
0x98: {  	_ =	strace s7  }
0x99: {  	s7 =	sld [smem:$0x3FFD];
	_ =	sdelay $0x3  }
0x9a: {  	_ =	strace s7  }
0x9b: {  	_ =	strace $0x8FFFFFFF  }
0x9c: {  	s20 =	sld [smem:$0x3FDB];
	_ =	sdelay $0x1  }
0x9d: {  	s8 =	simm.s32 $_scs_section_size  }
0x9e: {  	s9 =	simm.s32 $_size__tile_overlayer_lowered;
	s10 =	simm.s32 $_tile_overlayer_lowered  }
0x9f: {  	s23 =	simm.s32 $0x1BFF;
	s22 =	sshll.u32 s10, $0x1;
	s7 =	sadd.s32 s8, s20  }
0xa0: {  	s11 =	simm.s32 $0x0;
	s21 =	sshll.u32 s9, $0x1;
	s9 =	sadd.s32 s22, s7  }
0xa1: {  	[timem:s11], [sflag:s23] =	dma.local [hbm:s9], s21  }
0xa2: {  	_ =	swait.ge [sflag:s23], s21  }
0xa3: {  	s8 =	ssub.s32 $0x0, s21;
	[sflag:s23] =	ssyncset.done $0x0  }
0xa4: {  	[sflag:s23] =	ssyncadd.s32 s8;
	_ =	sdelay $0x1  }
0xa5: {  	s24 =	simm.s32 $0x1B8B  }
0xa6: {  	_ =	swait.ge [sflag:s24], $0x1  }
0xa7: {  	[sflag:s24] =	ssyncset.done $0x0  }
0xa8: {  	s25 =	simm.s32 $0x1B8E;
	[sflag:s24] =	ssyncadd.s32 $0xFFFFFFFF  }
0xa9: {  	s26 =	simm.s32 $execute0_lowered;
	[smem:$0x3FD2] =	sst s25  }
0xaa: {  	s8 =	sshll.u32 s26, $0x1;
	_ =	strace $0x80000046;
	[dreg:$0x1] =	wrdreg $0xFFFFFFFF  }
0xab: {  	s28 =	simm.s32 $_size_execute0_lowered;
	s7 =	sadd.s32 s7, s8;
	[dreg:$0x0] =	wrdreg $0x0  }
0xac: {  	s8 =	sshll.u32 s28, $0x1;
	[dreg:$0x2] =	wrdreg s7  }
0xad: {  	[dreg:$0x3] =	wrdreg s8  }
0xae: {  	[dreg:$0x4] =	wrdreg $0xC0  }
0xaf: {  	_ =	task [dreg:s11], $0x5FFFF  }
0xb0: {  	[dreg:$0x1] =	wrdreg $0xFFFFFFFF  }
0xb1: {  	[dreg:$0x0] =	wrdreg $0x60  }
0xb2: {  	[dreg:$0x2] =	wrdreg s2  }
0xb3: {  	[dreg:$0x3] =	wrdreg s19  }
0xb4: {  	[dreg:$0x4] =	wrdreg s4  }
0xb5: {  	[dreg:$0x5] =	wrdreg s5  }
0xb6: {  	[dreg:$0x6] =	wrdreg s6  }
0xb7: {  	[dreg:$0x7] =	wrdreg $0x9  }
0xb8: {  	_ =	task.clear_ibuf [dreg:s11], $0x8FFFF;
	_ =	strace $0x90000046  }
0xb9: {  	s29 =	simm.s32 $0x9;
	_ =	strace $0x80000048  }
0xba: {  	_ =	swait.ge [sflag:s29], $0x1  }
0xbb: {  	[sflag:s29] =	ssyncadd.s32 $0xFFFFFFFF  }
0xbc: {  	_ =	strace $0x90000048  }
0xbd: {  	_ =	sfence  }
0xbe: {  	s30 =	sld [smem:$0x0];
	_ =	sdelay $0x2  }
0xbf: {  	s31 =	sshll.u32 s1, $0xD;
	s1 =	sshrl.u32 s1, $0x2  }
0xc0: {  	s3 =	sand.u32 $0x4000, s31;
	s1 =	sadd.s32 s1, s30  }
0xc1: {  	s0 =	sor.u32 s3, s0;
	s1 =	sshll.u32 s1, $0x11  }
0xc2: {  	s0 =	sor.u32 s1, s0  }
0xc3: {  	s0 =	sadd.s32 $0x8F2B, s0  }
0xc4: {  	[sflag:s0] =	ssyncadd.remote.s32 $0x1  }
0xc5: {  	_ =	sfence.sel $0xFFFF  }
0xc6: {  	[dreg:$0x0] =	wrdreg $0xFFFFFFFF;
	(pc) =	sbr.abs _section_cstart, $3  }
0xc7: {  	[dreg:$0x1] =	wrdreg $0xFFFFFFFF  }
0xc8: {  	_ =	task.clear_ibuf [dreg:s11], $0x2FFFF;
	_ =	strace $0x9FFFFFFF  }
0xc9: {  	(tm) =	ssettm $0x7FFFFFFF  }
tec
execute0_lowered:
.L_overlay_start_1:
0x0: {  	(tag) =	ssettag $0x1  }
0x1: {  	s0 =	rddreg [dreg:$0x0]  }
0x2: {  	s3 =	rddreg [dreg:$0x1]  }
0x3: {  	s26 =	rddreg [dreg:$0x2]  }
0x4: {  	s2 =	rddreg [dreg:$0x3]  }
0x5: {  	s5 =	rddreg [dreg:$0x4];
	s6 =	srdreg.scid  }
0x6: {  	s4 =	simm.s32 $0x0;
	s9 =	stileid.u32;
	s17 =	simm.s32 $0x400  }
0x7: {  	s10 =	simm.s32 $0x4C00;
	s11 =	simm.s32 $0x5000;
	s18 =	simm.s32 $0x1400  }
0x8: {  	s1 =	simm.s32 $0x5400;
	s12 =	simm.s32 $0x5800;
	s19 =	simm.s32 $0x1C00  }
0x9: {  	s22 =	simm.s32 $0x5C00;
	s20 =	simm.s32 $0x2000;
	s14 =	simm.s32 $0x6400  }
0xa: {  	s28 =	simm.s32 $0x2800;
	s29 =	simm.s32 $0x6800;
	s30 =	simm.s32 $0x2C00  }
0xb: {  	s15 =	simm.s32 $0x1;
	s16 =	simm.s32 $0x2;
	s6 =	sand.u32 $0x1, s6  }
0xc: {  	[smem:$0x7FF] =	sst s4;
	s9 =	sshll.u32 s9, $0x7;
	s7 =	ssub.s32 $0x2, s6  }
0xd: {  	s6 =	sshll.u32 s6, $0x6;
	_ =	strace $0x80000047;
	s8 =	sshrl.u32 s7, $0x1  }
0xe: {  	v0 =	vlaneseq.u32;
	vm0 =	vmmov $0x1;
	vm1 =	vmmov $0x3;
	s23 =	sor.u32 s6, s9;
	s25 =	sadd.s32 s5, s6;
	s5 =	simm.s32 $0x0  }
0xf: {  	vm2 =	vmmov $0x7;
	vm3 =	vmmov $0xf;
	vm4 =	vmmov $0x1f;
	s7 =	ssub.s32 s7, s8;
	s0 =	sadd.s32 s0, s23;
	s24 =	sadd.s32 s3, s23  }
0x10: {  	vm5 =	vmmov $0x3f;
	vm6 =	vmmov $0x7f;
	vm7 =	vmmov $0xff;
	s3 =	simm.s32 $0x3;
	s8 =	simm.s32 $0x4800;
	[dreg:$0x6] =	wrdreg s0  }
0x11: {  	vm8 =	vmmov $0x1ff;
	vm9 =	vmmov $0x3ff;
	v0 =	vmul.u32 $0x80, v0;
	s23 =	simm.s32 $0x6000;
	[dreg:$0x7] =	wrdreg s24;
	s0 =	sadd.s32 s9, s25  }
0x12: {  	vm10 =	vmmov $0x7ff;
	vm11 =	vmmov $0xfff;
	vm12 =	vmmov $0x1fff;
	s31 =	smax.u32 s7, $0x1;
	s9 =	simm.s32 $0x4400;
	[dreg:$0x8] =	wrdreg s0  }
0x13: {  	vm13 =	vmmov $0x3fff;
	vm14 =	vmmov $0x7fff;
	v1 =	vor.u32 $0x800, v0;
	s25 =	simm.s32 $0x1000;
	s24 =	simm.s32 $0x2400;
	[dreg:$0x9] =	wrdreg s31  }
.LBB2_1:
0x14: {  	[dreg:$0xa] =	wrdreg s5  }
0x15: {  	s0 =	rddreg [dreg:$0x6]  }
0x16: {  	[tilespmem:s4], [sflag:$0x3] =	stream.linear.gather [hbm4b:s0+s4], $0x200, $0x38;
	[tilespmem:$0x10600] =	vst v63  }
0x17: {  	_ =	swait.ge [sflag:s3], $0x200  }
0x18: {  	[sflag:s3] =	ssyncset.done $0x0  }
0x19: {  	s31 =	simm.s32 $0x200;
	s21 =	rddreg [dreg:$0x7];
	[sflag:s3] =	ssyncadd.s32 $0xFFFFFE00  }
0x1a: {  	[tilespmem:s31], [sflag:$0x3] =	stream.linear.gather [hbm4b:s21+s4], $0x200, $0x38;
	[tilespmem:$0x10600] =	vst v63  }
0x1b: {  	_ =	swait.ge [sflag:s3], $0x200  }
0x1c: {  	[sflag:s3] =	ssyncset.done $0x0  }
0x1d: {  	s21 =	simm.s32 $0x0;
	[sflag:s3] =	ssyncadd.s32 $0xFFFFFE00  }
.LBB2_2:
0x1e: {  	s0 =	sshra.s32 s21, $0x2  }
0x1f: {  	v3 =	vld [tilespmem:s0+$0x0]  }
0x20: {  	v2 =	vld [tilespmem:s0+$0x200];
	_ =	sdelay $0x3  }
0x21: {  	(v2sf) =	vpush v3, $0x0  }
0x22: {  	(v2sf) =	vpush v2, $0x0;
	_ =	sdelay $0xd  }
0x23: {  	s3 =	spop (v2sf)  }
0x24: {  	[dreg:$0xb] =	wrdreg s0;
	(v2sf) =	vpush v3, $0x1;
	s5 =	sand.u32 $0xFFFFF80, s3;
	s0 =	spop (v2sf)  }
0x25: {  	s5 =	sadd.s32 s26, s5;
	s6 =	sand.u32 $0xFFFFF80, s0  }
0x26: {  	[tilespmem:s17], [sflag:$0x1] =	stream.linear.gather [hbm4b:s5+s4], $0x400, $0x38;
	[tilespmem:$0x10600] =	vst v63  }
0x27: {  	(v2sf) =	vpush v2, $0x1;
	s6 =	sadd.s32 s2, s6  }
0x28: {  	[tilespmem:s9], [sflag:$0x1] =	stream.linear.gather [hbm4b:s6+s4], $0x400, $0x38;
	[tilespmem:$0x10600] =	vst v63  }
0x29: {  	s31 =	simm.s32 $0x800;
	s7 =	sadd.s32 $0xF4280, s5  }
0x2a: {  	[tilespmem:s31], [sflag:$0x1] =	stream.linear.gather [hbm4b:s7+s4], $0x400, $0x38;
	[tilespmem:$0x10600] =	vst v63  }
0x2b: {  	s13 =	sadd.s32 $0xF4280, s6  }
0x2c: {  	[tilespmem:s8], [sflag:$0x1] =	stream.linear.gather [hbm4b:s13+s4], $0x400, $0x38;
	[tilespmem:$0x10600] =	vst v63  }
0x2d: {  	s17 =	sadd.s32 $0x1E8500, s5;
	s31 =	simm.s32 $0xC00  }
0x2e: {  	[tilespmem:s31], [sflag:$0x1] =	stream.linear.gather [hbm4b:s17+s4], $0x400, $0x38;
	[tilespmem:$0x10600] =	vst v63  }
0x2f: {  	s9 =	sadd.s32 $0x1E8500, s6  }
0x30: {  	[tilespmem:s10], [sflag:$0x1] =	stream.linear.gather [hbm4b:s9+s4], $0x400, $0x38;
	[tilespmem:$0x10600] =	vst v63  }
0x31: {  	s5 =	sadd.s32 $0x2DC780, s5  }
0x32: {  	[tilespmem:s25], [sflag:$0x1] =	stream.linear.gather [hbm4b:s5+s4], $0x400, $0x38;
	[tilespmem:$0x10600] =	vst v63  }
0x33: {  	s9 =	spop (v2sf)  }
0x34: {  	s13 =	sadd.s32 $0x2DC780, s6;
	s17 =	sand.u32 $0xFFFFF80, s9  }
0x35: {  	[tilespmem:s11], [sflag:$0x1] =	stream.linear.gather [hbm4b:s13+s4], $0x400, $0x38;
	[tilespmem:$0x10600] =	vst v63  }
0x36: {  	s8 =	spop (v2sf);
	s5 =	sadd.s32 s26, s17  }
0x37: {  	[tilespmem:s18], [sflag:$0x1] =	stream.linear.gather [hbm4b:s5+s4], $0x400, $0x38;
	[tilespmem:$0x10600] =	vst v63  }
0x38: {  	(v2sf) =	vpush v3, $0x2;
	s18 =	sand.u32 $0xFFFFF80, s8  }
0x39: {  	(v2sf) =	vpush v2, $0x2;
	s6 =	sadd.s32 s2, s18  }
0x3a: {  	[tilespmem:s1], [sflag:$0x1] =	stream.linear.gather [hbm4b:s6+s4], $0x400, $0x38;
	[tilespmem:$0x10600] =	vst v63  }
0x3b: {  	s31 =	simm.s32 $0x1800;
	s25 =	sadd.s32 $0xF4280, s5  }
0x3c: {  	[tilespmem:s31], [sflag:$0x1] =	stream.linear.gather [hbm4b:s25+s4], $0x400, $0x38;
	[tilespmem:$0x10600] =	vst v63  }
0x3d: {  	s10 =	sadd.s32 $0xF4280, s6  }
0x3e: {  	[tilespmem:s12], [sflag:$0x1] =	stream.linear.gather [hbm4b:s10+s4], $0x400, $0x38;
	[tilespmem:$0x10600] =	vst v63  }
0x3f: {  	s11 =	sadd.s32 $0x1E8500, s5  }
0x40: {  	[tilespmem:s19], [sflag:$0x1] =	stream.linear.gather [hbm4b:s11+s4], $0x400, $0x38;
	[tilespmem:$0x10600] =	vst v63  }
0x41: {  	s12 =	sadd.s32 $0x1E8500, s6  }
0x42: {  	[tilespmem:s22], [sflag:$0x1] =	stream.linear.gather [hbm4b:s12+s4], $0x400, $0x38;
	[tilespmem:$0x10600] =	vst v63  }
0x43: {  	s5 =	sadd.s32 $0x2DC780, s5  }
0x44: {  	[tilespmem:s20], [sflag:$0x1] =	stream.linear.gather [hbm4b:s5+s4], $0x400, $0x38;
	[tilespmem:$0x10600] =	vst v63  }
0x45: {  	s13 =	sadd.s32 $0x2DC780, s6  }
0x46: {  	[tilespmem:s23], [sflag:$0x1] =	stream.linear.gather [hbm4b:s13+s4], $0x400, $0x38;
	[tilespmem:$0x10600] =	vst v63  }
0x47: {  	s23 =	spop (v2sf)  }
0x48: {  	(v2sf) =	vpush v3, $0x3;
	s17 =	sand.u32 $0xFFFFF80, s23;
	s20 =	spop (v2sf)  }
0x49: {  	(v2sf) =	vpush v2, $0x3;
	s5 =	sadd.s32 s26, s17;
	s18 =	sand.u32 $0xFFFFF80, s20  }
0x4a: {  	[tilespmem:s24], [sflag:$0x1] =	stream.linear.gather [hbm4b:s5+s4], $0x400, $0x38;
	[tilespmem:$0x10600] =	vst v63  }
0x4b: {  	s6 =	sadd.s32 s2, s18  }
0x4c: {  	[tilespmem:s14], [sflag:$0x1] =	stream.linear.gather [hbm4b:s6+s4], $0x400, $0x38;
	[tilespmem:$0x10600] =	vst v63  }
0x4d: {  	s19 =	sadd.s32 $0xF4280, s5  }
0x4e: {  	[tilespmem:s28], [sflag:$0x1] =	stream.linear.gather [hbm4b:s19+s4], $0x400, $0x38;
	[tilespmem:$0x10600] =	vst v63  }
0x4f: {  	s22 =	sadd.s32 $0xF4280, s6  }
0x50: {  	[tilespmem:s29], [sflag:$0x1] =	stream.linear.gather [hbm4b:s22+s4], $0x400, $0x38;
	[tilespmem:$0x10600] =	vst v63  }
0x51: {  	s24 =	sadd.s32 $0x1E8500, s5  }
0x52: {  	[tilespmem:s30], [sflag:$0x1] =	stream.linear.gather [hbm4b:s24+s4], $0x400, $0x38;
	[tilespmem:$0x10600] =	vst v63  }
0x53: {  	s31 =	simm.s32 $0x6C00;
	s25 =	sadd.s32 $0x1E8500, s6  }
0x54: {  	[tilespmem:s31], [sflag:$0x1] =	stream.linear.gather [hbm4b:s25+s4], $0x400, $0x38;
	[tilespmem:$0x10600] =	vst v63  }
0x55: {  	s10 =	simm.s32 $0x3000;
	s5 =	sadd.s32 $0x2DC780, s5  }
0x56: {  	[tilespmem:s10], [sflag:$0x1] =	stream.linear.gather [hbm4b:s5+s4], $0x400, $0x38;
	[tilespmem:$0x10600] =	vst v63  }
0x57: {  	s12 =	simm.s32 $0x7000;
	s29 =	spop (v2sf)  }
0x58: {  	s11 =	sadd.s32 $0x2DC780, s6;
	s13 =	sand.u32 $0xFFFFF80, s29;
	s24 =	spop (v2sf)  }
0x59: {  	(v2sf) =	vpush v3, $0x4;
	[tilespmem:s12], [sflag:$0x1] =	stream.linear.gather [hbm4b:s11+s4], $0x400, $0x38;
	[tilespmem:$0x10600] =	vst v63  }
0x5a: {  	s17 =	simm.s32 $0x3400;
	(v2sf) =	vpush v2, $0x4;
	s5 =	sadd.s32 s26, s13;
	s18 =	sand.u32 $0xFFFFF80, s24  }
0x5b: {  	[tilespmem:s17], [sflag:$0x1] =	stream.linear.gather [hbm4b:s5+s4], $0x400, $0x38;
	[tilespmem:$0x10600] =	vst v63  }
0x5c: {  	s19 =	simm.s32 $0x7400;
	s6 =	sadd.s32 s2, s18  }
0x5d: {  	[tilespmem:s19], [sflag:$0x1] =	stream.linear.gather [hbm4b:s6+s4], $0x400, $0x38;
	[tilespmem:$0x10600] =	vst v63  }
0x5e: {  	s31 =	simm.s32 $0x3800;
	s25 =	sadd.s32 $0xF4280, s5  }
0x5f: {  	[tilespmem:s31], [sflag:$0x1] =	stream.linear.gather [hbm4b:s25+s4], $0x400, $0x38;
	[tilespmem:$0x10600] =	vst v63  }
0x60: {  	s11 =	simm.s32 $0x7800;
	s10 =	sadd.s32 $0xF4280, s6  }
0x61: {  	[tilespmem:s11], [sflag:$0x1] =	stream.linear.gather [hbm4b:s10+s4], $0x400, $0x38;
	[tilespmem:$0x10600] =	vst v63  }
0x62: {  	s13 =	simm.s32 $0x3C00;
	s12 =	sadd.s32 $0x1E8500, s5  }
0x63: {  	[tilespmem:s13], [sflag:$0x1] =	stream.linear.gather [hbm4b:s12+s4], $0x400, $0x38;
	[tilespmem:$0x10600] =	vst v63  }
0x64: {  	s18 =	simm.s32 $0x7C00;
	s17 =	sadd.s32 $0x1E8500, s6  }
0x65: {  	[tilespmem:s18], [sflag:$0x1] =	stream.linear.gather [hbm4b:s17+s4], $0x400, $0x38;
	[tilespmem:$0x10600] =	vst v63  }
0x66: {  	s5 =	sadd.s32 $0x2DC780, s5;
	s19 =	simm.s32 $0x4000  }
0x67: {  	[tilespmem:s19], [sflag:$0x1] =	stream.linear.gather [hbm4b:s5+s4], $0x400, $0x38;
	[tilespmem:$0x10600] =	vst v63  }
0x68: {  	s25 =	sadd.s32 $0x2DC780, s6;
	s5 =	spop (v2sf);
	(v2sf) =	vpush v3, $0x5  }
0x69: {  	s31 =	simm.s32 $0x8000;
	s1 =	sand.u32 $0xFFFFF80, s5;
	s10 =	spop (v2sf)  }
0x6a: {  	(v2sf) =	vpush v2, $0x5;
	[tilespmem:s31], [sflag:$0x1] =	stream.linear.gather [hbm4b:s25+s4], $0x400, $0x38;
	[tilespmem:$0x10600] =	vst v63  }
0x6b: {  	s7 =	simm.s32 $0x8400;
	s6 =	sadd.s32 s26, s1;
	s11 =	sand.u32 $0xFFFFF80, s10  }
0x6c: {  	[tilespmem:s7], [sflag:$0x2] =	stream.linear.gather [hbm4b:s6+s4], $0x400, $0x38;
	[tilespmem:$0x10600] =	vst v63  }
0x6d: {  	s12 =	simm.s32 $0xC400;
	s7 =	sadd.s32 s2, s11  }
0x6e: {  	[tilespmem:s12], [sflag:$0x2] =	stream.linear.gather [hbm4b:s7+s4], $0x400, $0x38;
	[tilespmem:$0x10600] =	vst v63  }
0x6f: {  	s17 =	simm.s32 $0x8800;
	s13 =	sadd.s32 $0xF4280, s6  }
0x70: {  	[tilespmem:s17], [sflag:$0x2] =	stream.linear.gather [hbm4b:s13+s4], $0x400, $0x38;
	[tilespmem:$0x10600] =	vst v63  }
0x71: {  	s19 =	simm.s32 $0xC800;
	s31 =	simm.s32 $0x8C00;
	s18 =	sadd.s32 $0xF4280, s7  }
0x72: {  	[tilespmem:s19], [sflag:$0x2] =	stream.linear.gather [hbm4b:s18+s4], $0x400, $0x38;
	[tilespmem:$0x10600] =	vst v63  }
0x73: {  	s25 =	sadd.s32 $0x1E8500, s6;
	s6 =	sadd.s32 $0x2DC780, s6  }
0x74: {  	[tilespmem:s31], [sflag:$0x2] =	stream.linear.gather [hbm4b:s25+s4], $0x400, $0x38;
	[tilespmem:$0x10600] =	vst v63  }
0x75: {  	s12 =	sadd.s32 $0x1E8500, s7;
	s13 =	simm.s32 $0xCC00  }
0x76: {  	[tilespmem:s13], [sflag:$0x2] =	stream.linear.gather [hbm4b:s12+s4], $0x400, $0x38;
	[tilespmem:$0x10600] =	vst v63  }
0x77: {  	s17 =	simm.s32 $0x9000;
	s18 =	sadd.s32 $0x2DC780, s7;
	s12 =	spop (v2sf)  }
0x78: {  	(v2sf) =	vpush v3, $0x6;
	[tilespmem:s17], [sflag:$0x2] =	stream.linear.gather [hbm4b:s6+s4], $0x400, $0x38;
	[tilespmem:$0x10600] =	vst v63  }
0x79: {  	s19 =	simm.s32 $0xD000;
	s25 =	sand.u32 $0xFFFFF80, s12;
	s11 =	spop (v2sf)  }
0x7a: {  	(v2sf) =	vpush v2, $0x6;
	[tilespmem:s19], [sflag:$0x2] =	stream.linear.gather [hbm4b:s18+s4], $0x400, $0x38;
	[tilespmem:$0x10600] =	vst v63  }
0x7b: {  	s31 =	simm.s32 $0x9400;
	s6 =	sadd.s32 s26, s25;
	s1 =	sand.u32 $0xFFFFF80, s11  }
0x7c: {  	[tilespmem:s31], [sflag:$0x2] =	stream.linear.gather [hbm4b:s6+s4], $0x400, $0x38;
	[tilespmem:$0x10600] =	vst v63  }
0x7d: {  	s13 =	simm.s32 $0xD400;
	s7 =	sadd.s32 s2, s1  }
0x7e: {  	[tilespmem:s13], [sflag:$0x2] =	stream.linear.gather [hbm4b:s7+s4], $0x400, $0x38;
	[tilespmem:$0x10600] =	vst v63  }
0x7f: {  	s17 =	sadd.s32 $0xF4280, s6;
	s18 =	simm.s32 $0x9800  }
0x80: {  	[tilespmem:s18], [sflag:$0x2] =	stream.linear.gather [hbm4b:s17+s4], $0x400, $0x38;
	[tilespmem:$0x10600] =	vst v63  }
0x81: {  	s25 =	sadd.s32 $0xF4280, s7;
	s31 =	simm.s32 $0xD800  }
0x82: {  	[tilespmem:s31], [sflag:$0x2] =	stream.linear.gather [hbm4b:s25+s4], $0x400, $0x38;
	[tilespmem:$0x10600] =	vst v63  }
0x83: {  	s1 =	sadd.s32 $0x1E8500, s6;
	s13 =	simm.s32 $0x9C00  }
0x84: {  	[tilespmem:s13], [sflag:$0x2] =	stream.linear.gather [hbm4b:s1+s4], $0x400, $0x38;
	[tilespmem:$0x10600] =	vst v63  }
0x85: {  	s19 =	simm.s32 $0xA000;
	s17 =	sadd.s32 $0x1E8500, s7;
	s18 =	simm.s32 $0xDC00  }
0x86: {  	[tilespmem:s18], [sflag:$0x2] =	stream.linear.gather [hbm4b:s17+s4], $0x400, $0x38;
	[tilespmem:$0x10600] =	vst v63  }
0x87: {  	s6 =	sadd.s32 $0x2DC780, s6;
	s25 =	sadd.s32 $0x2DC780, s7;
	s28 =	spop (v2sf)  }
0x88: {  	[tilespmem:s19], [sflag:$0x2] =	stream.linear.gather [hbm4b:s6+s4], $0x400, $0x38;
	[tilespmem:$0x10600] =	vst v63  }
0x89: {  	s31 =	simm.s32 $0xE000;
	s1 =	sand.u32 $0xFFFFF80, s28;
	s19 =	spop (v2sf)  }
0x8a: {  	[tilespmem:s31], [sflag:$0x2] =	stream.linear.gather [hbm4b:s25+s4], $0x400, $0x38;
	[tilespmem:$0x10600] =	vst v63  }
0x8b: {  	s7 =	simm.s32 $0xA400;
	s6 =	sadd.s32 s26, s1;
	s13 =	sand.u32 $0xFFFFF80, s19  }
0x8c: {  	(v2sf) =	vpush v3, $0x7;
	[tilespmem:s7], [sflag:$0x2] =	stream.linear.gather [hbm4b:s6+s4], $0x400, $0x38;
	[tilespmem:$0x10600] =	vst v63  }
0x8d: {  	s17 =	simm.s32 $0xE400;
	(v2sf) =	vpush v2, $0x7;
	s7 =	sadd.s32 s2, s13  }
0x8e: {  	[tilespmem:s17], [sflag:$0x2] =	stream.linear.gather [hbm4b:s7+s4], $0x400, $0x38;
	[tilespmem:$0x10600] =	vst v63  }
0x8f: {  	s18 =	sadd.s32 $0xF4280, s6;
	s25 =	simm.s32 $0xA800  }
0x90: {  	[tilespmem:s25], [sflag:$0x2] =	stream.linear.gather [hbm4b:s18+s4], $0x400, $0x38;
	[tilespmem:$0x10600] =	vst v63  }
0x91: {  	s13 =	simm.s32 $0xE800;
	s1 =	sadd.s32 $0xF4280, s7  }
0x92: {  	[tilespmem:s13], [sflag:$0x2] =	stream.linear.gather [hbm4b:s1+s4], $0x400, $0x38;
	[tilespmem:$0x10600] =	vst v63  }
0x93: {  	s18 =	sadd.s32 $0x1E8500, s6;
	s25 =	simm.s32 $0xAC00  }
0x94: {  	[tilespmem:s25], [sflag:$0x2] =	stream.linear.gather [hbm4b:s18+s4], $0x400, $0x38;
	[tilespmem:$0x10600] =	vst v63  }
0x95: {  	s13 =	sadd.s32 $0x1E8500, s7;
	s18 =	simm.s32 $0xEC00  }
0x96: {  	[tilespmem:s18], [sflag:$0x2] =	stream.linear.gather [hbm4b:s13+s4], $0x400, $0x38;
	[tilespmem:$0x10600] =	vst v63  }
0x97: {  	s6 =	sadd.s32 $0x2DC780, s6;
	s25 =	simm.s32 $0xB000  }
0x98: {  	[tilespmem:s25], [sflag:$0x2] =	stream.linear.gather [hbm4b:s6+s4], $0x400, $0x38;
	[tilespmem:$0x10600] =	vst v63  }
0x99: {  	s1 =	sadd.s32 $0x2DC780, s7;
	s7 =	simm.s32 $0xF000  }
0x9a: {  	[tilespmem:s7], [sflag:$0x2] =	stream.linear.gather [hbm4b:s1+s4], $0x400, $0x38;
	[tilespmem:$0x10600] =	vst v63  }
0x9b: {  	s7 =	spop (v2sf)  }
0x9c: {  	s13 =	sand.u32 $0xFFFFF80, s7;
	s6 =	spop (v2sf)  }
0x9d: {  	s18 =	simm.s32 $0xB400;
	s17 =	sadd.s32 s26, s13;
	s25 =	sand.u32 $0xFFFFF80, s6  }
0x9e: {  	[tilespmem:s18], [sflag:$0x2] =	stream.linear.gather [hbm4b:s17+s4], $0x400, $0x38;
	[tilespmem:$0x10600] =	vst v63  }
0x9f: {  	s30 =	simm.s32 $0xF400;
	s18 =	sadd.s32 s2, s25  }
0xa0: {  	[tilespmem:s30], [sflag:$0x2] =	stream.linear.gather [hbm4b:s18+s4], $0x400, $0x38;
	[tilespmem:$0x10600] =	vst v63  }
0xa1: {  	s25 =	simm.s32 $0xB800;
	s30 =	sadd.s32 $0xF4280, s17  }
0xa2: {  	[tilespmem:s25], [sflag:$0x2] =	stream.linear.gather [hbm4b:s30+s4], $0x400, $0x38;
	[tilespmem:$0x10600] =	vst v63  }
0xa3: {  	s30 =	sadd.s32 $0xF4280, s18;
	s25 =	simm.s32 $0xF800  }
0xa4: {  	[tilespmem:s25], [sflag:$0x2] =	stream.linear.gather [hbm4b:s30+s4], $0x400, $0x38;
	[tilespmem:$0x10600] =	vst v63  }
0xa5: {  	s30 =	sadd.s32 $0x1E8500, s17;
	s25 =	simm.s32 $0xBC00  }
0xa6: {  	[tilespmem:s25], [sflag:$0x2] =	stream.linear.gather [hbm4b:s30+s4], $0x400, $0x38;
	[tilespmem:$0x10600] =	vst v63  }
0xa7: {  	s30 =	sadd.s32 $0x1E8500, s18;
	s25 =	simm.s32 $0xFC00  }
0xa8: {  	[tilespmem:s25], [sflag:$0x2] =	stream.linear.gather [hbm4b:s30+s4], $0x400, $0x38;
	[tilespmem:$0x10600] =	vst v63  }
0xa9: {  	s17 =	sadd.s32 $0x2DC780, s17;
	s30 =	simm.s32 $0xC000  }
0xaa: {  	[tilespmem:s30], [sflag:$0x2] =	stream.linear.gather [hbm4b:s17+s4], $0x400, $0x38;
	[tilespmem:$0x10600] =	vst v63  }
0xab: {  	s18 =	sadd.s32 $0x2DC780, s18;
	s25 =	simm.s32 $0x10000  }
0xac: {  	[tilespmem:s25], [sflag:$0x2] =	stream.linear.gather [hbm4b:s18+s4], $0x400, $0x38;
	[tilespmem:$0x10600] =	vst v63  }
0xad: {  	_ =	swait.ge [sflag:s15], $0x1000  }
0xae: {  	[sflag:s15] =	ssyncset.done $0x0  }
0xaf: {  	[sflag:s15] =	ssyncadd.s32 $0xFFFFF000  }
0xb0: {  	_ =	swait.ge [sflag:s15], $0x1000  }
0xb1: {  	[sflag:s15] =	ssyncset.done $0x0  }
0xb2: {  	[sflag:s15] =	ssyncadd.s32 $0xFFFFF000  }
0xb3: {  	_ =	swait.ge [sflag:s15], $0x1000  }
0xb4: {  	[sflag:s15] =	ssyncset.done $0x0  }
0xb5: {  	[sflag:s15] =	ssyncadd.s32 $0xFFFFF000  }
0xb6: {  	_ =	swait.ge [sflag:s15], $0x1000  }
0xb7: {  	[sflag:s15] =	ssyncset.done $0x0  }
0xb8: {  	[sflag:s15] =	ssyncadd.s32 $0xFFFFF000  }
0xb9: {  	_ =	swait.ge [sflag:s15], $0x1000  }
0xba: {  	[sflag:s15] =	ssyncset.done $0x0  }
0xbb: {  	[sflag:s15] =	ssyncadd.s32 $0xFFFFF000  }
0xbc: {  	_ =	swait.ge [sflag:s15], $0x1000  }
0xbd: {  	[sflag:s15] =	ssyncset.done $0x0  }
0xbe: {  	[sflag:s15] =	ssyncadd.s32 $0xFFFFF000  }
0xbf: {  	_ =	swait.ge [sflag:s15], $0x1000  }
0xc0: {  	s3 =	sand.u32 $0x7F, s3;
	[sflag:s15] =	ssyncset.done $0x0  }
0xc1: {  	v4 =	vor.u32 s3, v0;
	[sflag:s15] =	ssyncadd.s32 $0xFFFFF000  }
0xc2: {  	s0 =	sand.u32 $0x7F, s0;
	v5 =	vor.u32 s3, v1;
	_ =	swait.ge [sflag:s15], $0x1000  }
0xc3: {  	v6 =	vor.u32 s0, v0;
	(v2sf) =	vpush v3, $0x8  }
0xc4: {  	v7 =	vor.u32 s0, v1;
	s3 =	sand.u32 $0x7F, s9;
	[sflag:s15] =	ssyncset.done $0x0;
	(v2sf) =	vpush v2, $0x8  }
0xc5: {  	v8 =	vor.u32 s3, v0;
	s31 =	simm.s32 $0x400;
	[sflag:s15] =	ssyncadd.s32 $0xFFFFF000  }
0xc6: {  	s9 =	sand.u32 $0x7F, s8;
	v9 =	vor.u32 s3, v1;
	v4 =	vld.idx.msk [tilespmem:v4+s31+$0x0], $0xffff  }
0xc7: {  	v10 =	vor.u32 s9, v0;
	s17 =	simm.s32 $0x4400;
	v5 =	vld.idx.msk [tilespmem:v5+s31+$0x0], $0xffff  }
0xc8: {  	v11 =	vor.u32 s9, v1;
	s18 =	sand.u32 $0x7F, s23;
	s23 =	simm.s32 $0x4400;
	v6 =	vld.idx.msk [tilespmem:v6+s17+$0x0], $0xffff  }
0xc9: {  	s1 =	simm.s32 $0x1400;
	v12 =	vor.u32 s18, v0;
	v7 =	vld.idx.msk [tilespmem:v7+s23+$0x0], $0xffff  }
0xca: {  	s25 =	sand.u32 $0x7F, s20;
	v13 =	vor.u32 s18, v1;
	v8 =	vld.idx.msk [tilespmem:v8+s1+$0x0], $0xffff  }
0xcb: {  	s13 =	simm.s32 $0x5400;
	v14 =	vor.u32 s25, v0;
	v9 =	vld.idx.msk [tilespmem:v9+s1+$0x0], $0xffff  }
0xcc: {  	s3 =	sand.u32 $0x7F, s29;
	v15 =	vor.u32 s25, v1;
	v10 =	vld.idx.msk [tilespmem:v10+s13+$0x0], $0xffff  }
0xcd: {  	s14 =	simm.s32 $0x2400;
	v16 =	vor.u32 s3, v0;
	v11 =	vld.idx.msk [tilespmem:v11+s13+$0x0], $0xffff  }
0xce: {  	s8 =	sand.u32 $0x7F, s24;
	v17 =	vor.u32 s3, v1;
	v12 =	vld.idx.msk [tilespmem:v12+s14+$0x0], $0xffff  }
0xcf: {  	s22 =	simm.s32 $0x6400;
	v18 =	vor.u32 s8, v0;
	v13 =	vld.idx.msk [tilespmem:v13+s14+$0x0], $0xffff  }
0xd0: {  	v19 =	vor.u32 s8, v1;
	v14 =	vld.idx.msk [tilespmem:v14+s22+$0x0], $0xffff  }
0xd1: {  	s9 =	simm.s32 $0x3400;
	v15 =	vld.idx.msk [tilespmem:v15+s22+$0x0], $0xffff  }
0xd2: {  	v16 =	vld.idx.msk [tilespmem:v16+s9+$0x0], $0xffff;
	s24 =	spop (v2sf)  }
0xd3: {  	v17 =	vld.idx.msk [tilespmem:v17+s9+$0x0], $0xffff;
	s13 =	simm.s32 $0x7400;
	(v2sf) =	vpush v3, $0x9;
	s17 =	sand.u32 $0xFFFFF80, s24;
	s23 =	spop (v2sf)  }
0xd4: {  	v18 =	vld.idx.msk [tilespmem:v18+s13+$0x0], $0xffff;
	(v2sf) =	vpush v2, $0x9;
	s0 =	sadd.s32 s26, s17;
	s22 =	sand.u32 $0xFFFFF80, s23  }
0xd5: {  	v19 =	vld.idx.msk [tilespmem:v19+s13+$0x0], $0xffff;
	[tilespmem:s31], [sflag:$0x1] =	stream.linear.gather [hbm4b:s0+s4], $0x400, $0x38  }
0xd6: {  	s25 =	simm.s32 $0x4400;
	s3 =	sadd.s32 s2, s22  }
0xd7: {  	[tilespmem:s25], [sflag:$0x1] =	stream.linear.gather [hbm4b:s3+s4], $0x400, $0x38;
	[tilespmem:$0x10600] =	vst v63  }
0xd8: {  	s20 =	simm.s32 $0x800;
	s31 =	sadd.s32 $0xF4280, s0  }
0xd9: {  	[tilespmem:s20], [sflag:$0x1] =	stream.linear.gather [hbm4b:s31+s4], $0x400, $0x38;
	[tilespmem:$0x10600] =	vst v63  }
0xda: {  	s17 =	simm.s32 $0x4800;
	s9 =	sadd.s32 $0xF4280, s3  }
0xdb: {  	[tilespmem:s17], [sflag:$0x1] =	stream.linear.gather [hbm4b:s9+s4], $0x400, $0x38;
	[tilespmem:$0x10600] =	vst v63  }
0xdc: {  	s22 =	sadd.s32 $0x1E8500, s0;
	s20 =	simm.s32 $0xC00  }
0xdd: {  	[tilespmem:s20], [sflag:$0x1] =	stream.linear.gather [hbm4b:s22+s4], $0x400, $0x38;
	[tilespmem:$0x10600] =	vst v63  }
0xde: {  	s25 =	sadd.s32 $0x1E8500, s3;
	s31 =	simm.s32 $0x4C00  }
0xdf: {  	[tilespmem:s31], [sflag:$0x1] =	stream.linear.gather [hbm4b:s25+s4], $0x400, $0x38;
	[tilespmem:$0x10600] =	vst v63  }
0xe0: {  	s0 =	sadd.s32 $0x2DC780, s0;
	s25 =	simm.s32 $0x1000  }
0xe1: {  	[tilespmem:s25], [sflag:$0x1] =	stream.linear.gather [hbm4b:s0+s4], $0x400, $0x38;
	[tilespmem:$0x10600] =	vst v63  }
0xe2: {  	s9 =	sadd.s32 $0x2DC780, s3;
	s3 =	spop (v2sf)  }
0xe3: {  	s17 =	simm.s32 $0x5000;
	s20 =	sand.u32 $0xFFFFF80, s3;
	s0 =	spop (v2sf)  }
0xe4: {  	[tilespmem:s17], [sflag:$0x1] =	stream.linear.gather [hbm4b:s9+s4], $0x400, $0x38;
	[tilespmem:$0x10600] =	vst v63  }
0xe5: {  	s8 =	sadd.s32 s26, s20;
	s22 =	sand.u32 $0xFFFFF80, s0  }
0xe6: {  	(v2sf) =	vpush v3, $0xA;
	[tilespmem:s1], [sflag:$0x1] =	stream.linear.gather [hbm4b:s8+s4], $0x400, $0x38;
	[tilespmem:$0x10600] =	vst v63  }
0xe7: {  	(v2sf) =	vpush v2, $0xA;
	s9 =	sadd.s32 s2, s22;
	s1 =	simm.s32 $0x5400  }
0xe8: {  	[tilespmem:s1], [sflag:$0x1] =	stream.linear.gather [hbm4b:s9+s4], $0x400, $0x38;
	[tilespmem:$0x10600] =	vst v63  }
0xe9: {  	s18 =	simm.s32 $0x1800;
	s31 =	sadd.s32 $0xF4280, s8  }
0xea: {  	[tilespmem:s18], [sflag:$0x1] =	stream.linear.gather [hbm4b:s31+s4], $0x400, $0x38;
	[tilespmem:$0x10600] =	vst v63  }
0xeb: {  	s20 =	simm.s32 $0x5800;
	s18 =	sadd.s32 $0xF4280, s9  }
0xec: {  	[tilespmem:s20], [sflag:$0x1] =	stream.linear.gather [hbm4b:s18+s4], $0x400, $0x38;
	[tilespmem:$0x10600] =	vst v63  }
0xed: {  	s22 =	sadd.s32 $0x1E8500, s8;
	s31 =	simm.s32 $0x1C00  }
0xee: {  	[tilespmem:s31], [sflag:$0x1] =	stream.linear.gather [hbm4b:s22+s4], $0x400, $0x38;
	[tilespmem:$0x10600] =	vst v63  }
0xef: {  	s20 =	sadd.s32 $0x1E8500, s9;
	s22 =	simm.s32 $0x5C00  }
0xf0: {  	[tilespmem:s22], [sflag:$0x1] =	stream.linear.gather [hbm4b:s20+s4], $0x400, $0x38;
	[tilespmem:$0x10600] =	vst v63  }
0xf1: {  	s8 =	sadd.s32 $0x2DC780, s8;
	s31 =	simm.s32 $0x2000  }
0xf2: {  	[tilespmem:s31], [sflag:$0x1] =	stream.linear.gather [hbm4b:s8+s4], $0x400, $0x38;
	[tilespmem:$0x10600] =	vst v63  }
0xf3: {  	s17 =	simm.s32 $0x6000;
	s9 =	sadd.s32 $0x2DC780, s9  }
0xf4: {  	[tilespmem:s17], [sflag:$0x1] =	stream.linear.gather [hbm4b:s9+s4], $0x400, $0x38;
	[tilespmem:$0x10600] =	vst v63  }
0xf5: {  	s9 =	spop (v2sf)  }
0xf6: {  	s18 =	sand.u32 $0xFFFFF80, s9;
	s8 =	spop (v2sf)  }
0xf7: {  	s17 =	sadd.s32 s26, s18;
	s20 =	sand.u32 $0xFFFFF80, s8  }
0xf8: {  	(v2sf) =	vpush v3, $0xB;
	[tilespmem:s14], [sflag:$0x1] =	stream.linear.gather [hbm4b:s17+s4], $0x400, $0x38;
	[tilespmem:$0x10600] =	vst v63  }
0xf9: {  	(v2sf) =	vpush v2, $0xB;
	s14 =	simm.s32 $0x6400;
	s18 =	sadd.s32 s2, s20  }
0xfa: {  	[tilespmem:s14], [sflag:$0x1] =	stream.linear.gather [hbm4b:s18+s4], $0x400, $0x38;
	[tilespmem:$0x10600] =	vst v63  }
0xfb: {  	s29 =	simm.s32 $0x2800;
	s31 =	sadd.s32 $0xF4280, s17  }
0xfc: {  	[tilespmem:s29], [sflag:$0x1] =	stream.linear.gather [hbm4b:s31+s4], $0x400, $0x38;
	[tilespmem:$0x10600] =	vst v63  }
0xfd: {  	s31 =	sadd.s32 $0xF4280, s18;
	s29 =	simm.s32 $0x6800  }
0xfe: {  	[tilespmem:s29], [sflag:$0x1] =	stream.linear.gather [hbm4b:s31+s4], $0x400, $0x38;
	[tilespmem:$0x10600] =	vst v63  }
0xff: {  	s31 =	sadd.s32 $0x1E8500, s17;
	s29 =	simm.s32 $0x2C00  }
0x100: {  	[tilespmem:s29], [sflag:$0x1] =	stream.linear.gather [hbm4b:s31+s4], $0x400, $0x38;
	[tilespmem:$0x10600] =	vst v63  }
0x101: {  	s31 =	sadd.s32 $0x1E8500, s18;
	s29 =	simm.s32 $0x6C00  }
0x102: {  	[tilespmem:s29], [sflag:$0x1] =	stream.linear.gather [hbm4b:s31+s4], $0x400, $0x38;
	[tilespmem:$0x10600] =	vst v63  }
0x103: {  	s17 =	sadd.s32 $0x2DC780, s17;
	s31 =	simm.s32 $0x3000  }
0x104: {  	v4 =	vmul.f32 v6, v4;
	v5 =	vmul.f32 v7, v5;
	[tilespmem:s31], [sflag:$0x1] =	stream.linear.gather [hbm4b:s17+s4], $0x400, $0x38;
	[tilespmem:$0x10600] =	vst v63  }
0x105: {  	v62 =	vmul.f32 v10, v8;
	v63 =	vmul.f32 v11, v9;
	s20 =	sadd.s32 $0x2DC780, s18;
	s31 =	simm.s32 $0x7000  }
0x106: {  	v4 =	vadd.f32 v5, v4;
	[tilespmem:s31], [sflag:$0x1] =	stream.linear.gather [hbm4b:s20+s4], $0x400, $0x38;
	[tilespmem:$0x10600] =	vst v63  }
0x107: {  	v12 =	vmul.f32 v14, v12;
	v14 =	vmul.f32 v15, v13;
	v15 =	vadd.f32 v63, v62;
	s20 =	spop (v2sf)  }
0x108: {  	(xrf2) =	vadd.scan.msk.f32 $0xffff, v4;
	s18 =	sand.u32 $0xFFFFF80, s20;
	s29 =	spop (v2sf)  }
0x109: {  	s30 =	simm.s32 $0x3400;
	v21 =	vmul.f32 v18, v16;
	v22 =	vmul.f32 v19, v17;
	v20 =	vadd.f32 v14, v12;
	(xrf2) =	vadd.scan.msk.f32 $0xffff, v15;
	s17 =	sadd.s32 s26, s18;
	s31 =	sand.u32 $0xFFFFF80, s29  }
0x10a: {  	[tilespmem:s30], [sflag:$0x1] =	stream.linear.gather [hbm4b:s17+s4], $0x400, $0x38;
	[tilespmem:$0x10600] =	vst v63  }
0x10b: {  	s13 =	simm.s32 $0x7400;
	v23 =	vadd.f32 v22, v21;
	(xrf2) =	vadd.scan.msk.f32 $0xffff, v20;
	s18 =	sadd.s32 s2, s31  }
0x10c: {  	[tilespmem:s13], [sflag:$0x1] =	stream.linear.gather [hbm4b:s18+s4], $0x400, $0x38;
	[tilespmem:$0x10600] =	vst v63  }
0x10d: {  	(xrf2) =	vadd.scan.msk.f32 $0xffff, v23;
	s30 =	sadd.s32 $0xF4280, s17;
	s31 =	simm.s32 $0x3800  }
0x10e: {  	[tilespmem:s31], [sflag:$0x1] =	stream.linear.gather [hbm4b:s30+s4], $0x400, $0x38;
	[tilespmem:$0x10600] =	vst v63  }
0x10f: {  	s30 =	sadd.s32 $0xF4280, s18;
	s31 =	simm.s32 $0x7800  }
0x110: {  	[tilespmem:s31], [sflag:$0x1] =	stream.linear.gather [hbm4b:s30+s4], $0x400, $0x38;
	[tilespmem:$0x10600] =	vst v63  }
0x111: {  	s30 =	sadd.s32 $0x1E8500, s17;
	s31 =	simm.s32 $0x3C00  }
0x112: {  	[tilespmem:s31], [sflag:$0x1] =	stream.linear.gather [hbm4b:s30+s4], $0x400, $0x38;
	[tilespmem:$0x10600] =	vst v63  }
0x113: {  	s30 =	sadd.s32 $0x1E8500, s18;
	s31 =	simm.s32 $0x7C00  }
0x114: {  	[tilespmem:s31], [sflag:$0x1] =	stream.linear.gather [hbm4b:s30+s4], $0x400, $0x38;
	[tilespmem:$0x10600] =	vst v63  }
0x115: {  	v5, _, _ =	vpop (xrf2);
	s17 =	sadd.s32 $0x2DC780, s17;
	s31 =	simm.s32 $0x4000  }
0x116: {  	v7, _, _ =	vpop (xrf2);
	[tilespmem:s31], [sflag:$0x1] =	stream.linear.gather [hbm4b:s17+s4], $0x400, $0x38;
	[tilespmem:$0x10600] =	vst v63  }
0x117: {  	v6, _, _ =	vpop (xrf2);
	s13 =	sadd.s32 $0x2DC780, s18;
	s18 =	simm.s32 $0x8000  }
0x118: {  	v4, _, _ =	vpop (xrf2);
	[tilespmem:s18], [sflag:$0x1] =	stream.linear.gather [hbm4b:s13+s4], $0x400, $0x38;
	[tilespmem:$0x10600] =	vst v63  }
0x119: {  	_ =	swait.ge [sflag:s16], $0x1000  }
0x11a: {  	[sflag:s16] =	ssyncset.done $0x0  }
0x11b: {  	[sflag:s16] =	ssyncadd.s32 $0xFFFFF000  }
0x11c: {  	_ =	swait.ge [sflag:s16], $0x1000  }
0x11d: {  	[sflag:s16] =	ssyncset.done $0x0  }
0x11e: {  	[sflag:s16] =	ssyncadd.s32 $0xFFFFF000  }
0x11f: {  	_ =	swait.ge [sflag:s16], $0x1000  }
0x120: {  	[sflag:s16] =	ssyncset.done $0x0  }
0x121: {  	[sflag:s16] =	ssyncadd.s32 $0xFFFFF000  }
0x122: {  	_ =	swait.ge [sflag:s16], $0x1000  }
0x123: {  	[sflag:s16] =	ssyncset.done $0x0  }
0x124: {  	[sflag:s16] =	ssyncadd.s32 $0xFFFFF000  }
0x125: {  	_ =	swait.ge [sflag:s16], $0x1000  }
0x126: {  	[sflag:s16] =	ssyncset.done $0x0  }
0x127: {  	[sflag:s16] =	ssyncadd.s32 $0xFFFFF000  }
0x128: {  	_ =	swait.ge [sflag:s16], $0x1000  }
0x129: {  	[sflag:s16] =	ssyncset.done $0x0  }
0x12a: {  	[sflag:s16] =	ssyncadd.s32 $0xFFFFF000  }
0x12b: {  	_ =	swait.ge [sflag:s16], $0x1000  }
0x12c: {  	s5 =	sand.u32 $0x7F, s5;
	[sflag:s16] =	ssyncset.done $0x0  }
0x12d: {  	v24 =	vor.u32 s5, v0;
	[sflag:s16] =	ssyncadd.s32 $0xFFFFF000  }
0x12e: {  	s10 =	sand.u32 $0x7F, s10;
	v25 =	vor.u32 s5, v1;
	_ =	swait.ge [sflag:s16], $0x1000  }
0x12f: {  	v26 =	vor.u32 s10, v0;
	(v2sf) =	vpush v3, $0xC  }
0x130: {  	v27 =	vor.u32 s10, v1;
	s31 =	sand.u32 $0x7F, s12;
	s13 =	sand.u32 $0x7F, s11;
	[sflag:s16] =	ssyncset.done $0x0;
	(v2sf) =	vpush v2, $0xC  }
0x131: {  	s12 =	simm.s32 $0x8400;
	v28 =	vor.u32 s31, v0;
	v29 =	vor.u32 s31, v1;
	s31 =	sand.u32 $0x7F, s28;
	v31 =	vor.u32 s13, v1;
	[sflag:s16] =	ssyncadd.s32 $0xFFFFF000  }
0x132: {  	s17 =	simm.s32 $0x8400;
	v32 =	vor.u32 s31, v0;
	v30 =	vor.u32 s13, v0;
	s13 =	sand.u32 $0x7F, s19;
	v8 =	vld.idx.msk [tilespmem:v24+s12+$0x0], $0xffff  }
0x133: {  	s6 =	sand.u32 $0x7F, s6;
	s18 =	simm.s32 $0xC400;
	v35 =	vor.u32 s13, v1;
	v9 =	vld.idx.msk [tilespmem:v25+s17+$0x0], $0xffff  }
0x134: {  	v22 =	vor.u32 s6, v0;
	s11 =	simm.s32 $0xC400;
	v10 =	vld.idx.msk [tilespmem:v26+s18+$0x0], $0xffff  }
0x135: {  	v33 =	vor.u32 s31, v1;
	s31 =	simm.s32 $0xD400;
	v11 =	vld.idx.msk [tilespmem:v27+s11+$0x0], $0xffff  }
0x136: {  	s10 =	simm.s32 $0xA400;
	v15 =	vld.idx.msk [tilespmem:v31+s31+$0x0], $0xffff  }
0x137: {  	s19 =	sand.u32 $0x7F, s7;
	v34 =	vor.u32 s13, v0;
	s13 =	simm.s32 $0xE400;
	v16 =	vld.idx.msk [tilespmem:v32+s10+$0x0], $0xffff  }
0x138: {  	v20 =	vor.u32 s19, v0;
	v21 =	vor.u32 s19, v1;
	s19 =	simm.s32 $0xF400;
	v19 =	vld.idx.msk [tilespmem:v35+s13+$0x0], $0xffff  }
0x139: {  	v23 =	vor.u32 s6, v1;
	s12 =	simm.s32 $0x9400;
	v22 =	vld.idx.msk [tilespmem:v22+s19+$0x0], $0xffff  }
0x13a: {  	s17 =	simm.s32 $0x9400;
	v12 =	vld.idx.msk [tilespmem:v28+s12+$0x0], $0xffff  }
0x13b: {  	s18 =	simm.s32 $0xD400;
	v13 =	vld.idx.msk [tilespmem:v29+s17+$0x0], $0xffff  }
0x13c: {  	s11 =	simm.s32 $0xA400;
	v14 =	vld.idx.msk [tilespmem:v30+s18+$0x0], $0xffff  }
0x13d: {  	s10 =	simm.s32 $0xF400;
	v17 =	vld.idx.msk [tilespmem:v33+s11+$0x0], $0xffff  }
0x13e: {  	s12 =	simm.s32 $0xE400;
	s17 =	simm.s32 $0xB400;
	v23 =	vld.idx.msk [tilespmem:v23+s10+$0x0], $0xffff;
	s6 =	spop (v2sf)  }
0x13f: {  	s18 =	simm.s32 $0xB400;
	v18 =	vld.idx.msk [tilespmem:v34+s12+$0x0], $0xffff;
	(v2sf) =	vpush v3, $0xD;
	s31 =	sand.u32 $0xFFFFF80, s6;
	s5 =	spop (v2sf)  }
0x140: {  	s11 =	simm.s32 $0x8400;
	v20 =	vld.idx.msk [tilespmem:v20+s17+$0x0], $0xffff;
	(v2sf) =	vpush v2, $0xD;
	s7 =	sadd.s32 s26, s31;
	s12 =	sand.u32 $0xFFFFF80, s5  }
0x141: {  	v21 =	vld.idx.msk [tilespmem:v21+s18+$0x0], $0xffff;
	[tilespmem:s11], [sflag:$0x2] =	stream.linear.gather [hbm4b:s7+s4], $0x400, $0x38  }
0x142: {  	s13 =	simm.s32 $0xC400;
	s10 =	sadd.s32 s2, s12  }
0x143: {  	[tilespmem:s13], [sflag:$0x2] =	stream.linear.gather [hbm4b:s10+s4], $0x400, $0x38;
	[tilespmem:$0x10600] =	vst v63  }
0x144: {  	s18 =	simm.s32 $0x8800;
	s17 =	sadd.s32 $0xF4280, s7  }
0x145: {  	[tilespmem:s18], [sflag:$0x2] =	stream.linear.gather [hbm4b:s17+s4], $0x400, $0x38;
	[tilespmem:$0x10600] =	vst v63  }
0x146: {  	s31 =	simm.s32 $0xC800;
	s19 =	sadd.s32 $0xF4280, s10  }
0x147: {  	[tilespmem:s31], [sflag:$0x2] =	stream.linear.gather [hbm4b:s19+s4], $0x400, $0x38;
	[tilespmem:$0x10600] =	vst v63  }
0x148: {  	s13 =	sadd.s32 $0x1E8500, s7;
	s17 =	simm.s32 $0x8C00  }
0x149: {  	[tilespmem:s17], [sflag:$0x2] =	stream.linear.gather [hbm4b:s13+s4], $0x400, $0x38;
	[tilespmem:$0x10600] =	vst v63  }
0x14a: {  	s18 =	sadd.s32 $0x1E8500, s10;
	s19 =	simm.s32 $0xCC00  }
0x14b: {  	[tilespmem:s19], [sflag:$0x2] =	stream.linear.gather [hbm4b:s18+s4], $0x400, $0x38;
	[tilespmem:$0x10600] =	vst v63  }
0x14c: {  	s7 =	sadd.s32 $0x2DC780, s7;
	s31 =	simm.s32 $0x9000  }
0x14d: {  	[tilespmem:s31], [sflag:$0x2] =	stream.linear.gather [hbm4b:s7+s4], $0x400, $0x38;
	[tilespmem:$0x10600] =	vst v63  }
0x14e: {  	s12 =	sadd.s32 $0x2DC780, s10;
	s10 =	spop (v2sf);
	(v2sf) =	vpush v3, $0xE  }
0x14f: {  	s13 =	simm.s32 $0xD000;
	s17 =	sand.u32 $0xFFFFF80, s10;
	s7 =	spop (v2sf)  }
0x150: {  	(v2sf) =	vpush v2, $0xE;
	[tilespmem:s13], [sflag:$0x2] =	stream.linear.gather [hbm4b:s12+s4], $0x400, $0x38;
	[tilespmem:$0x10600] =	vst v63  }
0x151: {  	s18 =	simm.s32 $0x9400;
	s11 =	sadd.s32 s26, s17;
	s19 =	sand.u32 $0xFFFFF80, s7  }
0x152: {  	[tilespmem:s18], [sflag:$0x2] =	stream.linear.gather [hbm4b:s11+s4], $0x400, $0x38;
	[tilespmem:$0x10600] =	vst v63  }
0x153: {  	s31 =	simm.s32 $0xD400;
	s12 =	sadd.s32 s2, s19  }
0x154: {  	[tilespmem:s31], [sflag:$0x2] =	stream.linear.gather [hbm4b:s12+s4], $0x400, $0x38;
	[tilespmem:$0x10600] =	vst v63  }
0x155: {  	s13 =	sadd.s32 $0xF4280, s11;
	s18 =	simm.s32 $0x9800  }
0x156: {  	[tilespmem:s18], [sflag:$0x2] =	stream.linear.gather [hbm4b:s13+s4], $0x400, $0x38;
	[tilespmem:$0x10600] =	vst v63  }
0x157: {  	s19 =	sadd.s32 $0xF4280, s12;
	s31 =	simm.s32 $0xD800  }
0x158: {  	[tilespmem:s31], [sflag:$0x2] =	stream.linear.gather [hbm4b:s19+s4], $0x400, $0x38;
	[tilespmem:$0x10600] =	vst v63  }
0x159: {  	s13 =	sadd.s32 $0x1E8500, s11;
	s18 =	simm.s32 $0x9C00  }
0x15a: {  	[tilespmem:s18], [sflag:$0x2] =	stream.linear.gather [hbm4b:s13+s4], $0x400, $0x38;
	[tilespmem:$0x10600] =	vst v63  }
0x15b: {  	s17 =	simm.s32 $0xA000;
	s19 =	sadd.s32 $0x1E8500, s12;
	s31 =	simm.s32 $0xDC00  }
0x15c: {  	[tilespmem:s31], [sflag:$0x2] =	stream.linear.gather [hbm4b:s19+s4], $0x400, $0x38;
	[tilespmem:$0x10600] =	vst v63  }
0x15d: {  	s11 =	sadd.s32 $0x2DC780, s11;
	s18 =	sadd.s32 $0x2DC780, s12;
	s12 =	spop (v2sf)  }
0x15e: {  	[tilespmem:s17], [sflag:$0x2] =	stream.linear.gather [hbm4b:s11+s4], $0x400, $0x38;
	[tilespmem:$0x10600] =	vst v63  }
0x15f: {  	s19 =	simm.s32 $0xE000;
	s31 =	sand.u32 $0xFFFFF80, s12;
	s11 =	spop (v2sf)  }
0x160: {  	(v2sf) =	vpush v3, $0xF;
	[tilespmem:s19], [sflag:$0x2] =	stream.linear.gather [hbm4b:s18+s4], $0x400, $0x38;
	[tilespmem:$0x10600] =	vst v63  }
0x161: {  	s13 =	simm.s32 $0xA400;
	s17 =	sadd.s32 s26, s31;
	s19 =	sand.u32 $0xFFFFF80, s11  }
0x162: {  	(v2sf) =	vpush v2, $0xF;
	[tilespmem:s13], [sflag:$0x2] =	stream.linear.gather [hbm4b:s17+s4], $0x400, $0x38;
	[tilespmem:$0x10600] =	vst v63  }
0x163: {  	s31 =	simm.s32 $0xE400;
	s18 =	sadd.s32 s2, s19  }
0x164: {  	[tilespmem:s31], [sflag:$0x2] =	stream.linear.gather [hbm4b:s18+s4], $0x400, $0x38;
	[tilespmem:$0x10600] =	vst v63  }
0x165: {  	s13 =	sadd.s32 $0xF4280, s17;
	s31 =	simm.s32 $0xA800  }
0x166: {  	[tilespmem:s31], [sflag:$0x2] =	stream.linear.gather [hbm4b:s13+s4], $0x400, $0x38;
	[tilespmem:$0x10600] =	vst v63  }
0x167: {  	s13 =	sadd.s32 $0xF4280, s18;
	s31 =	simm.s32 $0xE800  }
0x168: {  	[tilespmem:s31], [sflag:$0x2] =	stream.linear.gather [hbm4b:s13+s4], $0x400, $0x38;
	[tilespmem:$0x10600] =	vst v63  }
0x169: {  	s13 =	sadd.s32 $0x1E8500, s17;
	s31 =	simm.s32 $0xAC00  }
0x16a: {  	[tilespmem:s31], [sflag:$0x2] =	stream.linear.gather [hbm4b:s13+s4], $0x400, $0x38;
	[tilespmem:$0x10600] =	vst v63  }
0x16b: {  	v3 =	vmul.f32 v11, v9;
	v2 =	vmul.f32 v10, v8;
	s13 =	sadd.s32 $0x1E8500, s18;
	s31 =	simm.s32 $0xEC00  }
0x16c: {  	[tilespmem:s31], [sflag:$0x2] =	stream.linear.gather [hbm4b:s13+s4], $0x400, $0x38;
	[tilespmem:$0x10600] =	vst v63  }
0x16d: {  	v2 =	vadd.f32 v3, v2;
	s17 =	sadd.s32 $0x2DC780, s17;
	s31 =	simm.s32 $0xB000  }
0x16e: {  	v36 =	vmul.f32 v15, v13;
	v3 =	vmul.f32 v14, v12;
	[tilespmem:s31], [sflag:$0x2] =	stream.linear.gather [hbm4b:s17+s4], $0x400, $0x38;
	[tilespmem:$0x10600] =	vst v63  }
0x16f: {  	(xrf2) =	vadd.scan.msk.f32 $0xffff, v2;
	s18 =	sadd.s32 $0x2DC780, s18;
	s19 =	spop (v2sf);
	s31 =	simm.s32 $0xF000  }
0x170: {  	v38 =	vmul.f32 v19, v17;
	v37 =	vmul.f32 v18, v16;
	v2 =	vadd.f32 v36, v3;
	[tilespmem:s31], [sflag:$0x2] =	stream.linear.gather [hbm4b:s18+s4], $0x400, $0x38;
	[tilespmem:$0x10600] =	vst v63  }
0x171: {  	s28 =	spop (v2sf);
	s18 =	sand.u32 $0xFFFFF80, s19  }
0x172: {  	v39 =	vmul.f32 v22, v20;
	v40 =	vmul.f32 v23, v21;
	v3 =	vadd.f32 v38, v37;
	(xrf2) =	vadd.scan.msk.f32 $0xffff, v2;
	s13 =	sand.u32 $0xFFFFF80, s28;
	s31 =	simm.s32 $0xB400;
	s17 =	sadd.s32 s26, s18  }
0x173: {  	[tilespmem:s31], [sflag:$0x2] =	stream.linear.gather [hbm4b:s17+s4], $0x400, $0x38;
	[tilespmem:$0x10600] =	vst v63  }
0x174: {  	s30 =	simm.s32 $0xF400;
	v2 =	vadd.f32 v40, v39;
	(xrf2) =	vadd.scan.msk.f32 $0xffff, v3;
	s18 =	sadd.s32 s2, s13  }
0x175: {  	[tilespmem:s30], [sflag:$0x2] =	stream.linear.gather [hbm4b:s18+s4], $0x400, $0x38;
	[tilespmem:$0x10600] =	vst v63  }
0x176: {  	(xrf2) =	vadd.scan.msk.f32 $0xffff, v2;
	s31 =	simm.s32 $0xB800;
	s30 =	sadd.s32 $0xF4280, s17  }
0x177: {  	[tilespmem:s31], [sflag:$0x2] =	stream.linear.gather [hbm4b:s30+s4], $0x400, $0x38;
	[tilespmem:$0x10600] =	vst v63  }
0x178: {  	s30 =	sadd.s32 $0xF4280, s18;
	s31 =	simm.s32 $0xF800  }
0x179: {  	[tilespmem:s31], [sflag:$0x2] =	stream.linear.gather [hbm4b:s30+s4], $0x400, $0x38;
	[tilespmem:$0x10600] =	vst v63  }
0x17a: {  	s30 =	sadd.s32 $0x1E8500, s17;
	s31 =	simm.s32 $0xBC00  }
0x17b: {  	[tilespmem:s31], [sflag:$0x2] =	stream.linear.gather [hbm4b:s30+s4], $0x400, $0x38;
	[tilespmem:$0x10600] =	vst v63  }
0x17c: {  	s30 =	sadd.s32 $0x1E8500, s18;
	s31 =	simm.s32 $0xFC00  }
0x17d: {  	[tilespmem:s31], [sflag:$0x2] =	stream.linear.gather [hbm4b:s30+s4], $0x400, $0x38;
	[tilespmem:$0x10600] =	vst v63  }
0x17e: {  	v3, _, _ =	vpop (xrf2);
	s13 =	simm.s32 $0xC000;
	s17 =	sadd.s32 $0x2DC780, s17  }
0x17f: {  	v9, _, _ =	vpop (xrf2);
	[tilespmem:s13], [sflag:$0x2] =	stream.linear.gather [hbm4b:s17+s4], $0x400, $0x38;
	[tilespmem:$0x10600] =	vst v63  }
0x180: {  	v2, _, _ =	vpop (xrf2);
	s17 =	sadd.s32 $0x2DC780, s18;
	s13 =	simm.s32 $0x10000  }
0x181: {  	v8, _, _ =	vpop (xrf2);
	[tilespmem:s13], [sflag:$0x2] =	stream.linear.gather [hbm4b:s17+s4], $0x400, $0x38;
	[tilespmem:$0x10600] =	vst v63  }
0x182: {  	_ =	swait.ge [sflag:s15], $0x1000  }
0x183: {  	[sflag:s15] =	ssyncset.done $0x0  }
0x184: {  	[sflag:s15] =	ssyncadd.s32 $0xFFFFF000  }
0x185: {  	_ =	swait.ge [sflag:s15], $0x1000  }
0x186: {  	[sflag:s15] =	ssyncset.done $0x0  }
0x187: {  	[sflag:s15] =	ssyncadd.s32 $0xFFFFF000  }
0x188: {  	_ =	swait.ge [sflag:s15], $0x1000  }
0x189: {  	[sflag:s15] =	ssyncset.done $0x0  }
0x18a: {  	[sflag:s15] =	ssyncadd.s32 $0xFFFFF000  }
0x18b: {  	_ =	swait.ge [sflag:s15], $0x1000  }
0x18c: {  	[sflag:s15] =	ssyncset.done $0x0  }
0x18d: {  	[sflag:s15] =	ssyncadd.s32 $0xFFFFF000  }
0x18e: {  	_ =	swait.ge [sflag:s15], $0x1000  }
0x18f: {  	[sflag:s15] =	ssyncset.done $0x0  }
0x190: {  	[sflag:s15] =	ssyncadd.s32 $0xFFFFF000  }
0x191: {  	_ =	swait.ge [sflag:s15], $0x1000  }
0x192: {  	[sflag:s15] =	ssyncset.done $0x0  }
0x193: {  	[sflag:s15] =	ssyncadd.s32 $0xFFFFF000  }
0x194: {  	s13 =	sand.u32 $0x7F, s24;
	_ =	swait.ge [sflag:s15], $0x1000  }
0x195: {  	v41 =	vor.u32 s13, v0;
	[sflag:s15] =	ssyncset.done $0x0  }
0x196: {  	s31 =	sand.u32 $0x7F, s23;
	v42 =	vor.u32 s13, v1;
	[sflag:s15] =	ssyncadd.s32 $0xFFFFF000  }
0x197: {  	v43 =	vor.u32 s31, v0;
	_ =	swait.ge [sflag:s15], $0x1000  }
0x198: {  	s3 =	sand.u32 $0x7F, s3;
	v44 =	vor.u32 s31, v1;
	[sflag:s15] =	ssyncset.done $0x0  }
0x199: {  	v45 =	vor.u32 s3, v0;
	s17 =	simm.s32 $0x400;
	[sflag:s15] =	ssyncadd.s32 $0xFFFFF000  }
0x19a: {  	v46 =	vor.u32 s3, v1;
	s0 =	sand.u32 $0x7F, s0;
	v10 =	vld.idx.msk [tilespmem:v41+s17+$0x0], $0xffff  }
0x19b: {  	v47 =	vor.u32 s0, v0;
	s13 =	simm.s32 $0x4400;
	v11 =	vld.idx.msk [tilespmem:v42+s17+$0x0], $0xffff  }
0x19c: {  	v48 =	vor.u32 s0, v1;
	s31 =	sand.u32 $0x7F, s9;
	s9 =	simm.s32 $0x4400;
	v12 =	vld.idx.msk [tilespmem:v43+s13+$0x0], $0xffff  }
0x19d: {  	s18 =	simm.s32 $0x1400;
	v49 =	vor.u32 s31, v0;
	v13 =	vld.idx.msk [tilespmem:v44+s9+$0x0], $0xffff  }
0x19e: {  	s3 =	sand.u32 $0x7F, s8;
	v50 =	vor.u32 s31, v1;
	v14 =	vld.idx.msk [tilespmem:v45+s18+$0x0], $0xffff  }
0x19f: {  	v51 =	vor.u32 s3, v0;
	v15 =	vld.idx.msk [tilespmem:v46+s18+$0x0], $0xffff  }
0x1a0: {  	v52 =	vor.u32 s3, v1;
	s31 =	sand.u32 $0x7F, s29;
	v16 =	vld.idx.msk [tilespmem:v47+s1+$0x0], $0xffff  }
0x1a1: {  	v24 =	vor.u32 s31, v0;
	s24 =	simm.s32 $0x2400;
	v17 =	vld.idx.msk [tilespmem:v48+s1+$0x0], $0xffff  }
0x1a2: {  	v25 =	vor.u32 s31, v1;
	s13 =	sand.u32 $0x7F, s20;
	v18 =	vld.idx.msk [tilespmem:v49+s24+$0x0], $0xffff  }
0x1a3: {  	v19 =	vld.idx.msk [tilespmem:v50+s24+$0x0], $0xffff;
	v53 =	vor.u32 s13, v0  }
0x1a4: {  	v20 =	vld.idx.msk [tilespmem:v51+s14+$0x0], $0xffff;
	v54 =	vor.u32 s13, v1  }
0x1a5: {  	v21 =	vld.idx.msk [tilespmem:v52+s14+$0x0], $0xffff;
	s13 =	simm.s32 $0x7400  }
0x1a6: {  	v24 =	vld.idx.msk [tilespmem:v24+s13+$0x0], $0xffff  }
0x1a7: {  	s3 =	simm.s32 $0x3400;
	v25 =	vld.idx.msk [tilespmem:v25+s13+$0x0], $0xffff  }
0x1a8: {  	v22 =	vld.idx.msk [tilespmem:v53+s3+$0x0], $0xffff  }
0x1a9: {  	v23 =	vld.idx.msk [tilespmem:v54+s3+$0x0], $0xffff;
	_ =	sdelay $0x1  }
0x1aa: {  	v10 =	vmul.f32 v12, v10;
	v11 =	vmul.f32 v13, v11  }
0x1ab: {  	v55 =	vmul.f32 v16, v14;
	v56 =	vmul.f32 v17, v15  }
0x1ac: {  	v57 =	vmul.f32 v20, v18;
	v58 =	vmul.f32 v21, v19;
	v10 =	vadd.f32 v11, v10  }
0x1ad: {  	v12 =	vadd.f32 v56, v55;
	v59 =	vmul.f32 v24, v22;
	v60 =	vmul.f32 v25, v23  }
0x1ae: {  	v61 =	vadd.f32 v58, v57;
	(xrf2) =	vadd.scan.msk.f32 $0xffff, v10  }
0x1af: {  	(xrf2) =	vadd.scan.msk.f32 $0xffff, v12;
	v62 =	vadd.f32 v60, v59  }
0x1b0: {  	(xrf2) =	vadd.scan.msk.f32 $0xffff, v61  }
0x1b1: {  	(xrf2) =	vadd.scan.msk.f32 $0xffff, v62;
	_ =	sdelay $0x6  }
0x1b2: {  	v63, _, _ =	vpop (xrf2)  }
0x1b3: {  	v32, _, _ =	vpop (xrf2)  }
0x1b4: {  	v33, _, _ =	vpop (xrf2)  }
0x1b5: {  	v34, _, _ =	vpop (xrf2)  }
0x1b6: {  	_ =	swait.ge [sflag:s16], $0x1000  }
0x1b7: {  	[sflag:s16] =	ssyncset.done $0x0  }
0x1b8: {  	[sflag:s16] =	ssyncadd.s32 $0xFFFFF000  }
0x1b9: {  	_ =	swait.ge [sflag:s16], $0x1000  }
0x1ba: {  	[sflag:s16] =	ssyncset.done $0x0  }
0x1bb: {  	[sflag:s16] =	ssyncadd.s32 $0xFFFFF000  }
0x1bc: {  	_ =	swait.ge [sflag:s16], $0x1000  }
0x1bd: {  	[sflag:s16] =	ssyncset.done $0x0  }
0x1be: {  	[sflag:s16] =	ssyncadd.s32 $0xFFFFF000  }
0x1bf: {  	_ =	swait.ge [sflag:s16], $0x1000  }
0x1c0: {  	[sflag:s16] =	ssyncset.done $0x0  }
0x1c1: {  	[sflag:s16] =	ssyncadd.s32 $0xFFFFF000  }
0x1c2: {  	_ =	swait.ge [sflag:s16], $0x1000  }
0x1c3: {  	[sflag:s16] =	ssyncset.done $0x0  }
0x1c4: {  	[sflag:s16] =	ssyncadd.s32 $0xFFFFF000  }
0x1c5: {  	_ =	swait.ge [sflag:s16], $0x1000  }
0x1c6: {  	[sflag:s16] =	ssyncset.done $0x0  }
0x1c7: {  	[sflag:s16] =	ssyncadd.s32 $0xFFFFF000  }
0x1c8: {  	s31 =	sand.u32 $0x7F, s6;
	_ =	swait.ge [sflag:s16], $0x1000  }
0x1c9: {  	v35 =	vor.u32 s31, v0;
	[sflag:s16] =	ssyncset.done $0x0  }
0x1ca: {  	s5 =	sand.u32 $0x7F, s5;
	v36 =	vor.u32 s31, v1;
	[sflag:s16] =	ssyncadd.s32 $0xFFFFF000  }
0x1cb: {  	v37 =	vor.u32 s5, v0;
	_ =	swait.ge [sflag:s16], $0x1000  }
0x1cc: {  	v38 =	vor.u32 s5, v1;
	s13 =	sand.u32 $0x7F, s10;
	[sflag:s16] =	ssyncset.done $0x0  }
0x1cd: {  	v39 =	vor.u32 s13, v0;
	s3 =	simm.s32 $0x8400;
	[sflag:s16] =	ssyncadd.s32 $0xFFFFF000  }
0x1ce: {  	s31 =	sand.u32 $0x7F, s7;
	v40 =	vor.u32 s13, v1;
	v14 =	vld.idx.msk [tilespmem:v35+s3+$0x0], $0xffff  }
0x1cf: {  	s6 =	simm.s32 $0xC400;
	v41 =	vor.u32 s31, v0;
	v15 =	vld.idx.msk [tilespmem:v36+s3+$0x0], $0xffff  }
0x1d0: {  	s5 =	sand.u32 $0x7F, s12;
	v42 =	vor.u32 s31, v1;
	v16 =	vld.idx.msk [tilespmem:v37+s6+$0x0], $0xffff  }
0x1d1: {  	v43 =	vor.u32 s5, v0;
	s13 =	simm.s32 $0x9400;
	v17 =	vld.idx.msk [tilespmem:v38+s6+$0x0], $0xffff  }
0x1d2: {  	v44 =	vor.u32 s5, v1;
	s31 =	sand.u32 $0x7F, s11;
	v18 =	vld.idx.msk [tilespmem:v39+s13+$0x0], $0xffff  }
0x1d3: {  	s7 =	simm.s32 $0xD400;
	v45 =	vor.u32 s31, v0;
	v19 =	vld.idx.msk [tilespmem:v40+s13+$0x0], $0xffff  }
0x1d4: {  	v46 =	vor.u32 s31, v1;
	v20 =	vld.idx.msk [tilespmem:v41+s7+$0x0], $0xffff  }
0x1d5: {  	s5 =	sand.u32 $0x7F, s28;
	s6 =	simm.s32 $0xA400;
	v21 =	vld.idx.msk [tilespmem:v42+s7+$0x0], $0xffff  }
0x1d6: {  	v27 =	vor.u32 s5, v0;
	v22 =	vld.idx.msk [tilespmem:v43+s6+$0x0], $0xffff  }
0x1d7: {  	v29 =	vor.u32 s5, v1;
	s3 =	sand.u32 $0x7F, s19;
	s13 =	simm.s32 $0xE400;
	v23 =	vld.idx.msk [tilespmem:v44+s6+$0x0], $0xffff  }
0x1d8: {  	v26 =	vor.u32 s3, v0;
	v24 =	vld.idx.msk [tilespmem:v45+s13+$0x0], $0xffff  }
0x1d9: {  	v28 =	vor.u32 s3, v1;
	v25 =	vld.idx.msk [tilespmem:v46+s13+$0x0], $0xffff  }
0x1da: {  	s31 =	simm.s32 $0xF400  }
0x1db: {  	v27 =	vld.idx.msk [tilespmem:v27+s31+$0x0], $0xffff  }
0x1dc: {  	s7 =	simm.s32 $0xB400;
	v47 =	vld.idx.msk [tilespmem:v29+s31+$0x0], $0xffff;
	v14 =	vmul.f32 v16, v14;
	v15 =	vmul.f32 v17, v15  }
0x1dd: {  	v48 =	vmul.f32 v20, v18;
	v49 =	vmul.f32 v21, v19;
	v26 =	vld.idx.msk [tilespmem:v26+s7+$0x0], $0xffff  }
0x1de: {  	v28 =	vld.idx.msk [tilespmem:v28+s7+$0x0], $0xffff;
	v50 =	vmul.f32 v24, v22;
	v51 =	vmul.f32 v25, v23;
	v14 =	vadd.f32 v15, v14  }
0x1df: {  	v17 =	vadd.f32 v49, v48  }
0x1e0: {  	v5 =	vbroadcast v5, $0xF;
	v7 =	vbroadcast v7, $0xF;
	v53 =	vadd.f32 v51, v50;
	(xrf2) =	vadd.scan.msk.f32 $0xffff, v14  }
0x1e1: {  	v6 =	vbroadcast v6, $0xF;
	(xrf2) =	vadd.scan.msk.f32 $0xffff, v17  }
0x1e2: {  	v5 =	vsel vm0, v5, v7;
	v4 =	vbroadcast v4, $0xF;
	v3 =	vbroadcast v3, $0xF;
	(xrf2) =	vadd.scan.msk.f32 $0xffff, v53  }
0x1e3: {  	v5 =	vsel vm1, v5, v6;
	v52 =	vmul.f32 v27, v26;
	v54 =	vmul.f32 v47, v28  }
0x1e4: {  	v4 =	vsel vm2, v5, v4;
	v56 =	vbroadcast v9, $0xF  }
0x1e5: {  	v3 =	vsel vm3, v4, v3;
	v2 =	vbroadcast v2, $0xF;
	v55 =	vadd.f32 v54, v52  }
0x1e6: {  	v57 =	vbroadcast v8, $0xF;
	v3 =	vsel vm4, v3, v56  }
0x1e7: {  	v2 =	vsel vm5, v3, v2;
	v3 =	vbroadcast v63, $0xF;
	(xrf2) =	vadd.scan.msk.f32 $0xffff, v55  }
0x1e8: {  	v2 =	vsel vm6, v2, v57;
	v58 =	vbroadcast v32, $0xF  }
0x1e9: {  	v2 =	vsel vm7, v2, v3;
	v3 =	vbroadcast v33, $0xF  }
0x1ea: {  	v2 =	vsel vm8, v2, v58;
	v60 =	vbroadcast v34, $0xF;
	v59, _, _ =	vpop (xrf2)  }
0x1eb: {  	v2 =	vsel vm9, v2, v3;
	v61, _, _ =	vpop (xrf2);
	v3 =	vbroadcast v59, $0xF  }
0x1ec: {  	v2 =	vsel vm10, v2, v60;
	v62, _, _ =	vpop (xrf2)  }
0x1ed: {  	v2 =	vsel vm11, v2, v3;
	v3 =	vbroadcast v62, $0xF  }
0x1ee: {  	p0 =	sne.s32 s21, $0x7C0;
	v63 =	vbroadcast v61, $0xF  }
.Ltmp0:
0x1ef: {  	_ = 	snop;
	(pc) =	sbr.rel @p0 .LBB2_2-.Ltmp0, $4  }
0x1f0: {  	s21 =	sadd.s32 $0x40, s21;
	s8 =	simm.s32 $0x4800;
	s12 =	simm.s32 $0x5800;
	v2 =	vsel vm12, v2, v63  }
0x1f1: {  	s30 =	simm.s32 $0x2C00;
	s23 =	simm.s32 $0x6000;
	s29 =	simm.s32 $0x6800;
	v2 =	vsel vm13, v2, v3;
	v3, _, _ =	vpop (xrf2)  }
0x1f2: {  	s20 =	simm.s32 $0x2000;
	s11 =	simm.s32 $0x5000;
	s31 =	rddreg [dreg:$0xb];
	v2 =	vsel vm14, v2, v3  }
0x1f3: {  	s28 =	simm.s32 $0x2800;
	s10 =	simm.s32 $0x4C00;
	s19 =	simm.s32 $0x1C00;
	[tilespmem:s31+$0x10400] =	vst v2  }
0x1f4: {  	s0 =	rddreg [dreg:$0x8];
	s3 =	simm.s32 $0x10400  }
0x1f5: {  	[hbm4b:s0+s4] =	stream.linear.scatter [tilespmem:s3], [sflag:$0x3], $0x200, $0x38;
	[tilespmem:$0x10600] =	vst v63  }
0x1f6: {  	s3 =	simm.s32 $0x3  }
0x1f7: {  	_ =	swait.ge [sflag:s3], $0x200  }
0x1f8: {  	s5 =	rddreg [dreg:$0xa]  }
0x1f9: {  	s31 =	rddreg [dreg:$0x9];
	s5 =	sadd.s32 $0x1, s5  }
0x1fa: {  	p0 =	sne.s32 s5, s31  }
.Ltmp1:
0x1fb: {  	_ = 	snop;
	(pc) =	sbr.rel @p0 .LBB2_1-.Ltmp1, $3  }
0x1fc: {  	_ =	sdelay $0x1  }
0x1fd: {  	[sflag:s3] =	ssyncset.done $0x0  }
0x1fe: {  	[sflag:s3] =	ssyncadd.s32 $0xFFFFFE00  }
0x1ff: {  	_ =	sfence.sel $0x180000  }
0x200: {  	[bflag:$0x0] =	sbarrier.arrive $0xFFFF  }
0x201: {  	_ =	strace $0x90000047  }
0x202: {  	s0 =	stileid.u32;
	[bflag:$0x2] =	sbarrier.arrive $0xFFFF  }
0x203: {  	p0 =	sne.s32 s0, $0x0;
	s0 =	rddreg [dreg:$0x5]  }
0x204: {  	s0 =	sadd.s32 @!p0 $0x100000, s0  }
0x205: {  	[sflag:s0] =	ssyncadd.tile.s32 @!p0 $0x1;
	_ =	shalt  }
.Lfunc_end2:
_tile_overlayer_lowered:
.L_overlay_start_2:
0x206: {  	(tag) =	ssettag $0x2  }
0x207: {  	s0 =	rddreg [dreg:$0x0];
	s2 =	stileid.u32  }
0x208: {  	s1 =	rddreg [dreg:$0x1];
	p0 =	sne.s32 s2, $0x0  }
0x209: {  	s3 =	rddreg [dreg:$0x2];
	[bflag:$0x3] =	sbarrier.arrive $0xFFFF;
	s2 =	simm.s32 @!p0 $0x1C03  }
0x20a: {  	[timem:s3], [sflag:s2] =	dma.local @!p0 [hbm:s0], s1  }
0x20b: {  	s0 =	simm.s32 @!p0 $0x3  }
0x20c: {  	_ =	swait.ge @!p0 [sflag:s0], s1  }
0x20d: {  	s1 =	ssub.s32 @!p0 $0x0, s1;
	[sflag:s0] =	ssyncset.done @!p0 $0x0  }
0x20e: {  	[sflag:s0] =	ssyncadd.s32 @!p0 s1  }
0x20f: {  	[bflag:$0x3] =	sbarrier.arrive $0xFFFF  }
0x210: {  	_ =	shalt  }

</sc_bundles>
